<compile_context>
chip_gen: v7x
topology: tpu7x:2x2x1
jax: 0.10.2.dev20260603
libtpu: 0.0.44.dev20260713+nightly
codegen_flags: <defaults>
</compile_context>

<pallas_src>
import functools

import jax
import jax.numpy as jnp
from jax import lax
from jax.experimental import pallas as pl
from jax.experimental.pallas import tpu as pltpu
from jax.experimental.pallas import tpu_sc as plsc

B, S, D = 4, 8192, 1024
NW = 32
S_PER_W = S // NW
CH = 8
N_CH = S_PER_W // CH
LANES = 16


@functools.partial(
    pl.kernel,
    mesh=plsc.VectorSubcoreMesh(core_axis_name="c", subcore_axis_name="s"),
    out_type=jax.ShapeDtypeStruct((B, S, D), jnp.float32),
    scratch_types=[
        pltpu.VMEM((2, CH, D), jnp.float32),
        pltpu.VMEM((2, B, CH, D), jnp.float32),
        pltpu.SemaphoreType.DMA,
        pltpu.SemaphoreType.DMA,
    ],
)
def _sc_add(x_hbm, pos_hbm, out_hbm, pos_v, x_v, sem_in, sem_out):
    wid = lax.axis_index("s") * 2 + lax.axis_index("c")
    base = wid * S_PER_W

    def fire_in(ci, p):
        s0 = base + ci * CH
        pltpu.async_copy(pos_hbm.at[pl.ds(s0, CH)], pos_v.at[p], sem_in)
        pltpu.async_copy(x_hbm.at[:, pl.ds(s0, CH)], x_v.at[p], sem_in)

    def drain_in(p):
        pltpu.make_async_copy(
            pos_hbm.at[pl.ds(base, CH)], pos_v.at[p], sem_in).wait()
        pltpu.make_async_copy(
            x_hbm.at[:, pl.ds(base, CH)], x_v.at[p], sem_in).wait()

    def fire_out(ci, p):
        s0 = base + ci * CH
        pltpu.async_copy(x_v.at[p], out_hbm.at[:, pl.ds(s0, CH)], sem_out)

    def drain_out(p):
        pltpu.make_async_copy(
            x_v.at[p], out_hbm.at[:, pl.ds(base, CH)], sem_out).wait()

    fire_in(0, 0)

    def body(ci, carry):
        p = lax.rem(ci, 2)
        q = 1 - p
        drain_in(p)

        @pl.when(ci >= 1)
        def _():
            drain_out(q)

        @pl.when(ci + 1 < N_CH)
        def _():
            fire_in(ci + 1, q)

        def row(i, carry2):
            for j in range(D // LANES):
                sl = pl.ds(j * LANES, LANES)
                pv = pos_v[p, i, sl]
                for b in range(B):
                    x_v[p, b, i, sl] = x_v[p, b, i, sl] + pv
            return carry2

        lax.fori_loop(0, CH, row, 0)
        fire_out(ci, p)
        return carry

    lax.fori_loop(0, N_CH, body, 0)
    drain_out(lax.rem(N_CH - 1, 2))


def kernel(x, pos_embed):
    return _sc_add(x, pos_embed)

# --- scband reference (transcript-rebuilt; emitter-appended) ---
"""Pipeline reference for scband-learned-positional-encoding-9277129359945 (READ-ONLY COPY).

The authoritative reference and input builder live on the scoring server;
editing this copy changes nothing except your own understanding.
"""

import jax, jax.numpy as jnp
import numpy as np

D_MODEL = 1024
MAX_LEN = 8192

def setup_inputs(seed: int = 0) -> dict:
    key = jax.random.key(seed)
    k1, k2 = jax.random.split(key)
    x = jax.random.normal(k1, (4, 8192, D_MODEL), dtype=jnp.float32)
    # nn.init.uniform_ -> U[0, 1)
    pos_embed = jax.random.uniform(k2, (MAX_LEN, D_MODEL), dtype=jnp.float32)
    return {"x": x, "pos_embed": pos_embed}

def reference(x, pos_embed):
    batch_size, seq_len, _ = x.shape
    positions = jnp.broadcast_to(jnp.arange(seq_len)[None, :], (batch_size, seq_len))
    pe = jnp.take(pos_embed, positions, axis=0)  # [B, S, d_model] gather
    return x + pe

if __name__ == "__main__":
    import jax
    _d = setup_inputs()
    print(jax.jit(kernel)(*tuple(_d.values())))

</pallas_src>

<mosaic_0001>
#map = affine_map<(d0, d1) -> (0, 0, 0)>
#map1 = affine_map<(d0, d1) -> (0, 0)>
module attributes {stable_mosaic.version = 14 : i64} {
  func.func @_sc_add(%arg0: i32, %arg1: i32, %arg2: memref<4x8192x1024xf32, #tpu.memory_space<hbm>>, %arg3: memref<8192x1024xf32, #tpu.memory_space<hbm>>, %arg4: memref<4x8192x1024xf32, #tpu.memory_space<hbm>>, %arg5: memref<2x8x1024xf32, #tpu.memory_space<vmem>>, %arg6: memref<2x4x8x1024xf32, #tpu.memory_space<vmem>>, %arg7: memref<!tpu.dma_semaphore, #tpu.memory_space<semaphore_mem>>, %arg8: memref<!tpu.dma_semaphore, #tpu.memory_space<semaphore_mem>>) attributes {dimension_semantics = [#tpu.dimension_semantics<core_parallel>, #tpu.dimension_semantics<subcore_parallel>], iteration_bounds = array<i64: 2, 16>, scalar_prefetch = 0 : i64, scratch_operands = 4 : i64, tpu.core_type = #tpu.core_type<sc_vector_subcore>, window_params = [{transform_indices = #map}, {transform_indices = #map1}, {transform_indices = #map}]} {
    %mul3A = arith.constant 2 : i32
    %mul3A_0 = arith.muli %arg1, %mul3A : i32
    %add3A = arith.addi %mul3A_0, %arg0 : i32
    %mul3A_1 = arith.constant 256 : i32
    %mul3A_2 = arith.muli %add3A, %mul3A_1 : i32
    %add3A_3 = arith.constant 0 : i32
    %add3A_4 = arith.addi %mul3A_2, %add3A_3 : i32
    %dma_start3A = arith.constant 0 : i32
    %dma_start3A_5 = arith.constant 0 : i32
    %dma_start3A_6 = arith.constant 0 : i32
    %dma_start3A_7 = tpu.memref_slice %arg5[%dma_start3A, %dma_start3A_5, %dma_start3A_6] : memref<2x8x1024xf32, #tpu.memory_space<vmem>> -> memref<1x8x1024xf32, #tpu.memory_space<vmem>>
    %dma_start3A_8 = tpu.memref_squeeze %dma_start3A_7 : memref<1x8x1024xf32, #tpu.memory_space<vmem>> -> memref<8x1024xf32, #tpu.memory_space<vmem>>
    %dma_start3A_9 = arith.constant 0 : i32
    %dma_start3A_10 = tpu.memref_slice %arg3[%add3A_4, %dma_start3A_9] : memref<8192x1024xf32, #tpu.memory_space<hbm>> -> memref<8x1024xf32, #tpu.memory_space<hbm>>
    %dma_start3A_11 = arith.constant 0 : i32
    %dma_start3A_12 = arith.constant 0 : i32
    %dma_start3A_13 = tpu.memref_slice %arg5[%dma_start3A, %dma_start3A_11, %dma_start3A_12] : memref<2x8x1024xf32, #tpu.memory_space<vmem>> -> memref<1x8x1024xf32, #tpu.memory_space<vmem>>
    %dma_start3A_14 = tpu.memref_squeeze %dma_start3A_13 : memref<1x8x1024xf32, #tpu.memory_space<vmem>> -> memref<8x1024xf32, #tpu.memory_space<vmem>>
    %dma_start3A_15 = arith.constant 0 : i32
    %dma_start3A_16 = tpu.memref_slice %arg3[%add3A_4, %dma_start3A_15] : memref<8192x1024xf32, #tpu.memory_space<hbm>> -> memref<8x1024xf32, #tpu.memory_space<hbm>>
    tpu.enqueue_dma source(%dma_start3A_16 : memref<8x1024xf32, #tpu.memory_space<hbm>>) target(%dma_start3A_14 : memref<8x1024xf32, #tpu.memory_space<vmem>>) target_semaphore(%arg7 : memref<!tpu.dma_semaphore, #tpu.memory_space<semaphore_mem>>)
    %dma_start3A_17 = arith.constant 0 : i32
    %dma_start3A_18 = arith.constant 0 : i32
    %dma_start3A_19 = arith.constant 0 : i32
    %dma_start3A_20 = arith.constant 0 : i32
    %dma_start3A_21 = tpu.memref_slice %arg6[%dma_start3A_17, %dma_start3A_18, %dma_start3A_19, %dma_start3A_20] : memref<2x4x8x1024xf32, #tpu.memory_space<vmem>> -> memref<1x4x8x1024xf32, #tpu.memory_space<vmem>>
    %dma_start3A_22 = tpu.memref_squeeze %dma_start3A_21 : memref<1x4x8x1024xf32, #tpu.memory_space<vmem>> -> memref<4x8x1024xf32, #tpu.memory_space<vmem>>
    %dma_start3A_23 = arith.constant 0 : i32
    %dma_start3A_24 = arith.constant 0 : i32
    %dma_start3A_25 = tpu.memref_slice %arg2[%dma_start3A_23, %add3A_4, %dma_start3A_24] : memref<4x8192x1024xf32, #tpu.memory_space<hbm>> -> memref<4x8x1024xf32, #tpu.memory_space<hbm>>
    %dma_start3A_26 = arith.constant 0 : i32
    %dma_start3A_27 = arith.constant 0 : i32
    %dma_start3A_28 = arith.constant 0 : i32
    %dma_start3A_29 = tpu.memref_slice %arg6[%dma_start3A_17, %dma_start3A_26, %dma_start3A_27, %dma_start3A_28] : memref<2x4x8x1024xf32, #tpu.memory_space<vmem>> -> memref<1x4x8x1024xf32, #tpu.memory_space<vmem>>
    %dma_start3A_30 = tpu.memref_squeeze %dma_start3A_29 : memref<1x4x8x1024xf32, #tpu.memory_space<vmem>> -> memref<4x8x1024xf32, #tpu.memory_space<vmem>>
    %dma_start3A_31 = arith.constant 0 : i32
    %dma_start3A_32 = arith.constant 0 : i32
    %dma_start3A_33 = tpu.memref_slice %arg2[%dma_start3A_31, %add3A_4, %dma_start3A_32] : memref<4x8192x1024xf32, #tpu.memory_space<hbm>> -> memref<4x8x1024xf32, #tpu.memory_space<hbm>>
    tpu.enqueue_dma source(%dma_start3A_33 : memref<4x8x1024xf32, #tpu.memory_space<hbm>>) target(%dma_start3A_30 : memref<4x8x1024xf32, #tpu.memory_space<vmem>>) target_semaphore(%arg7 : memref<!tpu.dma_semaphore, #tpu.memory_space<semaphore_mem>>)
    %scan3A = arith.constant 0 : i32
    %scan3A_34 = arith.constant 0 : i32
    %scan3A_35 = arith.constant 32 : i32
    %scan3A_36 = arith.addi %scan3A_34, %scan3A_35 : i32
    %scan3A_37 = arith.constant 1 : i32
    scf.for %scan3A_56 = %scan3A_34 to %scan3A_36 step %scan3A_37  : i32 {
      %rem3A_57 = arith.constant 2 : i32
      %rem3A_58 = arith.remsi %scan3A_56, %rem3A_57 : i32
      %sub3A = arith.constant 1 : i32
      %sub3A_59 = arith.subi %sub3A, %rem3A_58 : i32
      %dma_wait3A_60 = arith.constant 0 : i32
      %dma_wait3A_61 = arith.constant 0 : i32
      %dma_wait3A_62 = tpu.memref_slice %arg5[%rem3A_58, %dma_wait3A_60, %dma_wait3A_61] : memref<2x8x1024xf32, #tpu.memory_space<vmem>> -> memref<1x8x1024xf32, #tpu.memory_space<vmem>>
      %dma_wait3A_63 = tpu.memref_squeeze %dma_wait3A_62 : memref<1x8x1024xf32, #tpu.memory_space<vmem>> -> memref<8x1024xf32, #tpu.memory_space<vmem>>
      %dma_wait3A_64 = arith.constant 0 : i32
      %dma_wait3A_65 = tpu.memref_slice %arg3[%mul3A_2, %dma_wait3A_64] : memref<8192x1024xf32, #tpu.memory_space<hbm>> -> memref<8x1024xf32, #tpu.memory_space<hbm>>
      %dma_wait3A_66 = arith.constant 0 : i32
      %dma_wait3A_67 = arith.constant 0 : i32
      %dma_wait3A_68 = tpu.memref_slice %arg5[%rem3A_58, %dma_wait3A_66, %dma_wait3A_67] : memref<2x8x1024xf32, #tpu.memory_space<vmem>> -> memref<1x8x1024xf32, #tpu.memory_space<vmem>>
      %dma_wait3A_69 = tpu.memref_squeeze %dma_wait3A_68 : memref<1x8x1024xf32, #tpu.memory_space<vmem>> -> memref<8x1024xf32, #tpu.memory_space<vmem>>
      %dma_wait3A_70 = arith.constant 0 : i32
      %dma_wait3A_71 = tpu.memref_slice %arg3[%mul3A_2, %dma_wait3A_70] : memref<8192x1024xf32, #tpu.memory_space<hbm>> -> memref<8x1024xf32, #tpu.memory_space<hbm>>
      tpu.wait_dma2 semaphore(%arg7 : memref<!tpu.dma_semaphore, #tpu.memory_space<semaphore_mem>>) src(%dma_wait3A_71 : memref<8x1024xf32, #tpu.memory_space<hbm>>) dst(%dma_wait3A_69 : memref<8x1024xf32, #tpu.memory_space<vmem>>)
      %dma_wait3A_72 = arith.constant 0 : i32
      %dma_wait3A_73 = arith.constant 0 : i32
      %dma_wait3A_74 = arith.constant 0 : i32
      %dma_wait3A_75 = tpu.memref_slice %arg6[%rem3A_58, %dma_wait3A_72, %dma_wait3A_73, %dma_wait3A_74] : memref<2x4x8x1024xf32, #tpu.memory_space<vmem>> -> memref<1x4x8x1024xf32, #tpu.memory_space<vmem>>
      %dma_wait3A_76 = tpu.memref_squeeze %dma_wait3A_75 : memref<1x4x8x1024xf32, #tpu.memory_space<vmem>> -> memref<4x8x1024xf32, #tpu.memory_space<vmem>>
      %dma_wait3A_77 = arith.constant 0 : i32
      %dma_wait3A_78 = arith.constant 0 : i32
      %dma_wait3A_79 = tpu.memref_slice %arg2[%dma_wait3A_77, %mul3A_2, %dma_wait3A_78] : memref<4x8192x1024xf32, #tpu.memory_space<hbm>> -> memref<4x8x1024xf32, #tpu.memory_space<hbm>>
      %dma_wait3A_80 = arith.constant 0 : i32
      %dma_wait3A_81 = arith.constant 0 : i32
      %dma_wait3A_82 = arith.constant 0 : i32
      %dma_wait3A_83 = tpu.memref_slice %arg6[%rem3A_58, %dma_wait3A_80, %dma_wait3A_81, %dma_wait3A_82] : memref<2x4x8x1024xf32, #tpu.memory_space<vmem>> -> memref<1x4x8x1024xf32, #tpu.memory_space<vmem>>
      %dma_wait3A_84 = tpu.memref_squeeze %dma_wait3A_83 : memref<1x4x8x1024xf32, #tpu.memory_space<vmem>> -> memref<4x8x1024xf32, #tpu.memory_space<vmem>>
      %dma_wait3A_85 = arith.constant 0 : i32
      %dma_wait3A_86 = arith.constant 0 : i32
      %dma_wait3A_87 = tpu.memref_slice %arg2[%dma_wait3A_85, %mul3A_2, %dma_wait3A_86] : memref<4x8192x1024xf32, #tpu.memory_space<hbm>> -> memref<4x8x1024xf32, #tpu.memory_space<hbm>>
      tpu.wait_dma2 semaphore(%arg7 : memref<!tpu.dma_semaphore, #tpu.memory_space<semaphore_mem>>) src(%dma_wait3A_87 : memref<4x8x1024xf32, #tpu.memory_space<hbm>>) dst(%dma_wait3A_84 : memref<4x8x1024xf32, #tpu.memory_space<vmem>>)
      %ge3A = arith.constant 1 : i32
      %ge3A_88 = arith.cmpi sge, %scan3A_56, %ge3A : i32
      %convert_element_type3A = arith.extui %ge3A_88 : i1 to i32
      %cond3A = arith.constant 0 : i32
      %cond3A_89 = arith.cmpi ne, %convert_element_type3A, %cond3A : i32
      scf.if %cond3A_89 {
        %dma_wait3A_121 = arith.constant 0 : i32
        %dma_wait3A_122 = arith.constant 0 : i32
        %dma_wait3A_123 = arith.constant 0 : i32
        %dma_wait3A_124 = tpu.memref_slice %arg6[%sub3A_59, %dma_wait3A_121, %dma_wait3A_122, %dma_wait3A_123] : memref<2x4x8x1024xf32, #tpu.memory_space<vmem>> -> memref<1x4x8x1024xf32, #tpu.memory_space<vmem>>
        %dma_wait3A_125 = tpu.memref_squeeze %dma_wait3A_124 : memref<1x4x8x1024xf32, #tpu.memory_space<vmem>> -> memref<4x8x1024xf32, #tpu.memory_space<vmem>>
        %dma_wait3A_126 = arith.constant 0 : i32
        %dma_wait3A_127 = arith.constant 0 : i32
        %dma_wait3A_128 = tpu.memref_slice %arg4[%dma_wait3A_126, %mul3A_2, %dma_wait3A_127] : memref<4x8192x1024xf32, #tpu.memory_space<hbm>> -> memref<4x8x1024xf32, #tpu.memory_space<hbm>>
        %dma_wait3A_129 = arith.constant 0 : i32
        %dma_wait3A_130 = arith.constant 0 : i32
        %dma_wait3A_131 = tpu.memref_slice %arg4[%dma_wait3A_129, %mul3A_2, %dma_wait3A_130] : memref<4x8192x1024xf32, #tpu.memory_space<hbm>> -> memref<4x8x1024xf32, #tpu.memory_space<hbm>>
        %dma_wait3A_132 = arith.constant 0 : i32
        %dma_wait3A_133 = arith.constant 0 : i32
        %dma_wait3A_134 = arith.constant 0 : i32
        %dma_wait3A_135 = tpu.memref_slice %arg6[%sub3A_59, %dma_wait3A_132, %dma_wait3A_133, %dma_wait3A_134] : memref<2x4x8x1024xf32, #tpu.memory_space<vmem>> -> memref<1x4x8x1024xf32, #tpu.memory_space<vmem>>
        %dma_wait3A_136 = tpu.memref_squeeze %dma_wait3A_135 : memref<1x4x8x1024xf32, #tpu.memory_space<vmem>> -> memref<4x8x1024xf32, #tpu.memory_space<vmem>>
        tpu.wait_dma2 semaphore(%arg8 : memref<!tpu.dma_semaphore, #tpu.memory_space<semaphore_mem>>) src(%dma_wait3A_136 : memref<4x8x1024xf32, #tpu.memory_space<vmem>>) dst(%dma_wait3A_131 : memref<4x8x1024xf32, #tpu.memory_space<hbm>>)
      } else {
      }
      %add3A_90 = arith.constant 1 : i32
      %add3A_91 = arith.addi %scan3A_56, %add3A_90 : i32
      %lt3A = arith.constant 32 : i32
      %lt3A_92 = arith.cmpi slt, %add3A_91, %lt3A : i32
      %convert_element_type3A_93 = arith.extui %lt3A_92 : i1 to i32
      %cond3A_94 = arith.constant 0 : i32
      %cond3A_95 = arith.cmpi ne, %convert_element_type3A_93, %cond3A_94 : i32
      scf.if %cond3A_95 {
        %add3A_121 = arith.constant 1 : i32
        %add3A_122 = arith.addi %scan3A_56, %add3A_121 : i32
        %mul3A_123 = arith.constant 8 : i32
        %mul3A_124 = arith.muli %add3A_122, %mul3A_123 : i32
        %add3A_125 = arith.addi %mul3A_2, %mul3A_124 : i32
        %dma_start3A_126 = arith.constant 0 : i32
        %dma_start3A_127 = arith.constant 0 : i32
        %dma_start3A_128 = tpu.memref_slice %arg5[%sub3A_59, %dma_start3A_126, %dma_start3A_127] : memref<2x8x1024xf32, #tpu.memory_space<vmem>> -> memref<1x8x1024xf32, #tpu.memory_space<vmem>>
        %dma_start3A_129 = tpu.memref_squeeze %dma_start3A_128 : memref<1x8x1024xf32, #tpu.memory_space<vmem>> -> memref<8x1024xf32, #tpu.memory_space<vmem>>
        %dma_start3A_130 = arith.constant 0 : i32
        %dma_start3A_131 = tpu.memref_slice %arg3[%add3A_125, %dma_start3A_130] : memref<8192x1024xf32, #tpu.memory_space<hbm>> -> memref<8x1024xf32, #tpu.memory_space<hbm>>
        %dma_start3A_132 = arith.constant 0 : i32
        %dma_start3A_133 = arith.constant 0 : i32
        %dma_start3A_134 = tpu.memref_slice %arg5[%sub3A_59, %dma_start3A_132, %dma_start3A_133] : memref<2x8x1024xf32, #tpu.memory_space<vmem>> -> memref<1x8x1024xf32, #tpu.memory_space<vmem>>
        %dma_start3A_135 = tpu.memref_squeeze %dma_start3A_134 : memref<1x8x1024xf32, #tpu.memory_space<vmem>> -> memref<8x1024xf32, #tpu.memory_space<vmem>>
        %dma_start3A_136 = arith.constant 0 : i32
        %dma_start3A_137 = tpu.memref_slice %arg3[%add3A_125, %dma_start3A_136] : memref<8192x1024xf32, #tpu.memory_space<hbm>> -> memref<8x1024xf32, #tpu.memory_space<hbm>>
        tpu.enqueue_dma source(%dma_start3A_137 : memref<8x1024xf32, #tpu.memory_space<hbm>>) target(%dma_start3A_135 : memref<8x1024xf32, #tpu.memory_space<vmem>>) target_semaphore(%arg7 : memref<!tpu.dma_semaphore, #tpu.memory_space<semaphore_mem>>)
        %dma_start3A_138 = arith.constant 0 : i32
        %dma_start3A_139 = arith.constant 0 : i32
        %dma_start3A_140 = arith.constant 0 : i32
        %dma_start3A_141 = tpu.memref_slice %arg6[%sub3A_59, %dma_start3A_138, %dma_start3A_139, %dma_start3A_140] : memref<2x4x8x1024xf32, #tpu.memory_space<vmem>> -> memref<1x4x8x1024xf32, #tpu.memory_space<vmem>>
        %dma_start3A_142 = tpu.memref_squeeze %dma_start3A_141 : memref<1x4x8x1024xf32, #tpu.memory_space<vmem>> -> memref<4x8x1024xf32, #tpu.memory_space<vmem>>
        %dma_start3A_143 = arith.constant 0 : i32
        %dma_start3A_144 = arith.constant 0 : i32
        %dma_start3A_145 = tpu.memref_slice %arg2[%dma_start3A_143, %add3A_125, %dma_start3A_144] : memref<4x8192x1024xf32, #tpu.memory_space<hbm>> -> memref<4x8x1024xf32, #tpu.memory_space<hbm>>
        %dma_start3A_146 = arith.constant 0 : i32
        %dma_start3A_147 = arith.constant 0 : i32
        %dma_start3A_148 = arith.constant 0 : i32
        %dma_start3A_149 = tpu.memref_slice %arg6[%sub3A_59, %dma_start3A_146, %dma_start3A_147, %dma_start3A_148] : memref<2x4x8x1024xf32, #tpu.memory_space<vmem>> -> memref<1x4x8x1024xf32, #tpu.memory_space<vmem>>
        %dma_start3A_150 = tpu.memref_squeeze %dma_start3A_149 : memref<1x4x8x1024xf32, #tpu.memory_space<vmem>> -> memref<4x8x1024xf32, #tpu.memory_space<vmem>>
        %dma_start3A_151 = arith.constant 0 : i32
        %dma_start3A_152 = arith.constant 0 : i32
        %dma_start3A_153 = tpu.memref_slice %arg2[%dma_start3A_151, %add3A_125, %dma_start3A_152] : memref<4x8192x1024xf32, #tpu.memory_space<hbm>> -> memref<4x8x1024xf32, #tpu.memory_space<hbm>>
        tpu.enqueue_dma source(%dma_start3A_153 : memref<4x8x1024xf32, #tpu.memory_space<hbm>>) target(%dma_start3A_150 : memref<4x8x1024xf32, #tpu.memory_space<vmem>>) target_semaphore(%arg7 : memref<!tpu.dma_semaphore, #tpu.memory_space<semaphore_mem>>)
      } else {
      }
      %scan3A_96 = arith.constant 0 : i32
      %scan3A_97 = arith.constant 0 : i32
      %scan3A_98 = arith.constant 8 : i32
      %scan3A_99 = arith.addi %scan3A_97, %scan3A_98 : i32
      %scan3A_100 = arith.constant 1 : i32
      scf.for %scan3A_121 = %scan3A_97 to %scan3A_99 step %scan3A_100  : i32 {
        %get3A = arith.index_cast %rem3A_58 : i32 to index
        %get3A_122 = arith.index_cast %scan3A_121 : i32 to index
        %get3A_123 = arith.constant 0 : index
        %get3A_124 = tpu.vector_load %arg5[%get3A, %get3A_122, %get3A_123] {strides = array<i32>} : memref<2x8x1024xf32, #tpu.memory_space<vmem>>, vector<1x1x16xf32>,
        %get3A_125 = vector.shape_cast %get3A_124 : vector<1x1x16xf32> to vector<16xf32>
        %get3A_126 = arith.constant 0 : i32
        %get3A_127 = arith.index_cast %rem3A_58 : i32 to index
        %get3A_128 = arith.index_cast %get3A_126 : i32 to index
        %get3A_129 = arith.index_cast %scan3A_121 : i32 to index
        %get3A_130 = arith.constant 0 : index
        %get3A_131 = tpu.vector_load %arg6[%get3A_127, %get3A_128, %get3A_129, %get3A_130] {strides = array<i32>} : memref<2x4x8x1024xf32, #tpu.memory_space<vmem>>, vector<1x1x1x16xf32>,
        %get3A_132 = vector.shape_cast %get3A_131 : vector<1x1x1x16xf32> to vector<16xf32>
        %add3A_133 = arith.addf %get3A_132, %get3A_125 : vector<16xf32>
        %swap3A = arith.constant 0 : i32
        %swap3A_134 = arith.index_cast %rem3A_58 : i32 to index
        %swap3A_135 = arith.index_cast %swap3A : i32 to index
        %swap3A_136 = arith.index_cast %scan3A_121 : i32 to index
        %swap3A_137 = arith.constant 0 : index
        %swap3A_138 = tpu.vector_load %arg6[%swap3A_134, %swap3A_135, %swap3A_136, %swap3A_137] {strides = array<i32>} : memref<2x4x8x1024xf32, #tpu.memory_space<vmem>>, vector<1x1x1x16xf32>,
        %swap3A_139 = vector.shape_cast %swap3A_138 : vector<1x1x1x16xf32> to vector<16xf32>
        %swap3A_140 = vector.shape_cast %add3A_133 : vector<16xf32> to vector<1x1x1x16xf32>
        tpu.vector_store %arg6[%swap3A_134, %swap3A_135, %swap3A_136, %swap3A_137], %swap3A_140 {strides = array<i32>} : memref<2x4x8x1024xf32, #tpu.memory_space<vmem>>, vector<1x1x1x16xf32>,
        %get3A_141 = arith.constant 1 : i32
        %get3A_142 = arith.index_cast %rem3A_58 : i32 to index
        %get3A_143 = arith.index_cast %get3A_141 : i32 to index
        %get3A_144 = arith.index_cast %scan3A_121 : i32 to index
        %get3A_145 = arith.constant 0 : index
        %get3A_146 = tpu.vector_load %arg6[%get3A_142, %get3A_143, %get3A_144, %get3A_145] {strides = array<i32>} : memref<2x4x8x1024xf32, #tpu.memory_space<vmem>>, vector<1x1x1x16xf32>,
        %get3A_147 = vector.shape_cast %get3A_146 : vector<1x1x1x16xf32> to vector<16xf32>
        %add3A_148 = arith.addf %get3A_147, %get3A_125 : vector<16xf32>
        %swap3A_149 = arith.constant 1 : i32
        %swap3A_150 = arith.index_cast %rem3A_58 : i32 to index
        %swap3A_151 = arith.index_cast %swap3A_149 : i32 to index
        %swap3A_152 = arith.index_cast %scan3A_121 : i32 to index
        %swap3A_153 = arith.constant 0 : index
        %swap3A_154 = tpu.vector_load %arg6[%swap3A_150, %swap3A_151, %swap3A_152, %swap3A_153] {strides = array<i32>} : memref<2x4x8x1024xf32, #tpu.memory_space<vmem>>, vector<1x1x1x16xf32>,
        %swap3A_155 = vector.shape_cast %swap3A_154 : vector<1x1x1x16xf32> to vector<16xf32>
        %swap3A_156 = vector.shape_cast %add3A_148 : vector<16xf32> to vector<1x1x1x16xf32>
        tpu.vector_store %arg6[%swap3A_150, %swap3A_151, %swap3A_152, %swap3A_153], %swap3A_156 {strides = array<i32>} : memref<2x4x8x1024xf32, #tpu.memory_space<vmem>>, vector<1x1x1x16xf32>,
        %get3A_157 = arith.constant 2 : i32
        %get3A_158 = arith.index_cast %rem3A_58 : i32 to index
        %get3A_159 = arith.index_cast %get3A_157 : i32 to index
        %get3A_160 = arith.index_cast %scan3A_121 : i32 to index
        %get3A_161 = arith.constant 0 : index
        %get3A_162 = tpu.vector_load %arg6[%get3A_158, %get3A_159, %get3A_160, %get3A_161] {strides = array<i32>} : memref<2x4x8x1024xf32, #tpu.memory_space<vmem>>, vector<1x1x1x16xf32>,
        %get3A_163 = vector.shape_cast %get3A_162 : vector<1x1x1x16xf32> to vector<16xf32>
        %add3A_164 = arith.addf %get3A_163, %get3A_125 : vector<16xf32>
        %swap3A_165 = arith.constant 2 : i32
        %swap3A_166 = arith.index_cast %rem3A_58 : i32 to index
        %swap3A_167 = arith.index_cast %swap3A_165 : i32 to index
        %swap3A_168 = arith.index_cast %scan3A_121 : i32 to index
        %swap3A_169 = arith.constant 0 : index
        %swap3A_170 = tpu.vector_load %arg6[%swap3A_166, %swap3A_167, %swap3A_168, %swap3A_169] {strides = array<i32>} : memref<2x4x8x1024xf32, #tpu.memory_space<vmem>>, vector<1x1x1x16xf32>,
        %swap3A_171 = vector.shape_cast %swap3A_170 : vector<1x1x1x16xf32> to vector<16xf32>
        %swap3A_172 = vector.shape_cast %add3A_164 : vector<16xf32> to vector<1x1x1x16xf32>
        tpu.vector_store %arg6[%swap3A_166, %swap3A_167, %swap3A_168, %swap3A_169], %swap3A_172 {strides = array<i32>} : memref<2x4x8x1024xf32, #tpu.memory_space<vmem>>, vector<1x1x1x16xf32>,
        %get3A_173 = arith.constant 3 : i32
        %get3A_174 = arith.index_cast %rem3A_58 : i32 to index
        %get3A_175 = arith.index_cast %get3A_173 : i32 to index
        %get3A_176 = arith.index_cast %scan3A_121 : i32 to index
        %get3A_177 = arith.constant 0 : index
        %get3A_178 = tpu.vector_load %arg6[%get3A_174, %get3A_175, %get3A_176, %get3A_177] {strides = array<i32>} : memref<2x4x8x1024xf32, #tpu.memory_space<vmem>>, vector<1x1x1x16xf32>,
        %get3A_179 = vector.shape_cast %get3A_178 : vector<1x1x1x16xf32> to vector<16xf32>
        %add3A_180 = arith.addf %get3A_179, %get3A_125 : vector<16xf32>
        %swap3A_181 = arith.constant 3 : i32
        %swap3A_182 = arith.index_cast %rem3A_58 : i32 to index
        %swap3A_183 = arith.index_cast %swap3A_181 : i32 to index
        %swap3A_184 = arith.index_cast %scan3A_121 : i32 to index
        %swap3A_185 = arith.constant 0 : index
        %swap3A_186 = tpu.vector_load %arg6[%swap3A_182, %swap3A_183, %swap3A_184, %swap3A_185] {strides = array<i32>} : memref<2x4x8x1024xf32, #tpu.memory_space<vmem>>, vector<1x1x1x16xf32>,
        %swap3A_187 = vector.shape_cast %swap3A_186 : vector<1x1x1x16xf32> to vector<16xf32>
        %swap3A_188 = vector.shape_cast %add3A_180 : vector<16xf32> to vector<1x1x1x16xf32>
        tpu.vector_store %arg6[%swap3A_182, %swap3A_183, %swap3A_184, %swap3A_185], %swap3A_188 {strides = array<i32>} : memref<2x4x8x1024xf32, #tpu.memory_space<vmem>>, vector<1x1x1x16xf32>,
        %get3A_189 = arith.index_cast %rem3A_58 : i32 to index
        %get3A_190 = arith.index_cast %scan3A_121 : i32 to index
        %get3A_191 = arith.constant 16 : index
        %get3A_192 = tpu.vector_load %arg5[%get3A_189, %get3A_190, %get3A_191] {strides = array<i32>} : memref<2x8x1024xf32, #tpu.memory_space<vmem>>, vector<1x1x16xf32>,
        %get3A_193 = vector.shape_cast %get3A_192 : vector<1x1x16xf32> to vector<16xf32>
        %get3A_194 = arith.constant 0 : i32
        %get3A_195 = arith.index_cast %rem3A_58 : i32 to index
        %get3A_196 = arith.index_cast %get3A_194 : i32 to index
        %get3A_197 = arith.index_cast %scan3A_121 : i32 to index
        %get3A_198 = arith.constant 16 : index
        %get3A_199 = tpu.vector_load %arg6[%get3A_195, %get3A_196, %get3A_197, %get3A_198] {strides = array<i32>} : memref<2x4x8x1024xf32, #tpu.memory_space<vmem>>, vector<1x1x1x16xf32>,
        %get3A_200 = vector.shape_cast %get3A_199 : vector<1x1x1x16xf32> to vector<16xf32>
        %add3A_201 = arith.addf %get3A_200, %get3A_193 : vector<16xf32>
        %swap3A_202 = arith.constant 0 : i32
        %swap3A_203 = arith.index_cast %rem3A_58 : i32 to index
        %swap3A_204 = arith.index_cast %swap3A_202 : i32 to index
        %swap3A_205 = arith.index_cast %scan3A_121 : i32 to index
        %swap3A_206 = arith.constant 16 : index
        %swap3A_207 = tpu.vector_load %arg6[%swap3A_203, %swap3A_204, %swap3A_205, %swap3A_206] {strides = array<i32>} : memref<2x4x8x1024xf32, #tpu.memory_space<vmem>>, vector<1x1x1x16xf32>,
        %swap3A_208 = vector.shape_cast %swap3A_207 : vector<1x1x1x16xf32> to vector<16xf32>
        %swap3A_209 = vector.shape_cast %add3A_201 : vector<16xf32> to vector<1x1x1x16xf32>
        tpu.vector_store %arg6[%swap3A_203, %swap3A_204, %swap3A_205, %swap3A_206], %swap3A_209 {strides = array<i32>} : memref<2x4x8x1024xf32, #tpu.memory_space<vmem>>, vector<1x1x1x16xf32>,
        %get3A_210 = arith.constant 1 : i32
        %get3A_211 = arith.index_cast %rem3A_58 : i32 to index
        %get3A_212 = arith.index_cast %get3A_210 : i32 to index
        %get3A_213 = arith.index_cast %scan3A_121 : i32 to index
        %get3A_214 = arith.constant 16 : index
        %get3A_215 = tpu.vector_load %arg6[%get3A_211, %get3A_212, %get3A_213, %get3A_214] {strides = array<i32>} : memref<2x4x8x1024xf32, #tpu.memory_space<vmem>>, vector<1x1x1x16xf32>,
        %get3A_216 = vector.shape_cast %get3A_215 : vector<1x1x1x16xf32> to vector<16xf32>
        %add3A_217 = arith.addf %get3A_216, %get3A_193 : vector<16xf32>
        %swap3A_218 = arith.constant 1 : i32
        %swap3A_219 = arith.index_cast %rem3A_58 : i32 to index
        %swap3A_220 = arith.index_cast %swap3A_218 : i32 to index
        %swap3A_221 = arith.index_cast %scan3A_121 : i32 to index
        %swap3A_222 = arith.constant 16 : index
        %swap3A_223 = tpu.vector_load %arg6[%swap3A_219, %swap3A_220, %swap3A_221, %swap3A_222] {strides = array<i32>} : memref<2x4x8x1024xf32, #tpu.memory_space<vmem>>, vector<1x1x1x16xf32>,
        %swap3A_224 = vector.shape_cast %swap3A_223 : vector<1x1x1x16xf32> to vector<16xf32>
        %swap3A_225 = vector.shape_cast %add3A_217 : vector<16xf32> to vector<1x1x1x16xf32>
        tpu.vector_store %arg6[%swap3A_219, %swap3A_220, %swap3A_221, %swap3A_222], %swap3A_225 {strides = array<i32>} : memref<2x4x8x1024xf32, #tpu.memory_space<vmem>>, vector<1x1x1x16xf32>,
        %get3A_226 = arith.constant 2 : i32
        %get3A_227 = arith.index_cast %rem3A_58 : i32 to index
        %get3A_228 = arith.index_cast %get3A_226 : i32 to index
        %get3A_229 = arith.index_cast %scan3A_121 : i32 to index
        %get3A_230 = arith.constant 16 : index
        %get3A_231 = tpu.vector_load %arg6[%get3A_227, %get3A_228, %get3A_229, %get3A_230] {strides = array<i32>} : memref<2x4x8x1024xf32, #tpu.memory_space<vmem>>, vector<1x1x1x16xf32>,
        %get3A_232 = vector.shape_cast %get3A_231 : vector<1x1x1x16xf32> to vector<16xf32>
        %add3A_233 = arith.addf %get3A_232, %get3A_193 : vector<16xf32>
        %swap3A_234 = arith.constant 2 : i32
        %swap3A_235 = arith.index_cast %rem3A_58 : i32 to index
        %swap3A_236 = arith.index_cast %swap3A_234 : i32 to index
        %swap3A_237 = arith.index_cast %scan3A_121 : i32 to index
        %swap3A_238 = arith.constant 16 : index
        %swap3A_239 = tpu.vector_load %arg6[%swap3A_235, %swap3A_236, %swap3A_237, %swap3A_238] {strides = array<i32>} : memref<2x4x8x1024xf32, #tpu.memory_space<vmem>>, vector<1x1x1x16xf32>,
        %swap3A_240 = vector.shape_cast %swap3A_239 : vector<1x1x1x16xf32> to vector<16xf32>
        %swap3A_241 = vector.shape_cast %add3A_233 : vector<16xf32> to vector<1x1x1x16xf32>
        tpu.vector_store %arg6[%swap3A_235, %swap3A_236, %swap3A_237, %swap3A_238], %swap3A_241 {strides = array<i32>} : memref<2x4x8x1024xf32, #tpu.memory_space<vmem>>, vector<1x1x1x16xf32>,
        %get3A_242 = arith.constant 3 : i32
        %get3A_243 = arith.index_cast %rem3A_58 : i32 to index
        %get3A_244 = arith.index_cast %get3A_242 : i32 to index
        %get3A_245 = arith.index_cast %scan3A_121 : i32 to index
        %get3A_246 = arith.constant 16 : index
        %get3A_247 = tpu.vector_load %arg6[%get3A_243, %get3A_244, %get3A_245, %get3A_246] {strides = array<i32>} : memref<2x4x8x1024xf32, #tpu.memory_space<vmem>>, vector<1x1x1x16xf32>,
        %get3A_248 = vector.shape_cast %get3A_247 : vector<1x1x1x16xf32> to vector<16xf32>
        %add3A_249 = arith.addf %get3A_248, %get3A_193 : vector<16xf32>
        %swap3A_250 = arith.constant 3 : i32
        %swap3A_251 = arith.index_cast %rem3A_58 : i32 to index
        %swap3A_252 = arith.index_cast %swap3A_250 : i32 to index
        %swap3A_253 = arith.index_cast %scan3A_121 : i32 to index
        %swap3A_254 = arith.constant 16 : index
        %swap3A_255 = tpu.vector_load %arg6[%swap3A_251, %swap3A_252, %swap3A_253, %swap3A_254] {strides = array<i32>} : memref<2x4x8x1024xf32, #tpu.memory_space<vmem>>, vector<1x1x1x16xf32>,
        %swap3A_256 = vector.shape_cast %swap3A_255 : vector<1x1x1x16xf32> to vector<16xf32>
        %swap3A_257 = vector.shape_cast %add3A_249 : vector<16xf32> to vector<1x1x1x16xf32>
        tpu.vector_store %arg6[%swap3A_251, %swap3A_252, %swap3A_253, %swap3A_254], %swap3A_257 {strides = array<i32>} : memref<2x4x8x1024xf32, #tpu.memory_space<vmem>>, vector<1x1x1x16xf32>,
        %get3A_258 = arith.index_cast %rem3A_58 : i32 to index
        %get3A_259 = arith.index_cast %scan3A_121 : i32 to index
        %get3A_260 = arith.constant 32 : index
        %get3A_261 = tpu.vector_load %arg5[%get3A_258, %get3A_259, %get3A_260] {strides = array<i32>} : memref<2x8x1024xf32, #tpu.memory_space<vmem>>, vector<1x1x16xf32>,
        %get3A_262 = vector.shape_cast %get3A_261 : vector<1x1x16xf32> to vector<16xf32>
        %get3A_263 = arith.constant 0 : i32
        %get3A_264 = arith.index_cast %rem3A_58 : i32 to index
        %get3A_265 = arith.index_cast %get3A_263 : i32 to index
        %get3A_266 = arith.index_cast %scan3A_121 : i32 to index
        %get3A_267 = arith.constant 32 : index
        %get3A_268 = tpu.vector_load %arg6[%get3A_264, %get3A_265, %get3A_266, %get3A_267] {strides = array<i32>} : memref<2x4x8x1024xf32, #tpu.memory_space<vmem>>, vector<1x1x1x16xf32>,
        %get3A_269 = vector.shape_cast %get3A_268 : vector<1x1x1x16xf32> to vector<16xf32>
        %add3A_270 = arith.addf %get3A_269, %get3A_262 : vector<16xf32>
        %swap3A_271 = arith.constant 0 : i32
        %swap3A_272 = arith.index_cast %rem3A_58 : i32 to index
        %swap3A_273 = arith.index_cast %swap3A_271 : i32 to index
        %swap3A_274 = arith.index_cast %scan3A_121 : i32 to index
        %swap3A_275 = arith.constant 32 : index
        %swap3A_276 = tpu.vector_load %arg6[%swap3A_272, %swap3A_273, %swap3A_274, %swap3A_275] {strides = array<i32>} : memref<2x4x8x1024xf32, #tpu.memory_space<vmem>>, vector<1x1x1x16xf32>,
        %swap3A_277 = vector.shape_cast %swap3A_276 : vector<1x1x1x16xf32> to vector<16xf32>
        %swap3A_278 = vector.shape_cast %add3A_270 : vector<16xf32> to vector<1x1x1x16xf32>
        tpu.vector_store %arg6[%swap3A_272, %swap3A_273, %swap3A_274, %swap3A_275], %swap3A_278 {strides = array<i32>} : memref<2x4x8x1024xf32, #tpu.memory_space<vmem>>, vector<1x1x1x16xf32>,
        %get3A_279 = arith.constant 1 : i32
        %get3A_280 = arith.index_cast %rem3A_58 : i32 to index
        %get3A_281 = arith.index_cast %get3A_279 : i32 to index
        %get3A_282 = arith.index_cast %scan3A_121 : i32 to index
        %get3A_283 = arith.constant 32 : index
        %get3A_284 = tpu.vector_load %arg6[%get3A_280, %get3A_281, %get3A_282, %get3A_283] {strides = array<i32>} : memref<2x4x8x1024xf32, #tpu.memory_space<vmem>>, vector<1x1x1x16xf32>,
        %get3A_285 = vector.shape_cast %get3A_284 : vector<1x1x1x16xf32> to vector<16xf32>
        %add3A_286 = arith.addf %get3A_285, %get3A_262 : vector<16xf32>
        %swap3A_287 = arith.constant 1 : i32
        %swap3A_288 = arith.index_cast %rem3A_58 : i32 to index
        %swap3A_289 = arith.index_cast %swap3A_287 : i32 to index
        %swap3A_290 = arith.index_cast %scan3A_121 : i32 to index
        %swap3A_291 = arith.constant 32 : index
        %swap3A_292 = tpu.vector_load %arg6[%swap3A_288, %swap3A_289, %swap3A_290, %swap3A_291] {strides = array<i32>} : memref<2x4x8x1024xf32, #tpu.memory_space<vmem>>, vector<1x1x1x16xf32>,
        %swap3A_293 = vector.shape_cast %swap3A_292 : vector<1x1x1x16xf32> to vector<16xf32>
        %swap3A_294 = vector.shape_cast %add3A_286 : vector<16xf32> to vector<1x1x1x16xf32>
        tpu.vector_store %arg6[%swap3A_288, %swap3A_289, %swap3A_290, %swap3A_291], %swap3A_294 {strides = array<i32>} : memref<2x4x8x1024xf32, #tpu.memory_space<vmem>>, vector<1x1x1x16xf32>,
        %get3A_295 = arith.constant 2 : i32
        %get3A_296 = arith.index_cast %rem3A_58 : i32 to index
        %get3A_297 = arith.index_cast %get3A_295 : i32 to index
        %get3A_298 = arith.index_cast %scan3A_121 : i32 to index
        %get3A_299 = arith.constant 32 : index
        %get3A_300 = tpu.vector_load %arg6[%get3A_296, %get3A_297, %get3A_298, %get3A_299] {strides = array<i32>} : memref<2x4x8x1024xf32, #tpu.memory_space<vmem>>, vector<1x1x1x16xf32>,
        %get3A_301 = vector.shape_cast %get3A_300 : vector<1x1x1x16xf32> to vector<16xf32>
        %add3A_302 = arith.addf %get3A_301, %get3A_262 : vector<16xf32>
        %swap3A_303 = arith.constant 2 : i32
        %swap3A_304 = arith.index_cast %rem3A_58 : i32 to index
        %swap3A_305 = arith.index_cast %swap3A_303 : i32 to index
        %swap3A_306 = arith.index_cast %scan3A_121 : i32 to index
        %swap3A_307 = arith.constant 32 : index
        %swap3A_308 = tpu.vector_load %arg6[%swap3A_304, %swap3A_305, %swap3A_306, %swap3A_307] {strides = array<i32>} : memref<2x4x8x1024xf32, #tpu.memory_space<vmem>>, vector<1x1x1x16xf32>,
        %swap3A_309 = vector.shape_cast %swap3A_308 : vector<1x1x1x16xf32> to vector<16xf32>
        %swap3A_310 = vector.shape_cast %add3A_302 : vector<16xf32> to vector<1x1x1x16xf32>
        tpu.vector_store %arg6[%swap3A_304, %swap3A_305, %swap3A_306, %swap3A_307], %swap3A_310 {strides = array<i32>} : memref<2x4x8x1024xf32, #tpu.memory_space<vmem>>, vector<1x1x1x16xf32>,
        %get3A_311 = arith.constant 3 : i32
        %get3A_312 = arith.index_cast %rem3A_58 : i32 to index
        %get3A_313 = arith.index_cast %get3A_311 : i32 to index
        %get3A_314 = arith.index_cast %scan3A_121 : i32 to index
        %get3A_315 = arith.constant 32 : index
        %get3A_316 = tpu.vector_load %arg6[%get3A_312, %get3A_313, %get3A_314, %get3A_315] {strides = array<i32>} : memref<2x4x8x1024xf32, #tpu.memory_space<vmem>>, vector<1x1x1x16xf32>,
        %get3A_317 = vector.shape_cast %get3A_316 : vector<1x1x1x16xf32> to vector<16xf32>
        %add3A_318 = arith.addf %get3A_317, %get3A_262 : vector<16xf32>
        %swap3A_319 = arith.constant 3 : i32
        %swap3A_320 = arith.index_cast %rem3A_58 : i32 to index
        %swap3A_321 = arith.index_cast %swap3A_319 : i32 to index
        %swap3A_322 = arith.index_cast %scan3A_121 : i32 to index
        %swap3A_323 = arith.constant 32 : index
        %swap3A_324 = tpu.vector_load %arg6[%swap3A_320, %swap3A_321, %swap3A_322, %swap3A_323] {strides = array<i32>} : memref<2x4x8x1024xf32, #tpu.memory_space<vmem>>, vector<1x1x1x16xf32>,
        %swap3A_325 = vector.shape_cast %swap3A_324 : vector<1x1x1x16xf32> to vector<16xf32>
        %swap3A_326 = vector.shape_cast %add3A_318 : vector<16xf32> to vector<1x1x1x16xf32>
        tpu.vector_store %arg6[%swap3A_320, %swap3A_321, %swap3A_322, %swap3A_323], %swap3A_326 {strides = array<i32>} : memref<2x4x8x1024xf32, #tpu.memory_space<vmem>>, vector<1x1x1x16xf32>,
        %get3A_327 = arith.index_cast %rem3A_58 : i32 to index
        %get3A_328 = arith.index_cast %scan3A_121 : i32 to index
        %get3A_329 = arith.constant 48 : index
        %get3A_330 = tpu.vector_load %arg5[%get3A_327, %get3A_328, %get3A_329] {strides = array<i32>} : memref<2x8x1024xf32, #tpu.memory_space<vmem>>, vector<1x1x16xf32>,
        %get3A_331 = vector.shape_cast %get3A_330 : vector<1x1x16xf32> to vector<16xf32>
        %get3A_332 = arith.constant 0 : i32
        %get3A_333 = arith.index_cast %rem3A_58 : i32 to index
        %get3A_334 = arith.index_cast %get3A_332 : i32 to index
        %get3A_335 = arith.index_cast %scan3A_121 : i32 to index
        %get3A_336 = arith.constant 48 : index
        %get3A_337 = tpu.vector_load %arg6[%get3A_333, %get3A_334, %get3A_335, %get3A_336] {strides = array<i32>} : memref<2x4x8x1024xf32, #tpu.memory_space<vmem>>, vector<1x1x1x16xf32>,
        %get3A_338 = vector.shape_cast %get3A_337 : vector<1x1x1x16xf32> to vector<16xf32>
        %add3A_339 = arith.addf %get3A_338, %get3A_331 : vector<16xf32>
        %swap3A_340 = arith.constant 0 : i32
        %swap3A_341 = arith.index_cast %rem3A_58 : i32 to index
        %swap3A_342 = arith.index_cast %swap3A_340 : i32 to index
        %swap3A_343 = arith.index_cast %scan3A_121 : i32 to index
        %swap3A_344 = arith.constant 48 : index
        %swap3A_345 = tpu.vector_load %arg6[%swap3A_341, %swap3A_342, %swap3A_343, %swap3A_344] {strides = array<i32>} : memref<2x4x8x1024xf32, #tpu.memory_space<vmem>>, vector<1x1x1x16xf32>,
        %swap3A_346 = vector.shape_cast %swap3A_345 : vector<1x1x1x16xf32> to vector<16xf32>
        %swap3A_347 = vector.shape_cast %add3A_339 : vector<16xf32> to vector<1x1x1x16xf32>
        tpu.vector_store %arg6[%swap3A_341, %swap3A_342, %swap3A_343, %swap3A_344], %swap3A_347 {strides = array<i32>} : memref<2x4x8x1024xf32, #tpu.memory_space<vmem>>, vector<1x1x1x16xf32>,
        %get3A_348 = arith.constant 1 : i32
        %get3A_349 = arith.index_cast %rem3A_58 : i32 to index
        %get3A_350 = arith.index_cast %get3A_348 : i32 to index
        %get3A_351 = arith.index_cast %scan3A_121 : i32 to index
        %get3A_352 = arith.constant 48 : index
        %get3A_353 = tpu.vector_load %arg6[%get3A_349, %get3A_350, %get3A_351, %get3A_352] {strides = array<i32>} : memref<2x4x8x1024xf32, #tpu.memory_space<vmem>>, vector<1x1x1x16xf32>,
        %get3A_354 = vector.shape_cast %get3A_353 : vector<1x1x1x16xf32> to vector<16xf32>
        %add3A_355 = arith.addf %get3A_354, %get3A_331 : vector<16xf32>
        %swap3A_356 = arith.constant 1 : i32
        %swap3A_357 = arith.index_cast %rem3A_58 : i32 to index
        %swap3A_358 = arith.index_cast %swap3A_356 : i32 to index
        %swap3A_359 = arith.index_cast %scan3A_121 : i32 to index
        %swap3A_360 = arith.constant 48 : index
        %swap3A_361 = tpu.vector_load %arg6[%swap3A_357, %swap3A_358, %swap3A_359, %swap3A_360] {strides = array<i32>} : memref<2x4x8x1024xf32, #tpu.memory_space<vmem>>, vector<1x1x1x16xf32>,
        %swap3A_362 = vector.shape_cast %swap3A_361 : vector<1x1x1x16xf32> to vector<16xf32>
        %swap3A_363 = vector.shape_cast %add3A_355 : vector<16xf32> to vector<1x1x1x16xf32>
        tpu.vector_store %arg6[%swap3A_357, %swap3A_358, %swap3A_359, %swap3A_360], %swap3A_363 {strides = array<i32>} : memref<2x4x8x1024xf32, #tpu.memory_space<vmem>>, vector<1x1x1x16xf32>,
        %get3A_364 = arith.constant 2 : i32
        %get3A_365 = arith.index_cast %rem3A_58 : i32 to index
        %get3A_366 = arith.index_cast %get3A_364 : i32 to index
        %get3A_367 = arith.index_cast %scan3A_121 : i32 to index
        %get3A_368 = arith.constant 48 : index
        %get3A_369 = tpu.vector_load %arg6[%get3A_365, %get3A_366, %get3A_367, %get3A_368] {strides = array<i32>} : memref<2x4x8x1024xf32, #tpu.memory_space<vmem>>, vector<1x1x1x16xf32>,
        %get3A_370 = vector.shape_cast %get3A_369 : vector<1x1x1x16xf32> to vector<16xf32>
        %add3A_371 = arith.addf %get3A_370, %get3A_331 : vector<16xf32>
        %swap3A_372 = arith.constant 2 : i32
        %swap3A_373 = arith.index_cast %rem3A_58 : i32 to index
        %swap3A_374 = arith.index_cast %swap3A_372 : i32 to index
        %swap3A_375 = arith.index_cast %scan3A_121 : i32 to index
        %swap3A_376 = arith.constant 48 : index
        %swap3A_377 = tpu.vector_load %arg6[%swap3A_373, %swap3A_374, %swap3A_375, %swap3A_376] {strides = array<i32>} : memref<2x4x8x1024xf32, #tpu.memory_space<vmem>>, vector<1x1x1x16xf32>,
        %swap3A_378 = vector.shape_cast %swap3A_377 : vector<1x1x1x16xf32> to vector<16xf32>
        %swap3A_379 = vector.shape_cast %add3A_371 : vector<16xf32> to vector<1x1x1x16xf32>
        tpu.vector_store %arg6[%swap3A_373, %swap3A_374, %swap3A_375, %swap3A_376], %swap3A_379 {strides = array<i32>} : memref<2x4x8x1024xf32, #tpu.memory_space<vmem>>, vector<1x1x1x16xf32>,
        %get3A_380 = arith.constant 3 : i32
        %get3A_381 = arith.index_cast %rem3A_58 : i32 to index
        %get3A_382 = arith.index_cast %get3A_380 : i32 to index
        %get3A_383 = arith.index_cast %scan3A_121 : i32 to index
        %get3A_384 = arith.constant 48 : index
        %get3A_385 = tpu.vector_load %arg6[%get3A_381, %get3A_382, %get3A_383, %get3A_384] {strides = array<i32>} : memref<2x4x8x1024xf32, #tpu.memory_space<vmem>>, vector<1x1x1x16xf32>,
        %get3A_386 = vector.shape_cast %get3A_385 : vector<1x1x1x16xf32> to vector<16xf32>
        %add3A_387 = arith.addf %get3A_386, %get3A_331 : vector<16xf32>
        %swap3A_388 = arith.constant 3 : i32
        %swap3A_389 = arith.index_cast %rem3A_58 : i32 to index
        %swap3A_390 = arith.index_cast %swap3A_388 : i32 to index
        %swap3A_391 = arith.index_cast %scan3A_121 : i32 to index
        %swap3A_392 = arith.constant 48 : index
        %swap3A_393 = tpu.vector_load %arg6[%swap3A_389, %swap3A_390, %swap3A_391, %swap3A_392] {strides = array<i32>} : memref<2x4x8x1024xf32, #tpu.memory_space<vmem>>, vector<1x1x1x16xf32>,
        %swap3A_394 = vector.shape_cast %swap3A_393 : vector<1x1x1x16xf32> to vector<16xf32>
        %swap3A_395 = vector.shape_cast %add3A_387 : vector<16xf32> to vector<1x1x1x16xf32>
        tpu.vector_store %arg6[%swap3A_389, %swap3A_390, %swap3A_391, %swap3A_392], %swap3A_395 {strides = array<i32>} : memref<2x4x8x1024xf32, #tpu.memory_space<vmem>>, vector<1x1x1x16xf32>,
        %get3A_396 = arith.index_cast %rem3A_58 : i32 to index
        %get3A_397 = arith.index_cast %scan3A_121 : i32 to index
        %get3A_398 = arith.constant 64 : index
        %get3A_399 = tpu.vector_load %arg5[%get3A_396, %get3A_397, %get3A_398] {strides = array<i32>} : memref<2x8x1024xf32, #tpu.memory_space<vmem>>, vector<1x1x16xf32>,
        %get3A_400 = vector.shape_cast %get3A_399 : vector<1x1x16xf32> to vector<16xf32>
        %get3A_401 = arith.constant 0 : i32
        %get3A_402 = arith.index_cast %rem3A_58 : i32 to index
        %get3A_403 = arith.index_cast %get3A_401 : i32 to index
        %get3A_404 = arith.index_cast %scan3A_121 : i32 to index
        %get3A_405 = arith.constant 64 : index
        %get3A_406 = tpu.vector_load %arg6[%get3A_402, %get3A_403, %get3A_404, %get3A_405] {strides = array<i32>} : memref<2x4x8x1024xf32, #tpu.memory_space<vmem>>, vector<1x1x1x16xf32>,
        %get3A_407 = vector.shape_cast %get3A_406 : vector<1x1x1x16xf32> to vector<16xf32>
        %add3A_408 = arith.addf %get3A_407, %get3A_400 : vector<16xf32>
        %swap3A_409 = arith.constant 0 : i32
        %swap3A_410 = arith.index_cast %rem3A_58 : i32 to index
        %swap3A_411 = arith.index_cast %swap3A_409 : i32 to index
        %swap3A_412 = arith.index_cast %scan3A_121 : i32 to index
        %swap3A_413 = arith.constant 64 : index
        %swap3A_414 = tpu.vector_load %arg6[%swap3A_410, %swap3A_411, %swap3A_412, %swap3A_413] {strides = array<i32>} : memref<2x4x8x1024xf32, #tpu.memory_space<vmem>>, vector<1x1x1x16xf32>,
        %swap3A_415 = vector.shape_cast %swap3A_414 : vector<1x1x1x16xf32> to vector<16xf32>
        %swap3A_416 = vector.shape_cast %add3A_408 : vector<16xf32> to vector<1x1x1x16xf32>
        tpu.vector_store %arg6[%swap3A_410, %swap3A_411, %swap3A_412, %swap3A_413], %swap3A_416 {strides = array<i32>} : memref<2x4x8x1024xf32, #tpu.memory_space<vmem>>, vector<1x1x1x16xf32>,
        %get3A_417 = arith.constant 1 : i32
        %get3A_418 = arith.index_cast %rem3A_58 : i32 to index
        %get3A_419 = arith.index_cast %get3A_417 : i32 to index
        %get3A_420 = arith.index_cast %scan3A_121 : i32 to index
        %get3A_421 = arith.constant 64 : index
        %get3A_422 = tpu.vector_load %arg6[%get3A_418, %get3A_419, %get3A_420, %get3A_421] {strides = array<i32>} : memref<2x4x8x1024xf32, #tpu.memory_space<vmem>>, vector<1x1x1x16xf32>,
        %get3A_423 = vector.shape_cast %get3A_422 : vector<1x1x1x16xf32> to vector<16xf32>
        %add3A_424 = arith.addf %get3A_423, %get3A_400 : vector<16xf32>
        %swap3A_425 = arith.constant 1 : i32
        %swap3A_426 = arith.index_cast %rem3A_58 : i32 to index
        %swap3A_427 = arith.index_cast %swap3A_425 : i32 to index
        %swap3A_428 = arith.index_cast %scan3A_121 : i32 to index
        %swap3A_429 = arith.constant 64 : index
        %swap3A_430 = tpu.vector_load %arg6[%swap3A_426, %swap3A_427, %swap3A_428, %swap3A_429] {strides = array<i32>} : memref<2x4x8x1024xf32, #tpu.memory_space<vmem>>, vector<1x1x1x16xf32>,
        %swap3A_431 = vector.shape_cast %swap3A_430 : vector<1x1x1x16xf32> to vector<16xf32>
        %swap3A_432 = vector.shape_cast %add3A_424 : vector<16xf32> to vector<1x1x1x16xf32>
        tpu.vector_store %arg6[%swap3A_426, %swap3A_427, %swap3A_428, %swap3A_429], %swap3A_432 {strides = array<i32>} : memref<2x4x8x1024xf32, #tpu.memory_space<vmem>>, vector<1x1x1x16xf32>,
        %get3A_433 = arith.constant 2 : i32
        %get3A_434 = arith.index_cast %rem3A_58 : i32 to index
        %get3A_435 = arith.index_cast %get3A_433 : i32 to index
        %get3A_436 = arith.index_cast %scan3A_121 : i32 to index
        %get3A_437 = arith.constant 64 : index
        %get3A_438 = tpu.vector_load %arg6[%get3A_434, %get3A_435, %get3A_436, %get3A_437] {strides = array<i32>} : memref<2x4x8x1024xf32, #tpu.memory_space<vmem>>, vector<1x1x1x16xf32>,
        %get3A_439 = vector.shape_cast %get3A_438 : vector<1x1x1x16xf32> to vector<16xf32>
        %add3A_440 = arith.addf %get3A_439, %get3A_400 : vector<16xf32>
        %swap3A_441 = arith.constant 2 : i32
        %swap3A_442 = arith.index_cast %rem3A_58 : i32 to index
        %swap3A_443 = arith.index_cast %swap3A_441 : i32 to index
        %swap3A_444 = arith.index_cast %scan3A_121 : i32 to index
        %swap3A_445 = arith.constant 64 : index
        %swap3A_446 = tpu.vector_load %arg6[%swap3A_442, %swap3A_443, %swap3A_444, %swap3A_445] {strides = array<i32>} : memref<2x4x8x1024xf32, #tpu.memory_space<vmem>>, vector<1x1x1x16xf32>,
        %swap3A_447 = vector.shape_cast %swap3A_446 : vector<1x1x1x16xf32> to vector<16xf32>
        %swap3A_448 = vector.shape_cast %add3A_440 : vector<16xf32> to vector<1x1x1x16xf32>
        tpu.vector_store %arg6[%swap3A_442, %swap3A_443, %swap3A_444, %swap3A_445], %swap3A_448 {strides = array<i32>} : memref<2x4x8x1024xf32, #tpu.memory_space<vmem>>, vector<1x1x1x16xf32>,
        %get3A_449 = arith.constant 3 : i32
        %get3A_450 = arith.index_cast %rem3A_58 : i32 to index
        %get3A_451 = arith.index_cast %get3A_449 : i32 to index
        %get3A_452 = arith.index_cast %scan3A_121 : i32 to index
        %get3A_453 = arith.constant 64 : index
        %get3A_454 = tpu.vector_load %arg6[%get3A_450, %get3A_451, %get3A_452, %get3A_453] {strides = array<i32>} : memref<2x4x8x1024xf32, #tpu.memory_space<vmem>>, vector<1x1x1x16xf32>,
        %get3A_455 = vector.shape_cast %get3A_454 : vector<1x1x1x16xf32> to vector<16xf32>
        %add3A_456 = arith.addf %get3A_455, %get3A_400 : vector<16xf32>
        %swap3A_457 = arith.constant 3 : i32
        %swap3A_458 = arith.index_cast %rem3A_58 : i32 to index
        %swap3A_459 = arith.index_cast %swap3A_457 : i32 to index
        %swap3A_460 = arith.index_cast %scan3A_121 : i32 to index
        %swap3A_461 = arith.constant 64 : index
        %swap3A_462 = tpu.vector_load %arg6[%swap3A_458, %swap3A_459, %swap3A_460, %swap3A_461] {strides = array<i32>} : memref<2x4x8x1024xf32, #tpu.memory_space<vmem>>, vector<1x1x1x16xf32>,
        %swap3A_463 = vector.shape_cast %swap3A_462 : vector<1x1x1x16xf32> to vector<16xf32>
        %swap3A_464 = vector.shape_cast %add3A_456 : vector<16xf32> to vector<1x1x1x16xf32>
        tpu.vector_store %arg6[%swap3A_458, %swap3A_459, %swap3A_460, %swap3A_461], %swap3A_464 {strides = array<i32>} : memref<2x4x8x1024xf32, #tpu.memory_space<vmem>>, vector<1x1x1x16xf32>,
        %get3A_465 = arith.index_cast %rem3A_58 : i32 to index
        %get3A_466 = arith.index_cast %scan3A_121 : i32 to index
        %get3A_467 = arith.constant 80 : index
        %get3A_468 = tpu.vector_load %arg5[%get3A_465, %get3A_466, %get3A_467] {strides = array<i32>} : memref<2x8x1024xf32, #tpu.memory_space<vmem>>, vector<1x1x16xf32>,
        %get3A_469 = vector.shape_cast %get3A_468 : vector<1x1x16xf32> to vector<16xf32>
        %get3A_470 = arith.constant 0 : i32
        %get3A_471 = arith.index_cast %rem3A_58 : i32 to index
        %get3A_472 = arith.index_cast %get3A_470 : i32 to index
        %get3A_473 = arith.index_cast %scan3A_121 : i32 to index
        %get3A_474 = arith.constant 80 : index
        %get3A_475 = tpu.vector_load %arg6[%get3A_471, %get3A_472, %get3A_473, %get3A_474] {strides = array<i32>} : memref<2x4x8x1024xf32, #tpu.memory_space<vmem>>, vector<1x1x1x16xf32>,
        %get3A_476 = vector.shape_cast %get3A_475 : vector<1x1x1x16xf32> to vector<16xf32>
        %add3A_477 = arith.addf %get3A_476, %get3A_469 : vector<16xf32>
        %swap3A_478 = arith.constant 0 : i32
        %swap3A_479 = arith.index_cast %rem3A_58 : i32 to index
        %swap3A_480 = arith.index_cast %swap3A_478 : i32 to index
        %swap3A_481 = arith.index_cast %scan3A_121 : i32 to index
        %swap3A_482 = arith.constant 80 : index
        %swap3A_483 = tpu.vector_load %arg6[%swap3A_479, %swap3A_480, %swap3A_481, %swap3A_482] {strides = array<i32>} : memref<2x4x8x1024xf32, #tpu.memory_space<vmem>>, vector<1x1x1x16xf32>,
        %swap3A_484 = vector.shape_cast %swap3A_483 : vector<1x1x1x16xf32> to vector<16xf32>
        %swap3A_485 = vector.shape_cast %add3A_477 : vector<16xf32> to vector<1x1x1x16xf32>
        tpu.vector_store %arg6[%swap3A_479, %swap3A_480, %swap3A_481, %swap3A_482], %swap3A_485 {strides = array<i32>} : memref<2x4x8x1024xf32, #tpu.memory_space<vmem>>, vector<1x1x1x16xf32>,
        %get3A_486 = arith.constant 1 : i32
        %get3A_487 = arith.index_cast %rem3A_58 : i32 to index
        %get3A_488 = arith.index_cast %get3A_486 : i32 to index
        %get3A_489 = arith.index_cast %scan3A_121 : i32 to index
        %get3A_490 = arith.constant 80 : index
        %get3A_491 = tpu.vector_load %arg6[%get3A_487, %get3A_488, %get3A_489, %get3A_490] {strides = array<i32>} : memref<2x4x8x1024xf32, #tpu.memory_space<vmem>>, vector<1x1x1x16xf32>,
        %get3A_492 = vector.shape_cast %get3A_491 : vector<1x1x1x16xf32> to vector<16xf32>
        %add3A_493 = arith.addf %get3A_492, %get3A_469 : vector<16xf32>
        %swap3A_494 = arith.constant 1 : i32
        %swap3A_495 = arith.index_cast %rem3A_58 : i32 to index
        %swap3A_496 = arith.index_cast %swap3A_494 : i32 to index
        %swap3A_497 = arith.index_cast %scan3A_121 : i32 to index
        %swap3A_498 = arith.constant 80 : index
        %swap3A_499 = tpu.vector_load %arg6[%swap3A_495, %swap3A_496, %swap3A_497, %swap3A_498] {strides = array<i32>} : memref<2x4x8x1024xf32, #tpu.memory_space<vmem>>, vector<1x1x1x16xf32>,
        %swap3A_500 = vector.shape_cast %swap3A_499 : vector<1x1x1x16xf32> to vector<16xf32>
        %swap3A_501 = vector.shape_cast %add3A_493 : vector<16xf32> to vector<1x1x1x16xf32>
        tpu.vector_store %arg6[%swap3A_495, %swap3A_496, %swap3A_497, %swap3A_498], %swap3A_501 {strides = array<i32>} : memref<2x4x8x1024xf32, #tpu.memory_space<vmem>>, vector<1x1x1x16xf32>,
        %get3A_502 = arith.constant 2 : i32
        %get3A_503 = arith.index_cast %rem3A_58 : i32 to index
        %get3A_504 = arith.index_cast %get3A_502 : i32 to index
        %get3A_505 = arith.index_cast %scan3A_121 : i32 to index
        %get3A_506 = arith.constant 80 : index
        %get3A_507 = tpu.vector_load %arg6[%get3A_503, %get3A_504, %get3A_505, %get3A_506] {strides = array<i32>} : memref<2x4x8x1024xf32, #tpu.memory_space<vmem>>, vector<1x1x1x16xf32>,
        %get3A_508 = vector.shape_cast %get3A_507 : vector<1x1x1x16xf32> to vector<16xf32>
        %add3A_509 = arith.addf %get3A_508, %get3A_469 : vector<16xf32>
        %swap3A_510 = arith.constant 2 : i32
        %swap3A_511 = arith.index_cast %rem3A_58 : i32 to index
        %swap3A_512 = arith.index_cast %swap3A_510 : i32 to index
        %swap3A_513 = arith.index_cast %scan3A_121 : i32 to index
        %swap3A_514 = arith.constant 80 : index
        %swap3A_515 = tpu.vector_load %arg6[%swap3A_511, %swap3A_512, %swap3A_513, %swap3A_514] {strides = array<i32>} : memref<2x4x8x1024xf32, #tpu.memory_space<vmem>>, vector<1x1x1x16xf32>,
        %swap3A_516 = vector.shape_cast %swap3A_515 : vector<1x1x1x16xf32> to vector<16xf32>
        %swap3A_517 = vector.shape_cast %add3A_509 : vector<16xf32> to vector<1x1x1x16xf32>
        tpu.vector_store %arg6[%swap3A_511, %swap3A_512, %swap3A_513, %swap3A_514], %swap3A_517 {strides = array<i32>} : memref<2x4x8x1024xf32, #tpu.memory_space<vmem>>, vector<1x1x1x16xf32>,
        %get3A_518 = arith.constant 3 : i32
        %get3A_519 = arith.index_cast %rem3A_58 : i32 to index
        %get3A_520 = arith.index_cast %get3A_518 : i32 to index
        %get3A_521 = arith.index_cast %scan3A_121 : i32 to index
        %get3A_522 = arith.constant 80 : index
        %get3A_523 = tpu.vector_load %arg6[%get3A_519, %get3A_520, %get3A_521, %get3A_522] {strides = array<i32>} : memref<2x4x8x1024xf32, #tpu.memory_space<vmem>>, vector<1x1x1x16xf32>,
        %get3A_524 = vector.shape_cast %get3A_523 : vector<1x1x1x16xf32> to vector<16xf32>
        %add3A_525 = arith.addf %get3A_524, %get3A_469 : vector<16xf32>
        %swap3A_526 = arith.constant 3 : i32
        %swap3A_527 = arith.index_cast %rem3A_58 : i32 to index
        %swap3A_528 = arith.index_cast %swap3A_526 : i32 to index
        %swap3A_529 = arith.index_cast %scan3A_121 : i32 to index
        %swap3A_530 = arith.constant 80 : index
        %swap3A_531 = tpu.vector_load %arg6[%swap3A_527, %swap3A_528, %swap3A_529, %swap3A_530] {strides = array<i32>} : memref<2x4x8x1024xf32, #tpu.memory_space<vmem>>, vector<1x1x1x16xf32>,
        %swap3A_532 = vector.shape_cast %swap3A_531 : vector<1x1x1x16xf32> to vector<16xf32>
        %swap3A_533 = vector.shape_cast %add3A_525 : vector<16xf32> to vector<1x1x1x16xf32>
        tpu.vector_store %arg6[%swap3A_527, %swap3A_528, %swap3A_529, %swap3A_530], %swap3A_533 {strides = array<i32>} : memref<2x4x8x1024xf32, #tpu.memory_space<vmem>>, vector<1x1x1x16xf32>,
        %get3A_534 = arith.index_cast %rem3A_58 : i32 to index
        %get3A_535 = arith.index_cast %scan3A_121 : i32 to index
        %get3A_536 = arith.constant 96 : index
        %get3A_537 = tpu.vector_load %arg5[%get3A_534, %get3A_535, %get3A_536] {strides = array<i32>} : memref<2x8x1024xf32, #tpu.memory_space<vmem>>, vector<1x1x16xf32>,
        %get3A_538 = vector.shape_cast %get3A_537 : vector<1x1x16xf32> to vector<16xf32>
        %get3A_539 = arith.constant 0 : i32
        %get3A_540 = arith.index_cast %rem3A_58 : i32 to index
        %get3A_541 = arith.index_cast %get3A_539 : i32 to index
        %get3A_542 = arith.index_cast %scan3A_121 : i32 to index
        %get3A_543 = arith.constant 96 : index
        %get3A_544 = tpu.vector_load %arg6[%get3A_540, %get3A_541, %get3A_542, %get3A_543] {strides = array<i32>} : memref<2x4x8x1024xf32, #tpu.memory_space<vmem>>, vector<1x1x1x16xf32>,
        %get3A_545 = vector.shape_cast %get3A_544 : vector<1x1x1x16xf32> to vector<16xf32>
        %add3A_546 = arith.addf %get3A_545, %get3A_538 : vector<16xf32>
        %swap3A_547 = arith.constant 0 : i32
        %swap3A_548 = arith.index_cast %rem3A_58 : i32 to index
        %swap3A_549 = arith.index_cast %swap3A_547 : i32 to index
        %swap3A_550 = arith.index_cast %scan3A_121 : i32 to index
        %swap3A_551 = arith.constant 96 : index
        %swap3A_552 = tpu.vector_load %arg6[%swap3A_548, %swap3A_549, %swap3A_550, %swap3A_551] {strides = array<i32>} : memref<2x4x8x1024xf32, #tpu.memory_space<vmem>>, vector<1x1x1x16xf32>,
        %swap3A_553 = vector.shape_cast %swap3A_552 : vector<1x1x1x16xf32> to vector<16xf32>
        %swap3A_554 = vector.shape_cast %add3A_546 : vector<16xf32> to vector<1x1x1x16xf32>
        tpu.vector_store %arg6[%swap3A_548, %swap3A_549, %swap3A_550, %swap3A_551], %swap3A_554 {strides = array<i32>} : memref<2x4x8x1024xf32, #tpu.memory_space<vmem>>, vector<1x1x1x16xf32>,
        %get3A_555 = arith.constant 1 : i32
        %get3A_556 = arith.index_cast %rem3A_58 : i32 to index
        %get3A_557 = arith.index_cast %get3A_555 : i32 to index
        %get3A_558 = arith.index_cast %scan3A_121 : i32 to index
        %get3A_559 = arith.constant 96 : index
        %get3A_560 = tpu.vector_load %arg6[%get3A_556, %get3A_557, %get3A_558, %get3A_559] {strides = array<i32>} : memref<2x4x8x1024xf32, #tpu.memory_space<vmem>>, vector<1x1x1x16xf32>,
        %get3A_561 = vector.shape_cast %get3A_560 : vector<1x1x1x16xf32> to vector<16xf32>
        %add3A_562 = arith.addf %get3A_561, %get3A_538 : vector<16xf32>
        %swap3A_563 = arith.constant 1 : i32
        %swap3A_564 = arith.index_cast %rem3A_58 : i32 to index
        %swap3A_565 = arith.index_cast %swap3A_563 : i32 to index
        %swap3A_566 = arith.index_cast %scan3A_121 : i32 to index
        %swap3A_567 = arith.constant 96 : index
        %swap3A_568 = tpu.vector_load %arg6[%swap3A_564, %swap3A_565, %swap3A_566, %swap3A_567] {strides = array<i32>} : memref<2x4x8x1024xf32, #tpu.memory_space<vmem>>, vector<1x1x1x16xf32>,
        %swap3A_569 = vector.shape_cast %swap3A_568 : vector<1x1x1x16xf32> to vector<16xf32>
        %swap3A_570 = vector.shape_cast %add3A_562 : vector<16xf32> to vector<1x1x1x16xf32>
        tpu.vector_store %arg6[%swap3A_564, %swap3A_565, %swap3A_566, %swap3A_567], %swap3A_570 {strides = array<i32>} : memref<2x4x8x1024xf32, #tpu.memory_space<vmem>>, vector<1x1x1x16xf32>,
        %get3A_571 = arith.constant 2 : i32
        %get3A_572 = arith.index_cast %rem3A_58 : i32 to index
        %get3A_573 = arith.index_cast %get3A_571 : i32 to index
        %get3A_574 = arith.index_cast %scan3A_121 : i32 to index
        %get3A_575 = arith.constant 96 : index
        %get3A_576 = tpu.vector_load %arg6[%get3A_572, %get3A_573, %get3A_574, %get3A_575] {strides = array<i32>} : memref<2x4x8x1024xf32, #tpu.memory_space<vmem>>, vector<1x1x1x16xf32>,
        %get3A_577 = vector.shape_cast %get3A_576 : vector<1x1x1x16xf32> to vector<16xf32>
        %add3A_578 = arith.addf %get3A_577, %get3A_538 : vector<16xf32>
        %swap3A_579 = arith.constant 2 : i32
        %swap3A_580 = arith.index_cast %rem3A_58 : i32 to index
        %swap3A_581 = arith.index_cast %swap3A_579 : i32 to index
        %swap3A_582 = arith.index_cast %scan3A_121 : i32 to index
        %swap3A_583 = arith.constant 96 : index
        %swap3A_584 = tpu.vector_load %arg6[%swap3A_580, %swap3A_581, %swap3A_582, %swap3A_583] {strides = array<i32>} : memref<2x4x8x1024xf32, #tpu.memory_space<vmem>>, vector<1x1x1x16xf32>,
        %swap3A_585 = vector.shape_cast %swap3A_584 : vector<1x1x1x16xf32> to vector<16xf32>
        %swap3A_586 = vector.shape_cast %add3A_578 : vector<16xf32> to vector<1x1x1x16xf32>
        tpu.vector_store %arg6[%swap3A_580, %swap3A_581, %swap3A_582, %swap3A_583], %swap3A_586 {strides = array<i32>} : memref<2x4x8x1024xf32, #tpu.memory_space<vmem>>, vector<1x1x1x16xf32>,
        %get3A_587 = arith.constant 3 : i32
        %get3A_588 = arith.index_cast %rem3A_58 : i32 to index
        %get3A_589 = arith.index_cast %get3A_587 : i32 to index
        %get3A_590 = arith.index_cast %scan3A_121 : i32 to index
        %get3A_591 = arith.constant 96 : index
        %get3A_592 = tpu.vector_load %arg6[%get3A_588, %get3A_589, %get3A_590, %get3A_591] {strides = array<i32>} : memref<2x4x8x1024xf32, #tpu.memory_space<vmem>>, vector<1x1x1x16xf32>,
        %get3A_593 = vector.shape_cast %get3A_592 : vector<1x1x1x16xf32> to vector<16xf32>
        %add3A_594 = arith.addf %get3A_593, %get3A_538 : vector<16xf32>
        %swap3A_595 = arith.constant 3 : i32
        %swap3A_596 = arith.index_cast %rem3A_58 : i32 to index
        %swap3A_597 = arith.index_cast %swap3A_595 : i32 to index
        %swap3A_598 = arith.index_cast %scan3A_121 : i32 to index
        %swap3A_599 = arith.constant 96 : index
        %swap3A_600 = tpu.vector_load %arg6[%swap3A_596, %swap3A_597, %swap3A_598, %swap3A_599] {strides = array<i32>} : memref<2x4x8x1024xf32, #tpu.memory_space<vmem>>, vector<1x1x1x16xf32>,
        %swap3A_601 = vector.shape_cast %swap3A_600 : vector<1x1x1x16xf32> to vector<16xf32>
        %swap3A_602 = vector.shape_cast %add3A_594 : vector<16xf32> to vector<1x1x1x16xf32>
        tpu.vector_store %arg6[%swap3A_596, %swap3A_597, %swap3A_598, %swap3A_599], %swap3A_602 {strides = array<i32>} : memref<2x4x8x1024xf32, #tpu.memory_space<vmem>>, vector<1x1x1x16xf32>,
        %get3A_603 = arith.index_cast %rem3A_58 : i32 to index
        %get3A_604 = arith.index_cast %scan3A_121 : i32 to index
        %get3A_605 = arith.constant 112 : index
        %get3A_606 = tpu.vector_load %arg5[%get3A_603, %get3A_604, %get3A_605] {strides = array<i32>} : memref<2x8x1024xf32, #tpu.memory_space<vmem>>, vector<1x1x16xf32>,
        %get3A_607 = vector.shape_cast %get3A_606 : vector<1x1x16xf32> to vector<16xf32>
        %get3A_608 = arith.constant 0 : i32
        %get3A_609 = arith.index_cast %rem3A_58 : i32 to index
        %get3A_610 = arith.index_cast %get3A_608 : i32 to index
        %get3A_611 = arith.index_cast %scan3A_121 : i32 to index
        %get3A_612 = arith.constant 112 : index
        %get3A_613 = tpu.vector_load %arg6[%get3A_609, %get3A_610, %get3A_611, %get3A_612] {strides = array<i32>} : memref<2x4x8x1024xf32, #tpu.memory_space<vmem>>, vector<1x1x1x16xf32>,
        %get3A_614 = vector.shape_cast %get3A_613 : vector<1x1x1x16xf32> to vector<16xf32>
        %add3A_615 = arith.addf %get3A_614, %get3A_607 : vector<16xf32>
        %swap3A_616 = arith.constant 0 : i32
        %swap3A_617 = arith.index_cast %rem3A_58 : i32 to index
        %swap3A_618 = arith.index_cast %swap3A_616 : i32 to index
        %swap3A_619 = arith.index_cast %scan3A_121 : i32 to index
        %swap3A_620 = arith.constant 112 : index
        %swap3A_621 = tpu.vector_load %arg6[%swap3A_617, %swap3A_618, %swap3A_619, %swap3A_620] {strides = array<i32>} : memref<2x4x8x1024xf32, #tpu.memory_space<vmem>>, vector<1x1x1x16xf32>,
        %swap3A_622 = vector.shape_cast %swap3A_621 : vector<1x1x1x16xf32> to vector<16xf32>
        %swap3A_623 = vector.shape_cast %add3A_615 : vector<16xf32> to vector<1x1x1x16xf32>
        tpu.vector_store %arg6[%swap3A_617, %swap3A_618, %swap3A_619, %swap3A_620], %swap3A_623 {strides = array<i32>} : memref<2x4x8x1024xf32, #tpu.memory_space<vmem>>, vector<1x1x1x16xf32>,
        %get3A_624 = arith.constant 1 : i32
        %get3A_625 = arith.index_cast %rem3A_58 : i32 to index
        %get3A_626 = arith.index_cast %get3A_624 : i32 to index
        %get3A_627 = arith.index_cast %scan3A_121 : i32 to index
        %get3A_628 = arith.constant 112 : index
        %get3A_629 = tpu.vector_load %arg6[%get3A_625, %get3A_626, %get3A_627, %get3A_628] {strides = array<i32>} : memref<2x4x8x1024xf32, #tpu.memory_space<vmem>>, vector<1x1x1x16xf32>,
        %get3A_630 = vector.shape_cast %get3A_629 : vector<1x1x1x16xf32> to vector<16xf32>
        %add3A_631 = arith.addf %get3A_630, %get3A_607 : vector<16xf32>
        %swap3A_632 = arith.constant 1 : i32
        %swap3A_633 = arith.index_cast %rem3A_58 : i32 to index
        %swap3A_634 = arith.index_cast %swap3A_632 : i32 to index
        %swap3A_635 = arith.index_cast %scan3A_121 : i32 to index
        %swap3A_636 = arith.constant 112 : index
        %swap3A_637 = tpu.vector_load %arg6[%swap3A_633, %swap3A_634, %swap3A_635, %swap3A_636] {strides = array<i32>} : memref<2x4x8x1024xf32, #tpu.memory_space<vmem>>, vector<1x1x1x16xf32>,
        %swap3A_638 = vector.shape_cast %swap3A_637 : vector<1x1x1x16xf32> to vector<16xf32>
        %swap3A_639 = vector.shape_cast %add3A_631 : vector<16xf32> to vector<1x1x1x16xf32>
        tpu.vector_store %arg6[%swap3A_633, %swap3A_634, %swap3A_635, %swap3A_636], %swap3A_639 {strides = array<i32>} : memref<2x4x8x1024xf32, #tpu.memory_space<vmem>>, vector<1x1x1x16xf32>,
        %get3A_640 = arith.constant 2 : i32
        %get3A_641 = arith.index_cast %rem3A_58 : i32 to index
        %get3A_642 = arith.index_cast %get3A_640 : i32 to index
        %get3A_643 = arith.index_cast %scan3A_121 : i32 to index
        %get3A_644 = arith.constant 112 : index
        %get3A_645 = tpu.vector_load %arg6[%get3A_641, %get3A_642, %get3A_643, %get3A_644] {strides = array<i32>} : memref<2x4x8x1024xf32, #tpu.memory_space<vmem>>, vector<1x1x1x16xf32>,
        %get3A_646 = vector.shape_cast %get3A_645 : vector<1x1x1x16xf32> to vector<16xf32>
        %add3A_647 = arith.addf %get3A_646, %get3A_607 : vector<16xf32>
        %swap3A_648 = arith.constant 2 : i32
        %swap3A_649 = arith.index_cast %rem3A_58 : i32 to index
        %swap3A_650 = arith.index_cast %swap3A_648 : i32 to index
        %swap3A_651 = arith.index_cast %scan3A_121 : i32 to index
        %swap3A_652 = arith.constant 112 : index
        %swap3A_653 = tpu.vector_load %arg6[%swap3A_649, %swap3A_650, %swap3A_651, %swap3A_652] {strides = array<i32>} : memref<2x4x8x1024xf32, #tpu.memory_space<vmem>>, vector<1x1x1x16xf32>,
        %swap3A_654 = vector.shape_cast %swap3A_653 : vector<1x1x1x16xf32> to vector<16xf32>
        %swap3A_655 = vector.shape_cast %add3A_647 : vector<16xf32> to vector<1x1x1x16xf32>
        tpu.vector_store %arg6[%swap3A_649, %swap3A_650, %swap3A_651, %swap3A_652], %swap3A_655 {strides = array<i32>} : memref<2x4x8x1024xf32, #tpu.memory_space<vmem>>, vector<1x1x1x16xf32>,
        %get3A_656 = arith.constant 3 : i32
        %get3A_657 = arith.index_cast %rem3A_58 : i32 to index
        %get3A_658 = arith.index_cast %get3A_656 : i32 to index
        %get3A_659 = arith.index_cast %scan3A_121 : i32 to index
        %get3A_660 = arith.constant 112 : index
        %get3A_661 = tpu.vector_load %arg6[%get3A_657, %get3A_658, %get3A_659, %get3A_660] {strides = array<i32>} : memref<2x4x8x1024xf32, #tpu.memory_space<vmem>>, vector<1x1x1x16xf32>,
        %get3A_662 = vector.shape_cast %get3A_661 : vector<1x1x1x16xf32> to vector<16xf32>
        %add3A_663 = arith.addf %get3A_662, %get3A_607 : vector<16xf32>
        %swap3A_664 = arith.constant 3 : i32
        %swap3A_665 = arith.index_cast %rem3A_58 : i32 to index
        %swap3A_666 = arith.index_cast %swap3A_664 : i32 to index
        %swap3A_667 = arith.index_cast %scan3A_121 : i32 to index
        %swap3A_668 = arith.constant 112 : index
        %swap3A_669 = tpu.vector_load %arg6[%swap3A_665, %swap3A_666, %swap3A_667, %swap3A_668] {strides = array<i32>} : memref<2x4x8x1024xf32, #tpu.memory_space<vmem>>, vector<1x1x1x16xf32>,
        %swap3A_670 = vector.shape_cast %swap3A_669 : vector<1x1x1x16xf32> to vector<16xf32>
        %swap3A_671 = vector.shape_cast %add3A_663 : vector<16xf32> to vector<1x1x1x16xf32>
        tpu.vector_store %arg6[%swap3A_665, %swap3A_666, %swap3A_667, %swap3A_668], %swap3A_671 {strides = array<i32>} : memref<2x4x8x1024xf32, #tpu.memory_space<vmem>>, vector<1x1x1x16xf32>,
        %get3A_672 = arith.index_cast %rem3A_58 : i32 to index
        %get3A_673 = arith.index_cast %scan3A_121 : i32 to index
        %get3A_674 = arith.constant 128 : index
        %get3A_675 = tpu.vector_load %arg5[%get3A_672, %get3A_673, %get3A_674] {strides = array<i32>} : memref<2x8x1024xf32, #tpu.memory_space<vmem>>, vector<1x1x16xf32>,
        %get3A_676 = vector.shape_cast %get3A_675 : vector<1x1x16xf32> to vector<16xf32>
        %get3A_677 = arith.constant 0 : i32
        %get3A_678 = arith.index_cast %rem3A_58 : i32 to index
        %get3A_679 = arith.index_cast %get3A_677 : i32 to index
        %get3A_680 = arith.index_cast %scan3A_121 : i32 to index
        %get3A_681 = arith.constant 128 : index
        %get3A_682 = tpu.vector_load %arg6[%get3A_678, %get3A_679, %get3A_680, %get3A_681] {strides = array<i32>} : memref<2x4x8x1024xf32, #tpu.memory_space<vmem>>, vector<1x1x1x16xf32>,
        %get3A_683 = vector.shape_cast %get3A_682 : vector<1x1x1x16xf32> to vector<16xf32>
        %add3A_684 = arith.addf %get3A_683, %get3A_676 : vector<16xf32>
        %swap3A_685 = arith.constant 0 : i32
        %swap3A_686 = arith.index_cast %rem3A_58 : i32 to index
        %swap3A_687 = arith.index_cast %swap3A_685 : i32 to index
        %swap3A_688 = arith.index_cast %scan3A_121 : i32 to index
        %swap3A_689 = arith.constant 128 : index
        %swap3A_690 = tpu.vector_load %arg6[%swap3A_686, %swap3A_687, %swap3A_688, %swap3A_689] {strides = array<i32>} : memref<2x4x8x1024xf32, #tpu.memory_space<vmem>>, vector<1x1x1x16xf32>,
        %swap3A_691 = vector.shape_cast %swap3A_690 : vector<1x1x1x16xf32> to vector<16xf32>
        %swap3A_692 = vector.shape_cast %add3A_684 : vector<16xf32> to vector<1x1x1x16xf32>
        tpu.vector_store %arg6[%swap3A_686, %swap3A_687, %swap3A_688, %swap3A_689], %swap3A_692 {strides = array<i32>} : memref<2x4x8x1024xf32, #tpu.memory_space<vmem>>, vector<1x1x1x16xf32>,
        %get3A_693 = arith.constant 1 : i32
        %get3A_694 = arith.index_cast %rem3A_58 : i32 to index
        %get3A_695 = arith.index_cast %get3A_693 : i32 to index
        %get3A_696 = arith.index_cast %scan3A_121 : i32 to index
        %get3A_697 = arith.constant 128 : index
        %get3A_698 = tpu.vector_load %arg6[%get3A_694, %get3A_695, %get3A_696, %get3A_697] {strides = array<i32>} : memref<2x4x8x1024xf32, #tpu.memory_space<vmem>>, vector<1x1x1x16xf32>,
        %get3A_699 = vector.shape_cast %get3A_698 : vector<1x1x1x16xf32> to vector<16xf32>
        %add3A_700 = arith.addf %get3A_699, %get3A_676 : vector<16xf32>
        %swap3A_701 = arith.constant 1 : i32
        %swap3A_702 = arith.index_cast %rem3A_58 : i32 to index
        %swap3A_703 = arith.index_cast %swap3A_701 : i32 to index
        %swap3A_704 = arith.index_cast %scan3A_121 : i32 to index
        %swap3A_705 = arith.constant 128 : index
        %swap3A_706 = tpu.vector_load %arg6[%swap3A_702, %swap3A_703, %swap3A_704, %swap3A_705] {strides = array<i32>} : memref<2x4x8x1024xf32, #tpu.memory_space<vmem>>, vector<1x1x1x16xf32>,
        %swap3A_707 = vector.shape_cast %swap3A_706 : vector<1x1x1x16xf32> to vector<16xf32>
        %swap3A_708 = vector.shape_cast %add3A_700 : vector<16xf32> to vector<1x1x1x16xf32>
        tpu.vector_store %arg6[%swap3A_702, %swap3A_703, %swap3A_704, %swap3A_705], %swap3A_708 {strides = array<i32>} : memref<2x4x8x1024xf32, #tpu.memory_space<vmem>>, vector<1x1x1x16xf32>,
        %get3A_709 = arith.constant 2 : i32
        %get3A_710 = arith.index_cast %rem3A_58 : i32 to index
        %get3A_711 = arith.index_cast %get3A_709 : i32 to index
        %get3A_712 = arith.index_cast %scan3A_121 : i32 to index
        %get3A_713 = arith.constant 128 : index
        %get3A_714 = tpu.vector_load %arg6[%get3A_710, %get3A_711, %get3A_712, %get3A_713] {strides = array<i32>} : memref<2x4x8x1024xf32, #tpu.memory_space<vmem>>, vector<1x1x1x16xf32>,
        %get3A_715 = vector.shape_cast %get3A_714 : vector<1x1x1x16xf32> to vector<16xf32>
        %add3A_716 = arith.addf %get3A_715, %get3A_676 : vector<16xf32>
        %swap3A_717 = arith.constant 2 : i32
        %swap3A_718 = arith.index_cast %rem3A_58 : i32 to index
        %swap3A_719 = arith.index_cast %swap3A_717 : i32 to index
        %swap3A_720 = arith.index_cast %scan3A_121 : i32 to index
        %swap3A_721 = arith.constant 128 : index
        %swap3A_722 = tpu.vector_load %arg6[%swap3A_718, %swap3A_719, %swap3A_720, %swap3A_721] {strides = array<i32>} : memref<2x4x8x1024xf32, #tpu.memory_space<vmem>>, vector<1x1x1x16xf32>,
        %swap3A_723 = vector.shape_cast %swap3A_722 : vector<1x1x1x16xf32> to vector<16xf32>
        %swap3A_724 = vector.shape_cast %add3A_716 : vector<16xf32> to vector<1x1x1x16xf32>
        tpu.vector_store %arg6[%swap3A_718, %swap3A_719, %swap3A_720, %swap3A_721], %swap3A_724 {strides = array<i32>} : memref<2x4x8x1024xf32, #tpu.memory_space<vmem>>, vector<1x1x1x16xf32>,
        %get3A_725 = arith.constant 3 : i32
        %get3A_726 = arith.index_cast %rem3A_58 : i32 to index
        %get3A_727 = arith.index_cast %get3A_725 : i32 to index
        %get3A_728 = arith.index_cast %scan3A_121 : i32 to index
        %get3A_729 = arith.constant 128 : index
        %get3A_730 = tpu.vector_load %arg6[%get3A_726, %get3A_727, %get3A_728, %get3A_729] {strides = array<i32>} : memref<2x4x8x1024xf32, #tpu.memory_space<vmem>>, vector<1x1x1x16xf32>,
        %get3A_731 = vector.shape_cast %get3A_730 : vector<1x1x1x16xf32> to vector<16xf32>
        %add3A_732 = arith.addf %get3A_731, %get3A_676 : vector<16xf32>
        %swap3A_733 = arith.constant 3 : i32
        %swap3A_734 = arith.index_cast %rem3A_58 : i32 to index
        %swap3A_735 = arith.index_cast %swap3A_733 : i32 to index
        %swap3A_736 = arith.index_cast %scan3A_121 : i32 to index
        %swap3A_737 = arith.constant 128 : index
        %swap3A_738 = tpu.vector_load %arg6[%swap3A_734, %swap3A_735, %swap3A_736, %swap3A_737] {strides = array<i32>} : memref<2x4x8x1024xf32, #tpu.memory_space<vmem>>, vector<1x1x1x16xf32>,
        %swap3A_739 = vector.shape_cast %swap3A_738 : vector<1x1x1x16xf32> to vector<16xf32>
        %swap3A_740 = vector.shape_cast %add3A_732 : vector<16xf32> to vector<1x1x1x16xf32>
        tpu.vector_store %arg6[%swap3A_734, %swap3A_735, %swap3A_736, %swap3A_737], %swap3A_740 {strides = array<i32>} : memref<2x4x8x1024xf32, #tpu.memory_space<vmem>>, vector<1x1x1x16xf32>,
        %get3A_741 = arith.index_cast %rem3A_58 : i32 to index
        %get3A_742 = arith.index_cast %scan3A_121 : i32 to index
        %get3A_743 = arith.constant 144 : index
        %get3A_744 = tpu.vector_load %arg5[%get3A_741, %get3A_742, %get3A_743] {strides = array<i32>} : memref<2x8x1024xf32, #tpu.memory_space<vmem>>, vector<1x1x16xf32>,
        %get3A_745 = vector.shape_cast %get3A_744 : vector<1x1x16xf32> to vector<16xf32>
        %get3A_746 = arith.constant 0 : i32
        %get3A_747 = arith.index_cast %rem3A_58 : i32 to index
        %get3A_748 = arith.index_cast %get3A_746 : i32 to index
        %get3A_749 = arith.index_cast %scan3A_121 : i32 to index
        %get3A_750 = arith.constant 144 : index
        %get3A_751 = tpu.vector_load %arg6[%get3A_747, %get3A_748, %get3A_749, %get3A_750] {strides = array<i32>} : memref<2x4x8x1024xf32, #tpu.memory_space<vmem>>, vector<1x1x1x16xf32>,
        %get3A_752 = vector.shape_cast %get3A_751 : vector<1x1x1x16xf32> to vector<16xf32>
        %add3A_753 = arith.addf %get3A_752, %get3A_745 : vector<16xf32>
        %swap3A_754 = arith.constant 0 : i32
        %swap3A_755 = arith.index_cast %rem3A_58 : i32 to index
        %swap3A_756 = arith.index_cast %swap3A_754 : i32 to index
        %swap3A_757 = arith.index_cast %scan3A_121 : i32 to index
        %swap3A_758 = arith.constant 144 : index
        %swap3A_759 = tpu.vector_load %arg6[%swap3A_755, %swap3A_756, %swap3A_757, %swap3A_758] {strides = array<i32>} : memref<2x4x8x1024xf32, #tpu.memory_space<vmem>>, vector<1x1x1x16xf32>,
        %swap3A_760 = vector.shape_cast %swap3A_759 : vector<1x1x1x16xf32> to vector<16xf32>
        %swap3A_761 = vector.shape_cast %add3A_753 : vector<16xf32> to vector<1x1x1x16xf32>
        tpu.vector_store %arg6[%swap3A_755, %swap3A_756, %swap3A_757, %swap3A_758], %swap3A_761 {strides = array<i32>} : memref<2x4x8x1024xf32, #tpu.memory_space<vmem>>, vector<1x1x1x16xf32>,
        %get3A_762 = arith.constant 1 : i32
        %get3A_763 = arith.index_cast %rem3A_58 : i32 to index
        %get3A_764 = arith.index_cast %get3A_762 : i32 to index
        %get3A_765 = arith.index_cast %scan3A_121 : i32 to index
        %get3A_766 = arith.constant 144 : index
        %get3A_767 = tpu.vector_load %arg6[%get3A_763, %get3A_764, %get3A_765, %get3A_766] {strides = array<i32>} : memref<2x4x8x1024xf32, #tpu.memory_space<vmem>>, vector<1x1x1x16xf32>,
        %get3A_768 = vector.shape_cast %get3A_767 : vector<1x1x1x16xf32> to vector<16xf32>
        %add3A_769 = arith.addf %get3A_768, %get3A_745 : vector<16xf32>
        %swap3A_770 = arith.constant 1 : i32
        %swap3A_771 = arith.index_cast %rem3A_58 : i32 to index
        %swap3A_772 = arith.index_cast %swap3A_770 : i32 to index
        %swap3A_773 = arith.index_cast %scan3A_121 : i32 to index
        %swap3A_774 = arith.constant 144 : index
        %swap3A_775 = tpu.vector_load %arg6[%swap3A_771, %swap3A_772, %swap3A_773, %swap3A_774] {strides = array<i32>} : memref<2x4x8x1024xf32, #tpu.memory_space<vmem>>, vector<1x1x1x16xf32>,
        %swap3A_776 = vector.shape_cast %swap3A_775 : vector<1x1x1x16xf32> to vector<16xf32>
        %swap3A_777 = vector.shape_cast %add3A_769 : vector<16xf32> to vector<1x1x1x16xf32>
        tpu.vector_store %arg6[%swap3A_771, %swap3A_772, %swap3A_773, %swap3A_774], %swap3A_777 {strides = array<i32>} : memref<2x4x8x1024xf32, #tpu.memory_space<vmem>>, vector<1x1x1x16xf32>,
        %get3A_778 = arith.constant 2 : i32
        %get3A_779 = arith.index_cast %rem3A_58 : i32 to index
        %get3A_780 = arith.index_cast %get3A_778 : i32 to index
        %get3A_781 = arith.index_cast %scan3A_121 : i32 to index
        %get3A_782 = arith.constant 144 : index
        %get3A_783 = tpu.vector_load %arg6[%get3A_779, %get3A_780, %get3A_781, %get3A_782] {strides = array<i32>} : memref<2x4x8x1024xf32, #tpu.memory_space<vmem>>, vector<1x1x1x16xf32>,
        %get3A_784 = vector.shape_cast %get3A_783 : vector<1x1x1x16xf32> to vector<16xf32>
        %add3A_785 = arith.addf %get3A_784, %get3A_745 : vector<16xf32>
        %swap3A_786 = arith.constant 2 : i32
        %swap3A_787 = arith.index_cast %rem3A_58 : i32 to index
        %swap3A_788 = arith.index_cast %swap3A_786 : i32 to index
        %swap3A_789 = arith.index_cast %scan3A_121 : i32 to index
        %swap3A_790 = arith.constant 144 : index
        %swap3A_791 = tpu.vector_load %arg6[%swap3A_787, %swap3A_788, %swap3A_789, %swap3A_790] {strides = array<i32>} : memref<2x4x8x1024xf32, #tpu.memory_space<vmem>>, vector<1x1x1x16xf32>,
        %swap3A_792 = vector.shape_cast %swap3A_791 : vector<1x1x1x16xf32> to vector<16xf32>
        %swap3A_793 = vector.shape_cast %add3A_785 : vector<16xf32> to vector<1x1x1x16xf32>
        tpu.vector_store %arg6[%swap3A_787, %swap3A_788, %swap3A_789, %swap3A_790], %swap3A_793 {strides = array<i32>} : memref<2x4x8x1024xf32, #tpu.memory_space<vmem>>, vector<1x1x1x16xf32>,
        %get3A_794 = arith.constant 3 : i32
        %get3A_795 = arith.index_cast %rem3A_58 : i32 to index
        %get3A_796 = arith.index_cast %get3A_794 : i32 to index
        %get3A_797 = arith.index_cast %scan3A_121 : i32 to index
        %get3A_798 = arith.constant 144 : index
        %get3A_799 = tpu.vector_load %arg6[%get3A_795, %get3A_796, %get3A_797, %get3A_798] {strides = array<i32>} : memref<2x4x8x1024xf32, #tpu.memory_space<vmem>>, vector<1x1x1x16xf32>,
        %get3A_800 = vector.shape_cast %get3A_799 : vector<1x1x1x16xf32> to vector<16xf32>
        %add3A_801 = arith.addf %get3A_800, %get3A_745 : vector<16xf32>
        %swap3A_802 = arith.constant 3 : i32
        %swap3A_803 = arith.index_cast %rem3A_58 : i32 to index
        %swap3A_804 = arith.index_cast %swap3A_802 : i32 to index
        %swap3A_805 = arith.index_cast %scan3A_121 : i32 to index
        %swap3A_806 = arith.constant 144 : index
        %swap3A_807 = tpu.vector_load %arg6[%swap3A_803, %swap3A_804, %swap3A_805, %swap3A_806] {strides = array<i32>} : memref<2x4x8x1024xf32, #tpu.memory_space<vmem>>, vector<1x1x1x16xf32>,
        %swap3A_808 = vector.shape_cast %swap3A_807 : vector<1x1x1x16xf32> to vector<16xf32>
        %swap3A_809 = vector.shape_cast %add3A_801 : vector<16xf32> to vector<1x1x1x16xf32>
        tpu.vector_store %arg6[%swap3A_803, %swap3A_804, %swap3A_805, %swap3A_806], %swap3A_809 {strides = array<i32>} : memref<2x4x8x1024xf32, #tpu.memory_space<vmem>>, vector<1x1x1x16xf32>,
        %get3A_810 = arith.index_cast %rem3A_58 : i32 to index
        %get3A_811 = arith.index_cast %scan3A_121 : i32 to index
        %get3A_812 = arith.constant 160 : index
        %get3A_813 = tpu.vector_load %arg5[%get3A_810, %get3A_811, %get3A_812] {strides = array<i32>} : memref<2x8x1024xf32, #tpu.memory_space<vmem>>, vector<1x1x16xf32>,
        %get3A_814 = vector.shape_cast %get3A_813 : vector<1x1x16xf32> to vector<16xf32>
        %get3A_815 = arith.constant 0 : i32
        %get3A_816 = arith.index_cast %rem3A_58 : i32 to index
        %get3A_817 = arith.index_cast %get3A_815 : i32 to index
        %get3A_818 = arith.index_cast %scan3A_121 : i32 to index
        %get3A_819 = arith.constant 160 : index
        %get3A_820 = tpu.vector_load %arg6[%get3A_816, %get3A_817, %get3A_818, %get3A_819] {strides = array<i32>} : memref<2x4x8x1024xf32, #tpu.memory_space<vmem>>, vector<1x1x1x16xf32>,
        %get3A_821 = vector.shape_cast %get3A_820 : vector<1x1x1x16xf32> to vector<16xf32>
        %add3A_822 = arith.addf %get3A_821, %get3A_814 : vector<16xf32>
        %swap3A_823 = arith.constant 0 : i32
        %swap3A_824 = arith.index_cast %rem3A_58 : i32 to index
        %swap3A_825 = arith.index_cast %swap3A_823 : i32 to index
        %swap3A_826 = arith.index_cast %scan3A_121 : i32 to index
        %swap3A_827 = arith.constant 160 : index
        %swap3A_828 = tpu.vector_load %arg6[%swap3A_824, %swap3A_825, %swap3A_826, %swap3A_827] {strides = array<i32>} : memref<2x4x8x1024xf32, #tpu.memory_space<vmem>>, vector<1x1x1x16xf32>,
        %swap3A_829 = vector.shape_cast %swap3A_828 : vector<1x1x1x16xf32> to vector<16xf32>
        %swap3A_830 = vector.shape_cast %add3A_822 : vector<16xf32> to vector<1x1x1x16xf32>
        tpu.vector_store %arg6[%swap3A_824, %swap3A_825, %swap3A_826, %swap3A_827], %swap3A_830 {strides = array<i32>} : memref<2x4x8x1024xf32, #tpu.memory_space<vmem>>, vector<1x1x1x16xf32>,
        %get3A_831 = arith.constant 1 : i32
        %get3A_832 = arith.index_cast %rem3A_58 : i32 to index
        %get3A_833 = arith.index_cast %get3A_831 : i32 to index
        %get3A_834 = arith.index_cast %scan3A_121 : i32 to index
        %get3A_835 = arith.constant 160 : index
        %get3A_836 = tpu.vector_load %arg6[%get3A_832, %get3A_833, %get3A_834, %get3A_835] {strides = array<i32>} : memref<2x4x8x1024xf32, #tpu.memory_space<vmem>>, vector<1x1x1x16xf32>,
        %get3A_837 = vector.shape_cast %get3A_836 : vector<1x1x1x16xf32> to vector<16xf32>
        %add3A_838 = arith.addf %get3A_837, %get3A_814 : vector<16xf32>
        %swap3A_839 = arith.constant 1 : i32
        %swap3A_840 = arith.index_cast %rem3A_58 : i32 to index
        %swap3A_841 = arith.index_cast %swap3A_839 : i32 to index
        %swap3A_842 = arith.index_cast %scan3A_121 : i32 to index
        %swap3A_843 = arith.constant 160 : index
        %swap3A_844 = tpu.vector_load %arg6[%swap3A_840, %swap3A_841, %swap3A_842, %swap3A_843] {strides = array<i32>} : memref<2x4x8x1024xf32, #tpu.memory_space<vmem>>, vector<1x1x1x16xf32>,
        %swap3A_845 = vector.shape_cast %swap3A_844 : vector<1x1x1x16xf32> to vector<16xf32>
        %swap3A_846 = vector.shape_cast %add3A_838 : vector<16xf32> to vector<1x1x1x16xf32>
        tpu.vector_store %arg6[%swap3A_840, %swap3A_841, %swap3A_842, %swap3A_843], %swap3A_846 {strides = array<i32>} : memref<2x4x8x1024xf32, #tpu.memory_space<vmem>>, vector<1x1x1x16xf32>,
        %get3A_847 = arith.constant 2 : i32
        %get3A_848 = arith.index_cast %rem3A_58 : i32 to index
        %get3A_849 = arith.index_cast %get3A_847 : i32 to index
        %get3A_850 = arith.index_cast %scan3A_121 : i32 to index
        %get3A_851 = arith.constant 160 : index
        %get3A_852 = tpu.vector_load %arg6[%get3A_848, %get3A_849, %get3A_850, %get3A_851] {strides = array<i32>} : memref<2x4x8x1024xf32, #tpu.memory_space<vmem>>, vector<1x1x1x16xf32>,
        %get3A_853 = vector.shape_cast %get3A_852 : vector<1x1x1x16xf32> to vector<16xf32>
        %add3A_854 = arith.addf %get3A_853, %get3A_814 : vector<16xf32>
        %swap3A_855 = arith.constant 2 : i32
        %swap3A_856 = arith.index_cast %rem3A_58 : i32 to index
        %swap3A_857 = arith.index_cast %swap3A_855 : i32 to index
        %swap3A_858 = arith.index_cast %scan3A_121 : i32 to index
        %swap3A_859 = arith.constant 160 : index
        %swap3A_860 = tpu.vector_load %arg6[%swap3A_856, %swap3A_857, %swap3A_858, %swap3A_859] {strides = array<i32>} : memref<2x4x8x1024xf32, #tpu.memory_space<vmem>>, vector<1x1x1x16xf32>,
        %swap3A_861 = vector.shape_cast %swap3A_860 : vector<1x1x1x16xf32> to vector<16xf32>
        %swap3A_862 = vector.shape_cast %add3A_854 : vector<16xf32> to vector<1x1x1x16xf32>
        tpu.vector_store %arg6[%swap3A_856, %swap3A_857, %swap3A_858, %swap3A_859], %swap3A_862 {strides = array<i32>} : memref<2x4x8x1024xf32, #tpu.memory_space<vmem>>, vector<1x1x1x16xf32>,
        %get3A_863 = arith.constant 3 : i32
        %get3A_864 = arith.index_cast %rem3A_58 : i32 to index
        %get3A_865 = arith.index_cast %get3A_863 : i32 to index
        %get3A_866 = arith.index_cast %scan3A_121 : i32 to index
        %get3A_867 = arith.constant 160 : index
        %get3A_868 = tpu.vector_load %arg6[%get3A_864, %get3A_865, %get3A_866, %get3A_867] {strides = array<i32>} : memref<2x4x8x1024xf32, #tpu.memory_space<vmem>>, vector<1x1x1x16xf32>,
        %get3A_869 = vector.shape_cast %get3A_868 : vector<1x1x1x16xf32> to vector<16xf32>
        %add3A_870 = arith.addf %get3A_869, %get3A_814 : vector<16xf32>
        %swap3A_871 = arith.constant 3 : i32
        %swap3A_872 = arith.index_cast %rem3A_58 : i32 to index
        %swap3A_873 = arith.index_cast %swap3A_871 : i32 to index
        %swap3A_874 = arith.index_cast %scan3A_121 : i32 to index
        %swap3A_875 = arith.constant 160 : index
        %swap3A_876 = tpu.vector_load %arg6[%swap3A_872, %swap3A_873, %swap3A_874, %swap3A_875] {strides = array<i32>} : memref<2x4x8x1024xf32, #tpu.memory_space<vmem>>, vector<1x1x1x16xf32>,
        %swap3A_877 = vector.shape_cast %swap3A_876 : vector<1x1x1x16xf32> to vector<16xf32>
        %swap3A_878 = vector.shape_cast %add3A_870 : vector<16xf32> to vector<1x1x1x16xf32>
        tpu.vector_store %arg6[%swap3A_872, %swap3A_873, %swap3A_874, %swap3A_875], %swap3A_878 {strides = array<i32>} : memref<2x4x8x1024xf32, #tpu.memory_space<vmem>>, vector<1x1x1x16xf32>,
        %get3A_879 = arith.index_cast %rem3A_58 : i32 to index
        %get3A_880 = arith.index_cast %scan3A_121 : i32 to index
        %get3A_881 = arith.constant 176 : index
        %get3A_882 = tpu.vector_load %arg5[%get3A_879, %get3A_880, %get3A_881] {strides = array<i32>} : memref<2x8x1024xf32, #tpu.memory_space<vmem>>, vector<1x1x16xf32>,
        %get3A_883 = vector.shape_cast %get3A_882 : vector<1x1x16xf32> to vector<16xf32>
        %get3A_884 = arith.constant 0 : i32
        %get3A_885 = arith.index_cast %rem3A_58 : i32 to index
        %get3A_886 = arith.index_cast %get3A_884 : i32 to index
        %get3A_887 = arith.index_cast %scan3A_121 : i32 to index
        %get3A_888 = arith.constant 176 : index
        %get3A_889 = tpu.vector_load %arg6[%get3A_885, %get3A_886, %get3A_887, %get3A_888] {strides = array<i32>} : memref<2x4x8x1024xf32, #tpu.memory_space<vmem>>, vector<1x1x1x16xf32>,
        %get3A_890 = vector.shape_cast %get3A_889 : vector<1x1x1x16xf32> to vector<16xf32>
        %add3A_891 = arith.addf %get3A_890, %get3A_883 : vector<16xf32>
        %swap3A_892 = arith.constant 0 : i32
        %swap3A_893 = arith.index_cast %rem3A_58 : i32 to index
        %swap3A_894 = arith.index_cast %swap3A_892 : i32 to index
        %swap3A_895 = arith.index_cast %scan3A_121 : i32 to index
        %swap3A_896 = arith.constant 176 : index
        %swap3A_897 = tpu.vector_load %arg6[%swap3A_893, %swap3A_894, %swap3A_895, %swap3A_896] {strides = array<i32>} : memref<2x4x8x1024xf32, #tpu.memory_space<vmem>>, vector<1x1x1x16xf32>,
        %swap3A_898 = vector.shape_cast %swap3A_897 : vector<1x1x1x16xf32> to vector<16xf32>
        %swap3A_899 = vector.shape_cast %add3A_891 : vector<16xf32> to vector<1x1x1x16xf32>
        tpu.vector_store %arg6[%swap3A_893, %swap3A_894, %swap3A_895, %swap3A_896], %swap3A_899 {strides = array<i32>} : memref<2x4x8x1024xf32, #tpu.memory_space<vmem>>, vector<1x1x1x16xf32>,
        %get3A_900 = arith.constant 1 : i32
        %get3A_901 = arith.index_cast %rem3A_58 : i32 to index
        %get3A_902 = arith.index_cast %get3A_900 : i32 to index
        %get3A_903 = arith.index_cast %scan3A_121 : i32 to index
        %get3A_904 = arith.constant 176 : index
        %get3A_905 = tpu.vector_load %arg6[%get3A_901, %get3A_902, %get3A_903, %get3A_904] {strides = array<i32>} : memref<2x4x8x1024xf32, #tpu.memory_space<vmem>>, vector<1x1x1x16xf32>,
        %get3A_906 = vector.shape_cast %get3A_905 : vector<1x1x1x16xf32> to vector<16xf32>
        %add3A_907 = arith.addf %get3A_906, %get3A_883 : vector<16xf32>
        %swap3A_908 = arith.constant 1 : i32
        %swap3A_909 = arith.index_cast %rem3A_58 : i32 to index
        %swap3A_910 = arith.index_cast %swap3A_908 : i32 to index
        %swap3A_911 = arith.index_cast %scan3A_121 : i32 to index
        %swap3A_912 = arith.constant 176 : index
        %swap3A_913 = tpu.vector_load %arg6[%swap3A_909, %swap3A_910, %swap3A_911, %swap3A_912] {strides = array<i32>} : memref<2x4x8x1024xf32, #tpu.memory_space<vmem>>, vector<1x1x1x16xf32>,
        %swap3A_914 = vector.shape_cast %swap3A_913 : vector<1x1x1x16xf32> to vector<16xf32>
        %swap3A_915 = vector.shape_cast %add3A_907 : vector<16xf32> to vector<1x1x1x16xf32>
        tpu.vector_store %arg6[%swap3A_909, %swap3A_910, %swap3A_911, %swap3A_912], %swap3A_915 {strides = array<i32>} : memref<2x4x8x1024xf32, #tpu.memory_space<vmem>>, vector<1x1x1x16xf32>,
        %get3A_916 = arith.constant 2 : i32
        %get3A_917 = arith.index_cast %rem3A_58 : i32 to index
        %get3A_918 = arith.index_cast %get3A_916 : i32 to index
        %get3A_919 = arith.index_cast %scan3A_121 : i32 to index
        %get3A_920 = arith.constant 176 : index
        %get3A_921 = tpu.vector_load %arg6[%get3A_917, %get3A_918, %get3A_919, %get3A_920] {strides = array<i32>} : memref<2x4x8x1024xf32, #tpu.memory_space<vmem>>, vector<1x1x1x16xf32>,
        %get3A_922 = vector.shape_cast %get3A_921 : vector<1x1x1x16xf32> to vector<16xf32>
        %add3A_923 = arith.addf %get3A_922, %get3A_883 : vector<16xf32>
        %swap3A_924 = arith.constant 2 : i32
        %swap3A_925 = arith.index_cast %rem3A_58 : i32 to index
        %swap3A_926 = arith.index_cast %swap3A_924 : i32 to index
        %swap3A_927 = arith.index_cast %scan3A_121 : i32 to index
        %swap3A_928 = arith.constant 176 : index
        %swap3A_929 = tpu.vector_load %arg6[%swap3A_925, %swap3A_926, %swap3A_927, %swap3A_928] {strides = array<i32>} : memref<2x4x8x1024xf32, #tpu.memory_space<vmem>>, vector<1x1x1x16xf32>,
        %swap3A_930 = vector.shape_cast %swap3A_929 : vector<1x1x1x16xf32> to vector<16xf32>
        %swap3A_931 = vector.shape_cast %add3A_923 : vector<16xf32> to vector<1x1x1x16xf32>
        tpu.vector_store %arg6[%swap3A_925, %swap3A_926, %swap3A_927, %swap3A_928], %swap3A_931 {strides = array<i32>} : memref<2x4x8x1024xf32, #tpu.memory_space<vmem>>, vector<1x1x1x16xf32>,
        %get3A_932 = arith.constant 3 : i32
        %get3A_933 = arith.index_cast %rem3A_58 : i32 to index
        %get3A_934 = arith.index_cast %get3A_932 : i32 to index
        %get3A_935 = arith.index_cast %scan3A_121 : i32 to index
        %get3A_936 = arith.constant 176 : index
        %get3A_937 = tpu.vector_load %arg6[%get3A_933, %get3A_934, %get3A_935, %get3A_936] {strides = array<i32>} : memref<2x4x8x1024xf32, #tpu.memory_space<vmem>>, vector<1x1x1x16xf32>,
        %get3A_938 = vector.shape_cast %get3A_937 : vector<1x1x1x16xf32> to vector<16xf32>
        %add3A_939 = arith.addf %get3A_938, %get3A_883 : vector<16xf32>
        %swap3A_940 = arith.constant 3 : i32
        %swap3A_941 = arith.index_cast %rem3A_58 : i32 to index
        %swap3A_942 = arith.index_cast %swap3A_940 : i32 to index
        %swap3A_943 = arith.index_cast %scan3A_121 : i32 to index
        %swap3A_944 = arith.constant 176 : index
        %swap3A_945 = tpu.vector_load %arg6[%swap3A_941, %swap3A_942, %swap3A_943, %swap3A_944] {strides = array<i32>} : memref<2x4x8x1024xf32, #tpu.memory_space<vmem>>, vector<1x1x1x16xf32>,
        %swap3A_946 = vector.shape_cast %swap3A_945 : vector<1x1x1x16xf32> to vector<16xf32>
        %swap3A_947 = vector.shape_cast %add3A_939 : vector<16xf32> to vector<1x1x1x16xf32>
        tpu.vector_store %arg6[%swap3A_941, %swap3A_942, %swap3A_943, %swap3A_944], %swap3A_947 {strides = array<i32>} : memref<2x4x8x1024xf32, #tpu.memory_space<vmem>>, vector<1x1x1x16xf32>,
        %get3A_948 = arith.index_cast %rem3A_58 : i32 to index
        %get3A_949 = arith.index_cast %scan3A_121 : i32 to index
        %get3A_950 = arith.constant 192 : index
        %get3A_951 = tpu.vector_load %arg5[%get3A_948, %get3A_949, %get3A_950] {strides = array<i32>} : memref<2x8x1024xf32, #tpu.memory_space<vmem>>, vector<1x1x16xf32>,
        %get3A_952 = vector.shape_cast %get3A_951 : vector<1x1x16xf32> to vector<16xf32>
        %get3A_953 = arith.constant 0 : i32
        %get3A_954 = arith.index_cast %rem3A_58 : i32 to index
        %get3A_955 = arith.index_cast %get3A_953 : i32 to index
        %get3A_956 = arith.index_cast %scan3A_121 : i32 to index
        %get3A_957 = arith.constant 192 : index
        %get3A_958 = tpu.vector_load %arg6[%get3A_954, %get3A_955, %get3A_956, %get3A_957] {strides = array<i32>} : memref<2x4x8x1024xf32, #tpu.memory_space<vmem>>, vector<1x1x1x16xf32>,
        %get3A_959 = vector.shape_cast %get3A_958 : vector<1x1x1x16xf32> to vector<16xf32>
        %add3A_960 = arith.addf %get3A_959, %get3A_952 : vector<16xf32>
        %swap3A_961 = arith.constant 0 : i32
        %swap3A_962 = arith.index_cast %rem3A_58 : i32 to index
        %swap3A_963 = arith.index_cast %swap3A_961 : i32 to index
        %swap3A_964 = arith.index_cast %scan3A_121 : i32 to index
        %swap3A_965 = arith.constant 192 : index
        %swap3A_966 = tpu.vector_load %arg6[%swap3A_962, %swap3A_963, %swap3A_964, %swap3A_965] {strides = array<i32>} : memref<2x4x8x1024xf32, #tpu.memory_space<vmem>>, vector<1x1x1x16xf32>,
        %swap3A_967 = vector.shape_cast %swap3A_966 : vector<1x1x1x16xf32> to vector<16xf32>
        %swap3A_968 = vector.shape_cast %add3A_960 : vector<16xf32> to vector<1x1x1x16xf32>
        tpu.vector_store %arg6[%swap3A_962, %swap3A_963, %swap3A_964, %swap3A_965], %swap3A_968 {strides = array<i32>} : memref<2x4x8x1024xf32, #tpu.memory_space<vmem>>, vector<1x1x1x16xf32>,
        %get3A_969 = arith.constant 1 : i32
        %get3A_970 = arith.index_cast %rem3A_58 : i32 to index
        %get3A_971 = arith.index_cast %get3A_969 : i32 to index
        %get3A_972 = arith.index_cast %scan3A_121 : i32 to index
        %get3A_973 = arith.constant 192 : index
        %get3A_974 = tpu.vector_load %arg6[%get3A_970, %get3A_971, %get3A_972, %get3A_973] {strides = array<i32>} : memref<2x4x8x1024xf32, #tpu.memory_space<vmem>>, vector<1x1x1x16xf32>,
        %get3A_975 = vector.shape_cast %get3A_974 : vector<1x1x1x16xf32> to vector<16xf32>
        %add3A_976 = arith.addf %get3A_975, %get3A_952 : vector<16xf32>
        %swap3A_977 = arith.constant 1 : i32
        %swap3A_978 = arith.index_cast %rem3A_58 : i32 to index
        %swap3A_979 = arith.index_cast %swap3A_977 : i32 to index
        %swap3A_980 = arith.index_cast %scan3A_121 : i32 to index
        %swap3A_981 = arith.constant 192 : index
        %swap3A_982 = tpu.vector_load %arg6[%swap3A_978, %swap3A_979, %swap3A_980, %swap3A_981] {strides = array<i32>} : memref<2x4x8x1024xf32, #tpu.memory_space<vmem>>, vector<1x1x1x16xf32>,
        %swap3A_983 = vector.shape_cast %swap3A_982 : vector<1x1x1x16xf32> to vector<16xf32>
        %swap3A_984 = vector.shape_cast %add3A_976 : vector<16xf32> to vector<1x1x1x16xf32>
        tpu.vector_store %arg6[%swap3A_978, %swap3A_979, %swap3A_980, %swap3A_981], %swap3A_984 {strides = array<i32>} : memref<2x4x8x1024xf32, #tpu.memory_space<vmem>>, vector<1x1x1x16xf32>,
        %get3A_985 = arith.constant 2 : i32
        %get3A_986 = arith.index_cast %rem3A_58 : i32 to index
        %get3A_987 = arith.index_cast %get3A_985 : i32 to index
        %get3A_988 = arith.index_cast %scan3A_121 : i32 to index
        %get3A_989 = arith.constant 192 : index
        %get3A_990 = tpu.vector_load %arg6[%get3A_986, %get3A_987, %get3A_988, %get3A_989] {strides = array<i32>} : memref<2x4x8x1024xf32, #tpu.memory_space<vmem>>, vector<1x1x1x16xf32>,
        %get3A_991 = vector.shape_cast %get3A_990 : vector<1x1x1x16xf32> to vector<16xf32>
        %add3A_992 = arith.addf %get3A_991, %get3A_952 : vector<16xf32>
        %swap3A_993 = arith.constant 2 : i32
        %swap3A_994 = arith.index_cast %rem3A_58 : i32 to index
        %swap3A_995 = arith.index_cast %swap3A_993 : i32 to index
        %swap3A_996 = arith.index_cast %scan3A_121 : i32 to index
        %swap3A_997 = arith.constant 192 : index
        %swap3A_998 = tpu.vector_load %arg6[%swap3A_994, %swap3A_995, %swap3A_996, %swap3A_997] {strides = array<i32>} : memref<2x4x8x1024xf32, #tpu.memory_space<vmem>>, vector<1x1x1x16xf32>,
        %swap3A_999 = vector.shape_cast %swap3A_998 : vector<1x1x1x16xf32> to vector<16xf32>
        %swap3A_1000 = vector.shape_cast %add3A_992 : vector<16xf32> to vector<1x1x1x16xf32>
        tpu.vector_store %arg6[%swap3A_994, %swap3A_995, %swap3A_996, %swap3A_997], %swap3A_1000 {strides = array<i32>} : memref<2x4x8x1024xf32, #tpu.memory_space<vmem>>, vector<1x1x1x16xf32>,
        %get3A_1001 = arith.constant 3 : i32
        %get3A_1002 = arith.index_cast %rem3A_58 : i32 to index
        %get3A_1003 = arith.index_cast %get3A_1001 : i32 to index
        %get3A_1004 = arith.index_cast %scan3A_121 : i32 to index
        %get3A_1005 = arith.constant 192 : index
        %get3A_1006 = tpu.vector_load %arg6[%get3A_1002, %get3A_1003, %get3A_1004, %get3A_1005] {strides = array<i32>} : memref<2x4x8x1024xf32, #tpu.memory_space<vmem>>, vector<1x1x1x16xf32>,
        %get3A_1007 = vector.shape_cast %get3A_1006 : vector<1x1x1x16xf32> to vector<16xf32>
        %add3A_1008 = arith.addf %get3A_1007, %get3A_952 : vector<16xf32>
        %swap3A_1009 = arith.constant 3 : i32
        %swap3A_1010 = arith.index_cast %rem3A_58 : i32 to index
        %swap3A_1011 = arith.index_cast %swap3A_1009 : i32 to index
        %swap3A_1012 = arith.index_cast %scan3A_121 : i32 to index
        %swap3A_1013 = arith.constant 192 : index
        %swap3A_1014 = tpu.vector_load %arg6[%swap3A_1010, %swap3A_1011, %swap3A_1012, %swap3A_1013] {strides = array<i32>} : memref<2x4x8x1024xf32, #tpu.memory_space<vmem>>, vector<1x1x1x16xf32>,
        %swap3A_1015 = vector.shape_cast %swap3A_1014 : vector<1x1x1x16xf32> to vector<16xf32>
        %swap3A_1016 = vector.shape_cast %add3A_1008 : vector<16xf32> to vector<1x1x1x16xf32>
        tpu.vector_store %arg6[%swap3A_1010, %swap3A_1011, %swap3A_1012, %swap3A_1013], %swap3A_1016 {strides = array<i32>} : memref<2x4x8x1024xf32, #tpu.memory_space<vmem>>, vector<1x1x1x16xf32>,
        %get3A_1017 = arith.index_cast %rem3A_58 : i32 to index
        %get3A_1018 = arith.index_cast %scan3A_121 : i32 to index
        %get3A_1019 = arith.constant 208 : index
        %get3A_1020 = tpu.vector_load %arg5[%get3A_1017, %get3A_1018, %get3A_1019] {strides = array<i32>} : memref<2x8x1024xf32, #tpu.memory_space<vmem>>, vector<1x1x16xf32>,
        %get3A_1021 = vector.shape_cast %get3A_1020 : vector<1x1x16xf32> to vector<16xf32>
        %get3A_1022 = arith.constant 0 : i32
        %get3A_1023 = arith.index_cast %rem3A_58 : i32 to index
        %get3A_1024 = arith.index_cast %get3A_1022 : i32 to index
        %get3A_1025 = arith.index_cast %scan3A_121 : i32 to index
        %get3A_1026 = arith.constant 208 : index
        %get3A_1027 = tpu.vector_load %arg6[%get3A_1023, %get3A_1024, %get3A_1025, %get3A_1026] {strides = array<i32>} : memref<2x4x8x1024xf32, #tpu.memory_space<vmem>>, vector<1x1x1x16xf32>,
        %get3A_1028 = vector.shape_cast %get3A_1027 : vector<1x1x1x16xf32> to vector<16xf32>
        %add3A_1029 = arith.addf %get3A_1028, %get3A_1021 : vector<16xf32>
        %swap3A_1030 = arith.constant 0 : i32
        %swap3A_1031 = arith.index_cast %rem3A_58 : i32 to index
        %swap3A_1032 = arith.index_cast %swap3A_1030 : i32 to index
        %swap3A_1033 = arith.index_cast %scan3A_121 : i32 to index
        %swap3A_1034 = arith.constant 208 : index
        %swap3A_1035 = tpu.vector_load %arg6[%swap3A_1031, %swap3A_1032, %swap3A_1033, %swap3A_1034] {strides = array<i32>} : memref<2x4x8x1024xf32, #tpu.memory_space<vmem>>, vector<1x1x1x16xf32>,
        %swap3A_1036 = vector.shape_cast %swap3A_1035 : vector<1x1x1x16xf32> to vector<16xf32>
        %swap3A_1037 = vector.shape_cast %add3A_1029 : vector<16xf32> to vector<1x1x1x16xf32>
        tpu.vector_store %arg6[%swap3A_1031, %swap3A_1032, %swap3A_1033, %swap3A_1034], %swap3A_1037 {strides = array<i32>} : memref<2x4x8x1024xf32, #tpu.memory_space<vmem>>, vector<1x1x1x16xf32>,
        %get3A_1038 = arith.constant 1 : i32
        %get3A_1039 = arith.index_cast %rem3A_58 : i32 to index
        %get3A_1040 = arith.index_cast %get3A_1038 : i32 to index
        %get3A_1041 = arith.index_cast %scan3A_121 : i32 to index
        %get3A_1042 = arith.constant 208 : index
        %get3A_1043 = tpu.vector_load %arg6[%get3A_1039, %get3A_1040, %get3A_1041, %get3A_1042] {strides = array<i32>} : memref<2x4x8x1024xf32, #tpu.memory_space<vmem>>, vector<1x1x1x16xf32>,
        %get3A_1044 = vector.shape_cast %get3A_1043 : vector<1x1x1x16xf32> to vector<16xf32>
        %add3A_1045 = arith.addf %get3A_1044, %get3A_1021 : vector<16xf32>
        %swap3A_1046 = arith.constant 1 : i32
        %swap3A_1047 = arith.index_cast %rem3A_58 : i32 to index
        %swap3A_1048 = arith.index_cast %swap3A_1046 : i32 to index
        %swap3A_1049 = arith.index_cast %scan3A_121 : i32 to index
        %swap3A_1050 = arith.constant 208 : index
        %swap3A_1051 = tpu.vector_load %arg6[%swap3A_1047, %swap3A_1048, %swap3A_1049, %swap3A_1050] {strides = array<i32>} : memref<2x4x8x1024xf32, #tpu.memory_space<vmem>>, vector<1x1x1x16xf32>,
        %swap3A_1052 = vector.shape_cast %swap3A_1051 : vector<1x1x1x16xf32> to vector<16xf32>
        %swap3A_1053 = vector.shape_cast %add3A_1045 : vector<16xf32> to vector<1x1x1x16xf32>
        tpu.vector_store %arg6[%swap3A_1047, %swap3A_1048, %swap3A_1049, %swap3A_1050], %swap3A_1053 {strides = array<i32>} : memref<2x4x8x1024xf32, #tpu.memory_space<vmem>>, vector<1x1x1x16xf32>,
        %get3A_1054 = arith.constant 2 : i32
        %get3A_1055 = arith.index_cast %rem3A_58 : i32 to index
        %get3A_1056 = arith.index_cast %get3A_1054 : i32 to index
        %get3A_1057 = arith.index_cast %scan3A_121 : i32 to index
        %get3A_1058 = arith.constant 208 : index
        %get3A_1059 = tpu.vector_load %arg6[%get3A_1055, %get3A_1056, %get3A_1057, %get3A_1058] {strides = array<i32>} : memref<2x4x8x1024xf32, #tpu.memory_space<vmem>>, vector<1x1x1x16xf32>,
        %get3A_1060 = vector.shape_cast %get3A_1059 : vector<1x1x1x16xf32> to vector<16xf32>
        %add3A_1061 = arith.addf %get3A_1060, %get3A_1021 : vector<16xf32>
        %swap3A_1062 = arith.constant 2 : i32
        %swap3A_1063 = arith.index_cast %rem3A_58 : i32 to index
        %swap3A_1064 = arith.index_cast %swap3A_1062 : i32 to index
        %swap3A_1065 = arith.index_cast %scan3A_121 : i32 to index
        %swap3A_1066 = arith.constant 208 : index
        %swap3A_1067 = tpu.vector_load %arg6[%swap3A_1063, %swap3A_1064, %swap3A_1065, %swap3A_1066] {strides = array<i32>} : memref<2x4x8x1024xf32, #tpu.memory_space<vmem>>, vector<1x1x1x16xf32>,
        %swap3A_1068 = vector.shape_cast %swap3A_1067 : vector<1x1x1x16xf32> to vector<16xf32>
        %swap3A_1069 = vector.shape_cast %add3A_1061 : vector<16xf32> to vector<1x1x1x16xf32>
        tpu.vector_store %arg6[%swap3A_1063, %swap3A_1064, %swap3A_1065, %swap3A_1066], %swap3A_1069 {strides = array<i32>} : memref<2x4x8x1024xf32, #tpu.memory_space<vmem>>, vector<1x1x1x16xf32>,
        %get3A_1070 = arith.constant 3 : i32
        %get3A_1071 = arith.index_cast %rem3A_58 : i32 to index
        %get3A_1072 = arith.index_cast %get3A_1070 : i32 to index
        %get3A_1073 = arith.index_cast %scan3A_121 : i32 to index
        %get3A_1074 = arith.constant 208 : index
        %get3A_1075 = tpu.vector_load %arg6[%get3A_1071, %get3A_1072, %get3A_1073, %get3A_1074] {strides = array<i32>} : memref<2x4x8x1024xf32, #tpu.memory_space<vmem>>, vector<1x1x1x16xf32>,
        %get3A_1076 = vector.shape_cast %get3A_1075 : vector<1x1x1x16xf32> to vector<16xf32>
        %add3A_1077 = arith.addf %get3A_1076, %get3A_1021 : vector<16xf32>
        %swap3A_1078 = arith.constant 3 : i32
        %swap3A_1079 = arith.index_cast %rem3A_58 : i32 to index
        %swap3A_1080 = arith.index_cast %swap3A_1078 : i32 to index
        %swap3A_1081 = arith.index_cast %scan3A_121 : i32 to index
        %swap3A_1082 = arith.constant 208 : index
        %swap3A_1083 = tpu.vector_load %arg6[%swap3A_1079, %swap3A_1080, %swap3A_1081, %swap3A_1082] {strides = array<i32>} : memref<2x4x8x1024xf32, #tpu.memory_space<vmem>>, vector<1x1x1x16xf32>,
        %swap3A_1084 = vector.shape_cast %swap3A_1083 : vector<1x1x1x16xf32> to vector<16xf32>
        %swap3A_1085 = vector.shape_cast %add3A_1077 : vector<16xf32> to vector<1x1x1x16xf32>
        tpu.vector_store %arg6[%swap3A_1079, %swap3A_1080, %swap3A_1081, %swap3A_1082], %swap3A_1085 {strides = array<i32>} : memref<2x4x8x1024xf32, #tpu.memory_space<vmem>>, vector<1x1x1x16xf32>,
        %get3A_1086 = arith.index_cast %rem3A_58 : i32 to index
        %get3A_1087 = arith.index_cast %scan3A_121 : i32 to index
        %get3A_1088 = arith.constant 224 : index
        %get3A_1089 = tpu.vector_load %arg5[%get3A_1086, %get3A_1087, %get3A_1088] {strides = array<i32>} : memref<2x8x1024xf32, #tpu.memory_space<vmem>>, vector<1x1x16xf32>,
        %get3A_1090 = vector.shape_cast %get3A_1089 : vector<1x1x16xf32> to vector<16xf32>
        %get3A_1091 = arith.constant 0 : i32
        %get3A_1092 = arith.index_cast %rem3A_58 : i32 to index
        %get3A_1093 = arith.index_cast %get3A_1091 : i32 to index
        %get3A_1094 = arith.index_cast %scan3A_121 : i32 to index
        %get3A_1095 = arith.constant 224 : index
        %get3A_1096 = tpu.vector_load %arg6[%get3A_1092, %get3A_1093, %get3A_1094, %get3A_1095] {strides = array<i32>} : memref<2x4x8x1024xf32, #tpu.memory_space<vmem>>, vector<1x1x1x16xf32>,
        %get3A_1097 = vector.shape_cast %get3A_1096 : vector<1x1x1x16xf32> to vector<16xf32>
        %add3A_1098 = arith.addf %get3A_1097, %get3A_1090 : vector<16xf32>
        %swap3A_1099 = arith.constant 0 : i32
        %swap3A_1100 = arith.index_cast %rem3A_58 : i32 to index
        %swap3A_1101 = arith.index_cast %swap3A_1099 : i32 to index
        %swap3A_1102 = arith.index_cast %scan3A_121 : i32 to index
        %swap3A_1103 = arith.constant 224 : index
        %swap3A_1104 = tpu.vector_load %arg6[%swap3A_1100, %swap3A_1101, %swap3A_1102, %swap3A_1103] {strides = array<i32>} : memref<2x4x8x1024xf32, #tpu.memory_space<vmem>>, vector<1x1x1x16xf32>,
        %swap3A_1105 = vector.shape_cast %swap3A_1104 : vector<1x1x1x16xf32> to vector<16xf32>
        %swap3A_1106 = vector.shape_cast %add3A_1098 : vector<16xf32> to vector<1x1x1x16xf32>
        tpu.vector_store %arg6[%swap3A_1100, %swap3A_1101, %swap3A_1102, %swap3A_1103], %swap3A_1106 {strides = array<i32>} : memref<2x4x8x1024xf32, #tpu.memory_space<vmem>>, vector<1x1x1x16xf32>,
        %get3A_1107 = arith.constant 1 : i32
        %get3A_1108 = arith.index_cast %rem3A_58 : i32 to index
        %get3A_1109 = arith.index_cast %get3A_1107 : i32 to index
        %get3A_1110 = arith.index_cast %scan3A_121 : i32 to index
        %get3A_1111 = arith.constant 224 : index
        %get3A_1112 = tpu.vector_load %arg6[%get3A_1108, %get3A_1109, %get3A_1110, %get3A_1111] {strides = array<i32>} : memref<2x4x8x1024xf32, #tpu.memory_space<vmem>>, vector<1x1x1x16xf32>,
        %get3A_1113 = vector.shape_cast %get3A_1112 : vector<1x1x1x16xf32> to vector<16xf32>
        %add3A_1114 = arith.addf %get3A_1113, %get3A_1090 : vector<16xf32>
        %swap3A_1115 = arith.constant 1 : i32
        %swap3A_1116 = arith.index_cast %rem3A_58 : i32 to index
        %swap3A_1117 = arith.index_cast %swap3A_1115 : i32 to index
        %swap3A_1118 = arith.index_cast %scan3A_121 : i32 to index
        %swap3A_1119 = arith.constant 224 : index
        %swap3A_1120 = tpu.vector_load %arg6[%swap3A_1116, %swap3A_1117, %swap3A_1118, %swap3A_1119] {strides = array<i32>} : memref<2x4x8x1024xf32, #tpu.memory_space<vmem>>, vector<1x1x1x16xf32>,
        %swap3A_1121 = vector.shape_cast %swap3A_1120 : vector<1x1x1x16xf32> to vector<16xf32>
        %swap3A_1122 = vector.shape_cast %add3A_1114 : vector<16xf32> to vector<1x1x1x16xf32>
        tpu.vector_store %arg6[%swap3A_1116, %swap3A_1117, %swap3A_1118, %swap3A_1119], %swap3A_1122 {strides = array<i32>} : memref<2x4x8x1024xf32, #tpu.memory_space<vmem>>, vector<1x1x1x16xf32>,
        %get3A_1123 = arith.constant 2 : i32
        %get3A_1124 = arith.index_cast %rem3A_58 : i32 to index
        %get3A_1125 = arith.index_cast %get3A_1123 : i32 to index
        %get3A_1126 = arith.index_cast %scan3A_121 : i32 to index
        %get3A_1127 = arith.constant 224 : index
        %get3A_1128 = tpu.vector_load %arg6[%get3A_1124, %get3A_1125, %get3A_1126, %get3A_1127] {strides = array<i32>} : memref<2x4x8x1024xf32, #tpu.memory_space<vmem>>, vector<1x1x1x16xf32>,
        %get3A_1129 = vector.shape_cast %get3A_1128 : vector<1x1x1x16xf32> to vector<16xf32>
        %add3A_1130 = arith.addf %get3A_1129, %get3A_1090 : vector<16xf32>
        %swap3A_1131 = arith.constant 2 : i32
        %swap3A_1132 = arith.index_cast %rem3A_58 : i32 to index
        %swap3A_1133 = arith.index_cast %swap3A_1131 : i32 to index
        %swap3A_1134 = arith.index_cast %scan3A_121 : i32 to index
        %swap3A_1135 = arith.constant 224 : index
        %swap3A_1136 = tpu.vector_load %arg6[%swap3A_1132, %swap3A_1133, %swap3A_1134, %swap3A_1135] {strides = array<i32>} : memref<2x4x8x1024xf32, #tpu.memory_space<vmem>>, vector<1x1x1x16xf32>,
        %swap3A_1137 = vector.shape_cast %swap3A_1136 : vector<1x1x1x16xf32> to vector<16xf32>
        %swap3A_1138 = vector.shape_cast %add3A_1130 : vector<16xf32> to vector<1x1x1x16xf32>
        tpu.vector_store %arg6[%swap3A_1132, %swap3A_1133, %swap3A_1134, %swap3A_1135], %swap3A_1138 {strides = array<i32>} : memref<2x4x8x1024xf32, #tpu.memory_space<vmem>>, vector<1x1x1x16xf32>,
        %get3A_1139 = arith.constant 3 : i32
        %get3A_1140 = arith.index_cast %rem3A_58 : i32 to index
        %get3A_1141 = arith.index_cast %get3A_1139 : i32 to index
        %get3A_1142 = arith.index_cast %scan3A_121 : i32 to index
        %get3A_1143 = arith.constant 224 : index
        %get3A_1144 = tpu.vector_load %arg6[%get3A_1140, %get3A_1141, %get3A_1142, %get3A_1143] {strides = array<i32>} : memref<2x4x8x1024xf32, #tpu.memory_space<vmem>>, vector<1x1x1x16xf32>,
        %get3A_1145 = vector.shape_cast %get3A_1144 : vector<1x1x1x16xf32> to vector<16xf32>
        %add3A_1146 = arith.addf %get3A_1145, %get3A_1090 : vector<16xf32>
        %swap3A_1147 = arith.constant 3 : i32
        %swap3A_1148 = arith.index_cast %rem3A_58 : i32 to index
        %swap3A_1149 = arith.index_cast %swap3A_1147 : i32 to index
        %swap3A_1150 = arith.index_cast %scan3A_121 : i32 to index
        %swap3A_1151 = arith.constant 224 : index
        %swap3A_1152 = tpu.vector_load %arg6[%swap3A_1148, %swap3A_1149, %swap3A_1150, %swap3A_1151] {strides = array<i32>} : memref<2x4x8x1024xf32, #tpu.memory_space<vmem>>, vector<1x1x1x16xf32>,
        %swap3A_1153 = vector.shape_cast %swap3A_1152 : vector<1x1x1x16xf32> to vector<16xf32>
        %swap3A_1154 = vector.shape_cast %add3A_1146 : vector<16xf32> to vector<1x1x1x16xf32>
        tpu.vector_store %arg6[%swap3A_1148, %swap3A_1149, %swap3A_1150, %swap3A_1151], %swap3A_1154 {strides = array<i32>} : memref<2x4x8x1024xf32, #tpu.memory_space<vmem>>, vector<1x1x1x16xf32>,
        %get3A_1155 = arith.index_cast %rem3A_58 : i32 to index
        %get3A_1156 = arith.index_cast %scan3A_121 : i32 to index
        %get3A_1157 = arith.constant 240 : index
        %get3A_1158 = tpu.vector_load %arg5[%get3A_1155, %get3A_1156, %get3A_1157] {strides = array<i32>} : memref<2x8x1024xf32, #tpu.memory_space<vmem>>, vector<1x1x16xf32>,
        %get3A_1159 = vector.shape_cast %get3A_1158 : vector<1x1x16xf32> to vector<16xf32>
        %get3A_1160 = arith.constant 0 : i32
        %get3A_1161 = arith.index_cast %rem3A_58 : i32 to index
        %get3A_1162 = arith.index_cast %get3A_1160 : i32 to index
        %get3A_1163 = arith.index_cast %scan3A_121 : i32 to index
        %get3A_1164 = arith.constant 240 : index
        %get3A_1165 = tpu.vector_load %arg6[%get3A_1161, %get3A_1162, %get3A_1163, %get3A_1164] {strides = array<i32>} : memref<2x4x8x1024xf32, #tpu.memory_space<vmem>>, vector<1x1x1x16xf32>,
        %get3A_1166 = vector.shape_cast %get3A_1165 : vector<1x1x1x16xf32> to vector<16xf32>
        %add3A_1167 = arith.addf %get3A_1166, %get3A_1159 : vector<16xf32>
        %swap3A_1168 = arith.constant 0 : i32
        %swap3A_1169 = arith.index_cast %rem3A_58 : i32 to index
        %swap3A_1170 = arith.index_cast %swap3A_1168 : i32 to index
        %swap3A_1171 = arith.index_cast %scan3A_121 : i32 to index
        %swap3A_1172 = arith.constant 240 : index
        %swap3A_1173 = tpu.vector_load %arg6[%swap3A_1169, %swap3A_1170, %swap3A_1171, %swap3A_1172] {strides = array<i32>} : memref<2x4x8x1024xf32, #tpu.memory_space<vmem>>, vector<1x1x1x16xf32>,
        %swap3A_1174 = vector.shape_cast %swap3A_1173 : vector<1x1x1x16xf32> to vector<16xf32>
        %swap3A_1175 = vector.shape_cast %add3A_1167 : vector<16xf32> to vector<1x1x1x16xf32>
        tpu.vector_store %arg6[%swap3A_1169, %swap3A_1170, %swap3A_1171, %swap3A_1172], %swap3A_1175 {strides = array<i32>} : memref<2x4x8x1024xf32, #tpu.memory_space<vmem>>, vector<1x1x1x16xf32>,
        %get3A_1176 = arith.constant 1 : i32
        %get3A_1177 = arith.index_cast %rem3A_58 : i32 to index
        %get3A_1178 = arith.index_cast %get3A_1176 : i32 to index
        %get3A_1179 = arith.index_cast %scan3A_121 : i32 to index
        %get3A_1180 = arith.constant 240 : index
        %get3A_1181 = tpu.vector_load %arg6[%get3A_1177, %get3A_1178, %get3A_1179, %get3A_1180] {strides = array<i32>} : memref<2x4x8x1024xf32, #tpu.memory_space<vmem>>, vector<1x1x1x16xf32>,
        %get3A_1182 = vector.shape_cast %get3A_1181 : vector<1x1x1x16xf32> to vector<16xf32>
        %add3A_1183 = arith.addf %get3A_1182, %get3A_1159 : vector<16xf32>
        %swap3A_1184 = arith.constant 1 : i32
        %swap3A_1185 = arith.index_cast %rem3A_58 : i32 to index
        %swap3A_1186 = arith.index_cast %swap3A_1184 : i32 to index
        %swap3A_1187 = arith.index_cast %scan3A_121 : i32 to index
        %swap3A_1188 = arith.constant 240 : index
        %swap3A_1189 = tpu.vector_load %arg6[%swap3A_1185, %swap3A_1186, %swap3A_1187, %swap3A_1188] {strides = array<i32>} : memref<2x4x8x1024xf32, #tpu.memory_space<vmem>>, vector<1x1x1x16xf32>,
        %swap3A_1190 = vector.shape_cast %swap3A_1189 : vector<1x1x1x16xf32> to vector<16xf32>
        %swap3A_1191 = vector.shape_cast %add3A_1183 : vector<16xf32> to vector<1x1x1x16xf32>
        tpu.vector_store %arg6[%swap3A_1185, %swap3A_1186, %swap3A_1187, %swap3A_1188], %swap3A_1191 {strides = array<i32>} : memref<2x4x8x1024xf32, #tpu.memory_space<vmem>>, vector<1x1x1x16xf32>,
        %get3A_1192 = arith.constant 2 : i32
        %get3A_1193 = arith.index_cast %rem3A_58 : i32 to index
        %get3A_1194 = arith.index_cast %get3A_1192 : i32 to index
        %get3A_1195 = arith.index_cast %scan3A_121 : i32 to index
        %get3A_1196 = arith.constant 240 : index
        %get3A_1197 = tpu.vector_load %arg6[%get3A_1193, %get3A_1194, %get3A_1195, %get3A_1196] {strides = array<i32>} : memref<2x4x8x1024xf32, #tpu.memory_space<vmem>>, vector<1x1x1x16xf32>,
        %get3A_1198 = vector.shape_cast %get3A_1197 : vector<1x1x1x16xf32> to vector<16xf32>
        %add3A_1199 = arith.addf %get3A_1198, %get3A_1159 : vector<16xf32>
        %swap3A_1200 = arith.constant 2 : i32
        %swap3A_1201 = arith.index_cast %rem3A_58 : i32 to index
        %swap3A_1202 = arith.index_cast %swap3A_1200 : i32 to index
        %swap3A_1203 = arith.index_cast %scan3A_121 : i32 to index
        %swap3A_1204 = arith.constant 240 : index
        %swap3A_1205 = tpu.vector_load %arg6[%swap3A_1201, %swap3A_1202, %swap3A_1203, %swap3A_1204] {strides = array<i32>} : memref<2x4x8x1024xf32, #tpu.memory_space<vmem>>, vector<1x1x1x16xf32>,
        %swap3A_1206 = vector.shape_cast %swap3A_1205 : vector<1x1x1x16xf32> to vector<16xf32>
        %swap3A_1207 = vector.shape_cast %add3A_1199 : vector<16xf32> to vector<1x1x1x16xf32>
        tpu.vector_store %arg6[%swap3A_1201, %swap3A_1202, %swap3A_1203, %swap3A_1204], %swap3A_1207 {strides = array<i32>} : memref<2x4x8x1024xf32, #tpu.memory_space<vmem>>, vector<1x1x1x16xf32>,
        %get3A_1208 = arith.constant 3 : i32
        %get3A_1209 = arith.index_cast %rem3A_58 : i32 to index
        %get3A_1210 = arith.index_cast %get3A_1208 : i32 to index
        %get3A_1211 = arith.index_cast %scan3A_121 : i32 to index
        %get3A_1212 = arith.constant 240 : index
        %get3A_1213 = tpu.vector_load %arg6[%get3A_1209, %get3A_1210, %get3A_1211, %get3A_1212] {strides = array<i32>} : memref<2x4x8x1024xf32, #tpu.memory_space<vmem>>, vector<1x1x1x16xf32>,
        %get3A_1214 = vector.shape_cast %get3A_1213 : vector<1x1x1x16xf32> to vector<16xf32>
        %add3A_1215 = arith.addf %get3A_1214, %get3A_1159 : vector<16xf32>
        %swap3A_1216 = arith.constant 3 : i32
        %swap3A_1217 = arith.index_cast %rem3A_58 : i32 to index
        %swap3A_1218 = arith.index_cast %swap3A_1216 : i32 to index
        %swap3A_1219 = arith.index_cast %scan3A_121 : i32 to index
        %swap3A_1220 = arith.constant 240 : index
        %swap3A_1221 = tpu.vector_load %arg6[%swap3A_1217, %swap3A_1218, %swap3A_1219, %swap3A_1220] {strides = array<i32>} : memref<2x4x8x1024xf32, #tpu.memory_space<vmem>>, vector<1x1x1x16xf32>,
        %swap3A_1222 = vector.shape_cast %swap3A_1221 : vector<1x1x1x16xf32> to vector<16xf32>
        %swap3A_1223 = vector.shape_cast %add3A_1215 : vector<16xf32> to vector<1x1x1x16xf32>
        tpu.vector_store %arg6[%swap3A_1217, %swap3A_1218, %swap3A_1219, %swap3A_1220], %swap3A_1223 {strides = array<i32>} : memref<2x4x8x1024xf32, #tpu.memory_space<vmem>>, vector<1x1x1x16xf32>,
        %get3A_1224 = arith.index_cast %rem3A_58 : i32 to index
        %get3A_1225 = arith.index_cast %scan3A_121 : i32 to index
        %get3A_1226 = arith.constant 256 : index
        %get3A_1227 = tpu.vector_load %arg5[%get3A_1224, %get3A_1225, %get3A_1226] {strides = array<i32>} : memref<2x8x1024xf32, #tpu.memory_space<vmem>>, vector<1x1x16xf32>,
        %get3A_1228 = vector.shape_cast %get3A_1227 : vector<1x1x16xf32> to vector<16xf32>
        %get3A_1229 = arith.constant 0 : i32
        %get3A_1230 = arith.index_cast %rem3A_58 : i32 to index
        %get3A_1231 = arith.index_cast %get3A_1229 : i32 to index
        %get3A_1232 = arith.index_cast %scan3A_121 : i32 to index
        %get3A_1233 = arith.constant 256 : index
        %get3A_1234 = tpu.vector_load %arg6[%get3A_1230, %get3A_1231, %get3A_1232, %get3A_1233] {strides = array<i32>} : memref<2x4x8x1024xf32, #tpu.memory_space<vmem>>, vector<1x1x1x16xf32>,
        %get3A_1235 = vector.shape_cast %get3A_1234 : vector<1x1x1x16xf32> to vector<16xf32>
        %add3A_1236 = arith.addf %get3A_1235, %get3A_1228 : vector<16xf32>
        %swap3A_1237 = arith.constant 0 : i32
        %swap3A_1238 = arith.index_cast %rem3A_58 : i32 to index
        %swap3A_1239 = arith.index_cast %swap3A_1237 : i32 to index
        %swap3A_1240 = arith.index_cast %scan3A_121 : i32 to index
        %swap3A_1241 = arith.constant 256 : index
        %swap3A_1242 = tpu.vector_load %arg6[%swap3A_1238, %swap3A_1239, %swap3A_1240, %swap3A_1241] {strides = array<i32>} : memref<2x4x8x1024xf32, #tpu.memory_space<vmem>>, vector<1x1x1x16xf32>,
        %swap3A_1243 = vector.shape_cast %swap3A_1242 : vector<1x1x1x16xf32> to vector<16xf32>
        %swap3A_1244 = vector.shape_cast %add3A_1236 : vector<16xf32> to vector<1x1x1x16xf32>
        tpu.vector_store %arg6[%swap3A_1238, %swap3A_1239, %swap3A_1240, %swap3A_1241], %swap3A_1244 {strides = array<i32>} : memref<2x4x8x1024xf32, #tpu.memory_space<vmem>>, vector<1x1x1x16xf32>,
        %get3A_1245 = arith.constant 1 : i32
        %get3A_1246 = arith.index_cast %rem3A_58 : i32 to index
        %get3A_1247 = arith.index_cast %get3A_1245 : i32 to index
        %get3A_1248 = arith.index_cast %scan3A_121 : i32 to index
        %get3A_1249 = arith.constant 256 : index
        %get3A_1250 = tpu.vector_load %arg6[%get3A_1246, %get3A_1247, %get3A_1248, %get3A_1249] {strides = array<i32>} : memref<2x4x8x1024xf32, #tpu.memory_space<vmem>>, vector<1x1x1x16xf32>,
        %get3A_1251 = vector.shape_cast %get3A_1250 : vector<1x1x1x16xf32> to vector<16xf32>
        %add3A_1252 = arith.addf %get3A_1251, %get3A_1228 : vector<16xf32>
        %swap3A_1253 = arith.constant 1 : i32
        %swap3A_1254 = arith.index_cast %rem3A_58 : i32 to index
        %swap3A_1255 = arith.index_cast %swap3A_1253 : i32 to index
        %swap3A_1256 = arith.index_cast %scan3A_121 : i32 to index
        %swap3A_1257 = arith.constant 256 : index
        %swap3A_1258 = tpu.vector_load %arg6[%swap3A_1254, %swap3A_1255, %swap3A_1256, %swap3A_1257] {strides = array<i32>} : memref<2x4x8x1024xf32, #tpu.memory_space<vmem>>, vector<1x1x1x16xf32>,
        %swap3A_1259 = vector.shape_cast %swap3A_1258 : vector<1x1x1x16xf32> to vector<16xf32>
        %swap3A_1260 = vector.shape_cast %add3A_1252 : vector<16xf32> to vector<1x1x1x16xf32>
        tpu.vector_store %arg6[%swap3A_1254, %swap3A_1255, %swap3A_1256, %swap3A_1257], %swap3A_1260 {strides = array<i32>} : memref<2x4x8x1024xf32, #tpu.memory_space<vmem>>, vector<1x1x1x16xf32>,
        %get3A_1261 = arith.constant 2 : i32
        %get3A_1262 = arith.index_cast %rem3A_58 : i32 to index
        %get3A_1263 = arith.index_cast %get3A_1261 : i32 to index
        %get3A_1264 = arith.index_cast %scan3A_121 : i32 to index
        %get3A_1265 = arith.constant 256 : index
        %get3A_1266 = tpu.vector_load %arg6[%get3A_1262, %get3A_1263, %get3A_1264, %get3A_1265] {strides = array<i32>} : memref<2x4x8x1024xf32, #tpu.memory_space<vmem>>, vector<1x1x1x16xf32>,
        %get3A_1267 = vector.shape_cast %get3A_1266 : vector<1x1x1x16xf32> to vector<16xf32>
        %add3A_1268 = arith.addf %get3A_1267, %get3A_1228 : vector<16xf32>
        %swap3A_1269 = arith.constant 2 : i32
        %swap3A_1270 = arith.index_cast %rem3A_58 : i32 to index
        %swap3A_1271 = arith.index_cast %swap3A_1269 : i32 to index
        %swap3A_1272 = arith.index_cast %scan3A_121 : i32 to index
        %swap3A_1273 = arith.constant 256 : index
        %swap3A_1274 = tpu.vector_load %arg6[%swap3A_1270, %swap3A_1271, %swap3A_1272, %swap3A_1273] {strides = array<i32>} : memref<2x4x8x1024xf32, #tpu.memory_space<vmem>>, vector<1x1x1x16xf32>,
        %swap3A_1275 = vector.shape_cast %swap3A_1274 : vector<1x1x1x16xf32> to vector<16xf32>
        %swap3A_1276 = vector.shape_cast %add3A_1268 : vector<16xf32> to vector<1x1x1x16xf32>
        tpu.vector_store %arg6[%swap3A_1270, %swap3A_1271, %swap3A_1272, %swap3A_1273], %swap3A_1276 {strides = array<i32>} : memref<2x4x8x1024xf32, #tpu.memory_space<vmem>>, vector<1x1x1x16xf32>,
        %get3A_1277 = arith.constant 3 : i32
        %get3A_1278 = arith.index_cast %rem3A_58 : i32 to index
        %get3A_1279 = arith.index_cast %get3A_1277 : i32 to index
        %get3A_1280 = arith.index_cast %scan3A_121 : i32 to index
        %get3A_1281 = arith.constant 256 : index
        %get3A_1282 = tpu.vector_load %arg6[%get3A_1278, %get3A_1279, %get3A_1280, %get3A_1281] {strides = array<i32>} : memref<2x4x8x1024xf32, #tpu.memory_space<vmem>>, vector<1x1x1x16xf32>,
        %get3A_1283 = vector.shape_cast %get3A_1282 : vector<1x1x1x16xf32> to vector<16xf32>
        %add3A_1284 = arith.addf %get3A_1283, %get3A_1228 : vector<16xf32>
        %swap3A_1285 = arith.constant 3 : i32
        %swap3A_1286 = arith.index_cast %rem3A_58 : i32 to index
        %swap3A_1287 = arith.index_cast %swap3A_1285 : i32 to index
        %swap3A_1288 = arith.index_cast %scan3A_121 : i32 to index
        %swap3A_1289 = arith.constant 256 : index
        %swap3A_1290 = tpu.vector_load %arg6[%swap3A_1286, %swap3A_1287, %swap3A_1288, %swap3A_1289] {strides = array<i32>} : memref<2x4x8x1024xf32, #tpu.memory_space<vmem>>, vector<1x1x1x16xf32>,
        %swap3A_1291 = vector.shape_cast %swap3A_1290 : vector<1x1x1x16xf32> to vector<16xf32>
        %swap3A_1292 = vector.shape_cast %add3A_1284 : vector<16xf32> to vector<1x1x1x16xf32>
        tpu.vector_store %arg6[%swap3A_1286, %swap3A_1287, %swap3A_1288, %swap3A_1289], %swap3A_1292 {strides = array<i32>} : memref<2x4x8x1024xf32, #tpu.memory_space<vmem>>, vector<1x1x1x16xf32>,
        %get3A_1293 = arith.index_cast %rem3A_58 : i32 to index
        %get3A_1294 = arith.index_cast %scan3A_121 : i32 to index
        %get3A_1295 = arith.constant 272 : index
        %get3A_1296 = tpu.vector_load %arg5[%get3A_1293, %get3A_1294, %get3A_1295] {strides = array<i32>} : memref<2x8x1024xf32, #tpu.memory_space<vmem>>, vector<1x1x16xf32>,
        %get3A_1297 = vector.shape_cast %get3A_1296 : vector<1x1x16xf32> to vector<16xf32>
        %get3A_1298 = arith.constant 0 : i32
        %get3A_1299 = arith.index_cast %rem3A_58 : i32 to index
        %get3A_1300 = arith.index_cast %get3A_1298 : i32 to index
        %get3A_1301 = arith.index_cast %scan3A_121 : i32 to index
        %get3A_1302 = arith.constant 272 : index
        %get3A_1303 = tpu.vector_load %arg6[%get3A_1299, %get3A_1300, %get3A_1301, %get3A_1302] {strides = array<i32>} : memref<2x4x8x1024xf32, #tpu.memory_space<vmem>>, vector<1x1x1x16xf32>,
        %get3A_1304 = vector.shape_cast %get3A_1303 : vector<1x1x1x16xf32> to vector<16xf32>
        %add3A_1305 = arith.addf %get3A_1304, %get3A_1297 : vector<16xf32>
        %swap3A_1306 = arith.constant 0 : i32
        %swap3A_1307 = arith.index_cast %rem3A_58 : i32 to index
        %swap3A_1308 = arith.index_cast %swap3A_1306 : i32 to index
        %swap3A_1309 = arith.index_cast %scan3A_121 : i32 to index
        %swap3A_1310 = arith.constant 272 : index
        %swap3A_1311 = tpu.vector_load %arg6[%swap3A_1307, %swap3A_1308, %swap3A_1309, %swap3A_1310] {strides = array<i32>} : memref<2x4x8x1024xf32, #tpu.memory_space<vmem>>, vector<1x1x1x16xf32>,
        %swap3A_1312 = vector.shape_cast %swap3A_1311 : vector<1x1x1x16xf32> to vector<16xf32>
        %swap3A_1313 = vector.shape_cast %add3A_1305 : vector<16xf32> to vector<1x1x1x16xf32>
        tpu.vector_store %arg6[%swap3A_1307, %swap3A_1308, %swap3A_1309, %swap3A_1310], %swap3A_1313 {strides = array<i32>} : memref<2x4x8x1024xf32, #tpu.memory_space<vmem>>, vector<1x1x1x16xf32>,
        %get3A_1314 = arith.constant 1 : i32
        %get3A_1315 = arith.index_cast %rem3A_58 : i32 to index
        %get3A_1316 = arith.index_cast %get3A_1314 : i32 to index
        %get3A_1317 = arith.index_cast %scan3A_121 : i32 to index
        %get3A_1318 = arith.constant 272 : index
        %get3A_1319 = tpu.vector_load %arg6[%get3A_1315, %get3A_1316, %get3A_1317, %get3A_1318] {strides = array<i32>} : memref<2x4x8x1024xf32, #tpu.memory_space<vmem>>, vector<1x1x1x16xf32>,
        %get3A_1320 = vector.shape_cast %get3A_1319 : vector<1x1x1x16xf32> to vector<16xf32>
        %add3A_1321 = arith.addf %get3A_1320, %get3A_1297 : vector<16xf32>
        %swap3A_1322 = arith.constant 1 : i32
        %swap3A_1323 = arith.index_cast %rem3A_58 : i32 to index
        %swap3A_1324 = arith.index_cast %swap3A_1322 : i32 to index
        %swap3A_1325 = arith.index_cast %scan3A_121 : i32 to index
        %swap3A_1326 = arith.constant 272 : index
        %swap3A_1327 = tpu.vector_load %arg6[%swap3A_1323, %swap3A_1324, %swap3A_1325, %swap3A_1326] {strides = array<i32>} : memref<2x4x8x1024xf32, #tpu.memory_space<vmem>>, vector<1x1x1x16xf32>,
        %swap3A_1328 = vector.shape_cast %swap3A_1327 : vector<1x1x1x16xf32> to vector<16xf32>
        %swap3A_1329 = vector.shape_cast %add3A_1321 : vector<16xf32> to vector<1x1x1x16xf32>
        tpu.vector_store %arg6[%swap3A_1323, %swap3A_1324, %swap3A_1325, %swap3A_1326], %swap3A_1329 {strides = array<i32>} : memref<2x4x8x1024xf32, #tpu.memory_space<vmem>>, vector<1x1x1x16xf32>,
        %get3A_1330 = arith.constant 2 : i32
        %get3A_1331 = arith.index_cast %rem3A_58 : i32 to index
        %get3A_1332 = arith.index_cast %get3A_1330 : i32 to index
        %get3A_1333 = arith.index_cast %scan3A_121 : i32 to index
        %get3A_1334 = arith.constant 272 : index
        %get3A_1335 = tpu.vector_load %arg6[%get3A_1331, %get3A_1332, %get3A_1333, %get3A_1334] {strides = array<i32>} : memref<2x4x8x1024xf32, #tpu.memory_space<vmem>>, vector<1x1x1x16xf32>,
        %get3A_1336 = vector.shape_cast %get3A_1335 : vector<1x1x1x16xf32> to vector<16xf32>
        %add3A_1337 = arith.addf %get3A_1336, %get3A_1297 : vector<16xf32>
        %swap3A_1338 = arith.constant 2 : i32
        %swap3A_1339 = arith.index_cast %rem3A_58 : i32 to index
        %swap3A_1340 = arith.index_cast %swap3A_1338 : i32 to index
        %swap3A_1341 = arith.index_cast %scan3A_121 : i32 to index
        %swap3A_1342 = arith.constant 272 : index
        %swap3A_1343 = tpu.vector_load %arg6[%swap3A_1339, %swap3A_1340, %swap3A_1341, %swap3A_1342] {strides = array<i32>} : memref<2x4x8x1024xf32, #tpu.memory_space<vmem>>, vector<1x1x1x16xf32>,
        %swap3A_1344 = vector.shape_cast %swap3A_1343 : vector<1x1x1x16xf32> to vector<16xf32>
        %swap3A_1345 = vector.shape_cast %add3A_1337 : vector<16xf32> to vector<1x1x1x16xf32>
        tpu.vector_store %arg6[%swap3A_1339, %swap3A_1340, %swap3A_1341, %swap3A_1342], %swap3A_1345 {strides = array<i32>} : memref<2x4x8x1024xf32, #tpu.memory_space<vmem>>, vector<1x1x1x16xf32>,
        %get3A_1346 = arith.constant 3 : i32
        %get3A_1347 = arith.index_cast %rem3A_58 : i32 to index
        %get3A_1348 = arith.index_cast %get3A_1346 : i32 to index
        %get3A_1349 = arith.index_cast %scan3A_121 : i32 to index
        %get3A_1350 = arith.constant 272 : index
        %get3A_1351 = tpu.vector_load %arg6[%get3A_1347, %get3A_1348, %get3A_1349, %get3A_1350] {strides = array<i32>} : memref<2x4x8x1024xf32, #tpu.memory_space<vmem>>, vector<1x1x1x16xf32>,
        %get3A_1352 = vector.shape_cast %get3A_1351 : vector<1x1x1x16xf32> to vector<16xf32>
        %add3A_1353 = arith.addf %get3A_1352, %get3A_1297 : vector<16xf32>
        %swap3A_1354 = arith.constant 3 : i32
        %swap3A_1355 = arith.index_cast %rem3A_58 : i32 to index
        %swap3A_1356 = arith.index_cast %swap3A_1354 : i32 to index
        %swap3A_1357 = arith.index_cast %scan3A_121 : i32 to index
        %swap3A_1358 = arith.constant 272 : index
        %swap3A_1359 = tpu.vector_load %arg6[%swap3A_1355, %swap3A_1356, %swap3A_1357, %swap3A_1358] {strides = array<i32>} : memref<2x4x8x1024xf32, #tpu.memory_space<vmem>>, vector<1x1x1x16xf32>,
        %swap3A_1360 = vector.shape_cast %swap3A_1359 : vector<1x1x1x16xf32> to vector<16xf32>
        %swap3A_1361 = vector.shape_cast %add3A_1353 : vector<16xf32> to vector<1x1x1x16xf32>
        tpu.vector_store %arg6[%swap3A_1355, %swap3A_1356, %swap3A_1357, %swap3A_1358], %swap3A_1361 {strides = array<i32>} : memref<2x4x8x1024xf32, #tpu.memory_space<vmem>>, vector<1x1x1x16xf32>,
        %get3A_1362 = arith.index_cast %rem3A_58 : i32 to index
        %get3A_1363 = arith.index_cast %scan3A_121 : i32 to index
        %get3A_1364 = arith.constant 288 : index
        %get3A_1365 = tpu.vector_load %arg5[%get3A_1362, %get3A_1363, %get3A_1364] {strides = array<i32>} : memref<2x8x1024xf32, #tpu.memory_space<vmem>>, vector<1x1x16xf32>,
        %get3A_1366 = vector.shape_cast %get3A_1365 : vector<1x1x16xf32> to vector<16xf32>
        %get3A_1367 = arith.constant 0 : i32
        %get3A_1368 = arith.index_cast %rem3A_58 : i32 to index
        %get3A_1369 = arith.index_cast %get3A_1367 : i32 to index
        %get3A_1370 = arith.index_cast %scan3A_121 : i32 to index
        %get3A_1371 = arith.constant 288 : index
        %get3A_1372 = tpu.vector_load %arg6[%get3A_1368, %get3A_1369, %get3A_1370, %get3A_1371] {strides = array<i32>} : memref<2x4x8x1024xf32, #tpu.memory_space<vmem>>, vector<1x1x1x16xf32>,
        %get3A_1373 = vector.shape_cast %get3A_1372 : vector<1x1x1x16xf32> to vector<16xf32>
        %add3A_1374 = arith.addf %get3A_1373, %get3A_1366 : vector<16xf32>
        %swap3A_1375 = arith.constant 0 : i32
        %swap3A_1376 = arith.index_cast %rem3A_58 : i32 to index
        %swap3A_1377 = arith.index_cast %swap3A_1375 : i32 to index
        %swap3A_1378 = arith.index_cast %scan3A_121 : i32 to index
        %swap3A_1379 = arith.constant 288 : index
        %swap3A_1380 = tpu.vector_load %arg6[%swap3A_1376, %swap3A_1377, %swap3A_1378, %swap3A_1379] {strides = array<i32>} : memref<2x4x8x1024xf32, #tpu.memory_space<vmem>>, vector<1x1x1x16xf32>,
        %swap3A_1381 = vector.shape_cast %swap3A_1380 : vector<1x1x1x16xf32> to vector<16xf32>
        %swap3A_1382 = vector.shape_cast %add3A_1374 : vector<16xf32> to vector<1x1x1x16xf32>
        tpu.vector_store %arg6[%swap3A_1376, %swap3A_1377, %swap3A_1378, %swap3A_1379], %swap3A_1382 {strides = array<i32>} : memref<2x4x8x1024xf32, #tpu.memory_space<vmem>>, vector<1x1x1x16xf32>,
        %get3A_1383 = arith.constant 1 : i32
        %get3A_1384 = arith.index_cast %rem3A_58 : i32 to index
        %get3A_1385 = arith.index_cast %get3A_1383 : i32 to index
        %get3A_1386 = arith.index_cast %scan3A_121 : i32 to index
        %get3A_1387 = arith.constant 288 : index
        %get3A_1388 = tpu.vector_load %arg6[%get3A_1384, %get3A_1385, %get3A_1386, %get3A_1387] {strides = array<i32>} : memref<2x4x8x1024xf32, #tpu.memory_space<vmem>>, vector<1x1x1x16xf32>,
        %get3A_1389 = vector.shape_cast %get3A_1388 : vector<1x1x1x16xf32> to vector<16xf32>
        %add3A_1390 = arith.addf %get3A_1389, %get3A_1366 : vector<16xf32>
        %swap3A_1391 = arith.constant 1 : i32
        %swap3A_1392 = arith.index_cast %rem3A_58 : i32 to index
        %swap3A_1393 = arith.index_cast %swap3A_1391 : i32 to index
        %swap3A_1394 = arith.index_cast %scan3A_121 : i32 to index
        %swap3A_1395 = arith.constant 288 : index
        %swap3A_1396 = tpu.vector_load %arg6[%swap3A_1392, %swap3A_1393, %swap3A_1394, %swap3A_1395] {strides = array<i32>} : memref<2x4x8x1024xf32, #tpu.memory_space<vmem>>, vector<1x1x1x16xf32>,
        %swap3A_1397 = vector.shape_cast %swap3A_1396 : vector<1x1x1x16xf32> to vector<16xf32>
        %swap3A_1398 = vector.shape_cast %add3A_1390 : vector<16xf32> to vector<1x1x1x16xf32>
        tpu.vector_store %arg6[%swap3A_1392, %swap3A_1393, %swap3A_1394, %swap3A_1395], %swap3A_1398 {strides = array<i32>} : memref<2x4x8x1024xf32, #tpu.memory_space<vmem>>, vector<1x1x1x16xf32>,
        %get3A_1399 = arith.constant 2 : i32
        %get3A_1400 = arith.index_cast %rem3A_58 : i32 to index
        %get3A_1401 = arith.index_cast %get3A_1399 : i32 to index
        %get3A_1402 = arith.index_cast %scan3A_121 : i32 to index
        %get3A_1403 = arith.constant 288 : index
        %get3A_1404 = tpu.vector_load %arg6[%get3A_1400, %get3A_1401, %get3A_1402, %get3A_1403] {strides = array<i32>} : memref<2x4x8x1024xf32, #tpu.memory_space<vmem>>, vector<1x1x1x16xf32>,
        %get3A_1405 = vector.shape_cast %get3A_1404 : vector<1x1x1x16xf32> to vector<16xf32>
        %add3A_1406 = arith.addf %get3A_1405, %get3A_1366 : vector<16xf32>
        %swap3A_1407 = arith.constant 2 : i32
        %swap3A_1408 = arith.index_cast %rem3A_58 : i32 to index
        %swap3A_1409 = arith.index_cast %swap3A_1407 : i32 to index
        %swap3A_1410 = arith.index_cast %scan3A_121 : i32 to index
        %swap3A_1411 = arith.constant 288 : index
        %swap3A_1412 = tpu.vector_load %arg6[%swap3A_1408, %swap3A_1409, %swap3A_1410, %swap3A_1411] {strides = array<i32>} : memref<2x4x8x1024xf32, #tpu.memory_space<vmem>>, vector<1x1x1x16xf32>,
        %swap3A_1413 = vector.shape_cast %swap3A_1412 : vector<1x1x1x16xf32> to vector<16xf32>
        %swap3A_1414 = vector.shape_cast %add3A_1406 : vector<16xf32> to vector<1x1x1x16xf32>
        tpu.vector_store %arg6[%swap3A_1408, %swap3A_1409, %swap3A_1410, %swap3A_1411], %swap3A_1414 {strides = array<i32>} : memref<2x4x8x1024xf32, #tpu.memory_space<vmem>>, vector<1x1x1x16xf32>,
        %get3A_1415 = arith.constant 3 : i32
        %get3A_1416 = arith.index_cast %rem3A_58 : i32 to index
        %get3A_1417 = arith.index_cast %get3A_1415 : i32 to index
        %get3A_1418 = arith.index_cast %scan3A_121 : i32 to index
        %get3A_1419 = arith.constant 288 : index
        %get3A_1420 = tpu.vector_load %arg6[%get3A_1416, %get3A_1417, %get3A_1418, %get3A_1419] {strides = array<i32>} : memref<2x4x8x1024xf32, #tpu.memory_space<vmem>>, vector<1x1x1x16xf32>,
        %get3A_1421 = vector.shape_cast %get3A_1420 : vector<1x1x1x16xf32> to vector<16xf32>
        %add3A_1422 = arith.addf %get3A_1421, %get3A_1366 : vector<16xf32>
        %swap3A_1423 = arith.constant 3 : i32
        %swap3A_1424 = arith.index_cast %rem3A_58 : i32 to index
        %swap3A_1425 = arith.index_cast %swap3A_1423 : i32 to index
        %swap3A_1426 = arith.index_cast %scan3A_121 : i32 to index
        %swap3A_1427 = arith.constant 288 : index
        %swap3A_1428 = tpu.vector_load %arg6[%swap3A_1424, %swap3A_1425, %swap3A_1426, %swap3A_1427] {strides = array<i32>} : memref<2x4x8x1024xf32, #tpu.memory_space<vmem>>, vector<1x1x1x16xf32>,
        %swap3A_1429 = vector.shape_cast %swap3A_1428 : vector<1x1x1x16xf32> to vector<16xf32>
        %swap3A_1430 = vector.shape_cast %add3A_1422 : vector<16xf32> to vector<1x1x1x16xf32>
        tpu.vector_store %arg6[%swap3A_1424, %swap3A_1425, %swap3A_1426, %swap3A_1427], %swap3A_1430 {strides = array<i32>} : memref<2x4x8x1024xf32, #tpu.memory_space<vmem>>, vector<1x1x1x16xf32>,
        %get3A_1431 = arith.index_cast %rem3A_58 : i32 to index
        %get3A_1432 = arith.index_cast %scan3A_121 : i32 to index
        %get3A_1433 = arith.constant 304 : index
        %get3A_1434 = tpu.vector_load %arg5[%get3A_1431, %get3A_1432, %get3A_1433] {strides = array<i32>} : memref<2x8x1024xf32, #tpu.memory_space<vmem>>, vector<1x1x16xf32>,
        %get3A_1435 = vector.shape_cast %get3A_1434 : vector<1x1x16xf32> to vector<16xf32>
        %get3A_1436 = arith.constant 0 : i32
        %get3A_1437 = arith.index_cast %rem3A_58 : i32 to index
        %get3A_1438 = arith.index_cast %get3A_1436 : i32 to index
        %get3A_1439 = arith.index_cast %scan3A_121 : i32 to index
        %get3A_1440 = arith.constant 304 : index
        %get3A_1441 = tpu.vector_load %arg6[%get3A_1437, %get3A_1438, %get3A_1439, %get3A_1440] {strides = array<i32>} : memref<2x4x8x1024xf32, #tpu.memory_space<vmem>>, vector<1x1x1x16xf32>,
        %get3A_1442 = vector.shape_cast %get3A_1441 : vector<1x1x1x16xf32> to vector<16xf32>
        %add3A_1443 = arith.addf %get3A_1442, %get3A_1435 : vector<16xf32>
        %swap3A_1444 = arith.constant 0 : i32
        %swap3A_1445 = arith.index_cast %rem3A_58 : i32 to index
        %swap3A_1446 = arith.index_cast %swap3A_1444 : i32 to index
        %swap3A_1447 = arith.index_cast %scan3A_121 : i32 to index
        %swap3A_1448 = arith.constant 304 : index
        %swap3A_1449 = tpu.vector_load %arg6[%swap3A_1445, %swap3A_1446, %swap3A_1447, %swap3A_1448] {strides = array<i32>} : memref<2x4x8x1024xf32, #tpu.memory_space<vmem>>, vector<1x1x1x16xf32>,
        %swap3A_1450 = vector.shape_cast %swap3A_1449 : vector<1x1x1x16xf32> to vector<16xf32>
        %swap3A_1451 = vector.shape_cast %add3A_1443 : vector<16xf32> to vector<1x1x1x16xf32>
        tpu.vector_store %arg6[%swap3A_1445, %swap3A_1446, %swap3A_1447, %swap3A_1448], %swap3A_1451 {strides = array<i32>} : memref<2x4x8x1024xf32, #tpu.memory_space<vmem>>, vector<1x1x1x16xf32>,
        %get3A_1452 = arith.constant 1 : i32
        %get3A_1453 = arith.index_cast %rem3A_58 : i32 to index
        %get3A_1454 = arith.index_cast %get3A_1452 : i32 to index
        %get3A_1455 = arith.index_cast %scan3A_121 : i32 to index
        %get3A_1456 = arith.constant 304 : index
        %get3A_1457 = tpu.vector_load %arg6[%get3A_1453, %get3A_1454, %get3A_1455, %get3A_1456] {strides = array<i32>} : memref<2x4x8x1024xf32, #tpu.memory_space<vmem>>, vector<1x1x1x16xf32>,
        %get3A_1458 = vector.shape_cast %get3A_1457 : vector<1x1x1x16xf32> to vector<16xf32>
        %add3A_1459 = arith.addf %get3A_1458, %get3A_1435 : vector<16xf32>
        %swap3A_1460 = arith.constant 1 : i32
        %swap3A_1461 = arith.index_cast %rem3A_58 : i32 to index
        %swap3A_1462 = arith.index_cast %swap3A_1460 : i32 to index
        %swap3A_1463 = arith.index_cast %scan3A_121 : i32 to index
        %swap3A_1464 = arith.constant 304 : index
        %swap3A_1465 = tpu.vector_load %arg6[%swap3A_1461, %swap3A_1462, %swap3A_1463, %swap3A_1464] {strides = array<i32>} : memref<2x4x8x1024xf32, #tpu.memory_space<vmem>>, vector<1x1x1x16xf32>,
        %swap3A_1466 = vector.shape_cast %swap3A_1465 : vector<1x1x1x16xf32> to vector<16xf32>
        %swap3A_1467 = vector.shape_cast %add3A_1459 : vector<16xf32> to vector<1x1x1x16xf32>
        tpu.vector_store %arg6[%swap3A_1461, %swap3A_1462, %swap3A_1463, %swap3A_1464], %swap3A_1467 {strides = array<i32>} : memref<2x4x8x1024xf32, #tpu.memory_space<vmem>>, vector<1x1x1x16xf32>,
        %get3A_1468 = arith.constant 2 : i32
        %get3A_1469 = arith.index_cast %rem3A_58 : i32 to index
        %get3A_1470 = arith.index_cast %get3A_1468 : i32 to index
        %get3A_1471 = arith.index_cast %scan3A_121 : i32 to index
        %get3A_1472 = arith.constant 304 : index
        %get3A_1473 = tpu.vector_load %arg6[%get3A_1469, %get3A_1470, %get3A_1471, %get3A_1472] {strides = array<i32>} : memref<2x4x8x1024xf32, #tpu.memory_space<vmem>>, vector<1x1x1x16xf32>,
        %get3A_1474 = vector.shape_cast %get3A_1473 : vector<1x1x1x16xf32> to vector<16xf32>
        %add3A_1475 = arith.addf %get3A_1474, %get3A_1435 : vector<16xf32>
        %swap3A_1476 = arith.constant 2 : i32
        %swap3A_1477 = arith.index_cast %rem3A_58 : i32 to index
        %swap3A_1478 = arith.index_cast %swap3A_1476 : i32 to index
        %swap3A_1479 = arith.index_cast %scan3A_121 : i32 to index
        %swap3A_1480 = arith.constant 304 : index
        %swap3A_1481 = tpu.vector_load %arg6[%swap3A_1477, %swap3A_1478, %swap3A_1479, %swap3A_1480] {strides = array<i32>} : memref<2x4x8x1024xf32, #tpu.memory_space<vmem>>, vector<1x1x1x16xf32>,
        %swap3A_1482 = vector.shape_cast %swap3A_1481 : vector<1x1x1x16xf32> to vector<16xf32>
        %swap3A_1483 = vector.shape_cast %add3A_1475 : vector<16xf32> to vector<1x1x1x16xf32>
        tpu.vector_store %arg6[%swap3A_1477, %swap3A_1478, %swap3A_1479, %swap3A_1480], %swap3A_1483 {strides = array<i32>} : memref<2x4x8x1024xf32, #tpu.memory_space<vmem>>, vector<1x1x1x16xf32>,
        %get3A_1484 = arith.constant 3 : i32
        %get3A_1485 = arith.index_cast %rem3A_58 : i32 to index
        %get3A_1486 = arith.index_cast %get3A_1484 : i32 to index
        %get3A_1487 = arith.index_cast %scan3A_121 : i32 to index
        %get3A_1488 = arith.constant 304 : index
        %get3A_1489 = tpu.vector_load %arg6[%get3A_1485, %get3A_1486, %get3A_1487, %get3A_1488] {strides = array<i32>} : memref<2x4x8x1024xf32, #tpu.memory_space<vmem>>, vector<1x1x1x16xf32>,
        %get3A_1490 = vector.shape_cast %get3A_1489 : vector<1x1x1x16xf32> to vector<16xf32>
        %add3A_1491 = arith.addf %get3A_1490, %get3A_1435 : vector<16xf32>
        %swap3A_1492 = arith.constant 3 : i32
        %swap3A_1493 = arith.index_cast %rem3A_58 : i32 to index
        %swap3A_1494 = arith.index_cast %swap3A_1492 : i32 to index
        %swap3A_1495 = arith.index_cast %scan3A_121 : i32 to index
        %swap3A_1496 = arith.constant 304 : index
        %swap3A_1497 = tpu.vector_load %arg6[%swap3A_1493, %swap3A_1494, %swap3A_1495, %swap3A_1496] {strides = array<i32>} : memref<2x4x8x1024xf32, #tpu.memory_space<vmem>>, vector<1x1x1x16xf32>,
        %swap3A_1498 = vector.shape_cast %swap3A_1497 : vector<1x1x1x16xf32> to vector<16xf32>
        %swap3A_1499 = vector.shape_cast %add3A_1491 : vector<16xf32> to vector<1x1x1x16xf32>
        tpu.vector_store %arg6[%swap3A_1493, %swap3A_1494, %swap3A_1495, %swap3A_1496], %swap3A_1499 {strides = array<i32>} : memref<2x4x8x1024xf32, #tpu.memory_space<vmem>>, vector<1x1x1x16xf32>,
        %get3A_1500 = arith.index_cast %rem3A_58 : i32 to index
        %get3A_1501 = arith.index_cast %scan3A_121 : i32 to index
        %get3A_1502 = arith.constant 320 : index
        %get3A_1503 = tpu.vector_load %arg5[%get3A_1500, %get3A_1501, %get3A_1502] {strides = array<i32>} : memref<2x8x1024xf32, #tpu.memory_space<vmem>>, vector<1x1x16xf32>,
        %get3A_1504 = vector.shape_cast %get3A_1503 : vector<1x1x16xf32> to vector<16xf32>
        %get3A_1505 = arith.constant 0 : i32
        %get3A_1506 = arith.index_cast %rem3A_58 : i32 to index
        %get3A_1507 = arith.index_cast %get3A_1505 : i32 to index
        %get3A_1508 = arith.index_cast %scan3A_121 : i32 to index
        %get3A_1509 = arith.constant 320 : index
        %get3A_1510 = tpu.vector_load %arg6[%get3A_1506, %get3A_1507, %get3A_1508, %get3A_1509] {strides = array<i32>} : memref<2x4x8x1024xf32, #tpu.memory_space<vmem>>, vector<1x1x1x16xf32>,
        %get3A_1511 = vector.shape_cast %get3A_1510 : vector<1x1x1x16xf32> to vector<16xf32>
        %add3A_1512 = arith.addf %get3A_1511, %get3A_1504 : vector<16xf32>
        %swap3A_1513 = arith.constant 0 : i32
        %swap3A_1514 = arith.index_cast %rem3A_58 : i32 to index
        %swap3A_1515 = arith.index_cast %swap3A_1513 : i32 to index
        %swap3A_1516 = arith.index_cast %scan3A_121 : i32 to index
        %swap3A_1517 = arith.constant 320 : index
        %swap3A_1518 = tpu.vector_load %arg6[%swap3A_1514, %swap3A_1515, %swap3A_1516, %swap3A_1517] {strides = array<i32>} : memref<2x4x8x1024xf32, #tpu.memory_space<vmem>>, vector<1x1x1x16xf32>,
        %swap3A_1519 = vector.shape_cast %swap3A_1518 : vector<1x1x1x16xf32> to vector<16xf32>
        %swap3A_1520 = vector.shape_cast %add3A_1512 : vector<16xf32> to vector<1x1x1x16xf32>
        tpu.vector_store %arg6[%swap3A_1514, %swap3A_1515, %swap3A_1516, %swap3A_1517], %swap3A_1520 {strides = array<i32>} : memref<2x4x8x1024xf32, #tpu.memory_space<vmem>>, vector<1x1x1x16xf32>,
        %get3A_1521 = arith.constant 1 : i32
        %get3A_1522 = arith.index_cast %rem3A_58 : i32 to index
        %get3A_1523 = arith.index_cast %get3A_1521 : i32 to index
        %get3A_1524 = arith.index_cast %scan3A_121 : i32 to index
        %get3A_1525 = arith.constant 320 : index
        %get3A_1526 = tpu.vector_load %arg6[%get3A_1522, %get3A_1523, %get3A_1524, %get3A_1525] {strides = array<i32>} : memref<2x4x8x1024xf32, #tpu.memory_space<vmem>>, vector<1x1x1x16xf32>,
        %get3A_1527 = vector.shape_cast %get3A_1526 : vector<1x1x1x16xf32> to vector<16xf32>
        %add3A_1528 = arith.addf %get3A_1527, %get3A_1504 : vector<16xf32>
        %swap3A_1529 = arith.constant 1 : i32
        %swap3A_1530 = arith.index_cast %rem3A_58 : i32 to index
        %swap3A_1531 = arith.index_cast %swap3A_1529 : i32 to index
        %swap3A_1532 = arith.index_cast %scan3A_121 : i32 to index
        %swap3A_1533 = arith.constant 320 : index
        %swap3A_1534 = tpu.vector_load %arg6[%swap3A_1530, %swap3A_1531, %swap3A_1532, %swap3A_1533] {strides = array<i32>} : memref<2x4x8x1024xf32, #tpu.memory_space<vmem>>, vector<1x1x1x16xf32>,
        %swap3A_1535 = vector.shape_cast %swap3A_1534 : vector<1x1x1x16xf32> to vector<16xf32>
        %swap3A_1536 = vector.shape_cast %add3A_1528 : vector<16xf32> to vector<1x1x1x16xf32>
        tpu.vector_store %arg6[%swap3A_1530, %swap3A_1531, %swap3A_1532, %swap3A_1533], %swap3A_1536 {strides = array<i32>} : memref<2x4x8x1024xf32, #tpu.memory_space<vmem>>, vector<1x1x1x16xf32>,
        %get3A_1537 = arith.constant 2 : i32
        %get3A_1538 = arith.index_cast %rem3A_58 : i32 to index
        %get3A_1539 = arith.index_cast %get3A_1537 : i32 to index
        %get3A_1540 = arith.index_cast %scan3A_121 : i32 to index
        %get3A_1541 = arith.constant 320 : index
        %get3A_1542 = tpu.vector_load %arg6[%get3A_1538, %get3A_1539, %get3A_1540, %get3A_1541] {strides = array<i32>} : memref<2x4x8x1024xf32, #tpu.memory_space<vmem>>, vector<1x1x1x16xf32>,
        %get3A_1543 = vector.shape_cast %get3A_1542 : vector<1x1x1x16xf32> to vector<16xf32>
        %add3A_1544 = arith.addf %get3A_1543, %get3A_1504 : vector<16xf32>
        %swap3A_1545 = arith.constant 2 : i32
        %swap3A_1546 = arith.index_cast %rem3A_58 : i32 to index
        %swap3A_1547 = arith.index_cast %swap3A_1545 : i32 to index
        %swap3A_1548 = arith.index_cast %scan3A_121 : i32 to index
        %swap3A_1549 = arith.constant 320 : index
        %swap3A_1550 = tpu.vector_load %arg6[%swap3A_1546, %swap3A_1547, %swap3A_1548, %swap3A_1549] {strides = array<i32>} : memref<2x4x8x1024xf32, #tpu.memory_space<vmem>>, vector<1x1x1x16xf32>,
        %swap3A_1551 = vector.shape_cast %swap3A_1550 : vector<1x1x1x16xf32> to vector<16xf32>
        %swap3A_1552 = vector.shape_cast %add3A_1544 : vector<16xf32> to vector<1x1x1x16xf32>
        tpu.vector_store %arg6[%swap3A_1546, %swap3A_1547, %swap3A_1548, %swap3A_1549], %swap3A_1552 {strides = array<i32>} : memref<2x4x8x1024xf32, #tpu.memory_space<vmem>>, vector<1x1x1x16xf32>,
        %get3A_1553 = arith.constant 3 : i32
        %get3A_1554 = arith.index_cast %rem3A_58 : i32 to index
        %get3A_1555 = arith.index_cast %get3A_1553 : i32 to index
        %get3A_1556 = arith.index_cast %scan3A_121 : i32 to index
        %get3A_1557 = arith.constant 320 : index
        %get3A_1558 = tpu.vector_load %arg6[%get3A_1554, %get3A_1555, %get3A_1556, %get3A_1557] {strides = array<i32>} : memref<2x4x8x1024xf32, #tpu.memory_space<vmem>>, vector<1x1x1x16xf32>,
        %get3A_1559 = vector.shape_cast %get3A_1558 : vector<1x1x1x16xf32> to vector<16xf32>
        %add3A_1560 = arith.addf %get3A_1559, %get3A_1504 : vector<16xf32>
        %swap3A_1561 = arith.constant 3 : i32
        %swap3A_1562 = arith.index_cast %rem3A_58 : i32 to index
        %swap3A_1563 = arith.index_cast %swap3A_1561 : i32 to index
        %swap3A_1564 = arith.index_cast %scan3A_121 : i32 to index
        %swap3A_1565 = arith.constant 320 : index
        %swap3A_1566 = tpu.vector_load %arg6[%swap3A_1562, %swap3A_1563, %swap3A_1564, %swap3A_1565] {strides = array<i32>} : memref<2x4x8x1024xf32, #tpu.memory_space<vmem>>, vector<1x1x1x16xf32>,
        %swap3A_1567 = vector.shape_cast %swap3A_1566 : vector<1x1x1x16xf32> to vector<16xf32>
        %swap3A_1568 = vector.shape_cast %add3A_1560 : vector<16xf32> to vector<1x1x1x16xf32>
        tpu.vector_store %arg6[%swap3A_1562, %swap3A_1563, %swap3A_1564, %swap3A_1565], %swap3A_1568 {strides = array<i32>} : memref<2x4x8x1024xf32, #tpu.memory_space<vmem>>, vector<1x1x1x16xf32>,
        %get3A_1569 = arith.index_cast %rem3A_58 : i32 to index
        %get3A_1570 = arith.index_cast %scan3A_121 : i32 to index
        %get3A_1571 = arith.constant 336 : index
        %get3A_1572 = tpu.vector_load %arg5[%get3A_1569, %get3A_1570, %get3A_1571] {strides = array<i32>} : memref<2x8x1024xf32, #tpu.memory_space<vmem>>, vector<1x1x16xf32>,
        %get3A_1573 = vector.shape_cast %get3A_1572 : vector<1x1x16xf32> to vector<16xf32>
        %get3A_1574 = arith.constant 0 : i32
        %get3A_1575 = arith.index_cast %rem3A_58 : i32 to index
        %get3A_1576 = arith.index_cast %get3A_1574 : i32 to index
        %get3A_1577 = arith.index_cast %scan3A_121 : i32 to index
        %get3A_1578 = arith.constant 336 : index
        %get3A_1579 = tpu.vector_load %arg6[%get3A_1575, %get3A_1576, %get3A_1577, %get3A_1578] {strides = array<i32>} : memref<2x4x8x1024xf32, #tpu.memory_space<vmem>>, vector<1x1x1x16xf32>,
        %get3A_1580 = vector.shape_cast %get3A_1579 : vector<1x1x1x16xf32> to vector<16xf32>
        %add3A_1581 = arith.addf %get3A_1580, %get3A_1573 : vector<16xf32>
        %swap3A_1582 = arith.constant 0 : i32
        %swap3A_1583 = arith.index_cast %rem3A_58 : i32 to index
        %swap3A_1584 = arith.index_cast %swap3A_1582 : i32 to index
        %swap3A_1585 = arith.index_cast %scan3A_121 : i32 to index
        %swap3A_1586 = arith.constant 336 : index
        %swap3A_1587 = tpu.vector_load %arg6[%swap3A_1583, %swap3A_1584, %swap3A_1585, %swap3A_1586] {strides = array<i32>} : memref<2x4x8x1024xf32, #tpu.memory_space<vmem>>, vector<1x1x1x16xf32>,
        %swap3A_1588 = vector.shape_cast %swap3A_1587 : vector<1x1x1x16xf32> to vector<16xf32>
        %swap3A_1589 = vector.shape_cast %add3A_1581 : vector<16xf32> to vector<1x1x1x16xf32>
        tpu.vector_store %arg6[%swap3A_1583, %swap3A_1584, %swap3A_1585, %swap3A_1586], %swap3A_1589 {strides = array<i32>} : memref<2x4x8x1024xf32, #tpu.memory_space<vmem>>, vector<1x1x1x16xf32>,
        %get3A_1590 = arith.constant 1 : i32
        %get3A_1591 = arith.index_cast %rem3A_58 : i32 to index
        %get3A_1592 = arith.index_cast %get3A_1590 : i32 to index
        %get3A_1593 = arith.index_cast %scan3A_121 : i32 to index
        %get3A_1594 = arith.constant 336 : index
        %get3A_1595 = tpu.vector_load %arg6[%get3A_1591, %get3A_1592, %get3A_1593, %get3A_1594] {strides = array<i32>} : memref<2x4x8x1024xf32, #tpu.memory_space<vmem>>, vector<1x1x1x16xf32>,
        %get3A_1596 = vector.shape_cast %get3A_1595 : vector<1x1x1x16xf32> to vector<16xf32>
        %add3A_1597 = arith.addf %get3A_1596, %get3A_1573 : vector<16xf32>
        %swap3A_1598 = arith.constant 1 : i32
        %swap3A_1599 = arith.index_cast %rem3A_58 : i32 to index
        %swap3A_1600 = arith.index_cast %swap3A_1598 : i32 to index
        %swap3A_1601 = arith.index_cast %scan3A_121 : i32 to index
        %swap3A_1602 = arith.constant 336 : index
        %swap3A_1603 = tpu.vector_load %arg6[%swap3A_1599, %swap3A_1600, %swap3A_1601, %swap3A_1602] {strides = array<i32>} : memref<2x4x8x1024xf32, #tpu.memory_space<vmem>>, vector<1x1x1x16xf32>,
        %swap3A_1604 = vector.shape_cast %swap3A_1603 : vector<1x1x1x16xf32> to vector<16xf32>
        %swap3A_1605 = vector.shape_cast %add3A_1597 : vector<16xf32> to vector<1x1x1x16xf32>
        tpu.vector_store %arg6[%swap3A_1599, %swap3A_1600, %swap3A_1601, %swap3A_1602], %swap3A_1605 {strides = array<i32>} : memref<2x4x8x1024xf32, #tpu.memory_space<vmem>>, vector<1x1x1x16xf32>,
        %get3A_1606 = arith.constant 2 : i32
        %get3A_1607 = arith.index_cast %rem3A_58 : i32 to index
        %get3A_1608 = arith.index_cast %get3A_1606 : i32 to index
        %get3A_1609 = arith.index_cast %scan3A_121 : i32 to index
        %get3A_1610 = arith.constant 336 : index
        %get3A_1611 = tpu.vector_load %arg6[%get3A_1607, %get3A_1608, %get3A_1609, %get3A_1610] {strides = array<i32>} : memref<2x4x8x1024xf32, #tpu.memory_space<vmem>>, vector<1x1x1x16xf32>,
        %get3A_1612 = vector.shape_cast %get3A_1611 : vector<1x1x1x16xf32> to vector<16xf32>
        %add3A_1613 = arith.addf %get3A_1612, %get3A_1573 : vector<16xf32>
        %swap3A_1614 = arith.constant 2 : i32
        %swap3A_1615 = arith.index_cast %rem3A_58 : i32 to index
        %swap3A_1616 = arith.index_cast %swap3A_1614 : i32 to index
        %swap3A_1617 = arith.index_cast %scan3A_121 : i32 to index
        %swap3A_1618 = arith.constant 336 : index
        %swap3A_1619 = tpu.vector_load %arg6[%swap3A_1615, %swap3A_1616, %swap3A_1617, %swap3A_1618] {strides = array<i32>} : memref<2x4x8x1024xf32, #tpu.memory_space<vmem>>, vector<1x1x1x16xf32>,
        %swap3A_1620 = vector.shape_cast %swap3A_1619 : vector<1x1x1x16xf32> to vector<16xf32>
        %swap3A_1621 = vector.shape_cast %add3A_1613 : vector<16xf32> to vector<1x1x1x16xf32>
        tpu.vector_store %arg6[%swap3A_1615, %swap3A_1616, %swap3A_1617, %swap3A_1618], %swap3A_1621 {strides = array<i32>} : memref<2x4x8x1024xf32, #tpu.memory_space<vmem>>, vector<1x1x1x16xf32>,
        %get3A_1622 = arith.constant 3 : i32
        %get3A_1623 = arith.index_cast %rem3A_58 : i32 to index
        %get3A_1624 = arith.index_cast %get3A_1622 : i32 to index
        %get3A_1625 = arith.index_cast %scan3A_121 : i32 to index
        %get3A_1626 = arith.constant 336 : index
        %get3A_1627 = tpu.vector_load %arg6[%get3A_1623, %get3A_1624, %get3A_1625, %get3A_1626] {strides = array<i32>} : memref<2x4x8x1024xf32, #tpu.memory_space<vmem>>, vector<1x1x1x16xf32>,
        %get3A_1628 = vector.shape_cast %get3A_1627 : vector<1x1x1x16xf32> to vector<16xf32>
        %add3A_1629 = arith.addf %get3A_1628, %get3A_1573 : vector<16xf32>
        %swap3A_1630 = arith.constant 3 : i32
        %swap3A_1631 = arith.index_cast %rem3A_58 : i32 to index
        %swap3A_1632 = arith.index_cast %swap3A_1630 : i32 to index
        %swap3A_1633 = arith.index_cast %scan3A_121 : i32 to index
        %swap3A_1634 = arith.constant 336 : index
        %swap3A_1635 = tpu.vector_load %arg6[%swap3A_1631, %swap3A_1632, %swap3A_1633, %swap3A_1634] {strides = array<i32>} : memref<2x4x8x1024xf32, #tpu.memory_space<vmem>>, vector<1x1x1x16xf32>,
        %swap3A_1636 = vector.shape_cast %swap3A_1635 : vector<1x1x1x16xf32> to vector<16xf32>
        %swap3A_1637 = vector.shape_cast %add3A_1629 : vector<16xf32> to vector<1x1x1x16xf32>
        tpu.vector_store %arg6[%swap3A_1631, %swap3A_1632, %swap3A_1633, %swap3A_1634], %swap3A_1637 {strides = array<i32>} : memref<2x4x8x1024xf32, #tpu.memory_space<vmem>>, vector<1x1x1x16xf32>,
        %get3A_1638 = arith.index_cast %rem3A_58 : i32 to index
        %get3A_1639 = arith.index_cast %scan3A_121 : i32 to index
        %get3A_1640 = arith.constant 352 : index
        %get3A_1641 = tpu.vector_load %arg5[%get3A_1638, %get3A_1639, %get3A_1640] {strides = array<i32>} : memref<2x8x1024xf32, #tpu.memory_space<vmem>>, vector<1x1x16xf32>,
        %get3A_1642 = vector.shape_cast %get3A_1641 : vector<1x1x16xf32> to vector<16xf32>
        %get3A_1643 = arith.constant 0 : i32
        %get3A_1644 = arith.index_cast %rem3A_58 : i32 to index
        %get3A_1645 = arith.index_cast %get3A_1643 : i32 to index
        %get3A_1646 = arith.index_cast %scan3A_121 : i32 to index
        %get3A_1647 = arith.constant 352 : index
        %get3A_1648 = tpu.vector_load %arg6[%get3A_1644, %get3A_1645, %get3A_1646, %get3A_1647] {strides = array<i32>} : memref<2x4x8x1024xf32, #tpu.memory_space<vmem>>, vector<1x1x1x16xf32>,
        %get3A_1649 = vector.shape_cast %get3A_1648 : vector<1x1x1x16xf32> to vector<16xf32>
        %add3A_1650 = arith.addf %get3A_1649, %get3A_1642 : vector<16xf32>
        %swap3A_1651 = arith.constant 0 : i32
        %swap3A_1652 = arith.index_cast %rem3A_58 : i32 to index
        %swap3A_1653 = arith.index_cast %swap3A_1651 : i32 to index
        %swap3A_1654 = arith.index_cast %scan3A_121 : i32 to index
        %swap3A_1655 = arith.constant 352 : index
        %swap3A_1656 = tpu.vector_load %arg6[%swap3A_1652, %swap3A_1653, %swap3A_1654, %swap3A_1655] {strides = array<i32>} : memref<2x4x8x1024xf32, #tpu.memory_space<vmem>>, vector<1x1x1x16xf32>,
        %swap3A_1657 = vector.shape_cast %swap3A_1656 : vector<1x1x1x16xf32> to vector<16xf32>
        %swap3A_1658 = vector.shape_cast %add3A_1650 : vector<16xf32> to vector<1x1x1x16xf32>
        tpu.vector_store %arg6[%swap3A_1652, %swap3A_1653, %swap3A_1654, %swap3A_1655], %swap3A_1658 {strides = array<i32>} : memref<2x4x8x1024xf32, #tpu.memory_space<vmem>>, vector<1x1x1x16xf32>,
        %get3A_1659 = arith.constant 1 : i32
        %get3A_1660 = arith.index_cast %rem3A_58 : i32 to index
        %get3A_1661 = arith.index_cast %get3A_1659 : i32 to index
        %get3A_1662 = arith.index_cast %scan3A_121 : i32 to index
        %get3A_1663 = arith.constant 352 : index
        %get3A_1664 = tpu.vector_load %arg6[%get3A_1660, %get3A_1661, %get3A_1662, %get3A_1663] {strides = array<i32>} : memref<2x4x8x1024xf32, #tpu.memory_space<vmem>>, vector<1x1x1x16xf32>,
        %get3A_1665 = vector.shape_cast %get3A_1664 : vector<1x1x1x16xf32> to vector<16xf32>
        %add3A_1666 = arith.addf %get3A_1665, %get3A_1642 : vector<16xf32>
        %swap3A_1667 = arith.constant 1 : i32
        %swap3A_1668 = arith.index_cast %rem3A_58 : i32 to index
        %swap3A_1669 = arith.index_cast %swap3A_1667 : i32 to index
        %swap3A_1670 = arith.index_cast %scan3A_121 : i32 to index
        %swap3A_1671 = arith.constant 352 : index
        %swap3A_1672 = tpu.vector_load %arg6[%swap3A_1668, %swap3A_1669, %swap3A_1670, %swap3A_1671] {strides = array<i32>} : memref<2x4x8x1024xf32, #tpu.memory_space<vmem>>, vector<1x1x1x16xf32>,
        %swap3A_1673 = vector.shape_cast %swap3A_1672 : vector<1x1x1x16xf32> to vector<16xf32>
        %swap3A_1674 = vector.shape_cast %add3A_1666 : vector<16xf32> to vector<1x1x1x16xf32>
        tpu.vector_store %arg6[%swap3A_1668, %swap3A_1669, %swap3A_1670, %swap3A_1671], %swap3A_1674 {strides = array<i32>} : memref<2x4x8x1024xf32, #tpu.memory_space<vmem>>, vector<1x1x1x16xf32>,
        %get3A_1675 = arith.constant 2 : i32
        %get3A_1676 = arith.index_cast %rem3A_58 : i32 to index
        %get3A_1677 = arith.index_cast %get3A_1675 : i32 to index
        %get3A_1678 = arith.index_cast %scan3A_121 : i32 to index
        %get3A_1679 = arith.constant 352 : index
        %get3A_1680 = tpu.vector_load %arg6[%get3A_1676, %get3A_1677, %get3A_1678, %get3A_1679] {strides = array<i32>} : memref<2x4x8x1024xf32, #tpu.memory_space<vmem>>, vector<1x1x1x16xf32>,
        %get3A_1681 = vector.shape_cast %get3A_1680 : vector<1x1x1x16xf32> to vector<16xf32>
        %add3A_1682 = arith.addf %get3A_1681, %get3A_1642 : vector<16xf32>
        %swap3A_1683 = arith.constant 2 : i32
        %swap3A_1684 = arith.index_cast %rem3A_58 : i32 to index
        %swap3A_1685 = arith.index_cast %swap3A_1683 : i32 to index
        %swap3A_1686 = arith.index_cast %scan3A_121 : i32 to index
        %swap3A_1687 = arith.constant 352 : index
        %swap3A_1688 = tpu.vector_load %arg6[%swap3A_1684, %swap3A_1685, %swap3A_1686, %swap3A_1687] {strides = array<i32>} : memref<2x4x8x1024xf32, #tpu.memory_space<vmem>>, vector<1x1x1x16xf32>,
        %swap3A_1689 = vector.shape_cast %swap3A_1688 : vector<1x1x1x16xf32> to vector<16xf32>
        %swap3A_1690 = vector.shape_cast %add3A_1682 : vector<16xf32> to vector<1x1x1x16xf32>
        tpu.vector_store %arg6[%swap3A_1684, %swap3A_1685, %swap3A_1686, %swap3A_1687], %swap3A_1690 {strides = array<i32>} : memref<2x4x8x1024xf32, #tpu.memory_space<vmem>>, vector<1x1x1x16xf32>,
        %get3A_1691 = arith.constant 3 : i32
        %get3A_1692 = arith.index_cast %rem3A_58 : i32 to index
        %get3A_1693 = arith.index_cast %get3A_1691 : i32 to index
        %get3A_1694 = arith.index_cast %scan3A_121 : i32 to index
        %get3A_1695 = arith.constant 352 : index
        %get3A_1696 = tpu.vector_load %arg6[%get3A_1692, %get3A_1693, %get3A_1694, %get3A_1695] {strides = array<i32>} : memref<2x4x8x1024xf32, #tpu.memory_space<vmem>>, vector<1x1x1x16xf32>,
        %get3A_1697 = vector.shape_cast %get3A_1696 : vector<1x1x1x16xf32> to vector<16xf32>
        %add3A_1698 = arith.addf %get3A_1697, %get3A_1642 : vector<16xf32>
        %swap3A_1699 = arith.constant 3 : i32
        %swap3A_1700 = arith.index_cast %rem3A_58 : i32 to index
        %swap3A_1701 = arith.index_cast %swap3A_1699 : i32 to index
        %swap3A_1702 = arith.index_cast %scan3A_121 : i32 to index
        %swap3A_1703 = arith.constant 352 : index
        %swap3A_1704 = tpu.vector_load %arg6[%swap3A_1700, %swap3A_1701, %swap3A_1702, %swap3A_1703] {strides = array<i32>} : memref<2x4x8x1024xf32, #tpu.memory_space<vmem>>, vector<1x1x1x16xf32>,
        %swap3A_1705 = vector.shape_cast %swap3A_1704 : vector<1x1x1x16xf32> to vector<16xf32>
        %swap3A_1706 = vector.shape_cast %add3A_1698 : vector<16xf32> to vector<1x1x1x16xf32>
        tpu.vector_store %arg6[%swap3A_1700, %swap3A_1701, %swap3A_1702, %swap3A_1703], %swap3A_1706 {strides = array<i32>} : memref<2x4x8x1024xf32, #tpu.memory_space<vmem>>, vector<1x1x1x16xf32>,
        %get3A_1707 = arith.index_cast %rem3A_58 : i32 to index
        %get3A_1708 = arith.index_cast %scan3A_121 : i32 to index
        %get3A_1709 = arith.constant 368 : index
        %get3A_1710 = tpu.vector_load %arg5[%get3A_1707, %get3A_1708, %get3A_1709] {strides = array<i32>} : memref<2x8x1024xf32, #tpu.memory_space<vmem>>, vector<1x1x16xf32>,
        %get3A_1711 = vector.shape_cast %get3A_1710 : vector<1x1x16xf32> to vector<16xf32>
        %get3A_1712 = arith.constant 0 : i32
        %get3A_1713 = arith.index_cast %rem3A_58 : i32 to index
        %get3A_1714 = arith.index_cast %get3A_1712 : i32 to index
        %get3A_1715 = arith.index_cast %scan3A_121 : i32 to index
        %get3A_1716 = arith.constant 368 : index
        %get3A_1717 = tpu.vector_load %arg6[%get3A_1713, %get3A_1714, %get3A_1715, %get3A_1716] {strides = array<i32>} : memref<2x4x8x1024xf32, #tpu.memory_space<vmem>>, vector<1x1x1x16xf32>,
        %get3A_1718 = vector.shape_cast %get3A_1717 : vector<1x1x1x16xf32> to vector<16xf32>
        %add3A_1719 = arith.addf %get3A_1718, %get3A_1711 : vector<16xf32>
        %swap3A_1720 = arith.constant 0 : i32
        %swap3A_1721 = arith.index_cast %rem3A_58 : i32 to index
        %swap3A_1722 = arith.index_cast %swap3A_1720 : i32 to index
        %swap3A_1723 = arith.index_cast %scan3A_121 : i32 to index
        %swap3A_1724 = arith.constant 368 : index
        %swap3A_1725 = tpu.vector_load %arg6[%swap3A_1721, %swap3A_1722, %swap3A_1723, %swap3A_1724] {strides = array<i32>} : memref<2x4x8x1024xf32, #tpu.memory_space<vmem>>, vector<1x1x1x16xf32>,
        %swap3A_1726 = vector.shape_cast %swap3A_1725 : vector<1x1x1x16xf32> to vector<16xf32>
        %swap3A_1727 = vector.shape_cast %add3A_1719 : vector<16xf32> to vector<1x1x1x16xf32>
        tpu.vector_store %arg6[%swap3A_1721, %swap3A_1722, %swap3A_1723, %swap3A_1724], %swap3A_1727 {strides = array<i32>} : memref<2x4x8x1024xf32, #tpu.memory_space<vmem>>, vector<1x1x1x16xf32>,
        %get3A_1728 = arith.constant 1 : i32
        %get3A_1729 = arith.index_cast %rem3A_58 : i32 to index
        %get3A_1730 = arith.index_cast %get3A_1728 : i32 to index
        %get3A_1731 = arith.index_cast %scan3A_121 : i32 to index
        %get3A_1732 = arith.constant 368 : index
        %get3A_1733 = tpu.vector_load %arg6[%get3A_1729, %get3A_1730, %get3A_1731, %get3A_1732] {strides = array<i32>} : memref<2x4x8x1024xf32, #tpu.memory_space<vmem>>, vector<1x1x1x16xf32>,
        %get3A_1734 = vector.shape_cast %get3A_1733 : vector<1x1x1x16xf32> to vector<16xf32>
        %add3A_1735 = arith.addf %get3A_1734, %get3A_1711 : vector<16xf32>
        %swap3A_1736 = arith.constant 1 : i32
        %swap3A_1737 = arith.index_cast %rem3A_58 : i32 to index
        %swap3A_1738 = arith.index_cast %swap3A_1736 : i32 to index
        %swap3A_1739 = arith.index_cast %scan3A_121 : i32 to index
        %swap3A_1740 = arith.constant 368 : index
        %swap3A_1741 = tpu.vector_load %arg6[%swap3A_1737, %swap3A_1738, %swap3A_1739, %swap3A_1740] {strides = array<i32>} : memref<2x4x8x1024xf32, #tpu.memory_space<vmem>>, vector<1x1x1x16xf32>,
        %swap3A_1742 = vector.shape_cast %swap3A_1741 : vector<1x1x1x16xf32> to vector<16xf32>
        %swap3A_1743 = vector.shape_cast %add3A_1735 : vector<16xf32> to vector<1x1x1x16xf32>
        tpu.vector_store %arg6[%swap3A_1737, %swap3A_1738, %swap3A_1739, %swap3A_1740], %swap3A_1743 {strides = array<i32>} : memref<2x4x8x1024xf32, #tpu.memory_space<vmem>>, vector<1x1x1x16xf32>,
        %get3A_1744 = arith.constant 2 : i32
        %get3A_1745 = arith.index_cast %rem3A_58 : i32 to index
        %get3A_1746 = arith.index_cast %get3A_1744 : i32 to index
        %get3A_1747 = arith.index_cast %scan3A_121 : i32 to index
        %get3A_1748 = arith.constant 368 : index
        %get3A_1749 = tpu.vector_load %arg6[%get3A_1745, %get3A_1746, %get3A_1747, %get3A_1748] {strides = array<i32>} : memref<2x4x8x1024xf32, #tpu.memory_space<vmem>>, vector<1x1x1x16xf32>,
        %get3A_1750 = vector.shape_cast %get3A_1749 : vector<1x1x1x16xf32> to vector<16xf32>
        %add3A_1751 = arith.addf %get3A_1750, %get3A_1711 : vector<16xf32>
        %swap3A_1752 = arith.constant 2 : i32
        %swap3A_1753 = arith.index_cast %rem3A_58 : i32 to index
        %swap3A_1754 = arith.index_cast %swap3A_1752 : i32 to index
        %swap3A_1755 = arith.index_cast %scan3A_121 : i32 to index
        %swap3A_1756 = arith.constant 368 : index
        %swap3A_1757 = tpu.vector_load %arg6[%swap3A_1753, %swap3A_1754, %swap3A_1755, %swap3A_1756] {strides = array<i32>} : memref<2x4x8x1024xf32, #tpu.memory_space<vmem>>, vector<1x1x1x16xf32>,
        %swap3A_1758 = vector.shape_cast %swap3A_1757 : vector<1x1x1x16xf32> to vector<16xf32>
        %swap3A_1759 = vector.shape_cast %add3A_1751 : vector<16xf32> to vector<1x1x1x16xf32>
        tpu.vector_store %arg6[%swap3A_1753, %swap3A_1754, %swap3A_1755, %swap3A_1756], %swap3A_1759 {strides = array<i32>} : memref<2x4x8x1024xf32, #tpu.memory_space<vmem>>, vector<1x1x1x16xf32>,
        %get3A_1760 = arith.constant 3 : i32
        %get3A_1761 = arith.index_cast %rem3A_58 : i32 to index
        %get3A_1762 = arith.index_cast %get3A_1760 : i32 to index
        %get3A_1763 = arith.index_cast %scan3A_121 : i32 to index
        %get3A_1764 = arith.constant 368 : index
        %get3A_1765 = tpu.vector_load %arg6[%get3A_1761, %get3A_1762, %get3A_1763, %get3A_1764] {strides = array<i32>} : memref<2x4x8x1024xf32, #tpu.memory_space<vmem>>, vector<1x1x1x16xf32>,
        %get3A_1766 = vector.shape_cast %get3A_1765 : vector<1x1x1x16xf32> to vector<16xf32>
        %add3A_1767 = arith.addf %get3A_1766, %get3A_1711 : vector<16xf32>
        %swap3A_1768 = arith.constant 3 : i32
        %swap3A_1769 = arith.index_cast %rem3A_58 : i32 to index
        %swap3A_1770 = arith.index_cast %swap3A_1768 : i32 to index
        %swap3A_1771 = arith.index_cast %scan3A_121 : i32 to index
        %swap3A_1772 = arith.constant 368 : index
        %swap3A_1773 = tpu.vector_load %arg6[%swap3A_1769, %swap3A_1770, %swap3A_1771, %swap3A_1772] {strides = array<i32>} : memref<2x4x8x1024xf32, #tpu.memory_space<vmem>>, vector<1x1x1x16xf32>,
        %swap3A_1774 = vector.shape_cast %swap3A_1773 : vector<1x1x1x16xf32> to vector<16xf32>
        %swap3A_1775 = vector.shape_cast %add3A_1767 : vector<16xf32> to vector<1x1x1x16xf32>
        tpu.vector_store %arg6[%swap3A_1769, %swap3A_1770, %swap3A_1771, %swap3A_1772], %swap3A_1775 {strides = array<i32>} : memref<2x4x8x1024xf32, #tpu.memory_space<vmem>>, vector<1x1x1x16xf32>,
        %get3A_1776 = arith.index_cast %rem3A_58 : i32 to index
        %get3A_1777 = arith.index_cast %scan3A_121 : i32 to index
        %get3A_1778 = arith.constant 384 : index
        %get3A_1779 = tpu.vector_load %arg5[%get3A_1776, %get3A_1777, %get3A_1778] {strides = array<i32>} : memref<2x8x1024xf32, #tpu.memory_space<vmem>>, vector<1x1x16xf32>,
        %get3A_1780 = vector.shape_cast %get3A_1779 : vector<1x1x16xf32> to vector<16xf32>
        %get3A_1781 = arith.constant 0 : i32
        %get3A_1782 = arith.index_cast %rem3A_58 : i32 to index
        %get3A_1783 = arith.index_cast %get3A_1781 : i32 to index
        %get3A_1784 = arith.index_cast %scan3A_121 : i32 to index
        %get3A_1785 = arith.constant 384 : index
        %get3A_1786 = tpu.vector_load %arg6[%get3A_1782, %get3A_1783, %get3A_1784, %get3A_1785] {strides = array<i32>} : memref<2x4x8x1024xf32, #tpu.memory_space<vmem>>, vector<1x1x1x16xf32>,
        %get3A_1787 = vector.shape_cast %get3A_1786 : vector<1x1x1x16xf32> to vector<16xf32>
        %add3A_1788 = arith.addf %get3A_1787, %get3A_1780 : vector<16xf32>
        %swap3A_1789 = arith.constant 0 : i32
        %swap3A_1790 = arith.index_cast %rem3A_58 : i32 to index
        %swap3A_1791 = arith.index_cast %swap3A_1789 : i32 to index
        %swap3A_1792 = arith.index_cast %scan3A_121 : i32 to index
        %swap3A_1793 = arith.constant 384 : index
        %swap3A_1794 = tpu.vector_load %arg6[%swap3A_1790, %swap3A_1791, %swap3A_1792, %swap3A_1793] {strides = array<i32>} : memref<2x4x8x1024xf32, #tpu.memory_space<vmem>>, vector<1x1x1x16xf32>,
        %swap3A_1795 = vector.shape_cast %swap3A_1794 : vector<1x1x1x16xf32> to vector<16xf32>
        %swap3A_1796 = vector.shape_cast %add3A_1788 : vector<16xf32> to vector<1x1x1x16xf32>
        tpu.vector_store %arg6[%swap3A_1790, %swap3A_1791, %swap3A_1792, %swap3A_1793], %swap3A_1796 {strides = array<i32>} : memref<2x4x8x1024xf32, #tpu.memory_space<vmem>>, vector<1x1x1x16xf32>,
        %get3A_1797 = arith.constant 1 : i32
        %get3A_1798 = arith.index_cast %rem3A_58 : i32 to index
        %get3A_1799 = arith.index_cast %get3A_1797 : i32 to index
        %get3A_1800 = arith.index_cast %scan3A_121 : i32 to index
        %get3A_1801 = arith.constant 384 : index
        %get3A_1802 = tpu.vector_load %arg6[%get3A_1798, %get3A_1799, %get3A_1800, %get3A_1801] {strides = array<i32>} : memref<2x4x8x1024xf32, #tpu.memory_space<vmem>>, vector<1x1x1x16xf32>,
        %get3A_1803 = vector.shape_cast %get3A_1802 : vector<1x1x1x16xf32> to vector<16xf32>
        %add3A_1804 = arith.addf %get3A_1803, %get3A_1780 : vector<16xf32>
        %swap3A_1805 = arith.constant 1 : i32
        %swap3A_1806 = arith.index_cast %rem3A_58 : i32 to index
        %swap3A_1807 = arith.index_cast %swap3A_1805 : i32 to index
        %swap3A_1808 = arith.index_cast %scan3A_121 : i32 to index
        %swap3A_1809 = arith.constant 384 : index
        %swap3A_1810 = tpu.vector_load %arg6[%swap3A_1806, %swap3A_1807, %swap3A_1808, %swap3A_1809] {strides = array<i32>} : memref<2x4x8x1024xf32, #tpu.memory_space<vmem>>, vector<1x1x1x16xf32>,
        %swap3A_1811 = vector.shape_cast %swap3A_1810 : vector<1x1x1x16xf32> to vector<16xf32>
        %swap3A_1812 = vector.shape_cast %add3A_1804 : vector<16xf32> to vector<1x1x1x16xf32>
        tpu.vector_store %arg6[%swap3A_1806, %swap3A_1807, %swap3A_1808, %swap3A_1809], %swap3A_1812 {strides = array<i32>} : memref<2x4x8x1024xf32, #tpu.memory_space<vmem>>, vector<1x1x1x16xf32>,
        %get3A_1813 = arith.constant 2 : i32
        %get3A_1814 = arith.index_cast %rem3A_58 : i32 to index
        %get3A_1815 = arith.index_cast %get3A_1813 : i32 to index
        %get3A_1816 = arith.index_cast %scan3A_121 : i32 to index
        %get3A_1817 = arith.constant 384 : index
        %get3A_1818 = tpu.vector_load %arg6[%get3A_1814, %get3A_1815, %get3A_1816, %get3A_1817] {strides = array<i32>} : memref<2x4x8x1024xf32, #tpu.memory_space<vmem>>, vector<1x1x1x16xf32>,
        %get3A_1819 = vector.shape_cast %get3A_1818 : vector<1x1x1x16xf32> to vector<16xf32>
        %add3A_1820 = arith.addf %get3A_1819, %get3A_1780 : vector<16xf32>
        %swap3A_1821 = arith.constant 2 : i32
        %swap3A_1822 = arith.index_cast %rem3A_58 : i32 to index
        %swap3A_1823 = arith.index_cast %swap3A_1821 : i32 to index
        %swap3A_1824 = arith.index_cast %scan3A_121 : i32 to index
        %swap3A_1825 = arith.constant 384 : index
        %swap3A_1826 = tpu.vector_load %arg6[%swap3A_1822, %swap3A_1823, %swap3A_1824, %swap3A_1825] {strides = array<i32>} : memref<2x4x8x1024xf32, #tpu.memory_space<vmem>>, vector<1x1x1x16xf32>,
        %swap3A_1827 = vector.shape_cast %swap3A_1826 : vector<1x1x1x16xf32> to vector<16xf32>
        %swap3A_1828 = vector.shape_cast %add3A_1820 : vector<16xf32> to vector<1x1x1x16xf32>
        tpu.vector_store %arg6[%swap3A_1822, %swap3A_1823, %swap3A_1824, %swap3A_1825], %swap3A_1828 {strides = array<i32>} : memref<2x4x8x1024xf32, #tpu.memory_space<vmem>>, vector<1x1x1x16xf32>,
        %get3A_1829 = arith.constant 3 : i32
        %get3A_1830 = arith.index_cast %rem3A_58 : i32 to index
        %get3A_1831 = arith.index_cast %get3A_1829 : i32 to index
        %get3A_1832 = arith.index_cast %scan3A_121 : i32 to index
        %get3A_1833 = arith.constant 384 : index
        %get3A_1834 = tpu.vector_load %arg6[%get3A_1830, %get3A_1831, %get3A_1832, %get3A_1833] {strides = array<i32>} : memref<2x4x8x1024xf32, #tpu.memory_space<vmem>>, vector<1x1x1x16xf32>,
        %get3A_1835 = vector.shape_cast %get3A_1834 : vector<1x1x1x16xf32> to vector<16xf32>
        %add3A_1836 = arith.addf %get3A_1835, %get3A_1780 : vector<16xf32>
        %swap3A_1837 = arith.constant 3 : i32
        %swap3A_1838 = arith.index_cast %rem3A_58 : i32 to index
        %swap3A_1839 = arith.index_cast %swap3A_1837 : i32 to index
        %swap3A_1840 = arith.index_cast %scan3A_121 : i32 to index
        %swap3A_1841 = arith.constant 384 : index
        %swap3A_1842 = tpu.vector_load %arg6[%swap3A_1838, %swap3A_1839, %swap3A_1840, %swap3A_1841] {strides = array<i32>} : memref<2x4x8x1024xf32, #tpu.memory_space<vmem>>, vector<1x1x1x16xf32>,
        %swap3A_1843 = vector.shape_cast %swap3A_1842 : vector<1x1x1x16xf32> to vector<16xf32>
        %swap3A_1844 = vector.shape_cast %add3A_1836 : vector<16xf32> to vector<1x1x1x16xf32>
        tpu.vector_store %arg6[%swap3A_1838, %swap3A_1839, %swap3A_1840, %swap3A_1841], %swap3A_1844 {strides = array<i32>} : memref<2x4x8x1024xf32, #tpu.memory_space<vmem>>, vector<1x1x1x16xf32>,
        %get3A_1845 = arith.index_cast %rem3A_58 : i32 to index
        %get3A_1846 = arith.index_cast %scan3A_121 : i32 to index
        %get3A_1847 = arith.constant 400 : index
        %get3A_1848 = tpu.vector_load %arg5[%get3A_1845, %get3A_1846, %get3A_1847] {strides = array<i32>} : memref<2x8x1024xf32, #tpu.memory_space<vmem>>, vector<1x1x16xf32>,
        %get3A_1849 = vector.shape_cast %get3A_1848 : vector<1x1x16xf32> to vector<16xf32>
        %get3A_1850 = arith.constant 0 : i32
        %get3A_1851 = arith.index_cast %rem3A_58 : i32 to index
        %get3A_1852 = arith.index_cast %get3A_1850 : i32 to index
        %get3A_1853 = arith.index_cast %scan3A_121 : i32 to index
        %get3A_1854 = arith.constant 400 : index
        %get3A_1855 = tpu.vector_load %arg6[%get3A_1851, %get3A_1852, %get3A_1853, %get3A_1854] {strides = array<i32>} : memref<2x4x8x1024xf32, #tpu.memory_space<vmem>>, vector<1x1x1x16xf32>,
        %get3A_1856 = vector.shape_cast %get3A_1855 : vector<1x1x1x16xf32> to vector<16xf32>
        %add3A_1857 = arith.addf %get3A_1856, %get3A_1849 : vector<16xf32>
        %swap3A_1858 = arith.constant 0 : i32
        %swap3A_1859 = arith.index_cast %rem3A_58 : i32 to index
        %swap3A_1860 = arith.index_cast %swap3A_1858 : i32 to index
        %swap3A_1861 = arith.index_cast %scan3A_121 : i32 to index
        %swap3A_1862 = arith.constant 400 : index
        %swap3A_1863 = tpu.vector_load %arg6[%swap3A_1859, %swap3A_1860, %swap3A_1861, %swap3A_1862] {strides = array<i32>} : memref<2x4x8x1024xf32, #tpu.memory_space<vmem>>, vector<1x1x1x16xf32>,
        %swap3A_1864 = vector.shape_cast %swap3A_1863 : vector<1x1x1x16xf32> to vector<16xf32>
        %swap3A_1865 = vector.shape_cast %add3A_1857 : vector<16xf32> to vector<1x1x1x16xf32>
        tpu.vector_store %arg6[%swap3A_1859, %swap3A_1860, %swap3A_1861, %swap3A_1862], %swap3A_1865 {strides = array<i32>} : memref<2x4x8x1024xf32, #tpu.memory_space<vmem>>, vector<1x1x1x16xf32>,
        %get3A_1866 = arith.constant 1 : i32
        %get3A_1867 = arith.index_cast %rem3A_58 : i32 to index
        %get3A_1868 = arith.index_cast %get3A_1866 : i32 to index
        %get3A_1869 = arith.index_cast %scan3A_121 : i32 to index
        %get3A_1870 = arith.constant 400 : index
        %get3A_1871 = tpu.vector_load %arg6[%get3A_1867, %get3A_1868, %get3A_1869, %get3A_1870] {strides = array<i32>} : memref<2x4x8x1024xf32, #tpu.memory_space<vmem>>, vector<1x1x1x16xf32>,
        %get3A_1872 = vector.shape_cast %get3A_1871 : vector<1x1x1x16xf32> to vector<16xf32>
        %add3A_1873 = arith.addf %get3A_1872, %get3A_1849 : vector<16xf32>
        %swap3A_1874 = arith.constant 1 : i32
        %swap3A_1875 = arith.index_cast %rem3A_58 : i32 to index
        %swap3A_1876 = arith.index_cast %swap3A_1874 : i32 to index
        %swap3A_1877 = arith.index_cast %scan3A_121 : i32 to index
        %swap3A_1878 = arith.constant 400 : index
        %swap3A_1879 = tpu.vector_load %arg6[%swap3A_1875, %swap3A_1876, %swap3A_1877, %swap3A_1878] {strides = array<i32>} : memref<2x4x8x1024xf32, #tpu.memory_space<vmem>>, vector<1x1x1x16xf32>,
        %swap3A_1880 = vector.shape_cast %swap3A_1879 : vector<1x1x1x16xf32> to vector<16xf32>
        %swap3A_1881 = vector.shape_cast %add3A_1873 : vector<16xf32> to vector<1x1x1x16xf32>
        tpu.vector_store %arg6[%swap3A_1875, %swap3A_1876, %swap3A_1877, %swap3A_1878], %swap3A_1881 {strides = array<i32>} : memref<2x4x8x1024xf32, #tpu.memory_space<vmem>>, vector<1x1x1x16xf32>,
        %get3A_1882 = arith.constant 2 : i32
        %get3A_1883 = arith.index_cast %rem3A_58 : i32 to index
        %get3A_1884 = arith.index_cast %get3A_1882 : i32 to index
        %get3A_1885 = arith.index_cast %scan3A_121 : i32 to index
        %get3A_1886 = arith.constant 400 : index
        %get3A_1887 = tpu.vector_load %arg6[%get3A_1883, %get3A_1884, %get3A_1885, %get3A_1886] {strides = array<i32>} : memref<2x4x8x1024xf32, #tpu.memory_space<vmem>>, vector<1x1x1x16xf32>,
        %get3A_1888 = vector.shape_cast %get3A_1887 : vector<1x1x1x16xf32> to vector<16xf32>
        %add3A_1889 = arith.addf %get3A_1888, %get3A_1849 : vector<16xf32>
        %swap3A_1890 = arith.constant 2 : i32
        %swap3A_1891 = arith.index_cast %rem3A_58 : i32 to index
        %swap3A_1892 = arith.index_cast %swap3A_1890 : i32 to index
        %swap3A_1893 = arith.index_cast %scan3A_121 : i32 to index
        %swap3A_1894 = arith.constant 400 : index
        %swap3A_1895 = tpu.vector_load %arg6[%swap3A_1891, %swap3A_1892, %swap3A_1893, %swap3A_1894] {strides = array<i32>} : memref<2x4x8x1024xf32, #tpu.memory_space<vmem>>, vector<1x1x1x16xf32>,
        %swap3A_1896 = vector.shape_cast %swap3A_1895 : vector<1x1x1x16xf32> to vector<16xf32>
        %swap3A_1897 = vector.shape_cast %add3A_1889 : vector<16xf32> to vector<1x1x1x16xf32>
        tpu.vector_store %arg6[%swap3A_1891, %swap3A_1892, %swap3A_1893, %swap3A_1894], %swap3A_1897 {strides = array<i32>} : memref<2x4x8x1024xf32, #tpu.memory_space<vmem>>, vector<1x1x1x16xf32>,
        %get3A_1898 = arith.constant 3 : i32
        %get3A_1899 = arith.index_cast %rem3A_58 : i32 to index
        %get3A_1900 = arith.index_cast %get3A_1898 : i32 to index
        %get3A_1901 = arith.index_cast %scan3A_121 : i32 to index
        %get3A_1902 = arith.constant 400 : index
        %get3A_1903 = tpu.vector_load %arg6[%get3A_1899, %get3A_1900, %get3A_1901, %get3A_1902] {strides = array<i32>} : memref<2x4x8x1024xf32, #tpu.memory_space<vmem>>, vector<1x1x1x16xf32>,
        %get3A_1904 = vector.shape_cast %get3A_1903 : vector<1x1x1x16xf32> to vector<16xf32>
        %add3A_1905 = arith.addf %get3A_1904, %get3A_1849 : vector<16xf32>
        %swap3A_1906 = arith.constant 3 : i32
        %swap3A_1907 = arith.index_cast %rem3A_58 : i32 to index
        %swap3A_1908 = arith.index_cast %swap3A_1906 : i32 to index
        %swap3A_1909 = arith.index_cast %scan3A_121 : i32 to index
        %swap3A_1910 = arith.constant 400 : index
        %swap3A_1911 = tpu.vector_load %arg6[%swap3A_1907, %swap3A_1908, %swap3A_1909, %swap3A_1910] {strides = array<i32>} : memref<2x4x8x1024xf32, #tpu.memory_space<vmem>>, vector<1x1x1x16xf32>,
        %swap3A_1912 = vector.shape_cast %swap3A_1911 : vector<1x1x1x16xf32> to vector<16xf32>
        %swap3A_1913 = vector.shape_cast %add3A_1905 : vector<16xf32> to vector<1x1x1x16xf32>
        tpu.vector_store %arg6[%swap3A_1907, %swap3A_1908, %swap3A_1909, %swap3A_1910], %swap3A_1913 {strides = array<i32>} : memref<2x4x8x1024xf32, #tpu.memory_space<vmem>>, vector<1x1x1x16xf32>,
        %get3A_1914 = arith.index_cast %rem3A_58 : i32 to index
        %get3A_1915 = arith.index_cast %scan3A_121 : i32 to index
        %get3A_1916 = arith.constant 416 : index
        %get3A_1917 = tpu.vector_load %arg5[%get3A_1914, %get3A_1915, %get3A_1916] {strides = array<i32>} : memref<2x8x1024xf32, #tpu.memory_space<vmem>>, vector<1x1x16xf32>,
        %get3A_1918 = vector.shape_cast %get3A_1917 : vector<1x1x16xf32> to vector<16xf32>
        %get3A_1919 = arith.constant 0 : i32
        %get3A_1920 = arith.index_cast %rem3A_58 : i32 to index
        %get3A_1921 = arith.index_cast %get3A_1919 : i32 to index
        %get3A_1922 = arith.index_cast %scan3A_121 : i32 to index
        %get3A_1923 = arith.constant 416 : index
        %get3A_1924 = tpu.vector_load %arg6[%get3A_1920, %get3A_1921, %get3A_1922, %get3A_1923] {strides = array<i32>} : memref<2x4x8x1024xf32, #tpu.memory_space<vmem>>, vector<1x1x1x16xf32>,
        %get3A_1925 = vector.shape_cast %get3A_1924 : vector<1x1x1x16xf32> to vector<16xf32>
        %add3A_1926 = arith.addf %get3A_1925, %get3A_1918 : vector<16xf32>
        %swap3A_1927 = arith.constant 0 : i32
        %swap3A_1928 = arith.index_cast %rem3A_58 : i32 to index
        %swap3A_1929 = arith.index_cast %swap3A_1927 : i32 to index
        %swap3A_1930 = arith.index_cast %scan3A_121 : i32 to index
        %swap3A_1931 = arith.constant 416 : index
        %swap3A_1932 = tpu.vector_load %arg6[%swap3A_1928, %swap3A_1929, %swap3A_1930, %swap3A_1931] {strides = array<i32>} : memref<2x4x8x1024xf32, #tpu.memory_space<vmem>>, vector<1x1x1x16xf32>,
        %swap3A_1933 = vector.shape_cast %swap3A_1932 : vector<1x1x1x16xf32> to vector<16xf32>
        %swap3A_1934 = vector.shape_cast %add3A_1926 : vector<16xf32> to vector<1x1x1x16xf32>
        tpu.vector_store %arg6[%swap3A_1928, %swap3A_1929, %swap3A_1930, %swap3A_1931], %swap3A_1934 {strides = array<i32>} : memref<2x4x8x1024xf32, #tpu.memory_space<vmem>>, vector<1x1x1x16xf32>,
        %get3A_1935 = arith.constant 1 : i32
        %get3A_1936 = arith.index_cast %rem3A_58 : i32 to index
        %get3A_1937 = arith.index_cast %get3A_1935 : i32 to index
        %get3A_1938 = arith.index_cast %scan3A_121 : i32 to index
        %get3A_1939 = arith.constant 416 : index
        %get3A_1940 = tpu.vector_load %arg6[%get3A_1936, %get3A_1937, %get3A_1938, %get3A_1939] {strides = array<i32>} : memref<2x4x8x1024xf32, #tpu.memory_space<vmem>>, vector<1x1x1x16xf32>,
        %get3A_1941 = vector.shape_cast %get3A_1940 : vector<1x1x1x16xf32> to vector<16xf32>
        %add3A_1942 = arith.addf %get3A_1941, %get3A_1918 : vector<16xf32>
        %swap3A_1943 = arith.constant 1 : i32
        %swap3A_1944 = arith.index_cast %rem3A_58 : i32 to index
        %swap3A_1945 = arith.index_cast %swap3A_1943 : i32 to index
        %swap3A_1946 = arith.index_cast %scan3A_121 : i32 to index
        %swap3A_1947 = arith.constant 416 : index
        %swap3A_1948 = tpu.vector_load %arg6[%swap3A_1944, %swap3A_1945, %swap3A_1946, %swap3A_1947] {strides = array<i32>} : memref<2x4x8x1024xf32, #tpu.memory_space<vmem>>, vector<1x1x1x16xf32>,
        %swap3A_1949 = vector.shape_cast %swap3A_1948 : vector<1x1x1x16xf32> to vector<16xf32>
        %swap3A_1950 = vector.shape_cast %add3A_1942 : vector<16xf32> to vector<1x1x1x16xf32>
        tpu.vector_store %arg6[%swap3A_1944, %swap3A_1945, %swap3A_1946, %swap3A_1947], %swap3A_1950 {strides = array<i32>} : memref<2x4x8x1024xf32, #tpu.memory_space<vmem>>, vector<1x1x1x16xf32>,
        %get3A_1951 = arith.constant 2 : i32
        %get3A_1952 = arith.index_cast %rem3A_58 : i32 to index
        %get3A_1953 = arith.index_cast %get3A_1951 : i32 to index
        %get3A_1954 = arith.index_cast %scan3A_121 : i32 to index
        %get3A_1955 = arith.constant 416 : index
        %get3A_1956 = tpu.vector_load %arg6[%get3A_1952, %get3A_1953, %get3A_1954, %get3A_1955] {strides = array<i32>} : memref<2x4x8x1024xf32, #tpu.memory_space<vmem>>, vector<1x1x1x16xf32>,
        %get3A_1957 = vector.shape_cast %get3A_1956 : vector<1x1x1x16xf32> to vector<16xf32>
        %add3A_1958 = arith.addf %get3A_1957, %get3A_1918 : vector<16xf32>
        %swap3A_1959 = arith.constant 2 : i32
        %swap3A_1960 = arith.index_cast %rem3A_58 : i32 to index
        %swap3A_1961 = arith.index_cast %swap3A_1959 : i32 to index
        %swap3A_1962 = arith.index_cast %scan3A_121 : i32 to index
        %swap3A_1963 = arith.constant 416 : index
        %swap3A_1964 = tpu.vector_load %arg6[%swap3A_1960, %swap3A_1961, %swap3A_1962, %swap3A_1963] {strides = array<i32>} : memref<2x4x8x1024xf32, #tpu.memory_space<vmem>>, vector<1x1x1x16xf32>,
        %swap3A_1965 = vector.shape_cast %swap3A_1964 : vector<1x1x1x16xf32> to vector<16xf32>
        %swap3A_1966 = vector.shape_cast %add3A_1958 : vector<16xf32> to vector<1x1x1x16xf32>
        tpu.vector_store %arg6[%swap3A_1960, %swap3A_1961, %swap3A_1962, %swap3A_1963], %swap3A_1966 {strides = array<i32>} : memref<2x4x8x1024xf32, #tpu.memory_space<vmem>>, vector<1x1x1x16xf32>,
        %get3A_1967 = arith.constant 3 : i32
        %get3A_1968 = arith.index_cast %rem3A_58 : i32 to index
        %get3A_1969 = arith.index_cast %get3A_1967 : i32 to index
        %get3A_1970 = arith.index_cast %scan3A_121 : i32 to index
        %get3A_1971 = arith.constant 416 : index
        %get3A_1972 = tpu.vector_load %arg6[%get3A_1968, %get3A_1969, %get3A_1970, %get3A_1971] {strides = array<i32>} : memref<2x4x8x1024xf32, #tpu.memory_space<vmem>>, vector<1x1x1x16xf32>,
        %get3A_1973 = vector.shape_cast %get3A_1972 : vector<1x1x1x16xf32> to vector<16xf32>
        %add3A_1974 = arith.addf %get3A_1973, %get3A_1918 : vector<16xf32>
        %swap3A_1975 = arith.constant 3 : i32
        %swap3A_1976 = arith.index_cast %rem3A_58 : i32 to index
        %swap3A_1977 = arith.index_cast %swap3A_1975 : i32 to index
        %swap3A_1978 = arith.index_cast %scan3A_121 : i32 to index
        %swap3A_1979 = arith.constant 416 : index
        %swap3A_1980 = tpu.vector_load %arg6[%swap3A_1976, %swap3A_1977, %swap3A_1978, %swap3A_1979] {strides = array<i32>} : memref<2x4x8x1024xf32, #tpu.memory_space<vmem>>, vector<1x1x1x16xf32>,
        %swap3A_1981 = vector.shape_cast %swap3A_1980 : vector<1x1x1x16xf32> to vector<16xf32>
        %swap3A_1982 = vector.shape_cast %add3A_1974 : vector<16xf32> to vector<1x1x1x16xf32>
        tpu.vector_store %arg6[%swap3A_1976, %swap3A_1977, %swap3A_1978, %swap3A_1979], %swap3A_1982 {strides = array<i32>} : memref<2x4x8x1024xf32, #tpu.memory_space<vmem>>, vector<1x1x1x16xf32>,
        %get3A_1983 = arith.index_cast %rem3A_58 : i32 to index
        %get3A_1984 = arith.index_cast %scan3A_121 : i32 to index
        %get3A_1985 = arith.constant 432 : index
        %get3A_1986 = tpu.vector_load %arg5[%get3A_1983, %get3A_1984, %get3A_1985] {strides = array<i32>} : memref<2x8x1024xf32, #tpu.memory_space<vmem>>, vector<1x1x16xf32>,
        %get3A_1987 = vector.shape_cast %get3A_1986 : vector<1x1x16xf32> to vector<16xf32>
        %get3A_1988 = arith.constant 0 : i32
        %get3A_1989 = arith.index_cast %rem3A_58 : i32 to index
        %get3A_1990 = arith.index_cast %get3A_1988 : i32 to index
        %get3A_1991 = arith.index_cast %scan3A_121 : i32 to index
        %get3A_1992 = arith.constant 432 : index
        %get3A_1993 = tpu.vector_load %arg6[%get3A_1989, %get3A_1990, %get3A_1991, %get3A_1992] {strides = array<i32>} : memref<2x4x8x1024xf32, #tpu.memory_space<vmem>>, vector<1x1x1x16xf32>,
        %get3A_1994 = vector.shape_cast %get3A_1993 : vector<1x1x1x16xf32> to vector<16xf32>
        %add3A_1995 = arith.addf %get3A_1994, %get3A_1987 : vector<16xf32>
        %swap3A_1996 = arith.constant 0 : i32
        %swap3A_1997 = arith.index_cast %rem3A_58 : i32 to index
        %swap3A_1998 = arith.index_cast %swap3A_1996 : i32 to index
        %swap3A_1999 = arith.index_cast %scan3A_121 : i32 to index
        %swap3A_2000 = arith.constant 432 : index
        %swap3A_2001 = tpu.vector_load %arg6[%swap3A_1997, %swap3A_1998, %swap3A_1999, %swap3A_2000] {strides = array<i32>} : memref<2x4x8x1024xf32, #tpu.memory_space<vmem>>, vector<1x1x1x16xf32>,
        %swap3A_2002 = vector.shape_cast %swap3A_2001 : vector<1x1x1x16xf32> to vector<16xf32>
        %swap3A_2003 = vector.shape_cast %add3A_1995 : vector<16xf32> to vector<1x1x1x16xf32>
        tpu.vector_store %arg6[%swap3A_1997, %swap3A_1998, %swap3A_1999, %swap3A_2000], %swap3A_2003 {strides = array<i32>} : memref<2x4x8x1024xf32, #tpu.memory_space<vmem>>, vector<1x1x1x16xf32>,
        %get3A_2004 = arith.constant 1 : i32
        %get3A_2005 = arith.index_cast %rem3A_58 : i32 to index
        %get3A_2006 = arith.index_cast %get3A_2004 : i32 to index
        %get3A_2007 = arith.index_cast %scan3A_121 : i32 to index
        %get3A_2008 = arith.constant 432 : index
        %get3A_2009 = tpu.vector_load %arg6[%get3A_2005, %get3A_2006, %get3A_2007, %get3A_2008] {strides = array<i32>} : memref<2x4x8x1024xf32, #tpu.memory_space<vmem>>, vector<1x1x1x16xf32>,
        %get3A_2010 = vector.shape_cast %get3A_2009 : vector<1x1x1x16xf32> to vector<16xf32>
        %add3A_2011 = arith.addf %get3A_2010, %get3A_1987 : vector<16xf32>
        %swap3A_2012 = arith.constant 1 : i32
        %swap3A_2013 = arith.index_cast %rem3A_58 : i32 to index
        %swap3A_2014 = arith.index_cast %swap3A_2012 : i32 to index
        %swap3A_2015 = arith.index_cast %scan3A_121 : i32 to index
        %swap3A_2016 = arith.constant 432 : index
        %swap3A_2017 = tpu.vector_load %arg6[%swap3A_2013, %swap3A_2014, %swap3A_2015, %swap3A_2016] {strides = array<i32>} : memref<2x4x8x1024xf32, #tpu.memory_space<vmem>>, vector<1x1x1x16xf32>,
        %swap3A_2018 = vector.shape_cast %swap3A_2017 : vector<1x1x1x16xf32> to vector<16xf32>
        %swap3A_2019 = vector.shape_cast %add3A_2011 : vector<16xf32> to vector<1x1x1x16xf32>
        tpu.vector_store %arg6[%swap3A_2013, %swap3A_2014, %swap3A_2015, %swap3A_2016], %swap3A_2019 {strides = array<i32>} : memref<2x4x8x1024xf32, #tpu.memory_space<vmem>>, vector<1x1x1x16xf32>,
        %get3A_2020 = arith.constant 2 : i32
        %get3A_2021 = arith.index_cast %rem3A_58 : i32 to index
        %get3A_2022 = arith.index_cast %get3A_2020 : i32 to index
        %get3A_2023 = arith.index_cast %scan3A_121 : i32 to index
        %get3A_2024 = arith.constant 432 : index
        %get3A_2025 = tpu.vector_load %arg6[%get3A_2021, %get3A_2022, %get3A_2023, %get3A_2024] {strides = array<i32>} : memref<2x4x8x1024xf32, #tpu.memory_space<vmem>>, vector<1x1x1x16xf32>,
        %get3A_2026 = vector.shape_cast %get3A_2025 : vector<1x1x1x16xf32> to vector<16xf32>
        %add3A_2027 = arith.addf %get3A_2026, %get3A_1987 : vector<16xf32>
        %swap3A_2028 = arith.constant 2 : i32
        %swap3A_2029 = arith.index_cast %rem3A_58 : i32 to index
        %swap3A_2030 = arith.index_cast %swap3A_2028 : i32 to index
        %swap3A_2031 = arith.index_cast %scan3A_121 : i32 to index
        %swap3A_2032 = arith.constant 432 : index
        %swap3A_2033 = tpu.vector_load %arg6[%swap3A_2029, %swap3A_2030, %swap3A_2031, %swap3A_2032] {strides = array<i32>} : memref<2x4x8x1024xf32, #tpu.memory_space<vmem>>, vector<1x1x1x16xf32>,
        %swap3A_2034 = vector.shape_cast %swap3A_2033 : vector<1x1x1x16xf32> to vector<16xf32>
        %swap3A_2035 = vector.shape_cast %add3A_2027 : vector<16xf32> to vector<1x1x1x16xf32>
        tpu.vector_store %arg6[%swap3A_2029, %swap3A_2030, %swap3A_2031, %swap3A_2032], %swap3A_2035 {strides = array<i32>} : memref<2x4x8x1024xf32, #tpu.memory_space<vmem>>, vector<1x1x1x16xf32>,
        %get3A_2036 = arith.constant 3 : i32
        %get3A_2037 = arith.index_cast %rem3A_58 : i32 to index
        %get3A_2038 = arith.index_cast %get3A_2036 : i32 to index
        %get3A_2039 = arith.index_cast %scan3A_121 : i32 to index
        %get3A_2040 = arith.constant 432 : index
        %get3A_2041 = tpu.vector_load %arg6[%get3A_2037, %get3A_2038, %get3A_2039, %get3A_2040] {strides = array<i32>} : memref<2x4x8x1024xf32, #tpu.memory_space<vmem>>, vector<1x1x1x16xf32>,
        %get3A_2042 = vector.shape_cast %get3A_2041 : vector<1x1x1x16xf32> to vector<16xf32>
        %add3A_2043 = arith.addf %get3A_2042, %get3A_1987 : vector<16xf32>
        %swap3A_2044 = arith.constant 3 : i32
        %swap3A_2045 = arith.index_cast %rem3A_58 : i32 to index
        %swap3A_2046 = arith.index_cast %swap3A_2044 : i32 to index
        %swap3A_2047 = arith.index_cast %scan3A_121 : i32 to index
        %swap3A_2048 = arith.constant 432 : index
        %swap3A_2049 = tpu.vector_load %arg6[%swap3A_2045, %swap3A_2046, %swap3A_2047, %swap3A_2048] {strides = array<i32>} : memref<2x4x8x1024xf32, #tpu.memory_space<vmem>>, vector<1x1x1x16xf32>,
        %swap3A_2050 = vector.shape_cast %swap3A_2049 : vector<1x1x1x16xf32> to vector<16xf32>
        %swap3A_2051 = vector.shape_cast %add3A_2043 : vector<16xf32> to vector<1x1x1x16xf32>
        tpu.vector_store %arg6[%swap3A_2045, %swap3A_2046, %swap3A_2047, %swap3A_2048], %swap3A_2051 {strides = array<i32>} : memref<2x4x8x1024xf32, #tpu.memory_space<vmem>>, vector<1x1x1x16xf32>,
        %get3A_2052 = arith.index_cast %rem3A_58 : i32 to index
        %get3A_2053 = arith.index_cast %scan3A_121 : i32 to index
        %get3A_2054 = arith.constant 448 : index
        %get3A_2055 = tpu.vector_load %arg5[%get3A_2052, %get3A_2053, %get3A_2054] {strides = array<i32>} : memref<2x8x1024xf32, #tpu.memory_space<vmem>>, vector<1x1x16xf32>,
        %get3A_2056 = vector.shape_cast %get3A_2055 : vector<1x1x16xf32> to vector<16xf32>
        %get3A_2057 = arith.constant 0 : i32
        %get3A_2058 = arith.index_cast %rem3A_58 : i32 to index
        %get3A_2059 = arith.index_cast %get3A_2057 : i32 to index
        %get3A_2060 = arith.index_cast %scan3A_121 : i32 to index
        %get3A_2061 = arith.constant 448 : index
        %get3A_2062 = tpu.vector_load %arg6[%get3A_2058, %get3A_2059, %get3A_2060, %get3A_2061] {strides = array<i32>} : memref<2x4x8x1024xf32, #tpu.memory_space<vmem>>, vector<1x1x1x16xf32>,
        %get3A_2063 = vector.shape_cast %get3A_2062 : vector<1x1x1x16xf32> to vector<16xf32>
        %add3A_2064 = arith.addf %get3A_2063, %get3A_2056 : vector<16xf32>
        %swap3A_2065 = arith.constant 0 : i32
        %swap3A_2066 = arith.index_cast %rem3A_58 : i32 to index
        %swap3A_2067 = arith.index_cast %swap3A_2065 : i32 to index
        %swap3A_2068 = arith.index_cast %scan3A_121 : i32 to index
        %swap3A_2069 = arith.constant 448 : index
        %swap3A_2070 = tpu.vector_load %arg6[%swap3A_2066, %swap3A_2067, %swap3A_2068, %swap3A_2069] {strides = array<i32>} : memref<2x4x8x1024xf32, #tpu.memory_space<vmem>>, vector<1x1x1x16xf32>,
        %swap3A_2071 = vector.shape_cast %swap3A_2070 : vector<1x1x1x16xf32> to vector<16xf32>
        %swap3A_2072 = vector.shape_cast %add3A_2064 : vector<16xf32> to vector<1x1x1x16xf32>
        tpu.vector_store %arg6[%swap3A_2066, %swap3A_2067, %swap3A_2068, %swap3A_2069], %swap3A_2072 {strides = array<i32>} : memref<2x4x8x1024xf32, #tpu.memory_space<vmem>>, vector<1x1x1x16xf32>,
        %get3A_2073 = arith.constant 1 : i32
        %get3A_2074 = arith.index_cast %rem3A_58 : i32 to index
        %get3A_2075 = arith.index_cast %get3A_2073 : i32 to index
        %get3A_2076 = arith.index_cast %scan3A_121 : i32 to index
        %get3A_2077 = arith.constant 448 : index
        %get3A_2078 = tpu.vector_load %arg6[%get3A_2074, %get3A_2075, %get3A_2076, %get3A_2077] {strides = array<i32>} : memref<2x4x8x1024xf32, #tpu.memory_space<vmem>>, vector<1x1x1x16xf32>,
        %get3A_2079 = vector.shape_cast %get3A_2078 : vector<1x1x1x16xf32> to vector<16xf32>
        %add3A_2080 = arith.addf %get3A_2079, %get3A_2056 : vector<16xf32>
        %swap3A_2081 = arith.constant 1 : i32
        %swap3A_2082 = arith.index_cast %rem3A_58 : i32 to index
        %swap3A_2083 = arith.index_cast %swap3A_2081 : i32 to index
        %swap3A_2084 = arith.index_cast %scan3A_121 : i32 to index
        %swap3A_2085 = arith.constant 448 : index
        %swap3A_2086 = tpu.vector_load %arg6[%swap3A_2082, %swap3A_2083, %swap3A_2084, %swap3A_2085] {strides = array<i32>} : memref<2x4x8x1024xf32, #tpu.memory_space<vmem>>, vector<1x1x1x16xf32>,
        %swap3A_2087 = vector.shape_cast %swap3A_2086 : vector<1x1x1x16xf32> to vector<16xf32>
        %swap3A_2088 = vector.shape_cast %add3A_2080 : vector<16xf32> to vector<1x1x1x16xf32>
        tpu.vector_store %arg6[%swap3A_2082, %swap3A_2083, %swap3A_2084, %swap3A_2085], %swap3A_2088 {strides = array<i32>} : memref<2x4x8x1024xf32, #tpu.memory_space<vmem>>, vector<1x1x1x16xf32>,
        %get3A_2089 = arith.constant 2 : i32
        %get3A_2090 = arith.index_cast %rem3A_58 : i32 to index
        %get3A_2091 = arith.index_cast %get3A_2089 : i32 to index
        %get3A_2092 = arith.index_cast %scan3A_121 : i32 to index
        %get3A_2093 = arith.constant 448 : index
        %get3A_2094 = tpu.vector_load %arg6[%get3A_2090, %get3A_2091, %get3A_2092, %get3A_2093] {strides = array<i32>} : memref<2x4x8x1024xf32, #tpu.memory_space<vmem>>, vector<1x1x1x16xf32>,
        %get3A_2095 = vector.shape_cast %get3A_2094 : vector<1x1x1x16xf32> to vector<16xf32>
        %add3A_2096 = arith.addf %get3A_2095, %get3A_2056 : vector<16xf32>
        %swap3A_2097 = arith.constant 2 : i32
        %swap3A_2098 = arith.index_cast %rem3A_58 : i32 to index
        %swap3A_2099 = arith.index_cast %swap3A_2097 : i32 to index
        %swap3A_2100 = arith.index_cast %scan3A_121 : i32 to index
        %swap3A_2101 = arith.constant 448 : index
        %swap3A_2102 = tpu.vector_load %arg6[%swap3A_2098, %swap3A_2099, %swap3A_2100, %swap3A_2101] {strides = array<i32>} : memref<2x4x8x1024xf32, #tpu.memory_space<vmem>>, vector<1x1x1x16xf32>,
        %swap3A_2103 = vector.shape_cast %swap3A_2102 : vector<1x1x1x16xf32> to vector<16xf32>
        %swap3A_2104 = vector.shape_cast %add3A_2096 : vector<16xf32> to vector<1x1x1x16xf32>
        tpu.vector_store %arg6[%swap3A_2098, %swap3A_2099, %swap3A_2100, %swap3A_2101], %swap3A_2104 {strides = array<i32>} : memref<2x4x8x1024xf32, #tpu.memory_space<vmem>>, vector<1x1x1x16xf32>,
        %get3A_2105 = arith.constant 3 : i32
        %get3A_2106 = arith.index_cast %rem3A_58 : i32 to index
        %get3A_2107 = arith.index_cast %get3A_2105 : i32 to index
        %get3A_2108 = arith.index_cast %scan3A_121 : i32 to index
        %get3A_2109 = arith.constant 448 : index
        %get3A_2110 = tpu.vector_load %arg6[%get3A_2106, %get3A_2107, %get3A_2108, %get3A_2109] {strides = array<i32>} : memref<2x4x8x1024xf32, #tpu.memory_space<vmem>>, vector<1x1x1x16xf32>,
        %get3A_2111 = vector.shape_cast %get3A_2110 : vector<1x1x1x16xf32> to vector<16xf32>
        %add3A_2112 = arith.addf %get3A_2111, %get3A_2056 : vector<16xf32>
        %swap3A_2113 = arith.constant 3 : i32
        %swap3A_2114 = arith.index_cast %rem3A_58 : i32 to index
        %swap3A_2115 = arith.index_cast %swap3A_2113 : i32 to index
        %swap3A_2116 = arith.index_cast %scan3A_121 : i32 to index
        %swap3A_2117 = arith.constant 448 : index
        %swap3A_2118 = tpu.vector_load %arg6[%swap3A_2114, %swap3A_2115, %swap3A_2116, %swap3A_2117] {strides = array<i32>} : memref<2x4x8x1024xf32, #tpu.memory_space<vmem>>, vector<1x1x1x16xf32>,
        %swap3A_2119 = vector.shape_cast %swap3A_2118 : vector<1x1x1x16xf32> to vector<16xf32>
        %swap3A_2120 = vector.shape_cast %add3A_2112 : vector<16xf32> to vector<1x1x1x16xf32>
        tpu.vector_store %arg6[%swap3A_2114, %swap3A_2115, %swap3A_2116, %swap3A_2117], %swap3A_2120 {strides = array<i32>} : memref<2x4x8x1024xf32, #tpu.memory_space<vmem>>, vector<1x1x1x16xf32>,
        %get3A_2121 = arith.index_cast %rem3A_58 : i32 to index
        %get3A_2122 = arith.index_cast %scan3A_121 : i32 to index
        %get3A_2123 = arith.constant 464 : index
        %get3A_2124 = tpu.vector_load %arg5[%get3A_2121, %get3A_2122, %get3A_2123] {strides = array<i32>} : memref<2x8x1024xf32, #tpu.memory_space<vmem>>, vector<1x1x16xf32>,
        %get3A_2125 = vector.shape_cast %get3A_2124 : vector<1x1x16xf32> to vector<16xf32>
        %get3A_2126 = arith.constant 0 : i32
        %get3A_2127 = arith.index_cast %rem3A_58 : i32 to index
        %get3A_2128 = arith.index_cast %get3A_2126 : i32 to index
        %get3A_2129 = arith.index_cast %scan3A_121 : i32 to index
        %get3A_2130 = arith.constant 464 : index
        %get3A_2131 = tpu.vector_load %arg6[%get3A_2127, %get3A_2128, %get3A_2129, %get3A_2130] {strides = array<i32>} : memref<2x4x8x1024xf32, #tpu.memory_space<vmem>>, vector<1x1x1x16xf32>,
        %get3A_2132 = vector.shape_cast %get3A_2131 : vector<1x1x1x16xf32> to vector<16xf32>
        %add3A_2133 = arith.addf %get3A_2132, %get3A_2125 : vector<16xf32>
        %swap3A_2134 = arith.constant 0 : i32
        %swap3A_2135 = arith.index_cast %rem3A_58 : i32 to index
        %swap3A_2136 = arith.index_cast %swap3A_2134 : i32 to index
        %swap3A_2137 = arith.index_cast %scan3A_121 : i32 to index
        %swap3A_2138 = arith.constant 464 : index
        %swap3A_2139 = tpu.vector_load %arg6[%swap3A_2135, %swap3A_2136, %swap3A_2137, %swap3A_2138] {strides = array<i32>} : memref<2x4x8x1024xf32, #tpu.memory_space<vmem>>, vector<1x1x1x16xf32>,
        %swap3A_2140 = vector.shape_cast %swap3A_2139 : vector<1x1x1x16xf32> to vector<16xf32>
        %swap3A_2141 = vector.shape_cast %add3A_2133 : vector<16xf32> to vector<1x1x1x16xf32>
        tpu.vector_store %arg6[%swap3A_2135, %swap3A_2136, %swap3A_2137, %swap3A_2138], %swap3A_2141 {strides = array<i32>} : memref<2x4x8x1024xf32, #tpu.memory_space<vmem>>, vector<1x1x1x16xf32>,
        %get3A_2142 = arith.constant 1 : i32
        %get3A_2143 = arith.index_cast %rem3A_58 : i32 to index
        %get3A_2144 = arith.index_cast %get3A_2142 : i32 to index
        %get3A_2145 = arith.index_cast %scan3A_121 : i32 to index
        %get3A_2146 = arith.constant 464 : index
        %get3A_2147 = tpu.vector_load %arg6[%get3A_2143, %get3A_2144, %get3A_2145, %get3A_2146] {strides = array<i32>} : memref<2x4x8x1024xf32, #tpu.memory_space<vmem>>, vector<1x1x1x16xf32>,
        %get3A_2148 = vector.shape_cast %get3A_2147 : vector<1x1x1x16xf32> to vector<16xf32>
        %add3A_2149 = arith.addf %get3A_2148, %get3A_2125 : vector<16xf32>
        %swap3A_2150 = arith.constant 1 : i32
        %swap3A_2151 = arith.index_cast %rem3A_58 : i32 to index
        %swap3A_2152 = arith.index_cast %swap3A_2150 : i32 to index
        %swap3A_2153 = arith.index_cast %scan3A_121 : i32 to index
        %swap3A_2154 = arith.constant 464 : index
        %swap3A_2155 = tpu.vector_load %arg6[%swap3A_2151, %swap3A_2152, %swap3A_2153, %swap3A_2154] {strides = array<i32>} : memref<2x4x8x1024xf32, #tpu.memory_space<vmem>>, vector<1x1x1x16xf32>,
        %swap3A_2156 = vector.shape_cast %swap3A_2155 : vector<1x1x1x16xf32> to vector<16xf32>
        %swap3A_2157 = vector.shape_cast %add3A_2149 : vector<16xf32> to vector<1x1x1x16xf32>
        tpu.vector_store %arg6[%swap3A_2151, %swap3A_2152, %swap3A_2153, %swap3A_2154], %swap3A_2157 {strides = array<i32>} : memref<2x4x8x1024xf32, #tpu.memory_space<vmem>>, vector<1x1x1x16xf32>,
        %get3A_2158 = arith.constant 2 : i32
        %get3A_2159 = arith.index_cast %rem3A_58 : i32 to index
        %get3A_2160 = arith.index_cast %get3A_2158 : i32 to index
        %get3A_2161 = arith.index_cast %scan3A_121 : i32 to index
        %get3A_2162 = arith.constant 464 : index
        %get3A_2163 = tpu.vector_load %arg6[%get3A_2159, %get3A_2160, %get3A_2161, %get3A_2162] {strides = array<i32>} : memref<2x4x8x1024xf32, #tpu.memory_space<vmem>>, vector<1x1x1x16xf32>,
        %get3A_2164 = vector.shape_cast %get3A_2163 : vector<1x1x1x16xf32> to vector<16xf32>
        %add3A_2165 = arith.addf %get3A_2164, %get3A_2125 : vector<16xf32>
        %swap3A_2166 = arith.constant 2 : i32
        %swap3A_2167 = arith.index_cast %rem3A_58 : i32 to index
        %swap3A_2168 = arith.index_cast %swap3A_2166 : i32 to index
        %swap3A_2169 = arith.index_cast %scan3A_121 : i32 to index
        %swap3A_2170 = arith.constant 464 : index
        %swap3A_2171 = tpu.vector_load %arg6[%swap3A_2167, %swap3A_2168, %swap3A_2169, %swap3A_2170] {strides = array<i32>} : memref<2x4x8x1024xf32, #tpu.memory_space<vmem>>, vector<1x1x1x16xf32>,
        %swap3A_2172 = vector.shape_cast %swap3A_2171 : vector<1x1x1x16xf32> to vector<16xf32>
        %swap3A_2173 = vector.shape_cast %add3A_2165 : vector<16xf32> to vector<1x1x1x16xf32>
        tpu.vector_store %arg6[%swap3A_2167, %swap3A_2168, %swap3A_2169, %swap3A_2170], %swap3A_2173 {strides = array<i32>} : memref<2x4x8x1024xf32, #tpu.memory_space<vmem>>, vector<1x1x1x16xf32>,
        %get3A_2174 = arith.constant 3 : i32
        %get3A_2175 = arith.index_cast %rem3A_58 : i32 to index
        %get3A_2176 = arith.index_cast %get3A_2174 : i32 to index
        %get3A_2177 = arith.index_cast %scan3A_121 : i32 to index
        %get3A_2178 = arith.constant 464 : index
        %get3A_2179 = tpu.vector_load %arg6[%get3A_2175, %get3A_2176, %get3A_2177, %get3A_2178] {strides = array<i32>} : memref<2x4x8x1024xf32, #tpu.memory_space<vmem>>, vector<1x1x1x16xf32>,
        %get3A_2180 = vector.shape_cast %get3A_2179 : vector<1x1x1x16xf32> to vector<16xf32>
        %add3A_2181 = arith.addf %get3A_2180, %get3A_2125 : vector<16xf32>
        %swap3A_2182 = arith.constant 3 : i32
        %swap3A_2183 = arith.index_cast %rem3A_58 : i32 to index
        %swap3A_2184 = arith.index_cast %swap3A_2182 : i32 to index
        %swap3A_2185 = arith.index_cast %scan3A_121 : i32 to index
        %swap3A_2186 = arith.constant 464 : index
        %swap3A_2187 = tpu.vector_load %arg6[%swap3A_2183, %swap3A_2184, %swap3A_2185, %swap3A_2186] {strides = array<i32>} : memref<2x4x8x1024xf32, #tpu.memory_space<vmem>>, vector<1x1x1x16xf32>,
        %swap3A_2188 = vector.shape_cast %swap3A_2187 : vector<1x1x1x16xf32> to vector<16xf32>
        %swap3A_2189 = vector.shape_cast %add3A_2181 : vector<16xf32> to vector<1x1x1x16xf32>
        tpu.vector_store %arg6[%swap3A_2183, %swap3A_2184, %swap3A_2185, %swap3A_2186], %swap3A_2189 {strides = array<i32>} : memref<2x4x8x1024xf32, #tpu.memory_space<vmem>>, vector<1x1x1x16xf32>,
        %get3A_2190 = arith.index_cast %rem3A_58 : i32 to index
        %get3A_2191 = arith.index_cast %scan3A_121 : i32 to index
        %get3A_2192 = arith.constant 480 : index
        %get3A_2193 = tpu.vector_load %arg5[%get3A_2190, %get3A_2191, %get3A_2192] {strides = array<i32>} : memref<2x8x1024xf32, #tpu.memory_space<vmem>>, vector<1x1x16xf32>,
        %get3A_2194 = vector.shape_cast %get3A_2193 : vector<1x1x16xf32> to vector<16xf32>
        %get3A_2195 = arith.constant 0 : i32
        %get3A_2196 = arith.index_cast %rem3A_58 : i32 to index
        %get3A_2197 = arith.index_cast %get3A_2195 : i32 to index
        %get3A_2198 = arith.index_cast %scan3A_121 : i32 to index
        %get3A_2199 = arith.constant 480 : index
        %get3A_2200 = tpu.vector_load %arg6[%get3A_2196, %get3A_2197, %get3A_2198, %get3A_2199] {strides = array<i32>} : memref<2x4x8x1024xf32, #tpu.memory_space<vmem>>, vector<1x1x1x16xf32>,
        %get3A_2201 = vector.shape_cast %get3A_2200 : vector<1x1x1x16xf32> to vector<16xf32>
        %add3A_2202 = arith.addf %get3A_2201, %get3A_2194 : vector<16xf32>
        %swap3A_2203 = arith.constant 0 : i32
        %swap3A_2204 = arith.index_cast %rem3A_58 : i32 to index
        %swap3A_2205 = arith.index_cast %swap3A_2203 : i32 to index
        %swap3A_2206 = arith.index_cast %scan3A_121 : i32 to index
        %swap3A_2207 = arith.constant 480 : index
        %swap3A_2208 = tpu.vector_load %arg6[%swap3A_2204, %swap3A_2205, %swap3A_2206, %swap3A_2207] {strides = array<i32>} : memref<2x4x8x1024xf32, #tpu.memory_space<vmem>>, vector<1x1x1x16xf32>,
        %swap3A_2209 = vector.shape_cast %swap3A_2208 : vector<1x1x1x16xf32> to vector<16xf32>
        %swap3A_2210 = vector.shape_cast %add3A_2202 : vector<16xf32> to vector<1x1x1x16xf32>
        tpu.vector_store %arg6[%swap3A_2204, %swap3A_2205, %swap3A_2206, %swap3A_2207], %swap3A_2210 {strides = array<i32>} : memref<2x4x8x1024xf32, #tpu.memory_space<vmem>>, vector<1x1x1x16xf32>,
        %get3A_2211 = arith.constant 1 : i32
        %get3A_2212 = arith.index_cast %rem3A_58 : i32 to index
        %get3A_2213 = arith.index_cast %get3A_2211 : i32 to index
        %get3A_2214 = arith.index_cast %scan3A_121 : i32 to index
        %get3A_2215 = arith.constant 480 : index
        %get3A_2216 = tpu.vector_load %arg6[%get3A_2212, %get3A_2213, %get3A_2214, %get3A_2215] {strides = array<i32>} : memref<2x4x8x1024xf32, #tpu.memory_space<vmem>>, vector<1x1x1x16xf32>,
        %get3A_2217 = vector.shape_cast %get3A_2216 : vector<1x1x1x16xf32> to vector<16xf32>
        %add3A_2218 = arith.addf %get3A_2217, %get3A_2194 : vector<16xf32>
        %swap3A_2219 = arith.constant 1 : i32
        %swap3A_2220 = arith.index_cast %rem3A_58 : i32 to index
        %swap3A_2221 = arith.index_cast %swap3A_2219 : i32 to index
        %swap3A_2222 = arith.index_cast %scan3A_121 : i32 to index
        %swap3A_2223 = arith.constant 480 : index
        %swap3A_2224 = tpu.vector_load %arg6[%swap3A_2220, %swap3A_2221, %swap3A_2222, %swap3A_2223] {strides = array<i32>} : memref<2x4x8x1024xf32, #tpu.memory_space<vmem>>, vector<1x1x1x16xf32>,
        %swap3A_2225 = vector.shape_cast %swap3A_2224 : vector<1x1x1x16xf32> to vector<16xf32>
        %swap3A_2226 = vector.shape_cast %add3A_2218 : vector<16xf32> to vector<1x1x1x16xf32>
        tpu.vector_store %arg6[%swap3A_2220, %swap3A_2221, %swap3A_2222, %swap3A_2223], %swap3A_2226 {strides = array<i32>} : memref<2x4x8x1024xf32, #tpu.memory_space<vmem>>, vector<1x1x1x16xf32>,
        %get3A_2227 = arith.constant 2 : i32
        %get3A_2228 = arith.index_cast %rem3A_58 : i32 to index
        %get3A_2229 = arith.index_cast %get3A_2227 : i32 to index
        %get3A_2230 = arith.index_cast %scan3A_121 : i32 to index
        %get3A_2231 = arith.constant 480 : index
        %get3A_2232 = tpu.vector_load %arg6[%get3A_2228, %get3A_2229, %get3A_2230, %get3A_2231] {strides = array<i32>} : memref<2x4x8x1024xf32, #tpu.memory_space<vmem>>, vector<1x1x1x16xf32>,
        %get3A_2233 = vector.shape_cast %get3A_2232 : vector<1x1x1x16xf32> to vector<16xf32>
        %add3A_2234 = arith.addf %get3A_2233, %get3A_2194 : vector<16xf32>
        %swap3A_2235 = arith.constant 2 : i32
        %swap3A_2236 = arith.index_cast %rem3A_58 : i32 to index
        %swap3A_2237 = arith.index_cast %swap3A_2235 : i32 to index
        %swap3A_2238 = arith.index_cast %scan3A_121 : i32 to index
        %swap3A_2239 = arith.constant 480 : index
        %swap3A_2240 = tpu.vector_load %arg6[%swap3A_2236, %swap3A_2237, %swap3A_2238, %swap3A_2239] {strides = array<i32>} : memref<2x4x8x1024xf32, #tpu.memory_space<vmem>>, vector<1x1x1x16xf32>,
        %swap3A_2241 = vector.shape_cast %swap3A_2240 : vector<1x1x1x16xf32> to vector<16xf32>
        %swap3A_2242 = vector.shape_cast %add3A_2234 : vector<16xf32> to vector<1x1x1x16xf32>
        tpu.vector_store %arg6[%swap3A_2236, %swap3A_2237, %swap3A_2238, %swap3A_2239], %swap3A_2242 {strides = array<i32>} : memref<2x4x8x1024xf32, #tpu.memory_space<vmem>>, vector<1x1x1x16xf32>,
        %get3A_2243 = arith.constant 3 : i32
        %get3A_2244 = arith.index_cast %rem3A_58 : i32 to index
        %get3A_2245 = arith.index_cast %get3A_2243 : i32 to index
        %get3A_2246 = arith.index_cast %scan3A_121 : i32 to index
        %get3A_2247 = arith.constant 480 : index
        %get3A_2248 = tpu.vector_load %arg6[%get3A_2244, %get3A_2245, %get3A_2246, %get3A_2247] {strides = array<i32>} : memref<2x4x8x1024xf32, #tpu.memory_space<vmem>>, vector<1x1x1x16xf32>,
        %get3A_2249 = vector.shape_cast %get3A_2248 : vector<1x1x1x16xf32> to vector<16xf32>
        %add3A_2250 = arith.addf %get3A_2249, %get3A_2194 : vector<16xf32>
        %swap3A_2251 = arith.constant 3 : i32
        %swap3A_2252 = arith.index_cast %rem3A_58 : i32 to index
        %swap3A_2253 = arith.index_cast %swap3A_2251 : i32 to index
        %swap3A_2254 = arith.index_cast %scan3A_121 : i32 to index
        %swap3A_2255 = arith.constant 480 : index
        %swap3A_2256 = tpu.vector_load %arg6[%swap3A_2252, %swap3A_2253, %swap3A_2254, %swap3A_2255] {strides = array<i32>} : memref<2x4x8x1024xf32, #tpu.memory_space<vmem>>, vector<1x1x1x16xf32>,
        %swap3A_2257 = vector.shape_cast %swap3A_2256 : vector<1x1x1x16xf32> to vector<16xf32>
        %swap3A_2258 = vector.shape_cast %add3A_2250 : vector<16xf32> to vector<1x1x1x16xf32>
        tpu.vector_store %arg6[%swap3A_2252, %swap3A_2253, %swap3A_2254, %swap3A_2255], %swap3A_2258 {strides = array<i32>} : memref<2x4x8x1024xf32, #tpu.memory_space<vmem>>, vector<1x1x1x16xf32>,
        %get3A_2259 = arith.index_cast %rem3A_58 : i32 to index
        %get3A_2260 = arith.index_cast %scan3A_121 : i32 to index
        %get3A_2261 = arith.constant 496 : index
        %get3A_2262 = tpu.vector_load %arg5[%get3A_2259, %get3A_2260, %get3A_2261] {strides = array<i32>} : memref<2x8x1024xf32, #tpu.memory_space<vmem>>, vector<1x1x16xf32>,
        %get3A_2263 = vector.shape_cast %get3A_2262 : vector<1x1x16xf32> to vector<16xf32>
        %get3A_2264 = arith.constant 0 : i32
        %get3A_2265 = arith.index_cast %rem3A_58 : i32 to index
        %get3A_2266 = arith.index_cast %get3A_2264 : i32 to index
        %get3A_2267 = arith.index_cast %scan3A_121 : i32 to index
        %get3A_2268 = arith.constant 496 : index
        %get3A_2269 = tpu.vector_load %arg6[%get3A_2265, %get3A_2266, %get3A_2267, %get3A_2268] {strides = array<i32>} : memref<2x4x8x1024xf32, #tpu.memory_space<vmem>>, vector<1x1x1x16xf32>,
        %get3A_2270 = vector.shape_cast %get3A_2269 : vector<1x1x1x16xf32> to vector<16xf32>
        %add3A_2271 = arith.addf %get3A_2270, %get3A_2263 : vector<16xf32>
        %swap3A_2272 = arith.constant 0 : i32
        %swap3A_2273 = arith.index_cast %rem3A_58 : i32 to index
        %swap3A_2274 = arith.index_cast %swap3A_2272 : i32 to index
        %swap3A_2275 = arith.index_cast %scan3A_121 : i32 to index
        %swap3A_2276 = arith.constant 496 : index
        %swap3A_2277 = tpu.vector_load %arg6[%swap3A_2273, %swap3A_2274, %swap3A_2275, %swap3A_2276] {strides = array<i32>} : memref<2x4x8x1024xf32, #tpu.memory_space<vmem>>, vector<1x1x1x16xf32>,
        %swap3A_2278 = vector.shape_cast %swap3A_2277 : vector<1x1x1x16xf32> to vector<16xf32>
        %swap3A_2279 = vector.shape_cast %add3A_2271 : vector<16xf32> to vector<1x1x1x16xf32>
        tpu.vector_store %arg6[%swap3A_2273, %swap3A_2274, %swap3A_2275, %swap3A_2276], %swap3A_2279 {strides = array<i32>} : memref<2x4x8x1024xf32, #tpu.memory_space<vmem>>, vector<1x1x1x16xf32>,
        %get3A_2280 = arith.constant 1 : i32
        %get3A_2281 = arith.index_cast %rem3A_58 : i32 to index
        %get3A_2282 = arith.index_cast %get3A_2280 : i32 to index
        %get3A_2283 = arith.index_cast %scan3A_121 : i32 to index
        %get3A_2284 = arith.constant 496 : index
        %get3A_2285 = tpu.vector_load %arg6[%get3A_2281, %get3A_2282, %get3A_2283, %get3A_2284] {strides = array<i32>} : memref<2x4x8x1024xf32, #tpu.memory_space<vmem>>, vector<1x1x1x16xf32>,
        %get3A_2286 = vector.shape_cast %get3A_2285 : vector<1x1x1x16xf32> to vector<16xf32>
        %add3A_2287 = arith.addf %get3A_2286, %get3A_2263 : vector<16xf32>
        %swap3A_2288 = arith.constant 1 : i32
        %swap3A_2289 = arith.index_cast %rem3A_58 : i32 to index
        %swap3A_2290 = arith.index_cast %swap3A_2288 : i32 to index
        %swap3A_2291 = arith.index_cast %scan3A_121 : i32 to index
        %swap3A_2292 = arith.constant 496 : index
        %swap3A_2293 = tpu.vector_load %arg6[%swap3A_2289, %swap3A_2290, %swap3A_2291, %swap3A_2292] {strides = array<i32>} : memref<2x4x8x1024xf32, #tpu.memory_space<vmem>>, vector<1x1x1x16xf32>,
        %swap3A_2294 = vector.shape_cast %swap3A_2293 : vector<1x1x1x16xf32> to vector<16xf32>
        %swap3A_2295 = vector.shape_cast %add3A_2287 : vector<16xf32> to vector<1x1x1x16xf32>
        tpu.vector_store %arg6[%swap3A_2289, %swap3A_2290, %swap3A_2291, %swap3A_2292], %swap3A_2295 {strides = array<i32>} : memref<2x4x8x1024xf32, #tpu.memory_space<vmem>>, vector<1x1x1x16xf32>,
        %get3A_2296 = arith.constant 2 : i32
        %get3A_2297 = arith.index_cast %rem3A_58 : i32 to index
        %get3A_2298 = arith.index_cast %get3A_2296 : i32 to index
        %get3A_2299 = arith.index_cast %scan3A_121 : i32 to index
        %get3A_2300 = arith.constant 496 : index
        %get3A_2301 = tpu.vector_load %arg6[%get3A_2297, %get3A_2298, %get3A_2299, %get3A_2300] {strides = array<i32>} : memref<2x4x8x1024xf32, #tpu.memory_space<vmem>>, vector<1x1x1x16xf32>,
        %get3A_2302 = vector.shape_cast %get3A_2301 : vector<1x1x1x16xf32> to vector<16xf32>
        %add3A_2303 = arith.addf %get3A_2302, %get3A_2263 : vector<16xf32>
        %swap3A_2304 = arith.constant 2 : i32
        %swap3A_2305 = arith.index_cast %rem3A_58 : i32 to index
        %swap3A_2306 = arith.index_cast %swap3A_2304 : i32 to index
        %swap3A_2307 = arith.index_cast %scan3A_121 : i32 to index
        %swap3A_2308 = arith.constant 496 : index
        %swap3A_2309 = tpu.vector_load %arg6[%swap3A_2305, %swap3A_2306, %swap3A_2307, %swap3A_2308] {strides = array<i32>} : memref<2x4x8x1024xf32, #tpu.memory_space<vmem>>, vector<1x1x1x16xf32>,
        %swap3A_2310 = vector.shape_cast %swap3A_2309 : vector<1x1x1x16xf32> to vector<16xf32>
        %swap3A_2311 = vector.shape_cast %add3A_2303 : vector<16xf32> to vector<1x1x1x16xf32>
        tpu.vector_store %arg6[%swap3A_2305, %swap3A_2306, %swap3A_2307, %swap3A_2308], %swap3A_2311 {strides = array<i32>} : memref<2x4x8x1024xf32, #tpu.memory_space<vmem>>, vector<1x1x1x16xf32>,
        %get3A_2312 = arith.constant 3 : i32
        %get3A_2313 = arith.index_cast %rem3A_58 : i32 to index
        %get3A_2314 = arith.index_cast %get3A_2312 : i32 to index
        %get3A_2315 = arith.index_cast %scan3A_121 : i32 to index
        %get3A_2316 = arith.constant 496 : index
        %get3A_2317 = tpu.vector_load %arg6[%get3A_2313, %get3A_2314, %get3A_2315, %get3A_2316] {strides = array<i32>} : memref<2x4x8x1024xf32, #tpu.memory_space<vmem>>, vector<1x1x1x16xf32>,
        %get3A_2318 = vector.shape_cast %get3A_2317 : vector<1x1x1x16xf32> to vector<16xf32>
        %add3A_2319 = arith.addf %get3A_2318, %get3A_2263 : vector<16xf32>
        %swap3A_2320 = arith.constant 3 : i32
        %swap3A_2321 = arith.index_cast %rem3A_58 : i32 to index
        %swap3A_2322 = arith.index_cast %swap3A_2320 : i32 to index
        %swap3A_2323 = arith.index_cast %scan3A_121 : i32 to index
        %swap3A_2324 = arith.constant 496 : index
        %swap3A_2325 = tpu.vector_load %arg6[%swap3A_2321, %swap3A_2322, %swap3A_2323, %swap3A_2324] {strides = array<i32>} : memref<2x4x8x1024xf32, #tpu.memory_space<vmem>>, vector<1x1x1x16xf32>,
        %swap3A_2326 = vector.shape_cast %swap3A_2325 : vector<1x1x1x16xf32> to vector<16xf32>
        %swap3A_2327 = vector.shape_cast %add3A_2319 : vector<16xf32> to vector<1x1x1x16xf32>
        tpu.vector_store %arg6[%swap3A_2321, %swap3A_2322, %swap3A_2323, %swap3A_2324], %swap3A_2327 {strides = array<i32>} : memref<2x4x8x1024xf32, #tpu.memory_space<vmem>>, vector<1x1x1x16xf32>,
        %get3A_2328 = arith.index_cast %rem3A_58 : i32 to index
        %get3A_2329 = arith.index_cast %scan3A_121 : i32 to index
        %get3A_2330 = arith.constant 512 : index
        %get3A_2331 = tpu.vector_load %arg5[%get3A_2328, %get3A_2329, %get3A_2330] {strides = array<i32>} : memref<2x8x1024xf32, #tpu.memory_space<vmem>>, vector<1x1x16xf32>,
        %get3A_2332 = vector.shape_cast %get3A_2331 : vector<1x1x16xf32> to vector<16xf32>
        %get3A_2333 = arith.constant 0 : i32
        %get3A_2334 = arith.index_cast %rem3A_58 : i32 to index
        %get3A_2335 = arith.index_cast %get3A_2333 : i32 to index
        %get3A_2336 = arith.index_cast %scan3A_121 : i32 to index
        %get3A_2337 = arith.constant 512 : index
        %get3A_2338 = tpu.vector_load %arg6[%get3A_2334, %get3A_2335, %get3A_2336, %get3A_2337] {strides = array<i32>} : memref<2x4x8x1024xf32, #tpu.memory_space<vmem>>, vector<1x1x1x16xf32>,
        %get3A_2339 = vector.shape_cast %get3A_2338 : vector<1x1x1x16xf32> to vector<16xf32>
        %add3A_2340 = arith.addf %get3A_2339, %get3A_2332 : vector<16xf32>
        %swap3A_2341 = arith.constant 0 : i32
        %swap3A_2342 = arith.index_cast %rem3A_58 : i32 to index
        %swap3A_2343 = arith.index_cast %swap3A_2341 : i32 to index
        %swap3A_2344 = arith.index_cast %scan3A_121 : i32 to index
        %swap3A_2345 = arith.constant 512 : index
        %swap3A_2346 = tpu.vector_load %arg6[%swap3A_2342, %swap3A_2343, %swap3A_2344, %swap3A_2345] {strides = array<i32>} : memref<2x4x8x1024xf32, #tpu.memory_space<vmem>>, vector<1x1x1x16xf32>,
        %swap3A_2347 = vector.shape_cast %swap3A_2346 : vector<1x1x1x16xf32> to vector<16xf32>
        %swap3A_2348 = vector.shape_cast %add3A_2340 : vector<16xf32> to vector<1x1x1x16xf32>
        tpu.vector_store %arg6[%swap3A_2342, %swap3A_2343, %swap3A_2344, %swap3A_2345], %swap3A_2348 {strides = array<i32>} : memref<2x4x8x1024xf32, #tpu.memory_space<vmem>>, vector<1x1x1x16xf32>,
        %get3A_2349 = arith.constant 1 : i32
        %get3A_2350 = arith.index_cast %rem3A_58 : i32 to index
        %get3A_2351 = arith.index_cast %get3A_2349 : i32 to index
        %get3A_2352 = arith.index_cast %scan3A_121 : i32 to index
        %get3A_2353 = arith.constant 512 : index
        %get3A_2354 = tpu.vector_load %arg6[%get3A_2350, %get3A_2351, %get3A_2352, %get3A_2353] {strides = array<i32>} : memref<2x4x8x1024xf32, #tpu.memory_space<vmem>>, vector<1x1x1x16xf32>,
        %get3A_2355 = vector.shape_cast %get3A_2354 : vector<1x1x1x16xf32> to vector<16xf32>
        %add3A_2356 = arith.addf %get3A_2355, %get3A_2332 : vector<16xf32>
        %swap3A_2357 = arith.constant 1 : i32
        %swap3A_2358 = arith.index_cast %rem3A_58 : i32 to index
        %swap3A_2359 = arith.index_cast %swap3A_2357 : i32 to index
        %swap3A_2360 = arith.index_cast %scan3A_121 : i32 to index
        %swap3A_2361 = arith.constant 512 : index
        %swap3A_2362 = tpu.vector_load %arg6[%swap3A_2358, %swap3A_2359, %swap3A_2360, %swap3A_2361] {strides = array<i32>} : memref<2x4x8x1024xf32, #tpu.memory_space<vmem>>, vector<1x1x1x16xf32>,
        %swap3A_2363 = vector.shape_cast %swap3A_2362 : vector<1x1x1x16xf32> to vector<16xf32>
        %swap3A_2364 = vector.shape_cast %add3A_2356 : vector<16xf32> to vector<1x1x1x16xf32>
        tpu.vector_store %arg6[%swap3A_2358, %swap3A_2359, %swap3A_2360, %swap3A_2361], %swap3A_2364 {strides = array<i32>} : memref<2x4x8x1024xf32, #tpu.memory_space<vmem>>, vector<1x1x1x16xf32>,
        %get3A_2365 = arith.constant 2 : i32
        %get3A_2366 = arith.index_cast %rem3A_58 : i32 to index
        %get3A_2367 = arith.index_cast %get3A_2365 : i32 to index
        %get3A_2368 = arith.index_cast %scan3A_121 : i32 to index
        %get3A_2369 = arith.constant 512 : index
        %get3A_2370 = tpu.vector_load %arg6[%get3A_2366, %get3A_2367, %get3A_2368, %get3A_2369] {strides = array<i32>} : memref<2x4x8x1024xf32, #tpu.memory_space<vmem>>, vector<1x1x1x16xf32>,
        %get3A_2371 = vector.shape_cast %get3A_2370 : vector<1x1x1x16xf32> to vector<16xf32>
        %add3A_2372 = arith.addf %get3A_2371, %get3A_2332 : vector<16xf32>
        %swap3A_2373 = arith.constant 2 : i32
        %swap3A_2374 = arith.index_cast %rem3A_58 : i32 to index
        %swap3A_2375 = arith.index_cast %swap3A_2373 : i32 to index
        %swap3A_2376 = arith.index_cast %scan3A_121 : i32 to index
        %swap3A_2377 = arith.constant 512 : index
        %swap3A_2378 = tpu.vector_load %arg6[%swap3A_2374, %swap3A_2375, %swap3A_2376, %swap3A_2377] {strides = array<i32>} : memref<2x4x8x1024xf32, #tpu.memory_space<vmem>>, vector<1x1x1x16xf32>,
        %swap3A_2379 = vector.shape_cast %swap3A_2378 : vector<1x1x1x16xf32> to vector<16xf32>
        %swap3A_2380 = vector.shape_cast %add3A_2372 : vector<16xf32> to vector<1x1x1x16xf32>
        tpu.vector_store %arg6[%swap3A_2374, %swap3A_2375, %swap3A_2376, %swap3A_2377], %swap3A_2380 {strides = array<i32>} : memref<2x4x8x1024xf32, #tpu.memory_space<vmem>>, vector<1x1x1x16xf32>,
        %get3A_2381 = arith.constant 3 : i32
        %get3A_2382 = arith.index_cast %rem3A_58 : i32 to index
        %get3A_2383 = arith.index_cast %get3A_2381 : i32 to index
        %get3A_2384 = arith.index_cast %scan3A_121 : i32 to index
        %get3A_2385 = arith.constant 512 : index
        %get3A_2386 = tpu.vector_load %arg6[%get3A_2382, %get3A_2383, %get3A_2384, %get3A_2385] {strides = array<i32>} : memref<2x4x8x1024xf32, #tpu.memory_space<vmem>>, vector<1x1x1x16xf32>,
        %get3A_2387 = vector.shape_cast %get3A_2386 : vector<1x1x1x16xf32> to vector<16xf32>
        %add3A_2388 = arith.addf %get3A_2387, %get3A_2332 : vector<16xf32>
        %swap3A_2389 = arith.constant 3 : i32
        %swap3A_2390 = arith.index_cast %rem3A_58 : i32 to index
        %swap3A_2391 = arith.index_cast %swap3A_2389 : i32 to index
        %swap3A_2392 = arith.index_cast %scan3A_121 : i32 to index
        %swap3A_2393 = arith.constant 512 : index
        %swap3A_2394 = tpu.vector_load %arg6[%swap3A_2390, %swap3A_2391, %swap3A_2392, %swap3A_2393] {strides = array<i32>} : memref<2x4x8x1024xf32, #tpu.memory_space<vmem>>, vector<1x1x1x16xf32>,
        %swap3A_2395 = vector.shape_cast %swap3A_2394 : vector<1x1x1x16xf32> to vector<16xf32>
        %swap3A_2396 = vector.shape_cast %add3A_2388 : vector<16xf32> to vector<1x1x1x16xf32>
        tpu.vector_store %arg6[%swap3A_2390, %swap3A_2391, %swap3A_2392, %swap3A_2393], %swap3A_2396 {strides = array<i32>} : memref<2x4x8x1024xf32, #tpu.memory_space<vmem>>, vector<1x1x1x16xf32>,
        %get3A_2397 = arith.index_cast %rem3A_58 : i32 to index
        %get3A_2398 = arith.index_cast %scan3A_121 : i32 to index
        %get3A_2399 = arith.constant 528 : index
        %get3A_2400 = tpu.vector_load %arg5[%get3A_2397, %get3A_2398, %get3A_2399] {strides = array<i32>} : memref<2x8x1024xf32, #tpu.memory_space<vmem>>, vector<1x1x16xf32>,
        %get3A_2401 = vector.shape_cast %get3A_2400 : vector<1x1x16xf32> to vector<16xf32>
        %get3A_2402 = arith.constant 0 : i32
        %get3A_2403 = arith.index_cast %rem3A_58 : i32 to index
        %get3A_2404 = arith.index_cast %get3A_2402 : i32 to index
        %get3A_2405 = arith.index_cast %scan3A_121 : i32 to index
        %get3A_2406 = arith.constant 528 : index
        %get3A_2407 = tpu.vector_load %arg6[%get3A_2403, %get3A_2404, %get3A_2405, %get3A_2406] {strides = array<i32>} : memref<2x4x8x1024xf32, #tpu.memory_space<vmem>>, vector<1x1x1x16xf32>,
        %get3A_2408 = vector.shape_cast %get3A_2407 : vector<1x1x1x16xf32> to vector<16xf32>
        %add3A_2409 = arith.addf %get3A_2408, %get3A_2401 : vector<16xf32>
        %swap3A_2410 = arith.constant 0 : i32
        %swap3A_2411 = arith.index_cast %rem3A_58 : i32 to index
        %swap3A_2412 = arith.index_cast %swap3A_2410 : i32 to index
        %swap3A_2413 = arith.index_cast %scan3A_121 : i32 to index
        %swap3A_2414 = arith.constant 528 : index
        %swap3A_2415 = tpu.vector_load %arg6[%swap3A_2411, %swap3A_2412, %swap3A_2413, %swap3A_2414] {strides = array<i32>} : memref<2x4x8x1024xf32, #tpu.memory_space<vmem>>, vector<1x1x1x16xf32>,
        %swap3A_2416 = vector.shape_cast %swap3A_2415 : vector<1x1x1x16xf32> to vector<16xf32>
        %swap3A_2417 = vector.shape_cast %add3A_2409 : vector<16xf32> to vector<1x1x1x16xf32>
        tpu.vector_store %arg6[%swap3A_2411, %swap3A_2412, %swap3A_2413, %swap3A_2414], %swap3A_2417 {strides = array<i32>} : memref<2x4x8x1024xf32, #tpu.memory_space<vmem>>, vector<1x1x1x16xf32>,
        %get3A_2418 = arith.constant 1 : i32
        %get3A_2419 = arith.index_cast %rem3A_58 : i32 to index
        %get3A_2420 = arith.index_cast %get3A_2418 : i32 to index
        %get3A_2421 = arith.index_cast %scan3A_121 : i32 to index
        %get3A_2422 = arith.constant 528 : index
        %get3A_2423 = tpu.vector_load %arg6[%get3A_2419, %get3A_2420, %get3A_2421, %get3A_2422] {strides = array<i32>} : memref<2x4x8x1024xf32, #tpu.memory_space<vmem>>, vector<1x1x1x16xf32>,
        %get3A_2424 = vector.shape_cast %get3A_2423 : vector<1x1x1x16xf32> to vector<16xf32>
        %add3A_2425 = arith.addf %get3A_2424, %get3A_2401 : vector<16xf32>
        %swap3A_2426 = arith.constant 1 : i32
        %swap3A_2427 = arith.index_cast %rem3A_58 : i32 to index
        %swap3A_2428 = arith.index_cast %swap3A_2426 : i32 to index
        %swap3A_2429 = arith.index_cast %scan3A_121 : i32 to index
        %swap3A_2430 = arith.constant 528 : index
        %swap3A_2431 = tpu.vector_load %arg6[%swap3A_2427, %swap3A_2428, %swap3A_2429, %swap3A_2430] {strides = array<i32>} : memref<2x4x8x1024xf32, #tpu.memory_space<vmem>>, vector<1x1x1x16xf32>,
        %swap3A_2432 = vector.shape_cast %swap3A_2431 : vector<1x1x1x16xf32> to vector<16xf32>
        %swap3A_2433 = vector.shape_cast %add3A_2425 : vector<16xf32> to vector<1x1x1x16xf32>
        tpu.vector_store %arg6[%swap3A_2427, %swap3A_2428, %swap3A_2429, %swap3A_2430], %swap3A_2433 {strides = array<i32>} : memref<2x4x8x1024xf32, #tpu.memory_space<vmem>>, vector<1x1x1x16xf32>,
        %get3A_2434 = arith.constant 2 : i32
        %get3A_2435 = arith.index_cast %rem3A_58 : i32 to index
        %get3A_2436 = arith.index_cast %get3A_2434 : i32 to index
        %get3A_2437 = arith.index_cast %scan3A_121 : i32 to index
        %get3A_2438 = arith.constant 528 : index
        %get3A_2439 = tpu.vector_load %arg6[%get3A_2435, %get3A_2436, %get3A_2437, %get3A_2438] {strides = array<i32>} : memref<2x4x8x1024xf32, #tpu.memory_space<vmem>>, vector<1x1x1x16xf32>,
        %get3A_2440 = vector.shape_cast %get3A_2439 : vector<1x1x1x16xf32> to vector<16xf32>
        %add3A_2441 = arith.addf %get3A_2440, %get3A_2401 : vector<16xf32>
        %swap3A_2442 = arith.constant 2 : i32
        %swap3A_2443 = arith.index_cast %rem3A_58 : i32 to index
        %swap3A_2444 = arith.index_cast %swap3A_2442 : i32 to index
        %swap3A_2445 = arith.index_cast %scan3A_121 : i32 to index
        %swap3A_2446 = arith.constant 528 : index
        %swap3A_2447 = tpu.vector_load %arg6[%swap3A_2443, %swap3A_2444, %swap3A_2445, %swap3A_2446] {strides = array<i32>} : memref<2x4x8x1024xf32, #tpu.memory_space<vmem>>, vector<1x1x1x16xf32>,
        %swap3A_2448 = vector.shape_cast %swap3A_2447 : vector<1x1x1x16xf32> to vector<16xf32>
        %swap3A_2449 = vector.shape_cast %add3A_2441 : vector<16xf32> to vector<1x1x1x16xf32>
        tpu.vector_store %arg6[%swap3A_2443, %swap3A_2444, %swap3A_2445, %swap3A_2446], %swap3A_2449 {strides = array<i32>} : memref<2x4x8x1024xf32, #tpu.memory_space<vmem>>, vector<1x1x1x16xf32>,
        %get3A_2450 = arith.constant 3 : i32
        %get3A_2451 = arith.index_cast %rem3A_58 : i32 to index
        %get3A_2452 = arith.index_cast %get3A_2450 : i32 to index
        %get3A_2453 = arith.index_cast %scan3A_121 : i32 to index
        %get3A_2454 = arith.constant 528 : index
        %get3A_2455 = tpu.vector_load %arg6[%get3A_2451, %get3A_2452, %get3A_2453, %get3A_2454] {strides = array<i32>} : memref<2x4x8x1024xf32, #tpu.memory_space<vmem>>, vector<1x1x1x16xf32>,
        %get3A_2456 = vector.shape_cast %get3A_2455 : vector<1x1x1x16xf32> to vector<16xf32>
        %add3A_2457 = arith.addf %get3A_2456, %get3A_2401 : vector<16xf32>
        %swap3A_2458 = arith.constant 3 : i32
        %swap3A_2459 = arith.index_cast %rem3A_58 : i32 to index
        %swap3A_2460 = arith.index_cast %swap3A_2458 : i32 to index
        %swap3A_2461 = arith.index_cast %scan3A_121 : i32 to index
        %swap3A_2462 = arith.constant 528 : index
        %swap3A_2463 = tpu.vector_load %arg6[%swap3A_2459, %swap3A_2460, %swap3A_2461, %swap3A_2462] {strides = array<i32>} : memref<2x4x8x1024xf32, #tpu.memory_space<vmem>>, vector<1x1x1x16xf32>,
        %swap3A_2464 = vector.shape_cast %swap3A_2463 : vector<1x1x1x16xf32> to vector<16xf32>
        %swap3A_2465 = vector.shape_cast %add3A_2457 : vector<16xf32> to vector<1x1x1x16xf32>
        tpu.vector_store %arg6[%swap3A_2459, %swap3A_2460, %swap3A_2461, %swap3A_2462], %swap3A_2465 {strides = array<i32>} : memref<2x4x8x1024xf32, #tpu.memory_space<vmem>>, vector<1x1x1x16xf32>,
        %get3A_2466 = arith.index_cast %rem3A_58 : i32 to index
        %get3A_2467 = arith.index_cast %scan3A_121 : i32 to index
        %get3A_2468 = arith.constant 544 : index
        %get3A_2469 = tpu.vector_load %arg5[%get3A_2466, %get3A_2467, %get3A_2468] {strides = array<i32>} : memref<2x8x1024xf32, #tpu.memory_space<vmem>>, vector<1x1x16xf32>,
        %get3A_2470 = vector.shape_cast %get3A_2469 : vector<1x1x16xf32> to vector<16xf32>
        %get3A_2471 = arith.constant 0 : i32
        %get3A_2472 = arith.index_cast %rem3A_58 : i32 to index
        %get3A_2473 = arith.index_cast %get3A_2471 : i32 to index
        %get3A_2474 = arith.index_cast %scan3A_121 : i32 to index
        %get3A_2475 = arith.constant 544 : index
        %get3A_2476 = tpu.vector_load %arg6[%get3A_2472, %get3A_2473, %get3A_2474, %get3A_2475] {strides = array<i32>} : memref<2x4x8x1024xf32, #tpu.memory_space<vmem>>, vector<1x1x1x16xf32>,
        %get3A_2477 = vector.shape_cast %get3A_2476 : vector<1x1x1x16xf32> to vector<16xf32>
        %add3A_2478 = arith.addf %get3A_2477, %get3A_2470 : vector<16xf32>
        %swap3A_2479 = arith.constant 0 : i32
        %swap3A_2480 = arith.index_cast %rem3A_58 : i32 to index
        %swap3A_2481 = arith.index_cast %swap3A_2479 : i32 to index
        %swap3A_2482 = arith.index_cast %scan3A_121 : i32 to index
        %swap3A_2483 = arith.constant 544 : index
        %swap3A_2484 = tpu.vector_load %arg6[%swap3A_2480, %swap3A_2481, %swap3A_2482, %swap3A_2483] {strides = array<i32>} : memref<2x4x8x1024xf32, #tpu.memory_space<vmem>>, vector<1x1x1x16xf32>,
        %swap3A_2485 = vector.shape_cast %swap3A_2484 : vector<1x1x1x16xf32> to vector<16xf32>
        %swap3A_2486 = vector.shape_cast %add3A_2478 : vector<16xf32> to vector<1x1x1x16xf32>
        tpu.vector_store %arg6[%swap3A_2480, %swap3A_2481, %swap3A_2482, %swap3A_2483], %swap3A_2486 {strides = array<i32>} : memref<2x4x8x1024xf32, #tpu.memory_space<vmem>>, vector<1x1x1x16xf32>,
        %get3A_2487 = arith.constant 1 : i32
        %get3A_2488 = arith.index_cast %rem3A_58 : i32 to index
        %get3A_2489 = arith.index_cast %get3A_2487 : i32 to index
        %get3A_2490 = arith.index_cast %scan3A_121 : i32 to index
        %get3A_2491 = arith.constant 544 : index
        %get3A_2492 = tpu.vector_load %arg6[%get3A_2488, %get3A_2489, %get3A_2490, %get3A_2491] {strides = array<i32>} : memref<2x4x8x1024xf32, #tpu.memory_space<vmem>>, vector<1x1x1x16xf32>,
        %get3A_2493 = vector.shape_cast %get3A_2492 : vector<1x1x1x16xf32> to vector<16xf32>
        %add3A_2494 = arith.addf %get3A_2493, %get3A_2470 : vector<16xf32>
        %swap3A_2495 = arith.constant 1 : i32
        %swap3A_2496 = arith.index_cast %rem3A_58 : i32 to index
        %swap3A_2497 = arith.index_cast %swap3A_2495 : i32 to index
        %swap3A_2498 = arith.index_cast %scan3A_121 : i32 to index
        %swap3A_2499 = arith.constant 544 : index
        %swap3A_2500 = tpu.vector_load %arg6[%swap3A_2496, %swap3A_2497, %swap3A_2498, %swap3A_2499] {strides = array<i32>} : memref<2x4x8x1024xf32, #tpu.memory_space<vmem>>, vector<1x1x1x16xf32>,
        %swap3A_2501 = vector.shape_cast %swap3A_2500 : vector<1x1x1x16xf32> to vector<16xf32>
        %swap3A_2502 = vector.shape_cast %add3A_2494 : vector<16xf32> to vector<1x1x1x16xf32>
        tpu.vector_store %arg6[%swap3A_2496, %swap3A_2497, %swap3A_2498, %swap3A_2499], %swap3A_2502 {strides = array<i32>} : memref<2x4x8x1024xf32, #tpu.memory_space<vmem>>, vector<1x1x1x16xf32>,
        %get3A_2503 = arith.constant 2 : i32
        %get3A_2504 = arith.index_cast %rem3A_58 : i32 to index
        %get3A_2505 = arith.index_cast %get3A_2503 : i32 to index
        %get3A_2506 = arith.index_cast %scan3A_121 : i32 to index
        %get3A_2507 = arith.constant 544 : index
        %get3A_2508 = tpu.vector_load %arg6[%get3A_2504, %get3A_2505, %get3A_2506, %get3A_2507] {strides = array<i32>} : memref<2x4x8x1024xf32, #tpu.memory_space<vmem>>, vector<1x1x1x16xf32>,
        %get3A_2509 = vector.shape_cast %get3A_2508 : vector<1x1x1x16xf32> to vector<16xf32>
        %add3A_2510 = arith.addf %get3A_2509, %get3A_2470 : vector<16xf32>
        %swap3A_2511 = arith.constant 2 : i32
        %swap3A_2512 = arith.index_cast %rem3A_58 : i32 to index
        %swap3A_2513 = arith.index_cast %swap3A_2511 : i32 to index
        %swap3A_2514 = arith.index_cast %scan3A_121 : i32 to index
        %swap3A_2515 = arith.constant 544 : index
        %swap3A_2516 = tpu.vector_load %arg6[%swap3A_2512, %swap3A_2513, %swap3A_2514, %swap3A_2515] {strides = array<i32>} : memref<2x4x8x1024xf32, #tpu.memory_space<vmem>>, vector<1x1x1x16xf32>,
        %swap3A_2517 = vector.shape_cast %swap3A_2516 : vector<1x1x1x16xf32> to vector<16xf32>
        %swap3A_2518 = vector.shape_cast %add3A_2510 : vector<16xf32> to vector<1x1x1x16xf32>
        tpu.vector_store %arg6[%swap3A_2512, %swap3A_2513, %swap3A_2514, %swap3A_2515], %swap3A_2518 {strides = array<i32>} : memref<2x4x8x1024xf32, #tpu.memory_space<vmem>>, vector<1x1x1x16xf32>,
        %get3A_2519 = arith.constant 3 : i32
        %get3A_2520 = arith.index_cast %rem3A_58 : i32 to index
        %get3A_2521 = arith.index_cast %get3A_2519 : i32 to index
        %get3A_2522 = arith.index_cast %scan3A_121 : i32 to index
        %get3A_2523 = arith.constant 544 : index
        %get3A_2524 = tpu.vector_load %arg6[%get3A_2520, %get3A_2521, %get3A_2522, %get3A_2523] {strides = array<i32>} : memref<2x4x8x1024xf32, #tpu.memory_space<vmem>>, vector<1x1x1x16xf32>,
        %get3A_2525 = vector.shape_cast %get3A_2524 : vector<1x1x1x16xf32> to vector<16xf32>
        %add3A_2526 = arith.addf %get3A_2525, %get3A_2470 : vector<16xf32>
        %swap3A_2527 = arith.constant 3 : i32
        %swap3A_2528 = arith.index_cast %rem3A_58 : i32 to index
        %swap3A_2529 = arith.index_cast %swap3A_2527 : i32 to index
        %swap3A_2530 = arith.index_cast %scan3A_121 : i32 to index
        %swap3A_2531 = arith.constant 544 : index
        %swap3A_2532 = tpu.vector_load %arg6[%swap3A_2528, %swap3A_2529, %swap3A_2530, %swap3A_2531] {strides = array<i32>} : memref<2x4x8x1024xf32, #tpu.memory_space<vmem>>, vector<1x1x1x16xf32>,
        %swap3A_2533 = vector.shape_cast %swap3A_2532 : vector<1x1x1x16xf32> to vector<16xf32>
        %swap3A_2534 = vector.shape_cast %add3A_2526 : vector<16xf32> to vector<1x1x1x16xf32>
        tpu.vector_store %arg6[%swap3A_2528, %swap3A_2529, %swap3A_2530, %swap3A_2531], %swap3A_2534 {strides = array<i32>} : memref<2x4x8x1024xf32, #tpu.memory_space<vmem>>, vector<1x1x1x16xf32>,
        %get3A_2535 = arith.index_cast %rem3A_58 : i32 to index
        %get3A_2536 = arith.index_cast %scan3A_121 : i32 to index
        %get3A_2537 = arith.constant 560 : index
        %get3A_2538 = tpu.vector_load %arg5[%get3A_2535, %get3A_2536, %get3A_2537] {strides = array<i32>} : memref<2x8x1024xf32, #tpu.memory_space<vmem>>, vector<1x1x16xf32>,
        %get3A_2539 = vector.shape_cast %get3A_2538 : vector<1x1x16xf32> to vector<16xf32>
        %get3A_2540 = arith.constant 0 : i32
        %get3A_2541 = arith.index_cast %rem3A_58 : i32 to index
        %get3A_2542 = arith.index_cast %get3A_2540 : i32 to index
        %get3A_2543 = arith.index_cast %scan3A_121 : i32 to index
        %get3A_2544 = arith.constant 560 : index
        %get3A_2545 = tpu.vector_load %arg6[%get3A_2541, %get3A_2542, %get3A_2543, %get3A_2544] {strides = array<i32>} : memref<2x4x8x1024xf32, #tpu.memory_space<vmem>>, vector<1x1x1x16xf32>,
        %get3A_2546 = vector.shape_cast %get3A_2545 : vector<1x1x1x16xf32> to vector<16xf32>
        %add3A_2547 = arith.addf %get3A_2546, %get3A_2539 : vector<16xf32>
        %swap3A_2548 = arith.constant 0 : i32
        %swap3A_2549 = arith.index_cast %rem3A_58 : i32 to index
        %swap3A_2550 = arith.index_cast %swap3A_2548 : i32 to index
        %swap3A_2551 = arith.index_cast %scan3A_121 : i32 to index
        %swap3A_2552 = arith.constant 560 : index
        %swap3A_2553 = tpu.vector_load %arg6[%swap3A_2549, %swap3A_2550, %swap3A_2551, %swap3A_2552] {strides = array<i32>} : memref<2x4x8x1024xf32, #tpu.memory_space<vmem>>, vector<1x1x1x16xf32>,
        %swap3A_2554 = vector.shape_cast %swap3A_2553 : vector<1x1x1x16xf32> to vector<16xf32>
        %swap3A_2555 = vector.shape_cast %add3A_2547 : vector<16xf32> to vector<1x1x1x16xf32>
        tpu.vector_store %arg6[%swap3A_2549, %swap3A_2550, %swap3A_2551, %swap3A_2552], %swap3A_2555 {strides = array<i32>} : memref<2x4x8x1024xf32, #tpu.memory_space<vmem>>, vector<1x1x1x16xf32>,
        %get3A_2556 = arith.constant 1 : i32
        %get3A_2557 = arith.index_cast %rem3A_58 : i32 to index
        %get3A_2558 = arith.index_cast %get3A_2556 : i32 to index
        %get3A_2559 = arith.index_cast %scan3A_121 : i32 to index
        %get3A_2560 = arith.constant 560 : index
        %get3A_2561 = tpu.vector_load %arg6[%get3A_2557, %get3A_2558, %get3A_2559, %get3A_2560] {strides = array<i32>} : memref<2x4x8x1024xf32, #tpu.memory_space<vmem>>, vector<1x1x1x16xf32>,
        %get3A_2562 = vector.shape_cast %get3A_2561 : vector<1x1x1x16xf32> to vector<16xf32>
        %add3A_2563 = arith.addf %get3A_2562, %get3A_2539 : vector<16xf32>
        %swap3A_2564 = arith.constant 1 : i32
        %swap3A_2565 = arith.index_cast %rem3A_58 : i32 to index
        %swap3A_2566 = arith.index_cast %swap3A_2564 : i32 to index
        %swap3A_2567 = arith.index_cast %scan3A_121 : i32 to index
        %swap3A_2568 = arith.constant 560 : index
        %swap3A_2569 = tpu.vector_load %arg6[%swap3A_2565, %swap3A_2566, %swap3A_2567, %swap3A_2568] {strides = array<i32>} : memref<2x4x8x1024xf32, #tpu.memory_space<vmem>>, vector<1x1x1x16xf32>,
        %swap3A_2570 = vector.shape_cast %swap3A_2569 : vector<1x1x1x16xf32> to vector<16xf32>
        %swap3A_2571 = vector.shape_cast %add3A_2563 : vector<16xf32> to vector<1x1x1x16xf32>
        tpu.vector_store %arg6[%swap3A_2565, %swap3A_2566, %swap3A_2567, %swap3A_2568], %swap3A_2571 {strides = array<i32>} : memref<2x4x8x1024xf32, #tpu.memory_space<vmem>>, vector<1x1x1x16xf32>,
        %get3A_2572 = arith.constant 2 : i32
        %get3A_2573 = arith.index_cast %rem3A_58 : i32 to index
        %get3A_2574 = arith.index_cast %get3A_2572 : i32 to index
        %get3A_2575 = arith.index_cast %scan3A_121 : i32 to index
        %get3A_2576 = arith.constant 560 : index
        %get3A_2577 = tpu.vector_load %arg6[%get3A_2573, %get3A_2574, %get3A_2575, %get3A_2576] {strides = array<i32>} : memref<2x4x8x1024xf32, #tpu.memory_space<vmem>>, vector<1x1x1x16xf32>,
        %get3A_2578 = vector.shape_cast %get3A_2577 : vector<1x1x1x16xf32> to vector<16xf32>
        %add3A_2579 = arith.addf %get3A_2578, %get3A_2539 : vector<16xf32>
        %swap3A_2580 = arith.constant 2 : i32
        %swap3A_2581 = arith.index_cast %rem3A_58 : i32 to index
        %swap3A_2582 = arith.index_cast %swap3A_2580 : i32 to index
        %swap3A_2583 = arith.index_cast %scan3A_121 : i32 to index
        %swap3A_2584 = arith.constant 560 : index
        %swap3A_2585 = tpu.vector_load %arg6[%swap3A_2581, %swap3A_2582, %swap3A_2583, %swap3A_2584] {strides = array<i32>} : memref<2x4x8x1024xf32, #tpu.memory_space<vmem>>, vector<1x1x1x16xf32>,
        %swap3A_2586 = vector.shape_cast %swap3A_2585 : vector<1x1x1x16xf32> to vector<16xf32>
        %swap3A_2587 = vector.shape_cast %add3A_2579 : vector<16xf32> to vector<1x1x1x16xf32>
        tpu.vector_store %arg6[%swap3A_2581, %swap3A_2582, %swap3A_2583, %swap3A_2584], %swap3A_2587 {strides = array<i32>} : memref<2x4x8x1024xf32, #tpu.memory_space<vmem>>, vector<1x1x1x16xf32>,
        %get3A_2588 = arith.constant 3 : i32
        %get3A_2589 = arith.index_cast %rem3A_58 : i32 to index
        %get3A_2590 = arith.index_cast %get3A_2588 : i32 to index
        %get3A_2591 = arith.index_cast %scan3A_121 : i32 to index
        %get3A_2592 = arith.constant 560 : index
        %get3A_2593 = tpu.vector_load %arg6[%get3A_2589, %get3A_2590, %get3A_2591, %get3A_2592] {strides = array<i32>} : memref<2x4x8x1024xf32, #tpu.memory_space<vmem>>, vector<1x1x1x16xf32>,
        %get3A_2594 = vector.shape_cast %get3A_2593 : vector<1x1x1x16xf32> to vector<16xf32>
        %add3A_2595 = arith.addf %get3A_2594, %get3A_2539 : vector<16xf32>
        %swap3A_2596 = arith.constant 3 : i32
        %swap3A_2597 = arith.index_cast %rem3A_58 : i32 to index
        %swap3A_2598 = arith.index_cast %swap3A_2596 : i32 to index
        %swap3A_2599 = arith.index_cast %scan3A_121 : i32 to index
        %swap3A_2600 = arith.constant 560 : index
        %swap3A_2601 = tpu.vector_load %arg6[%swap3A_2597, %swap3A_2598, %swap3A_2599, %swap3A_2600] {strides = array<i32>} : memref<2x4x8x1024xf32, #tpu.memory_space<vmem>>, vector<1x1x1x16xf32>,
        %swap3A_2602 = vector.shape_cast %swap3A_2601 : vector<1x1x1x16xf32> to vector<16xf32>
        %swap3A_2603 = vector.shape_cast %add3A_2595 : vector<16xf32> to vector<1x1x1x16xf32>
        tpu.vector_store %arg6[%swap3A_2597, %swap3A_2598, %swap3A_2599, %swap3A_2600], %swap3A_2603 {strides = array<i32>} : memref<2x4x8x1024xf32, #tpu.memory_space<vmem>>, vector<1x1x1x16xf32>,
        %get3A_2604 = arith.index_cast %rem3A_58 : i32 to index
        %get3A_2605 = arith.index_cast %scan3A_121 : i32 to index
        %get3A_2606 = arith.constant 576 : index
        %get3A_2607 = tpu.vector_load %arg5[%get3A_2604, %get3A_2605, %get3A_2606] {strides = array<i32>} : memref<2x8x1024xf32, #tpu.memory_space<vmem>>, vector<1x1x16xf32>,
        %get3A_2608 = vector.shape_cast %get3A_2607 : vector<1x1x16xf32> to vector<16xf32>
        %get3A_2609 = arith.constant 0 : i32
        %get3A_2610 = arith.index_cast %rem3A_58 : i32 to index
        %get3A_2611 = arith.index_cast %get3A_2609 : i32 to index
        %get3A_2612 = arith.index_cast %scan3A_121 : i32 to index
        %get3A_2613 = arith.constant 576 : index
        %get3A_2614 = tpu.vector_load %arg6[%get3A_2610, %get3A_2611, %get3A_2612, %get3A_2613] {strides = array<i32>} : memref<2x4x8x1024xf32, #tpu.memory_space<vmem>>, vector<1x1x1x16xf32>,
        %get3A_2615 = vector.shape_cast %get3A_2614 : vector<1x1x1x16xf32> to vector<16xf32>
        %add3A_2616 = arith.addf %get3A_2615, %get3A_2608 : vector<16xf32>
        %swap3A_2617 = arith.constant 0 : i32
        %swap3A_2618 = arith.index_cast %rem3A_58 : i32 to index
        %swap3A_2619 = arith.index_cast %swap3A_2617 : i32 to index
        %swap3A_2620 = arith.index_cast %scan3A_121 : i32 to index
        %swap3A_2621 = arith.constant 576 : index
        %swap3A_2622 = tpu.vector_load %arg6[%swap3A_2618, %swap3A_2619, %swap3A_2620, %swap3A_2621] {strides = array<i32>} : memref<2x4x8x1024xf32, #tpu.memory_space<vmem>>, vector<1x1x1x16xf32>,
        %swap3A_2623 = vector.shape_cast %swap3A_2622 : vector<1x1x1x16xf32> to vector<16xf32>
        %swap3A_2624 = vector.shape_cast %add3A_2616 : vector<16xf32> to vector<1x1x1x16xf32>
        tpu.vector_store %arg6[%swap3A_2618, %swap3A_2619, %swap3A_2620, %swap3A_2621], %swap3A_2624 {strides = array<i32>} : memref<2x4x8x1024xf32, #tpu.memory_space<vmem>>, vector<1x1x1x16xf32>,
        %get3A_2625 = arith.constant 1 : i32
        %get3A_2626 = arith.index_cast %rem3A_58 : i32 to index
        %get3A_2627 = arith.index_cast %get3A_2625 : i32 to index
        %get3A_2628 = arith.index_cast %scan3A_121 : i32 to index
        %get3A_2629 = arith.constant 576 : index
        %get3A_2630 = tpu.vector_load %arg6[%get3A_2626, %get3A_2627, %get3A_2628, %get3A_2629] {strides = array<i32>} : memref<2x4x8x1024xf32, #tpu.memory_space<vmem>>, vector<1x1x1x16xf32>,
        %get3A_2631 = vector.shape_cast %get3A_2630 : vector<1x1x1x16xf32> to vector<16xf32>
        %add3A_2632 = arith.addf %get3A_2631, %get3A_2608 : vector<16xf32>
        %swap3A_2633 = arith.constant 1 : i32
        %swap3A_2634 = arith.index_cast %rem3A_58 : i32 to index
        %swap3A_2635 = arith.index_cast %swap3A_2633 : i32 to index
        %swap3A_2636 = arith.index_cast %scan3A_121 : i32 to index
        %swap3A_2637 = arith.constant 576 : index
        %swap3A_2638 = tpu.vector_load %arg6[%swap3A_2634, %swap3A_2635, %swap3A_2636, %swap3A_2637] {strides = array<i32>} : memref<2x4x8x1024xf32, #tpu.memory_space<vmem>>, vector<1x1x1x16xf32>,
        %swap3A_2639 = vector.shape_cast %swap3A_2638 : vector<1x1x1x16xf32> to vector<16xf32>
        %swap3A_2640 = vector.shape_cast %add3A_2632 : vector<16xf32> to vector<1x1x1x16xf32>
        tpu.vector_store %arg6[%swap3A_2634, %swap3A_2635, %swap3A_2636, %swap3A_2637], %swap3A_2640 {strides = array<i32>} : memref<2x4x8x1024xf32, #tpu.memory_space<vmem>>, vector<1x1x1x16xf32>,
        %get3A_2641 = arith.constant 2 : i32
        %get3A_2642 = arith.index_cast %rem3A_58 : i32 to index
        %get3A_2643 = arith.index_cast %get3A_2641 : i32 to index
        %get3A_2644 = arith.index_cast %scan3A_121 : i32 to index
        %get3A_2645 = arith.constant 576 : index
        %get3A_2646 = tpu.vector_load %arg6[%get3A_2642, %get3A_2643, %get3A_2644, %get3A_2645] {strides = array<i32>} : memref<2x4x8x1024xf32, #tpu.memory_space<vmem>>, vector<1x1x1x16xf32>,
        %get3A_2647 = vector.shape_cast %get3A_2646 : vector<1x1x1x16xf32> to vector<16xf32>
        %add3A_2648 = arith.addf %get3A_2647, %get3A_2608 : vector<16xf32>
        %swap3A_2649 = arith.constant 2 : i32
        %swap3A_2650 = arith.index_cast %rem3A_58 : i32 to index
        %swap3A_2651 = arith.index_cast %swap3A_2649 : i32 to index
        %swap3A_2652 = arith.index_cast %scan3A_121 : i32 to index
        %swap3A_2653 = arith.constant 576 : index
        %swap3A_2654 = tpu.vector_load %arg6[%swap3A_2650, %swap3A_2651, %swap3A_2652, %swap3A_2653] {strides = array<i32>} : memref<2x4x8x1024xf32, #tpu.memory_space<vmem>>, vector<1x1x1x16xf32>,
        %swap3A_2655 = vector.shape_cast %swap3A_2654 : vector<1x1x1x16xf32> to vector<16xf32>
        %swap3A_2656 = vector.shape_cast %add3A_2648 : vector<16xf32> to vector<1x1x1x16xf32>
        tpu.vector_store %arg6[%swap3A_2650, %swap3A_2651, %swap3A_2652, %swap3A_2653], %swap3A_2656 {strides = array<i32>} : memref<2x4x8x1024xf32, #tpu.memory_space<vmem>>, vector<1x1x1x16xf32>,
        %get3A_2657 = arith.constant 3 : i32
        %get3A_2658 = arith.index_cast %rem3A_58 : i32 to index
        %get3A_2659 = arith.index_cast %get3A_2657 : i32 to index
        %get3A_2660 = arith.index_cast %scan3A_121 : i32 to index
        %get3A_2661 = arith.constant 576 : index
        %get3A_2662 = tpu.vector_load %arg6[%get3A_2658, %get3A_2659, %get3A_2660, %get3A_2661] {strides = array<i32>} : memref<2x4x8x1024xf32, #tpu.memory_space<vmem>>, vector<1x1x1x16xf32>,
        %get3A_2663 = vector.shape_cast %get3A_2662 : vector<1x1x1x16xf32> to vector<16xf32>
        %add3A_2664 = arith.addf %get3A_2663, %get3A_2608 : vector<16xf32>
        %swap3A_2665 = arith.constant 3 : i32
        %swap3A_2666 = arith.index_cast %rem3A_58 : i32 to index
        %swap3A_2667 = arith.index_cast %swap3A_2665 : i32 to index
        %swap3A_2668 = arith.index_cast %scan3A_121 : i32 to index
        %swap3A_2669 = arith.constant 576 : index
        %swap3A_2670 = tpu.vector_load %arg6[%swap3A_2666, %swap3A_2667, %swap3A_2668, %swap3A_2669] {strides = array<i32>} : memref<2x4x8x1024xf32, #tpu.memory_space<vmem>>, vector<1x1x1x16xf32>,
        %swap3A_2671 = vector.shape_cast %swap3A_2670 : vector<1x1x1x16xf32> to vector<16xf32>
        %swap3A_2672 = vector.shape_cast %add3A_2664 : vector<16xf32> to vector<1x1x1x16xf32>
        tpu.vector_store %arg6[%swap3A_2666, %swap3A_2667, %swap3A_2668, %swap3A_2669], %swap3A_2672 {strides = array<i32>} : memref<2x4x8x1024xf32, #tpu.memory_space<vmem>>, vector<1x1x1x16xf32>,
        %get3A_2673 = arith.index_cast %rem3A_58 : i32 to index
        %get3A_2674 = arith.index_cast %scan3A_121 : i32 to index
        %get3A_2675 = arith.constant 592 : index
        %get3A_2676 = tpu.vector_load %arg5[%get3A_2673, %get3A_2674, %get3A_2675] {strides = array<i32>} : memref<2x8x1024xf32, #tpu.memory_space<vmem>>, vector<1x1x16xf32>,
        %get3A_2677 = vector.shape_cast %get3A_2676 : vector<1x1x16xf32> to vector<16xf32>
        %get3A_2678 = arith.constant 0 : i32
        %get3A_2679 = arith.index_cast %rem3A_58 : i32 to index
        %get3A_2680 = arith.index_cast %get3A_2678 : i32 to index
        %get3A_2681 = arith.index_cast %scan3A_121 : i32 to index
        %get3A_2682 = arith.constant 592 : index
        %get3A_2683 = tpu.vector_load %arg6[%get3A_2679, %get3A_2680, %get3A_2681, %get3A_2682] {strides = array<i32>} : memref<2x4x8x1024xf32, #tpu.memory_space<vmem>>, vector<1x1x1x16xf32>,
        %get3A_2684 = vector.shape_cast %get3A_2683 : vector<1x1x1x16xf32> to vector<16xf32>
        %add3A_2685 = arith.addf %get3A_2684, %get3A_2677 : vector<16xf32>
        %swap3A_2686 = arith.constant 0 : i32
        %swap3A_2687 = arith.index_cast %rem3A_58 : i32 to index
        %swap3A_2688 = arith.index_cast %swap3A_2686 : i32 to index
        %swap3A_2689 = arith.index_cast %scan3A_121 : i32 to index
        %swap3A_2690 = arith.constant 592 : index
        %swap3A_2691 = tpu.vector_load %arg6[%swap3A_2687, %swap3A_2688, %swap3A_2689, %swap3A_2690] {strides = array<i32>} : memref<2x4x8x1024xf32, #tpu.memory_space<vmem>>, vector<1x1x1x16xf32>,
        %swap3A_2692 = vector.shape_cast %swap3A_2691 : vector<1x1x1x16xf32> to vector<16xf32>
        %swap3A_2693 = vector.shape_cast %add3A_2685 : vector<16xf32> to vector<1x1x1x16xf32>
        tpu.vector_store %arg6[%swap3A_2687, %swap3A_2688, %swap3A_2689, %swap3A_2690], %swap3A_2693 {strides = array<i32>} : memref<2x4x8x1024xf32, #tpu.memory_space<vmem>>, vector<1x1x1x16xf32>,
        %get3A_2694 = arith.constant 1 : i32
        %get3A_2695 = arith.index_cast %rem3A_58 : i32 to index
        %get3A_2696 = arith.index_cast %get3A_2694 : i32 to index
        %get3A_2697 = arith.index_cast %scan3A_121 : i32 to index
        %get3A_2698 = arith.constant 592 : index
        %get3A_2699 = tpu.vector_load %arg6[%get3A_2695, %get3A_2696, %get3A_2697, %get3A_2698] {strides = array<i32>} : memref<2x4x8x1024xf32, #tpu.memory_space<vmem>>, vector<1x1x1x16xf32>,
        %get3A_2700 = vector.shape_cast %get3A_2699 : vector<1x1x1x16xf32> to vector<16xf32>
        %add3A_2701 = arith.addf %get3A_2700, %get3A_2677 : vector<16xf32>
        %swap3A_2702 = arith.constant 1 : i32
        %swap3A_2703 = arith.index_cast %rem3A_58 : i32 to index
        %swap3A_2704 = arith.index_cast %swap3A_2702 : i32 to index
        %swap3A_2705 = arith.index_cast %scan3A_121 : i32 to index
        %swap3A_2706 = arith.constant 592 : index
        %swap3A_2707 = tpu.vector_load %arg6[%swap3A_2703, %swap3A_2704, %swap3A_2705, %swap3A_2706] {strides = array<i32>} : memref<2x4x8x1024xf32, #tpu.memory_space<vmem>>, vector<1x1x1x16xf32>,
        %swap3A_2708 = vector.shape_cast %swap3A_2707 : vector<1x1x1x16xf32> to vector<16xf32>
        %swap3A_2709 = vector.shape_cast %add3A_2701 : vector<16xf32> to vector<1x1x1x16xf32>
        tpu.vector_store %arg6[%swap3A_2703, %swap3A_2704, %swap3A_2705, %swap3A_2706], %swap3A_2709 {strides = array<i32>} : memref<2x4x8x1024xf32, #tpu.memory_space<vmem>>, vector<1x1x1x16xf32>,
        %get3A_2710 = arith.constant 2 : i32
        %get3A_2711 = arith.index_cast %rem3A_58 : i32 to index
        %get3A_2712 = arith.index_cast %get3A_2710 : i32 to index
        %get3A_2713 = arith.index_cast %scan3A_121 : i32 to index
        %get3A_2714 = arith.constant 592 : index
        %get3A_2715 = tpu.vector_load %arg6[%get3A_2711, %get3A_2712, %get3A_2713, %get3A_2714] {strides = array<i32>} : memref<2x4x8x1024xf32, #tpu.memory_space<vmem>>, vector<1x1x1x16xf32>,
        %get3A_2716 = vector.shape_cast %get3A_2715 : vector<1x1x1x16xf32> to vector<16xf32>
        %add3A_2717 = arith.addf %get3A_2716, %get3A_2677 : vector<16xf32>
        %swap3A_2718 = arith.constant 2 : i32
        %swap3A_2719 = arith.index_cast %rem3A_58 : i32 to index
        %swap3A_2720 = arith.index_cast %swap3A_2718 : i32 to index
        %swap3A_2721 = arith.index_cast %scan3A_121 : i32 to index
        %swap3A_2722 = arith.constant 592 : index
        %swap3A_2723 = tpu.vector_load %arg6[%swap3A_2719, %swap3A_2720, %swap3A_2721, %swap3A_2722] {strides = array<i32>} : memref<2x4x8x1024xf32, #tpu.memory_space<vmem>>, vector<1x1x1x16xf32>,
        %swap3A_2724 = vector.shape_cast %swap3A_2723 : vector<1x1x1x16xf32> to vector<16xf32>
        %swap3A_2725 = vector.shape_cast %add3A_2717 : vector<16xf32> to vector<1x1x1x16xf32>
        tpu.vector_store %arg6[%swap3A_2719, %swap3A_2720, %swap3A_2721, %swap3A_2722], %swap3A_2725 {strides = array<i32>} : memref<2x4x8x1024xf32, #tpu.memory_space<vmem>>, vector<1x1x1x16xf32>,
        %get3A_2726 = arith.constant 3 : i32
        %get3A_2727 = arith.index_cast %rem3A_58 : i32 to index
        %get3A_2728 = arith.index_cast %get3A_2726 : i32 to index
        %get3A_2729 = arith.index_cast %scan3A_121 : i32 to index
        %get3A_2730 = arith.constant 592 : index
        %get3A_2731 = tpu.vector_load %arg6[%get3A_2727, %get3A_2728, %get3A_2729, %get3A_2730] {strides = array<i32>} : memref<2x4x8x1024xf32, #tpu.memory_space<vmem>>, vector<1x1x1x16xf32>,
        %get3A_2732 = vector.shape_cast %get3A_2731 : vector<1x1x1x16xf32> to vector<16xf32>
        %add3A_2733 = arith.addf %get3A_2732, %get3A_2677 : vector<16xf32>
        %swap3A_2734 = arith.constant 3 : i32
        %swap3A_2735 = arith.index_cast %rem3A_58 : i32 to index
        %swap3A_2736 = arith.index_cast %swap3A_2734 : i32 to index
        %swap3A_2737 = arith.index_cast %scan3A_121 : i32 to index
        %swap3A_2738 = arith.constant 592 : index
        %swap3A_2739 = tpu.vector_load %arg6[%swap3A_2735, %swap3A_2736, %swap3A_2737, %swap3A_2738] {strides = array<i32>} : memref<2x4x8x1024xf32, #tpu.memory_space<vmem>>, vector<1x1x1x16xf32>,
        %swap3A_2740 = vector.shape_cast %swap3A_2739 : vector<1x1x1x16xf32> to vector<16xf32>
        %swap3A_2741 = vector.shape_cast %add3A_2733 : vector<16xf32> to vector<1x1x1x16xf32>
        tpu.vector_store %arg6[%swap3A_2735, %swap3A_2736, %swap3A_2737, %swap3A_2738], %swap3A_2741 {strides = array<i32>} : memref<2x4x8x1024xf32, #tpu.memory_space<vmem>>, vector<1x1x1x16xf32>,
        %get3A_2742 = arith.index_cast %rem3A_58 : i32 to index
        %get3A_2743 = arith.index_cast %scan3A_121 : i32 to index
        %get3A_2744 = arith.constant 608 : index
        %get3A_2745 = tpu.vector_load %arg5[%get3A_2742, %get3A_2743, %get3A_2744] {strides = array<i32>} : memref<2x8x1024xf32, #tpu.memory_space<vmem>>, vector<1x1x16xf32>,
        %get3A_2746 = vector.shape_cast %get3A_2745 : vector<1x1x16xf32> to vector<16xf32>
        %get3A_2747 = arith.constant 0 : i32
        %get3A_2748 = arith.index_cast %rem3A_58 : i32 to index
        %get3A_2749 = arith.index_cast %get3A_2747 : i32 to index
        %get3A_2750 = arith.index_cast %scan3A_121 : i32 to index
        %get3A_2751 = arith.constant 608 : index
        %get3A_2752 = tpu.vector_load %arg6[%get3A_2748, %get3A_2749, %get3A_2750, %get3A_2751] {strides = array<i32>} : memref<2x4x8x1024xf32, #tpu.memory_space<vmem>>, vector<1x1x1x16xf32>,
        %get3A_2753 = vector.shape_cast %get3A_2752 : vector<1x1x1x16xf32> to vector<16xf32>
        %add3A_2754 = arith.addf %get3A_2753, %get3A_2746 : vector<16xf32>
        %swap3A_2755 = arith.constant 0 : i32
        %swap3A_2756 = arith.index_cast %rem3A_58 : i32 to index
        %swap3A_2757 = arith.index_cast %swap3A_2755 : i32 to index
        %swap3A_2758 = arith.index_cast %scan3A_121 : i32 to index
        %swap3A_2759 = arith.constant 608 : index
        %swap3A_2760 = tpu.vector_load %arg6[%swap3A_2756, %swap3A_2757, %swap3A_2758, %swap3A_2759] {strides = array<i32>} : memref<2x4x8x1024xf32, #tpu.memory_space<vmem>>, vector<1x1x1x16xf32>,
        %swap3A_2761 = vector.shape_cast %swap3A_2760 : vector<1x1x1x16xf32> to vector<16xf32>
        %swap3A_2762 = vector.shape_cast %add3A_2754 : vector<16xf32> to vector<1x1x1x16xf32>
        tpu.vector_store %arg6[%swap3A_2756, %swap3A_2757, %swap3A_2758, %swap3A_2759], %swap3A_2762 {strides = array<i32>} : memref<2x4x8x1024xf32, #tpu.memory_space<vmem>>, vector<1x1x1x16xf32>,
        %get3A_2763 = arith.constant 1 : i32
        %get3A_2764 = arith.index_cast %rem3A_58 : i32 to index
        %get3A_2765 = arith.index_cast %get3A_2763 : i32 to index
        %get3A_2766 = arith.index_cast %scan3A_121 : i32 to index
        %get3A_2767 = arith.constant 608 : index
        %get3A_2768 = tpu.vector_load %arg6[%get3A_2764, %get3A_2765, %get3A_2766, %get3A_2767] {strides = array<i32>} : memref<2x4x8x1024xf32, #tpu.memory_space<vmem>>, vector<1x1x1x16xf32>,
        %get3A_2769 = vector.shape_cast %get3A_2768 : vector<1x1x1x16xf32> to vector<16xf32>
        %add3A_2770 = arith.addf %get3A_2769, %get3A_2746 : vector<16xf32>
        %swap3A_2771 = arith.constant 1 : i32
        %swap3A_2772 = arith.index_cast %rem3A_58 : i32 to index
        %swap3A_2773 = arith.index_cast %swap3A_2771 : i32 to index
        %swap3A_2774 = arith.index_cast %scan3A_121 : i32 to index
        %swap3A_2775 = arith.constant 608 : index
        %swap3A_2776 = tpu.vector_load %arg6[%swap3A_2772, %swap3A_2773, %swap3A_2774, %swap3A_2775] {strides = array<i32>} : memref<2x4x8x1024xf32, #tpu.memory_space<vmem>>, vector<1x1x1x16xf32>,
        %swap3A_2777 = vector.shape_cast %swap3A_2776 : vector<1x1x1x16xf32> to vector<16xf32>
        %swap3A_2778 = vector.shape_cast %add3A_2770 : vector<16xf32> to vector<1x1x1x16xf32>
        tpu.vector_store %arg6[%swap3A_2772, %swap3A_2773, %swap3A_2774, %swap3A_2775], %swap3A_2778 {strides = array<i32>} : memref<2x4x8x1024xf32, #tpu.memory_space<vmem>>, vector<1x1x1x16xf32>,
        %get3A_2779 = arith.constant 2 : i32
        %get3A_2780 = arith.index_cast %rem3A_58 : i32 to index
        %get3A_2781 = arith.index_cast %get3A_2779 : i32 to index
        %get3A_2782 = arith.index_cast %scan3A_121 : i32 to index
        %get3A_2783 = arith.constant 608 : index
        %get3A_2784 = tpu.vector_load %arg6[%get3A_2780, %get3A_2781, %get3A_2782, %get3A_2783] {strides = array<i32>} : memref<2x4x8x1024xf32, #tpu.memory_space<vmem>>, vector<1x1x1x16xf32>,
        %get3A_2785 = vector.shape_cast %get3A_2784 : vector<1x1x1x16xf32> to vector<16xf32>
        %add3A_2786 = arith.addf %get3A_2785, %get3A_2746 : vector<16xf32>
        %swap3A_2787 = arith.constant 2 : i32
        %swap3A_2788 = arith.index_cast %rem3A_58 : i32 to index
        %swap3A_2789 = arith.index_cast %swap3A_2787 : i32 to index
        %swap3A_2790 = arith.index_cast %scan3A_121 : i32 to index
        %swap3A_2791 = arith.constant 608 : index
        %swap3A_2792 = tpu.vector_load %arg6[%swap3A_2788, %swap3A_2789, %swap3A_2790, %swap3A_2791] {strides = array<i32>} : memref<2x4x8x1024xf32, #tpu.memory_space<vmem>>, vector<1x1x1x16xf32>,
        %swap3A_2793 = vector.shape_cast %swap3A_2792 : vector<1x1x1x16xf32> to vector<16xf32>
        %swap3A_2794 = vector.shape_cast %add3A_2786 : vector<16xf32> to vector<1x1x1x16xf32>
        tpu.vector_store %arg6[%swap3A_2788, %swap3A_2789, %swap3A_2790, %swap3A_2791], %swap3A_2794 {strides = array<i32>} : memref<2x4x8x1024xf32, #tpu.memory_space<vmem>>, vector<1x1x1x16xf32>,
        %get3A_2795 = arith.constant 3 : i32
        %get3A_2796 = arith.index_cast %rem3A_58 : i32 to index
        %get3A_2797 = arith.index_cast %get3A_2795 : i32 to index
        %get3A_2798 = arith.index_cast %scan3A_121 : i32 to index
        %get3A_2799 = arith.constant 608 : index
        %get3A_2800 = tpu.vector_load %arg6[%get3A_2796, %get3A_2797, %get3A_2798, %get3A_2799] {strides = array<i32>} : memref<2x4x8x1024xf32, #tpu.memory_space<vmem>>, vector<1x1x1x16xf32>,
        %get3A_2801 = vector.shape_cast %get3A_2800 : vector<1x1x1x16xf32> to vector<16xf32>
        %add3A_2802 = arith.addf %get3A_2801, %get3A_2746 : vector<16xf32>
        %swap3A_2803 = arith.constant 3 : i32
        %swap3A_2804 = arith.index_cast %rem3A_58 : i32 to index
        %swap3A_2805 = arith.index_cast %swap3A_2803 : i32 to index
        %swap3A_2806 = arith.index_cast %scan3A_121 : i32 to index
        %swap3A_2807 = arith.constant 608 : index
        %swap3A_2808 = tpu.vector_load %arg6[%swap3A_2804, %swap3A_2805, %swap3A_2806, %swap3A_2807] {strides = array<i32>} : memref<2x4x8x1024xf32, #tpu.memory_space<vmem>>, vector<1x1x1x16xf32>,
        %swap3A_2809 = vector.shape_cast %swap3A_2808 : vector<1x1x1x16xf32> to vector<16xf32>
        %swap3A_2810 = vector.shape_cast %add3A_2802 : vector<16xf32> to vector<1x1x1x16xf32>
        tpu.vector_store %arg6[%swap3A_2804, %swap3A_2805, %swap3A_2806, %swap3A_2807], %swap3A_2810 {strides = array<i32>} : memref<2x4x8x1024xf32, #tpu.memory_space<vmem>>, vector<1x1x1x16xf32>,
        %get3A_2811 = arith.index_cast %rem3A_58 : i32 to index
        %get3A_2812 = arith.index_cast %scan3A_121 : i32 to index
        %get3A_2813 = arith.constant 624 : index
        %get3A_2814 = tpu.vector_load %arg5[%get3A_2811, %get3A_2812, %get3A_2813] {strides = array<i32>} : memref<2x8x1024xf32, #tpu.memory_space<vmem>>, vector<1x1x16xf32>,
        %get3A_2815 = vector.shape_cast %get3A_2814 : vector<1x1x16xf32> to vector<16xf32>
        %get3A_2816 = arith.constant 0 : i32
        %get3A_2817 = arith.index_cast %rem3A_58 : i32 to index
        %get3A_2818 = arith.index_cast %get3A_2816 : i32 to index
        %get3A_2819 = arith.index_cast %scan3A_121 : i32 to index
        %get3A_2820 = arith.constant 624 : index
        %get3A_2821 = tpu.vector_load %arg6[%get3A_2817, %get3A_2818, %get3A_2819, %get3A_2820] {strides = array<i32>} : memref<2x4x8x1024xf32, #tpu.memory_space<vmem>>, vector<1x1x1x16xf32>,
        %get3A_2822 = vector.shape_cast %get3A_2821 : vector<1x1x1x16xf32> to vector<16xf32>
        %add3A_2823 = arith.addf %get3A_2822, %get3A_2815 : vector<16xf32>
        %swap3A_2824 = arith.constant 0 : i32
        %swap3A_2825 = arith.index_cast %rem3A_58 : i32 to index
        %swap3A_2826 = arith.index_cast %swap3A_2824 : i32 to index
        %swap3A_2827 = arith.index_cast %scan3A_121 : i32 to index
        %swap3A_2828 = arith.constant 624 : index
        %swap3A_2829 = tpu.vector_load %arg6[%swap3A_2825, %swap3A_2826, %swap3A_2827, %swap3A_2828] {strides = array<i32>} : memref<2x4x8x1024xf32, #tpu.memory_space<vmem>>, vector<1x1x1x16xf32>,
        %swap3A_2830 = vector.shape_cast %swap3A_2829 : vector<1x1x1x16xf32> to vector<16xf32>
        %swap3A_2831 = vector.shape_cast %add3A_2823 : vector<16xf32> to vector<1x1x1x16xf32>
        tpu.vector_store %arg6[%swap3A_2825, %swap3A_2826, %swap3A_2827, %swap3A_2828], %swap3A_2831 {strides = array<i32>} : memref<2x4x8x1024xf32, #tpu.memory_space<vmem>>, vector<1x1x1x16xf32>,
        %get3A_2832 = arith.constant 1 : i32
        %get3A_2833 = arith.index_cast %rem3A_58 : i32 to index
        %get3A_2834 = arith.index_cast %get3A_2832 : i32 to index
        %get3A_2835 = arith.index_cast %scan3A_121 : i32 to index
        %get3A_2836 = arith.constant 624 : index
        %get3A_2837 = tpu.vector_load %arg6[%get3A_2833, %get3A_2834, %get3A_2835, %get3A_2836] {strides = array<i32>} : memref<2x4x8x1024xf32, #tpu.memory_space<vmem>>, vector<1x1x1x16xf32>,
        %get3A_2838 = vector.shape_cast %get3A_2837 : vector<1x1x1x16xf32> to vector<16xf32>
        %add3A_2839 = arith.addf %get3A_2838, %get3A_2815 : vector<16xf32>
        %swap3A_2840 = arith.constant 1 : i32
        %swap3A_2841 = arith.index_cast %rem3A_58 : i32 to index
        %swap3A_2842 = arith.index_cast %swap3A_2840 : i32 to index
        %swap3A_2843 = arith.index_cast %scan3A_121 : i32 to index
        %swap3A_2844 = arith.constant 624 : index
        %swap3A_2845 = tpu.vector_load %arg6[%swap3A_2841, %swap3A_2842, %swap3A_2843, %swap3A_2844] {strides = array<i32>} : memref<2x4x8x1024xf32, #tpu.memory_space<vmem>>, vector<1x1x1x16xf32>,
        %swap3A_2846 = vector.shape_cast %swap3A_2845 : vector<1x1x1x16xf32> to vector<16xf32>
        %swap3A_2847 = vector.shape_cast %add3A_2839 : vector<16xf32> to vector<1x1x1x16xf32>
        tpu.vector_store %arg6[%swap3A_2841, %swap3A_2842, %swap3A_2843, %swap3A_2844], %swap3A_2847 {strides = array<i32>} : memref<2x4x8x1024xf32, #tpu.memory_space<vmem>>, vector<1x1x1x16xf32>,
        %get3A_2848 = arith.constant 2 : i32
        %get3A_2849 = arith.index_cast %rem3A_58 : i32 to index
        %get3A_2850 = arith.index_cast %get3A_2848 : i32 to index
        %get3A_2851 = arith.index_cast %scan3A_121 : i32 to index
        %get3A_2852 = arith.constant 624 : index
        %get3A_2853 = tpu.vector_load %arg6[%get3A_2849, %get3A_2850, %get3A_2851, %get3A_2852] {strides = array<i32>} : memref<2x4x8x1024xf32, #tpu.memory_space<vmem>>, vector<1x1x1x16xf32>,
        %get3A_2854 = vector.shape_cast %get3A_2853 : vector<1x1x1x16xf32> to vector<16xf32>
        %add3A_2855 = arith.addf %get3A_2854, %get3A_2815 : vector<16xf32>
        %swap3A_2856 = arith.constant 2 : i32
        %swap3A_2857 = arith.index_cast %rem3A_58 : i32 to index
        %swap3A_2858 = arith.index_cast %swap3A_2856 : i32 to index
        %swap3A_2859 = arith.index_cast %scan3A_121 : i32 to index
        %swap3A_2860 = arith.constant 624 : index
        %swap3A_2861 = tpu.vector_load %arg6[%swap3A_2857, %swap3A_2858, %swap3A_2859, %swap3A_2860] {strides = array<i32>} : memref<2x4x8x1024xf32, #tpu.memory_space<vmem>>, vector<1x1x1x16xf32>,
        %swap3A_2862 = vector.shape_cast %swap3A_2861 : vector<1x1x1x16xf32> to vector<16xf32>
        %swap3A_2863 = vector.shape_cast %add3A_2855 : vector<16xf32> to vector<1x1x1x16xf32>
        tpu.vector_store %arg6[%swap3A_2857, %swap3A_2858, %swap3A_2859, %swap3A_2860], %swap3A_2863 {strides = array<i32>} : memref<2x4x8x1024xf32, #tpu.memory_space<vmem>>, vector<1x1x1x16xf32>,
        %get3A_2864 = arith.constant 3 : i32
        %get3A_2865 = arith.index_cast %rem3A_58 : i32 to index
        %get3A_2866 = arith.index_cast %get3A_2864 : i32 to index
        %get3A_2867 = arith.index_cast %scan3A_121 : i32 to index
        %get3A_2868 = arith.constant 624 : index
        %get3A_2869 = tpu.vector_load %arg6[%get3A_2865, %get3A_2866, %get3A_2867, %get3A_2868] {strides = array<i32>} : memref<2x4x8x1024xf32, #tpu.memory_space<vmem>>, vector<1x1x1x16xf32>,
        %get3A_2870 = vector.shape_cast %get3A_2869 : vector<1x1x1x16xf32> to vector<16xf32>
        %add3A_2871 = arith.addf %get3A_2870, %get3A_2815 : vector<16xf32>
        %swap3A_2872 = arith.constant 3 : i32
        %swap3A_2873 = arith.index_cast %rem3A_58 : i32 to index
        %swap3A_2874 = arith.index_cast %swap3A_2872 : i32 to index
        %swap3A_2875 = arith.index_cast %scan3A_121 : i32 to index
        %swap3A_2876 = arith.constant 624 : index
        %swap3A_2877 = tpu.vector_load %arg6[%swap3A_2873, %swap3A_2874, %swap3A_2875, %swap3A_2876] {strides = array<i32>} : memref<2x4x8x1024xf32, #tpu.memory_space<vmem>>, vector<1x1x1x16xf32>,
        %swap3A_2878 = vector.shape_cast %swap3A_2877 : vector<1x1x1x16xf32> to vector<16xf32>
        %swap3A_2879 = vector.shape_cast %add3A_2871 : vector<16xf32> to vector<1x1x1x16xf32>
        tpu.vector_store %arg6[%swap3A_2873, %swap3A_2874, %swap3A_2875, %swap3A_2876], %swap3A_2879 {strides = array<i32>} : memref<2x4x8x1024xf32, #tpu.memory_space<vmem>>, vector<1x1x1x16xf32>,
        %get3A_2880 = arith.index_cast %rem3A_58 : i32 to index
        %get3A_2881 = arith.index_cast %scan3A_121 : i32 to index
        %get3A_2882 = arith.constant 640 : index
        %get3A_2883 = tpu.vector_load %arg5[%get3A_2880, %get3A_2881, %get3A_2882] {strides = array<i32>} : memref<2x8x1024xf32, #tpu.memory_space<vmem>>, vector<1x1x16xf32>,
        %get3A_2884 = vector.shape_cast %get3A_2883 : vector<1x1x16xf32> to vector<16xf32>
        %get3A_2885 = arith.constant 0 : i32
        %get3A_2886 = arith.index_cast %rem3A_58 : i32 to index
        %get3A_2887 = arith.index_cast %get3A_2885 : i32 to index
        %get3A_2888 = arith.index_cast %scan3A_121 : i32 to index
        %get3A_2889 = arith.constant 640 : index
        %get3A_2890 = tpu.vector_load %arg6[%get3A_2886, %get3A_2887, %get3A_2888, %get3A_2889] {strides = array<i32>} : memref<2x4x8x1024xf32, #tpu.memory_space<vmem>>, vector<1x1x1x16xf32>,
        %get3A_2891 = vector.shape_cast %get3A_2890 : vector<1x1x1x16xf32> to vector<16xf32>
        %add3A_2892 = arith.addf %get3A_2891, %get3A_2884 : vector<16xf32>
        %swap3A_2893 = arith.constant 0 : i32
        %swap3A_2894 = arith.index_cast %rem3A_58 : i32 to index
        %swap3A_2895 = arith.index_cast %swap3A_2893 : i32 to index
        %swap3A_2896 = arith.index_cast %scan3A_121 : i32 to index
        %swap3A_2897 = arith.constant 640 : index
        %swap3A_2898 = tpu.vector_load %arg6[%swap3A_2894, %swap3A_2895, %swap3A_2896, %swap3A_2897] {strides = array<i32>} : memref<2x4x8x1024xf32, #tpu.memory_space<vmem>>, vector<1x1x1x16xf32>,
        %swap3A_2899 = vector.shape_cast %swap3A_2898 : vector<1x1x1x16xf32> to vector<16xf32>
        %swap3A_2900 = vector.shape_cast %add3A_2892 : vector<16xf32> to vector<1x1x1x16xf32>
        tpu.vector_store %arg6[%swap3A_2894, %swap3A_2895, %swap3A_2896, %swap3A_2897], %swap3A_2900 {strides = array<i32>} : memref<2x4x8x1024xf32, #tpu.memory_space<vmem>>, vector<1x1x1x16xf32>,
        %get3A_2901 = arith.constant 1 : i32
        %get3A_2902 = arith.index_cast %rem3A_58 : i32 to index
        %get3A_2903 = arith.index_cast %get3A_2901 : i32 to index
        %get3A_2904 = arith.index_cast %scan3A_121 : i32 to index
        %get3A_2905 = arith.constant 640 : index
        %get3A_2906 = tpu.vector_load %arg6[%get3A_2902, %get3A_2903, %get3A_2904, %get3A_2905] {strides = array<i32>} : memref<2x4x8x1024xf32, #tpu.memory_space<vmem>>, vector<1x1x1x16xf32>,
        %get3A_2907 = vector.shape_cast %get3A_2906 : vector<1x1x1x16xf32> to vector<16xf32>
        %add3A_2908 = arith.addf %get3A_2907, %get3A_2884 : vector<16xf32>
        %swap3A_2909 = arith.constant 1 : i32
        %swap3A_2910 = arith.index_cast %rem3A_58 : i32 to index
        %swap3A_2911 = arith.index_cast %swap3A_2909 : i32 to index
        %swap3A_2912 = arith.index_cast %scan3A_121 : i32 to index
        %swap3A_2913 = arith.constant 640 : index
        %swap3A_2914 = tpu.vector_load %arg6[%swap3A_2910, %swap3A_2911, %swap3A_2912, %swap3A_2913] {strides = array<i32>} : memref<2x4x8x1024xf32, #tpu.memory_space<vmem>>, vector<1x1x1x16xf32>,
        %swap3A_2915 = vector.shape_cast %swap3A_2914 : vector<1x1x1x16xf32> to vector<16xf32>
        %swap3A_2916 = vector.shape_cast %add3A_2908 : vector<16xf32> to vector<1x1x1x16xf32>
        tpu.vector_store %arg6[%swap3A_2910, %swap3A_2911, %swap3A_2912, %swap3A_2913], %swap3A_2916 {strides = array<i32>} : memref<2x4x8x1024xf32, #tpu.memory_space<vmem>>, vector<1x1x1x16xf32>,
        %get3A_2917 = arith.constant 2 : i32
        %get3A_2918 = arith.index_cast %rem3A_58 : i32 to index
        %get3A_2919 = arith.index_cast %get3A_2917 : i32 to index
        %get3A_2920 = arith.index_cast %scan3A_121 : i32 to index
        %get3A_2921 = arith.constant 640 : index
        %get3A_2922 = tpu.vector_load %arg6[%get3A_2918, %get3A_2919, %get3A_2920, %get3A_2921] {strides = array<i32>} : memref<2x4x8x1024xf32, #tpu.memory_space<vmem>>, vector<1x1x1x16xf32>,
        %get3A_2923 = vector.shape_cast %get3A_2922 : vector<1x1x1x16xf32> to vector<16xf32>
        %add3A_2924 = arith.addf %get3A_2923, %get3A_2884 : vector<16xf32>
        %swap3A_2925 = arith.constant 2 : i32
        %swap3A_2926 = arith.index_cast %rem3A_58 : i32 to index
        %swap3A_2927 = arith.index_cast %swap3A_2925 : i32 to index
        %swap3A_2928 = arith.index_cast %scan3A_121 : i32 to index
        %swap3A_2929 = arith.constant 640 : index
        %swap3A_2930 = tpu.vector_load %arg6[%swap3A_2926, %swap3A_2927, %swap3A_2928, %swap3A_2929] {strides = array<i32>} : memref<2x4x8x1024xf32, #tpu.memory_space<vmem>>, vector<1x1x1x16xf32>,
        %swap3A_2931 = vector.shape_cast %swap3A_2930 : vector<1x1x1x16xf32> to vector<16xf32>
        %swap3A_2932 = vector.shape_cast %add3A_2924 : vector<16xf32> to vector<1x1x1x16xf32>
        tpu.vector_store %arg6[%swap3A_2926, %swap3A_2927, %swap3A_2928, %swap3A_2929], %swap3A_2932 {strides = array<i32>} : memref<2x4x8x1024xf32, #tpu.memory_space<vmem>>, vector<1x1x1x16xf32>,
        %get3A_2933 = arith.constant 3 : i32
        %get3A_2934 = arith.index_cast %rem3A_58 : i32 to index
        %get3A_2935 = arith.index_cast %get3A_2933 : i32 to index
        %get3A_2936 = arith.index_cast %scan3A_121 : i32 to index
        %get3A_2937 = arith.constant 640 : index
        %get3A_2938 = tpu.vector_load %arg6[%get3A_2934, %get3A_2935, %get3A_2936, %get3A_2937] {strides = array<i32>} : memref<2x4x8x1024xf32, #tpu.memory_space<vmem>>, vector<1x1x1x16xf32>,
        %get3A_2939 = vector.shape_cast %get3A_2938 : vector<1x1x1x16xf32> to vector<16xf32>
        %add3A_2940 = arith.addf %get3A_2939, %get3A_2884 : vector<16xf32>
        %swap3A_2941 = arith.constant 3 : i32
        %swap3A_2942 = arith.index_cast %rem3A_58 : i32 to index
        %swap3A_2943 = arith.index_cast %swap3A_2941 : i32 to index
        %swap3A_2944 = arith.index_cast %scan3A_121 : i32 to index
        %swap3A_2945 = arith.constant 640 : index
        %swap3A_2946 = tpu.vector_load %arg6[%swap3A_2942, %swap3A_2943, %swap3A_2944, %swap3A_2945] {strides = array<i32>} : memref<2x4x8x1024xf32, #tpu.memory_space<vmem>>, vector<1x1x1x16xf32>,
        %swap3A_2947 = vector.shape_cast %swap3A_2946 : vector<1x1x1x16xf32> to vector<16xf32>
        %swap3A_2948 = vector.shape_cast %add3A_2940 : vector<16xf32> to vector<1x1x1x16xf32>
        tpu.vector_store %arg6[%swap3A_2942, %swap3A_2943, %swap3A_2944, %swap3A_2945], %swap3A_2948 {strides = array<i32>} : memref<2x4x8x1024xf32, #tpu.memory_space<vmem>>, vector<1x1x1x16xf32>,
        %get3A_2949 = arith.index_cast %rem3A_58 : i32 to index
        %get3A_2950 = arith.index_cast %scan3A_121 : i32 to index
        %get3A_2951 = arith.constant 656 : index
        %get3A_2952 = tpu.vector_load %arg5[%get3A_2949, %get3A_2950, %get3A_2951] {strides = array<i32>} : memref<2x8x1024xf32, #tpu.memory_space<vmem>>, vector<1x1x16xf32>,
        %get3A_2953 = vector.shape_cast %get3A_2952 : vector<1x1x16xf32> to vector<16xf32>
        %get3A_2954 = arith.constant 0 : i32
        %get3A_2955 = arith.index_cast %rem3A_58 : i32 to index
        %get3A_2956 = arith.index_cast %get3A_2954 : i32 to index
        %get3A_2957 = arith.index_cast %scan3A_121 : i32 to index
        %get3A_2958 = arith.constant 656 : index
        %get3A_2959 = tpu.vector_load %arg6[%get3A_2955, %get3A_2956, %get3A_2957, %get3A_2958] {strides = array<i32>} : memref<2x4x8x1024xf32, #tpu.memory_space<vmem>>, vector<1x1x1x16xf32>,
        %get3A_2960 = vector.shape_cast %get3A_2959 : vector<1x1x1x16xf32> to vector<16xf32>
        %add3A_2961 = arith.addf %get3A_2960, %get3A_2953 : vector<16xf32>
        %swap3A_2962 = arith.constant 0 : i32
        %swap3A_2963 = arith.index_cast %rem3A_58 : i32 to index
        %swap3A_2964 = arith.index_cast %swap3A_2962 : i32 to index
        %swap3A_2965 = arith.index_cast %scan3A_121 : i32 to index
        %swap3A_2966 = arith.constant 656 : index
        %swap3A_2967 = tpu.vector_load %arg6[%swap3A_2963, %swap3A_2964, %swap3A_2965, %swap3A_2966] {strides = array<i32>} : memref<2x4x8x1024xf32, #tpu.memory_space<vmem>>, vector<1x1x1x16xf32>,
        %swap3A_2968 = vector.shape_cast %swap3A_2967 : vector<1x1x1x16xf32> to vector<16xf32>
        %swap3A_2969 = vector.shape_cast %add3A_2961 : vector<16xf32> to vector<1x1x1x16xf32>
        tpu.vector_store %arg6[%swap3A_2963, %swap3A_2964, %swap3A_2965, %swap3A_2966], %swap3A_2969 {strides = array<i32>} : memref<2x4x8x1024xf32, #tpu.memory_space<vmem>>, vector<1x1x1x16xf32>,
        %get3A_2970 = arith.constant 1 : i32
        %get3A_2971 = arith.index_cast %rem3A_58 : i32 to index
        %get3A_2972 = arith.index_cast %get3A_2970 : i32 to index
        %get3A_2973 = arith.index_cast %scan3A_121 : i32 to index
        %get3A_2974 = arith.constant 656 : index
        %get3A_2975 = tpu.vector_load %arg6[%get3A_2971, %get3A_2972, %get3A_2973, %get3A_2974] {strides = array<i32>} : memref<2x4x8x1024xf32, #tpu.memory_space<vmem>>, vector<1x1x1x16xf32>,
        %get3A_2976 = vector.shape_cast %get3A_2975 : vector<1x1x1x16xf32> to vector<16xf32>
        %add3A_2977 = arith.addf %get3A_2976, %get3A_2953 : vector<16xf32>
        %swap3A_2978 = arith.constant 1 : i32
        %swap3A_2979 = arith.index_cast %rem3A_58 : i32 to index
        %swap3A_2980 = arith.index_cast %swap3A_2978 : i32 to index
        %swap3A_2981 = arith.index_cast %scan3A_121 : i32 to index
        %swap3A_2982 = arith.constant 656 : index
        %swap3A_2983 = tpu.vector_load %arg6[%swap3A_2979, %swap3A_2980, %swap3A_2981, %swap3A_2982] {strides = array<i32>} : memref<2x4x8x1024xf32, #tpu.memory_space<vmem>>, vector<1x1x1x16xf32>,
        %swap3A_2984 = vector.shape_cast %swap3A_2983 : vector<1x1x1x16xf32> to vector<16xf32>
        %swap3A_2985 = vector.shape_cast %add3A_2977 : vector<16xf32> to vector<1x1x1x16xf32>
        tpu.vector_store %arg6[%swap3A_2979, %swap3A_2980, %swap3A_2981, %swap3A_2982], %swap3A_2985 {strides = array<i32>} : memref<2x4x8x1024xf32, #tpu.memory_space<vmem>>, vector<1x1x1x16xf32>,
        %get3A_2986 = arith.constant 2 : i32
        %get3A_2987 = arith.index_cast %rem3A_58 : i32 to index
        %get3A_2988 = arith.index_cast %get3A_2986 : i32 to index
        %get3A_2989 = arith.index_cast %scan3A_121 : i32 to index
        %get3A_2990 = arith.constant 656 : index
        %get3A_2991 = tpu.vector_load %arg6[%get3A_2987, %get3A_2988, %get3A_2989, %get3A_2990] {strides = array<i32>} : memref<2x4x8x1024xf32, #tpu.memory_space<vmem>>, vector<1x1x1x16xf32>,
        %get3A_2992 = vector.shape_cast %get3A_2991 : vector<1x1x1x16xf32> to vector<16xf32>
        %add3A_2993 = arith.addf %get3A_2992, %get3A_2953 : vector<16xf32>
        %swap3A_2994 = arith.constant 2 : i32
        %swap3A_2995 = arith.index_cast %rem3A_58 : i32 to index
        %swap3A_2996 = arith.index_cast %swap3A_2994 : i32 to index
        %swap3A_2997 = arith.index_cast %scan3A_121 : i32 to index
        %swap3A_2998 = arith.constant 656 : index
        %swap3A_2999 = tpu.vector_load %arg6[%swap3A_2995, %swap3A_2996, %swap3A_2997, %swap3A_2998] {strides = array<i32>} : memref<2x4x8x1024xf32, #tpu.memory_space<vmem>>, vector<1x1x1x16xf32>,
        %swap3A_3000 = vector.shape_cast %swap3A_2999 : vector<1x1x1x16xf32> to vector<16xf32>
        %swap3A_3001 = vector.shape_cast %add3A_2993 : vector<16xf32> to vector<1x1x1x16xf32>
        tpu.vector_store %arg6[%swap3A_2995, %swap3A_2996, %swap3A_2997, %swap3A_2998], %swap3A_3001 {strides = array<i32>} : memref<2x4x8x1024xf32, #tpu.memory_space<vmem>>, vector<1x1x1x16xf32>,
        %get3A_3002 = arith.constant 3 : i32
        %get3A_3003 = arith.index_cast %rem3A_58 : i32 to index
        %get3A_3004 = arith.index_cast %get3A_3002 : i32 to index
        %get3A_3005 = arith.index_cast %scan3A_121 : i32 to index
        %get3A_3006 = arith.constant 656 : index
        %get3A_3007 = tpu.vector_load %arg6[%get3A_3003, %get3A_3004, %get3A_3005, %get3A_3006] {strides = array<i32>} : memref<2x4x8x1024xf32, #tpu.memory_space<vmem>>, vector<1x1x1x16xf32>,
        %get3A_3008 = vector.shape_cast %get3A_3007 : vector<1x1x1x16xf32> to vector<16xf32>
        %add3A_3009 = arith.addf %get3A_3008, %get3A_2953 : vector<16xf32>
        %swap3A_3010 = arith.constant 3 : i32
        %swap3A_3011 = arith.index_cast %rem3A_58 : i32 to index
        %swap3A_3012 = arith.index_cast %swap3A_3010 : i32 to index
        %swap3A_3013 = arith.index_cast %scan3A_121 : i32 to index
        %swap3A_3014 = arith.constant 656 : index
        %swap3A_3015 = tpu.vector_load %arg6[%swap3A_3011, %swap3A_3012, %swap3A_3013, %swap3A_3014] {strides = array<i32>} : memref<2x4x8x1024xf32, #tpu.memory_space<vmem>>, vector<1x1x1x16xf32>,
        %swap3A_3016 = vector.shape_cast %swap3A_3015 : vector<1x1x1x16xf32> to vector<16xf32>
        %swap3A_3017 = vector.shape_cast %add3A_3009 : vector<16xf32> to vector<1x1x1x16xf32>
        tpu.vector_store %arg6[%swap3A_3011, %swap3A_3012, %swap3A_3013, %swap3A_3014], %swap3A_3017 {strides = array<i32>} : memref<2x4x8x1024xf32, #tpu.memory_space<vmem>>, vector<1x1x1x16xf32>,
        %get3A_3018 = arith.index_cast %rem3A_58 : i32 to index
        %get3A_3019 = arith.index_cast %scan3A_121 : i32 to index
        %get3A_3020 = arith.constant 672 : index
        %get3A_3021 = tpu.vector_load %arg5[%get3A_3018, %get3A_3019, %get3A_3020] {strides = array<i32>} : memref<2x8x1024xf32, #tpu.memory_space<vmem>>, vector<1x1x16xf32>,
        %get3A_3022 = vector.shape_cast %get3A_3021 : vector<1x1x16xf32> to vector<16xf32>
        %get3A_3023 = arith.constant 0 : i32
        %get3A_3024 = arith.index_cast %rem3A_58 : i32 to index
        %get3A_3025 = arith.index_cast %get3A_3023 : i32 to index
        %get3A_3026 = arith.index_cast %scan3A_121 : i32 to index
        %get3A_3027 = arith.constant 672 : index
        %get3A_3028 = tpu.vector_load %arg6[%get3A_3024, %get3A_3025, %get3A_3026, %get3A_3027] {strides = array<i32>} : memref<2x4x8x1024xf32, #tpu.memory_space<vmem>>, vector<1x1x1x16xf32>,
        %get3A_3029 = vector.shape_cast %get3A_3028 : vector<1x1x1x16xf32> to vector<16xf32>
        %add3A_3030 = arith.addf %get3A_3029, %get3A_3022 : vector<16xf32>
        %swap3A_3031 = arith.constant 0 : i32
        %swap3A_3032 = arith.index_cast %rem3A_58 : i32 to index
        %swap3A_3033 = arith.index_cast %swap3A_3031 : i32 to index
        %swap3A_3034 = arith.index_cast %scan3A_121 : i32 to index
        %swap3A_3035 = arith.constant 672 : index
        %swap3A_3036 = tpu.vector_load %arg6[%swap3A_3032, %swap3A_3033, %swap3A_3034, %swap3A_3035] {strides = array<i32>} : memref<2x4x8x1024xf32, #tpu.memory_space<vmem>>, vector<1x1x1x16xf32>,
        %swap3A_3037 = vector.shape_cast %swap3A_3036 : vector<1x1x1x16xf32> to vector<16xf32>
        %swap3A_3038 = vector.shape_cast %add3A_3030 : vector<16xf32> to vector<1x1x1x16xf32>
        tpu.vector_store %arg6[%swap3A_3032, %swap3A_3033, %swap3A_3034, %swap3A_3035], %swap3A_3038 {strides = array<i32>} : memref<2x4x8x1024xf32, #tpu.memory_space<vmem>>, vector<1x1x1x16xf32>,
        %get3A_3039 = arith.constant 1 : i32
        %get3A_3040 = arith.index_cast %rem3A_58 : i32 to index
        %get3A_3041 = arith.index_cast %get3A_3039 : i32 to index
        %get3A_3042 = arith.index_cast %scan3A_121 : i32 to index
        %get3A_3043 = arith.constant 672 : index
        %get3A_3044 = tpu.vector_load %arg6[%get3A_3040, %get3A_3041, %get3A_3042, %get3A_3043] {strides = array<i32>} : memref<2x4x8x1024xf32, #tpu.memory_space<vmem>>, vector<1x1x1x16xf32>,
        %get3A_3045 = vector.shape_cast %get3A_3044 : vector<1x1x1x16xf32> to vector<16xf32>
        %add3A_3046 = arith.addf %get3A_3045, %get3A_3022 : vector<16xf32>
        %swap3A_3047 = arith.constant 1 : i32
        %swap3A_3048 = arith.index_cast %rem3A_58 : i32 to index
        %swap3A_3049 = arith.index_cast %swap3A_3047 : i32 to index
        %swap3A_3050 = arith.index_cast %scan3A_121 : i32 to index
        %swap3A_3051 = arith.constant 672 : index
        %swap3A_3052 = tpu.vector_load %arg6[%swap3A_3048, %swap3A_3049, %swap3A_3050, %swap3A_3051] {strides = array<i32>} : memref<2x4x8x1024xf32, #tpu.memory_space<vmem>>, vector<1x1x1x16xf32>,
        %swap3A_3053 = vector.shape_cast %swap3A_3052 : vector<1x1x1x16xf32> to vector<16xf32>
        %swap3A_3054 = vector.shape_cast %add3A_3046 : vector<16xf32> to vector<1x1x1x16xf32>
        tpu.vector_store %arg6[%swap3A_3048, %swap3A_3049, %swap3A_3050, %swap3A_3051], %swap3A_3054 {strides = array<i32>} : memref<2x4x8x1024xf32, #tpu.memory_space<vmem>>, vector<1x1x1x16xf32>,
        %get3A_3055 = arith.constant 2 : i32
        %get3A_3056 = arith.index_cast %rem3A_58 : i32 to index
        %get3A_3057 = arith.index_cast %get3A_3055 : i32 to index
        %get3A_3058 = arith.index_cast %scan3A_121 : i32 to index
        %get3A_3059 = arith.constant 672 : index
        %get3A_3060 = tpu.vector_load %arg6[%get3A_3056, %get3A_3057, %get3A_3058, %get3A_3059] {strides = array<i32>} : memref<2x4x8x1024xf32, #tpu.memory_space<vmem>>, vector<1x1x1x16xf32>,
        %get3A_3061 = vector.shape_cast %get3A_3060 : vector<1x1x1x16xf32> to vector<16xf32>
        %add3A_3062 = arith.addf %get3A_3061, %get3A_3022 : vector<16xf32>
        %swap3A_3063 = arith.constant 2 : i32
        %swap3A_3064 = arith.index_cast %rem3A_58 : i32 to index
        %swap3A_3065 = arith.index_cast %swap3A_3063 : i32 to index
        %swap3A_3066 = arith.index_cast %scan3A_121 : i32 to index
        %swap3A_3067 = arith.constant 672 : index
        %swap3A_3068 = tpu.vector_load %arg6[%swap3A_3064, %swap3A_3065, %swap3A_3066, %swap3A_3067] {strides = array<i32>} : memref<2x4x8x1024xf32, #tpu.memory_space<vmem>>, vector<1x1x1x16xf32>,
        %swap3A_3069 = vector.shape_cast %swap3A_3068 : vector<1x1x1x16xf32> to vector<16xf32>
        %swap3A_3070 = vector.shape_cast %add3A_3062 : vector<16xf32> to vector<1x1x1x16xf32>
        tpu.vector_store %arg6[%swap3A_3064, %swap3A_3065, %swap3A_3066, %swap3A_3067], %swap3A_3070 {strides = array<i32>} : memref<2x4x8x1024xf32, #tpu.memory_space<vmem>>, vector<1x1x1x16xf32>,
        %get3A_3071 = arith.constant 3 : i32
        %get3A_3072 = arith.index_cast %rem3A_58 : i32 to index
        %get3A_3073 = arith.index_cast %get3A_3071 : i32 to index
        %get3A_3074 = arith.index_cast %scan3A_121 : i32 to index
        %get3A_3075 = arith.constant 672 : index
        %get3A_3076 = tpu.vector_load %arg6[%get3A_3072, %get3A_3073, %get3A_3074, %get3A_3075] {strides = array<i32>} : memref<2x4x8x1024xf32, #tpu.memory_space<vmem>>, vector<1x1x1x16xf32>,
        %get3A_3077 = vector.shape_cast %get3A_3076 : vector<1x1x1x16xf32> to vector<16xf32>
        %add3A_3078 = arith.addf %get3A_3077, %get3A_3022 : vector<16xf32>
        %swap3A_3079 = arith.constant 3 : i32
        %swap3A_3080 = arith.index_cast %rem3A_58 : i32 to index
        %swap3A_3081 = arith.index_cast %swap3A_3079 : i32 to index
        %swap3A_3082 = arith.index_cast %scan3A_121 : i32 to index
        %swap3A_3083 = arith.constant 672 : index
        %swap3A_3084 = tpu.vector_load %arg6[%swap3A_3080, %swap3A_3081, %swap3A_3082, %swap3A_3083] {strides = array<i32>} : memref<2x4x8x1024xf32, #tpu.memory_space<vmem>>, vector<1x1x1x16xf32>,
        %swap3A_3085 = vector.shape_cast %swap3A_3084 : vector<1x1x1x16xf32> to vector<16xf32>
        %swap3A_3086 = vector.shape_cast %add3A_3078 : vector<16xf32> to vector<1x1x1x16xf32>
        tpu.vector_store %arg6[%swap3A_3080, %swap3A_3081, %swap3A_3082, %swap3A_3083], %swap3A_3086 {strides = array<i32>} : memref<2x4x8x1024xf32, #tpu.memory_space<vmem>>, vector<1x1x1x16xf32>,
        %get3A_3087 = arith.index_cast %rem3A_58 : i32 to index
        %get3A_3088 = arith.index_cast %scan3A_121 : i32 to index
        %get3A_3089 = arith.constant 688 : index
        %get3A_3090 = tpu.vector_load %arg5[%get3A_3087, %get3A_3088, %get3A_3089] {strides = array<i32>} : memref<2x8x1024xf32, #tpu.memory_space<vmem>>, vector<1x1x16xf32>,
        %get3A_3091 = vector.shape_cast %get3A_3090 : vector<1x1x16xf32> to vector<16xf32>
        %get3A_3092 = arith.constant 0 : i32
        %get3A_3093 = arith.index_cast %rem3A_58 : i32 to index
        %get3A_3094 = arith.index_cast %get3A_3092 : i32 to index
        %get3A_3095 = arith.index_cast %scan3A_121 : i32 to index
        %get3A_3096 = arith.constant 688 : index
        %get3A_3097 = tpu.vector_load %arg6[%get3A_3093, %get3A_3094, %get3A_3095, %get3A_3096] {strides = array<i32>} : memref<2x4x8x1024xf32, #tpu.memory_space<vmem>>, vector<1x1x1x16xf32>,
        %get3A_3098 = vector.shape_cast %get3A_3097 : vector<1x1x1x16xf32> to vector<16xf32>
        %add3A_3099 = arith.addf %get3A_3098, %get3A_3091 : vector<16xf32>
        %swap3A_3100 = arith.constant 0 : i32
        %swap3A_3101 = arith.index_cast %rem3A_58 : i32 to index
        %swap3A_3102 = arith.index_cast %swap3A_3100 : i32 to index
        %swap3A_3103 = arith.index_cast %scan3A_121 : i32 to index
        %swap3A_3104 = arith.constant 688 : index
        %swap3A_3105 = tpu.vector_load %arg6[%swap3A_3101, %swap3A_3102, %swap3A_3103, %swap3A_3104] {strides = array<i32>} : memref<2x4x8x1024xf32, #tpu.memory_space<vmem>>, vector<1x1x1x16xf32>,
        %swap3A_3106 = vector.shape_cast %swap3A_3105 : vector<1x1x1x16xf32> to vector<16xf32>
        %swap3A_3107 = vector.shape_cast %add3A_3099 : vector<16xf32> to vector<1x1x1x16xf32>
        tpu.vector_store %arg6[%swap3A_3101, %swap3A_3102, %swap3A_3103, %swap3A_3104], %swap3A_3107 {strides = array<i32>} : memref<2x4x8x1024xf32, #tpu.memory_space<vmem>>, vector<1x1x1x16xf32>,
        %get3A_3108 = arith.constant 1 : i32
        %get3A_3109 = arith.index_cast %rem3A_58 : i32 to index
        %get3A_3110 = arith.index_cast %get3A_3108 : i32 to index
        %get3A_3111 = arith.index_cast %scan3A_121 : i32 to index
        %get3A_3112 = arith.constant 688 : index
        %get3A_3113 = tpu.vector_load %arg6[%get3A_3109, %get3A_3110, %get3A_3111, %get3A_3112] {strides = array<i32>} : memref<2x4x8x1024xf32, #tpu.memory_space<vmem>>, vector<1x1x1x16xf32>,
        %get3A_3114 = vector.shape_cast %get3A_3113 : vector<1x1x1x16xf32> to vector<16xf32>
        %add3A_3115 = arith.addf %get3A_3114, %get3A_3091 : vector<16xf32>
        %swap3A_3116 = arith.constant 1 : i32
        %swap3A_3117 = arith.index_cast %rem3A_58 : i32 to index
        %swap3A_3118 = arith.index_cast %swap3A_3116 : i32 to index
        %swap3A_3119 = arith.index_cast %scan3A_121 : i32 to index
        %swap3A_3120 = arith.constant 688 : index
        %swap3A_3121 = tpu.vector_load %arg6[%swap3A_3117, %swap3A_3118, %swap3A_3119, %swap3A_3120] {strides = array<i32>} : memref<2x4x8x1024xf32, #tpu.memory_space<vmem>>, vector<1x1x1x16xf32>,
        %swap3A_3122 = vector.shape_cast %swap3A_3121 : vector<1x1x1x16xf32> to vector<16xf32>
        %swap3A_3123 = vector.shape_cast %add3A_3115 : vector<16xf32> to vector<1x1x1x16xf32>
        tpu.vector_store %arg6[%swap3A_3117, %swap3A_3118, %swap3A_3119, %swap3A_3120], %swap3A_3123 {strides = array<i32>} : memref<2x4x8x1024xf32, #tpu.memory_space<vmem>>, vector<1x1x1x16xf32>,
        %get3A_3124 = arith.constant 2 : i32
        %get3A_3125 = arith.index_cast %rem3A_58 : i32 to index
        %get3A_3126 = arith.index_cast %get3A_3124 : i32 to index
        %get3A_3127 = arith.index_cast %scan3A_121 : i32 to index
        %get3A_3128 = arith.constant 688 : index
        %get3A_3129 = tpu.vector_load %arg6[%get3A_3125, %get3A_3126, %get3A_3127, %get3A_3128] {strides = array<i32>} : memref<2x4x8x1024xf32, #tpu.memory_space<vmem>>, vector<1x1x1x16xf32>,
        %get3A_3130 = vector.shape_cast %get3A_3129 : vector<1x1x1x16xf32> to vector<16xf32>
        %add3A_3131 = arith.addf %get3A_3130, %get3A_3091 : vector<16xf32>
        %swap3A_3132 = arith.constant 2 : i32
        %swap3A_3133 = arith.index_cast %rem3A_58 : i32 to index
        %swap3A_3134 = arith.index_cast %swap3A_3132 : i32 to index
        %swap3A_3135 = arith.index_cast %scan3A_121 : i32 to index
        %swap3A_3136 = arith.constant 688 : index
        %swap3A_3137 = tpu.vector_load %arg6[%swap3A_3133, %swap3A_3134, %swap3A_3135, %swap3A_3136] {strides = array<i32>} : memref<2x4x8x1024xf32, #tpu.memory_space<vmem>>, vector<1x1x1x16xf32>,
        %swap3A_3138 = vector.shape_cast %swap3A_3137 : vector<1x1x1x16xf32> to vector<16xf32>
        %swap3A_3139 = vector.shape_cast %add3A_3131 : vector<16xf32> to vector<1x1x1x16xf32>
        tpu.vector_store %arg6[%swap3A_3133, %swap3A_3134, %swap3A_3135, %swap3A_3136], %swap3A_3139 {strides = array<i32>} : memref<2x4x8x1024xf32, #tpu.memory_space<vmem>>, vector<1x1x1x16xf32>,
        %get3A_3140 = arith.constant 3 : i32
        %get3A_3141 = arith.index_cast %rem3A_58 : i32 to index
        %get3A_3142 = arith.index_cast %get3A_3140 : i32 to index
        %get3A_3143 = arith.index_cast %scan3A_121 : i32 to index
        %get3A_3144 = arith.constant 688 : index
        %get3A_3145 = tpu.vector_load %arg6[%get3A_3141, %get3A_3142, %get3A_3143, %get3A_3144] {strides = array<i32>} : memref<2x4x8x1024xf32, #tpu.memory_space<vmem>>, vector<1x1x1x16xf32>,
        %get3A_3146 = vector.shape_cast %get3A_3145 : vector<1x1x1x16xf32> to vector<16xf32>
        %add3A_3147 = arith.addf %get3A_3146, %get3A_3091 : vector<16xf32>
        %swap3A_3148 = arith.constant 3 : i32
        %swap3A_3149 = arith.index_cast %rem3A_58 : i32 to index
        %swap3A_3150 = arith.index_cast %swap3A_3148 : i32 to index
        %swap3A_3151 = arith.index_cast %scan3A_121 : i32 to index
        %swap3A_3152 = arith.constant 688 : index
        %swap3A_3153 = tpu.vector_load %arg6[%swap3A_3149, %swap3A_3150, %swap3A_3151, %swap3A_3152] {strides = array<i32>} : memref<2x4x8x1024xf32, #tpu.memory_space<vmem>>, vector<1x1x1x16xf32>,
        %swap3A_3154 = vector.shape_cast %swap3A_3153 : vector<1x1x1x16xf32> to vector<16xf32>
        %swap3A_3155 = vector.shape_cast %add3A_3147 : vector<16xf32> to vector<1x1x1x16xf32>
        tpu.vector_store %arg6[%swap3A_3149, %swap3A_3150, %swap3A_3151, %swap3A_3152], %swap3A_3155 {strides = array<i32>} : memref<2x4x8x1024xf32, #tpu.memory_space<vmem>>, vector<1x1x1x16xf32>,
        %get3A_3156 = arith.index_cast %rem3A_58 : i32 to index
        %get3A_3157 = arith.index_cast %scan3A_121 : i32 to index
        %get3A_3158 = arith.constant 704 : index
        %get3A_3159 = tpu.vector_load %arg5[%get3A_3156, %get3A_3157, %get3A_3158] {strides = array<i32>} : memref<2x8x1024xf32, #tpu.memory_space<vmem>>, vector<1x1x16xf32>,
        %get3A_3160 = vector.shape_cast %get3A_3159 : vector<1x1x16xf32> to vector<16xf32>
        %get3A_3161 = arith.constant 0 : i32
        %get3A_3162 = arith.index_cast %rem3A_58 : i32 to index
        %get3A_3163 = arith.index_cast %get3A_3161 : i32 to index
        %get3A_3164 = arith.index_cast %scan3A_121 : i32 to index
        %get3A_3165 = arith.constant 704 : index
        %get3A_3166 = tpu.vector_load %arg6[%get3A_3162, %get3A_3163, %get3A_3164, %get3A_3165] {strides = array<i32>} : memref<2x4x8x1024xf32, #tpu.memory_space<vmem>>, vector<1x1x1x16xf32>,
        %get3A_3167 = vector.shape_cast %get3A_3166 : vector<1x1x1x16xf32> to vector<16xf32>
        %add3A_3168 = arith.addf %get3A_3167, %get3A_3160 : vector<16xf32>
        %swap3A_3169 = arith.constant 0 : i32
        %swap3A_3170 = arith.index_cast %rem3A_58 : i32 to index
        %swap3A_3171 = arith.index_cast %swap3A_3169 : i32 to index
        %swap3A_3172 = arith.index_cast %scan3A_121 : i32 to index
        %swap3A_3173 = arith.constant 704 : index
        %swap3A_3174 = tpu.vector_load %arg6[%swap3A_3170, %swap3A_3171, %swap3A_3172, %swap3A_3173] {strides = array<i32>} : memref<2x4x8x1024xf32, #tpu.memory_space<vmem>>, vector<1x1x1x16xf32>,
        %swap3A_3175 = vector.shape_cast %swap3A_3174 : vector<1x1x1x16xf32> to vector<16xf32>
        %swap3A_3176 = vector.shape_cast %add3A_3168 : vector<16xf32> to vector<1x1x1x16xf32>
        tpu.vector_store %arg6[%swap3A_3170, %swap3A_3171, %swap3A_3172, %swap3A_3173], %swap3A_3176 {strides = array<i32>} : memref<2x4x8x1024xf32, #tpu.memory_space<vmem>>, vector<1x1x1x16xf32>,
        %get3A_3177 = arith.constant 1 : i32
        %get3A_3178 = arith.index_cast %rem3A_58 : i32 to index
        %get3A_3179 = arith.index_cast %get3A_3177 : i32 to index
        %get3A_3180 = arith.index_cast %scan3A_121 : i32 to index
        %get3A_3181 = arith.constant 704 : index
        %get3A_3182 = tpu.vector_load %arg6[%get3A_3178, %get3A_3179, %get3A_3180, %get3A_3181] {strides = array<i32>} : memref<2x4x8x1024xf32, #tpu.memory_space<vmem>>, vector<1x1x1x16xf32>,
        %get3A_3183 = vector.shape_cast %get3A_3182 : vector<1x1x1x16xf32> to vector<16xf32>
        %add3A_3184 = arith.addf %get3A_3183, %get3A_3160 : vector<16xf32>
        %swap3A_3185 = arith.constant 1 : i32
        %swap3A_3186 = arith.index_cast %rem3A_58 : i32 to index
        %swap3A_3187 = arith.index_cast %swap3A_3185 : i32 to index
        %swap3A_3188 = arith.index_cast %scan3A_121 : i32 to index
        %swap3A_3189 = arith.constant 704 : index
        %swap3A_3190 = tpu.vector_load %arg6[%swap3A_3186, %swap3A_3187, %swap3A_3188, %swap3A_3189] {strides = array<i32>} : memref<2x4x8x1024xf32, #tpu.memory_space<vmem>>, vector<1x1x1x16xf32>,
        %swap3A_3191 = vector.shape_cast %swap3A_3190 : vector<1x1x1x16xf32> to vector<16xf32>
        %swap3A_3192 = vector.shape_cast %add3A_3184 : vector<16xf32> to vector<1x1x1x16xf32>
        tpu.vector_store %arg6[%swap3A_3186, %swap3A_3187, %swap3A_3188, %swap3A_3189], %swap3A_3192 {strides = array<i32>} : memref<2x4x8x1024xf32, #tpu.memory_space<vmem>>, vector<1x1x1x16xf32>,
        %get3A_3193 = arith.constant 2 : i32
        %get3A_3194 = arith.index_cast %rem3A_58 : i32 to index
        %get3A_3195 = arith.index_cast %get3A_3193 : i32 to index
        %get3A_3196 = arith.index_cast %scan3A_121 : i32 to index
        %get3A_3197 = arith.constant 704 : index
        %get3A_3198 = tpu.vector_load %arg6[%get3A_3194, %get3A_3195, %get3A_3196, %get3A_3197] {strides = array<i32>} : memref<2x4x8x1024xf32, #tpu.memory_space<vmem>>, vector<1x1x1x16xf32>,
        %get3A_3199 = vector.shape_cast %get3A_3198 : vector<1x1x1x16xf32> to vector<16xf32>
        %add3A_3200 = arith.addf %get3A_3199, %get3A_3160 : vector<16xf32>
        %swap3A_3201 = arith.constant 2 : i32
        %swap3A_3202 = arith.index_cast %rem3A_58 : i32 to index
        %swap3A_3203 = arith.index_cast %swap3A_3201 : i32 to index
        %swap3A_3204 = arith.index_cast %scan3A_121 : i32 to index
        %swap3A_3205 = arith.constant 704 : index
        %swap3A_3206 = tpu.vector_load %arg6[%swap3A_3202, %swap3A_3203, %swap3A_3204, %swap3A_3205] {strides = array<i32>} : memref<2x4x8x1024xf32, #tpu.memory_space<vmem>>, vector<1x1x1x16xf32>,
        %swap3A_3207 = vector.shape_cast %swap3A_3206 : vector<1x1x1x16xf32> to vector<16xf32>
        %swap3A_3208 = vector.shape_cast %add3A_3200 : vector<16xf32> to vector<1x1x1x16xf32>
        tpu.vector_store %arg6[%swap3A_3202, %swap3A_3203, %swap3A_3204, %swap3A_3205], %swap3A_3208 {strides = array<i32>} : memref<2x4x8x1024xf32, #tpu.memory_space<vmem>>, vector<1x1x1x16xf32>,
        %get3A_3209 = arith.constant 3 : i32
        %get3A_3210 = arith.index_cast %rem3A_58 : i32 to index
        %get3A_3211 = arith.index_cast %get3A_3209 : i32 to index
        %get3A_3212 = arith.index_cast %scan3A_121 : i32 to index
        %get3A_3213 = arith.constant 704 : index
        %get3A_3214 = tpu.vector_load %arg6[%get3A_3210, %get3A_3211, %get3A_3212, %get3A_3213] {strides = array<i32>} : memref<2x4x8x1024xf32, #tpu.memory_space<vmem>>, vector<1x1x1x16xf32>,
        %get3A_3215 = vector.shape_cast %get3A_3214 : vector<1x1x1x16xf32> to vector<16xf32>
        %add3A_3216 = arith.addf %get3A_3215, %get3A_3160 : vector<16xf32>
        %swap3A_3217 = arith.constant 3 : i32
        %swap3A_3218 = arith.index_cast %rem3A_58 : i32 to index
        %swap3A_3219 = arith.index_cast %swap3A_3217 : i32 to index
        %swap3A_3220 = arith.index_cast %scan3A_121 : i32 to index
        %swap3A_3221 = arith.constant 704 : index
        %swap3A_3222 = tpu.vector_load %arg6[%swap3A_3218, %swap3A_3219, %swap3A_3220, %swap3A_3221] {strides = array<i32>} : memref<2x4x8x1024xf32, #tpu.memory_space<vmem>>, vector<1x1x1x16xf32>,
        %swap3A_3223 = vector.shape_cast %swap3A_3222 : vector<1x1x1x16xf32> to vector<16xf32>
        %swap3A_3224 = vector.shape_cast %add3A_3216 : vector<16xf32> to vector<1x1x1x16xf32>
        tpu.vector_store %arg6[%swap3A_3218, %swap3A_3219, %swap3A_3220, %swap3A_3221], %swap3A_3224 {strides = array<i32>} : memref<2x4x8x1024xf32, #tpu.memory_space<vmem>>, vector<1x1x1x16xf32>,
        %get3A_3225 = arith.index_cast %rem3A_58 : i32 to index
        %get3A_3226 = arith.index_cast %scan3A_121 : i32 to index
        %get3A_3227 = arith.constant 720 : index
        %get3A_3228 = tpu.vector_load %arg5[%get3A_3225, %get3A_3226, %get3A_3227] {strides = array<i32>} : memref<2x8x1024xf32, #tpu.memory_space<vmem>>, vector<1x1x16xf32>,
        %get3A_3229 = vector.shape_cast %get3A_3228 : vector<1x1x16xf32> to vector<16xf32>
        %get3A_3230 = arith.constant 0 : i32
        %get3A_3231 = arith.index_cast %rem3A_58 : i32 to index
        %get3A_3232 = arith.index_cast %get3A_3230 : i32 to index
        %get3A_3233 = arith.index_cast %scan3A_121 : i32 to index
        %get3A_3234 = arith.constant 720 : index
        %get3A_3235 = tpu.vector_load %arg6[%get3A_3231, %get3A_3232, %get3A_3233, %get3A_3234] {strides = array<i32>} : memref<2x4x8x1024xf32, #tpu.memory_space<vmem>>, vector<1x1x1x16xf32>,
        %get3A_3236 = vector.shape_cast %get3A_3235 : vector<1x1x1x16xf32> to vector<16xf32>
        %add3A_3237 = arith.addf %get3A_3236, %get3A_3229 : vector<16xf32>
        %swap3A_3238 = arith.constant 0 : i32
        %swap3A_3239 = arith.index_cast %rem3A_58 : i32 to index
        %swap3A_3240 = arith.index_cast %swap3A_3238 : i32 to index
        %swap3A_3241 = arith.index_cast %scan3A_121 : i32 to index
        %swap3A_3242 = arith.constant 720 : index
        %swap3A_3243 = tpu.vector_load %arg6[%swap3A_3239, %swap3A_3240, %swap3A_3241, %swap3A_3242] {strides = array<i32>} : memref<2x4x8x1024xf32, #tpu.memory_space<vmem>>, vector<1x1x1x16xf32>,
        %swap3A_3244 = vector.shape_cast %swap3A_3243 : vector<1x1x1x16xf32> to vector<16xf32>
        %swap3A_3245 = vector.shape_cast %add3A_3237 : vector<16xf32> to vector<1x1x1x16xf32>
        tpu.vector_store %arg6[%swap3A_3239, %swap3A_3240, %swap3A_3241, %swap3A_3242], %swap3A_3245 {strides = array<i32>} : memref<2x4x8x1024xf32, #tpu.memory_space<vmem>>, vector<1x1x1x16xf32>,
        %get3A_3246 = arith.constant 1 : i32
        %get3A_3247 = arith.index_cast %rem3A_58 : i32 to index
        %get3A_3248 = arith.index_cast %get3A_3246 : i32 to index
        %get3A_3249 = arith.index_cast %scan3A_121 : i32 to index
        %get3A_3250 = arith.constant 720 : index
        %get3A_3251 = tpu.vector_load %arg6[%get3A_3247, %get3A_3248, %get3A_3249, %get3A_3250] {strides = array<i32>} : memref<2x4x8x1024xf32, #tpu.memory_space<vmem>>, vector<1x1x1x16xf32>,
        %get3A_3252 = vector.shape_cast %get3A_3251 : vector<1x1x1x16xf32> to vector<16xf32>
        %add3A_3253 = arith.addf %get3A_3252, %get3A_3229 : vector<16xf32>
        %swap3A_3254 = arith.constant 1 : i32
        %swap3A_3255 = arith.index_cast %rem3A_58 : i32 to index
        %swap3A_3256 = arith.index_cast %swap3A_3254 : i32 to index
        %swap3A_3257 = arith.index_cast %scan3A_121 : i32 to index
        %swap3A_3258 = arith.constant 720 : index
        %swap3A_3259 = tpu.vector_load %arg6[%swap3A_3255, %swap3A_3256, %swap3A_3257, %swap3A_3258] {strides = array<i32>} : memref<2x4x8x1024xf32, #tpu.memory_space<vmem>>, vector<1x1x1x16xf32>,
        %swap3A_3260 = vector.shape_cast %swap3A_3259 : vector<1x1x1x16xf32> to vector<16xf32>
        %swap3A_3261 = vector.shape_cast %add3A_3253 : vector<16xf32> to vector<1x1x1x16xf32>
        tpu.vector_store %arg6[%swap3A_3255, %swap3A_3256, %swap3A_3257, %swap3A_3258], %swap3A_3261 {strides = array<i32>} : memref<2x4x8x1024xf32, #tpu.memory_space<vmem>>, vector<1x1x1x16xf32>,
        %get3A_3262 = arith.constant 2 : i32
        %get3A_3263 = arith.index_cast %rem3A_58 : i32 to index
        %get3A_3264 = arith.index_cast %get3A_3262 : i32 to index
        %get3A_3265 = arith.index_cast %scan3A_121 : i32 to index
        %get3A_3266 = arith.constant 720 : index
        %get3A_3267 = tpu.vector_load %arg6[%get3A_3263, %get3A_3264, %get3A_3265, %get3A_3266] {strides = array<i32>} : memref<2x4x8x1024xf32, #tpu.memory_space<vmem>>, vector<1x1x1x16xf32>,
        %get3A_3268 = vector.shape_cast %get3A_3267 : vector<1x1x1x16xf32> to vector<16xf32>
        %add3A_3269 = arith.addf %get3A_3268, %get3A_3229 : vector<16xf32>
        %swap3A_3270 = arith.constant 2 : i32
        %swap3A_3271 = arith.index_cast %rem3A_58 : i32 to index
        %swap3A_3272 = arith.index_cast %swap3A_3270 : i32 to index
        %swap3A_3273 = arith.index_cast %scan3A_121 : i32 to index
        %swap3A_3274 = arith.constant 720 : index
        %swap3A_3275 = tpu.vector_load %arg6[%swap3A_3271, %swap3A_3272, %swap3A_3273, %swap3A_3274] {strides = array<i32>} : memref<2x4x8x1024xf32, #tpu.memory_space<vmem>>, vector<1x1x1x16xf32>,
        %swap3A_3276 = vector.shape_cast %swap3A_3275 : vector<1x1x1x16xf32> to vector<16xf32>
        %swap3A_3277 = vector.shape_cast %add3A_3269 : vector<16xf32> to vector<1x1x1x16xf32>
        tpu.vector_store %arg6[%swap3A_3271, %swap3A_3272, %swap3A_3273, %swap3A_3274], %swap3A_3277 {strides = array<i32>} : memref<2x4x8x1024xf32, #tpu.memory_space<vmem>>, vector<1x1x1x16xf32>,
        %get3A_3278 = arith.constant 3 : i32
        %get3A_3279 = arith.index_cast %rem3A_58 : i32 to index
        %get3A_3280 = arith.index_cast %get3A_3278 : i32 to index
        %get3A_3281 = arith.index_cast %scan3A_121 : i32 to index
        %get3A_3282 = arith.constant 720 : index
        %get3A_3283 = tpu.vector_load %arg6[%get3A_3279, %get3A_3280, %get3A_3281, %get3A_3282] {strides = array<i32>} : memref<2x4x8x1024xf32, #tpu.memory_space<vmem>>, vector<1x1x1x16xf32>,
        %get3A_3284 = vector.shape_cast %get3A_3283 : vector<1x1x1x16xf32> to vector<16xf32>
        %add3A_3285 = arith.addf %get3A_3284, %get3A_3229 : vector<16xf32>
        %swap3A_3286 = arith.constant 3 : i32
        %swap3A_3287 = arith.index_cast %rem3A_58 : i32 to index
        %swap3A_3288 = arith.index_cast %swap3A_3286 : i32 to index
        %swap3A_3289 = arith.index_cast %scan3A_121 : i32 to index
        %swap3A_3290 = arith.constant 720 : index
        %swap3A_3291 = tpu.vector_load %arg6[%swap3A_3287, %swap3A_3288, %swap3A_3289, %swap3A_3290] {strides = array<i32>} : memref<2x4x8x1024xf32, #tpu.memory_space<vmem>>, vector<1x1x1x16xf32>,
        %swap3A_3292 = vector.shape_cast %swap3A_3291 : vector<1x1x1x16xf32> to vector<16xf32>
        %swap3A_3293 = vector.shape_cast %add3A_3285 : vector<16xf32> to vector<1x1x1x16xf32>
        tpu.vector_store %arg6[%swap3A_3287, %swap3A_3288, %swap3A_3289, %swap3A_3290], %swap3A_3293 {strides = array<i32>} : memref<2x4x8x1024xf32, #tpu.memory_space<vmem>>, vector<1x1x1x16xf32>,
        %get3A_3294 = arith.index_cast %rem3A_58 : i32 to index
        %get3A_3295 = arith.index_cast %scan3A_121 : i32 to index
        %get3A_3296 = arith.constant 736 : index
        %get3A_3297 = tpu.vector_load %arg5[%get3A_3294, %get3A_3295, %get3A_3296] {strides = array<i32>} : memref<2x8x1024xf32, #tpu.memory_space<vmem>>, vector<1x1x16xf32>,
        %get3A_3298 = vector.shape_cast %get3A_3297 : vector<1x1x16xf32> to vector<16xf32>
        %get3A_3299 = arith.constant 0 : i32
        %get3A_3300 = arith.index_cast %rem3A_58 : i32 to index
        %get3A_3301 = arith.index_cast %get3A_3299 : i32 to index
        %get3A_3302 = arith.index_cast %scan3A_121 : i32 to index
        %get3A_3303 = arith.constant 736 : index
        %get3A_3304 = tpu.vector_load %arg6[%get3A_3300, %get3A_3301, %get3A_3302, %get3A_3303] {strides = array<i32>} : memref<2x4x8x1024xf32, #tpu.memory_space<vmem>>, vector<1x1x1x16xf32>,
        %get3A_3305 = vector.shape_cast %get3A_3304 : vector<1x1x1x16xf32> to vector<16xf32>
        %add3A_3306 = arith.addf %get3A_3305, %get3A_3298 : vector<16xf32>
        %swap3A_3307 = arith.constant 0 : i32
        %swap3A_3308 = arith.index_cast %rem3A_58 : i32 to index
        %swap3A_3309 = arith.index_cast %swap3A_3307 : i32 to index
        %swap3A_3310 = arith.index_cast %scan3A_121 : i32 to index
        %swap3A_3311 = arith.constant 736 : index
        %swap3A_3312 = tpu.vector_load %arg6[%swap3A_3308, %swap3A_3309, %swap3A_3310, %swap3A_3311] {strides = array<i32>} : memref<2x4x8x1024xf32, #tpu.memory_space<vmem>>, vector<1x1x1x16xf32>,
        %swap3A_3313 = vector.shape_cast %swap3A_3312 : vector<1x1x1x16xf32> to vector<16xf32>
        %swap3A_3314 = vector.shape_cast %add3A_3306 : vector<16xf32> to vector<1x1x1x16xf32>
        tpu.vector_store %arg6[%swap3A_3308, %swap3A_3309, %swap3A_3310, %swap3A_3311], %swap3A_3314 {strides = array<i32>} : memref<2x4x8x1024xf32, #tpu.memory_space<vmem>>, vector<1x1x1x16xf32>,
        %get3A_3315 = arith.constant 1 : i32
        %get3A_3316 = arith.index_cast %rem3A_58 : i32 to index
        %get3A_3317 = arith.index_cast %get3A_3315 : i32 to index
        %get3A_3318 = arith.index_cast %scan3A_121 : i32 to index
        %get3A_3319 = arith.constant 736 : index
        %get3A_3320 = tpu.vector_load %arg6[%get3A_3316, %get3A_3317, %get3A_3318, %get3A_3319] {strides = array<i32>} : memref<2x4x8x1024xf32, #tpu.memory_space<vmem>>, vector<1x1x1x16xf32>,
        %get3A_3321 = vector.shape_cast %get3A_3320 : vector<1x1x1x16xf32> to vector<16xf32>
        %add3A_3322 = arith.addf %get3A_3321, %get3A_3298 : vector<16xf32>
        %swap3A_3323 = arith.constant 1 : i32
        %swap3A_3324 = arith.index_cast %rem3A_58 : i32 to index
        %swap3A_3325 = arith.index_cast %swap3A_3323 : i32 to index
        %swap3A_3326 = arith.index_cast %scan3A_121 : i32 to index
        %swap3A_3327 = arith.constant 736 : index
        %swap3A_3328 = tpu.vector_load %arg6[%swap3A_3324, %swap3A_3325, %swap3A_3326, %swap3A_3327] {strides = array<i32>} : memref<2x4x8x1024xf32, #tpu.memory_space<vmem>>, vector<1x1x1x16xf32>,
        %swap3A_3329 = vector.shape_cast %swap3A_3328 : vector<1x1x1x16xf32> to vector<16xf32>
        %swap3A_3330 = vector.shape_cast %add3A_3322 : vector<16xf32> to vector<1x1x1x16xf32>
        tpu.vector_store %arg6[%swap3A_3324, %swap3A_3325, %swap3A_3326, %swap3A_3327], %swap3A_3330 {strides = array<i32>} : memref<2x4x8x1024xf32, #tpu.memory_space<vmem>>, vector<1x1x1x16xf32>,
        %get3A_3331 = arith.constant 2 : i32
        %get3A_3332 = arith.index_cast %rem3A_58 : i32 to index
        %get3A_3333 = arith.index_cast %get3A_3331 : i32 to index
        %get3A_3334 = arith.index_cast %scan3A_121 : i32 to index
        %get3A_3335 = arith.constant 736 : index
        %get3A_3336 = tpu.vector_load %arg6[%get3A_3332, %get3A_3333, %get3A_3334, %get3A_3335] {strides = array<i32>} : memref<2x4x8x1024xf32, #tpu.memory_space<vmem>>, vector<1x1x1x16xf32>,
        %get3A_3337 = vector.shape_cast %get3A_3336 : vector<1x1x1x16xf32> to vector<16xf32>
        %add3A_3338 = arith.addf %get3A_3337, %get3A_3298 : vector<16xf32>
        %swap3A_3339 = arith.constant 2 : i32
        %swap3A_3340 = arith.index_cast %rem3A_58 : i32 to index
        %swap3A_3341 = arith.index_cast %swap3A_3339 : i32 to index
        %swap3A_3342 = arith.index_cast %scan3A_121 : i32 to index
        %swap3A_3343 = arith.constant 736 : index
        %swap3A_3344 = tpu.vector_load %arg6[%swap3A_3340, %swap3A_3341, %swap3A_3342, %swap3A_3343] {strides = array<i32>} : memref<2x4x8x1024xf32, #tpu.memory_space<vmem>>, vector<1x1x1x16xf32>,
        %swap3A_3345 = vector.shape_cast %swap3A_3344 : vector<1x1x1x16xf32> to vector<16xf32>
        %swap3A_3346 = vector.shape_cast %add3A_3338 : vector<16xf32> to vector<1x1x1x16xf32>
        tpu.vector_store %arg6[%swap3A_3340, %swap3A_3341, %swap3A_3342, %swap3A_3343], %swap3A_3346 {strides = array<i32>} : memref<2x4x8x1024xf32, #tpu.memory_space<vmem>>, vector<1x1x1x16xf32>,
        %get3A_3347 = arith.constant 3 : i32
        %get3A_3348 = arith.index_cast %rem3A_58 : i32 to index
        %get3A_3349 = arith.index_cast %get3A_3347 : i32 to index
        %get3A_3350 = arith.index_cast %scan3A_121 : i32 to index
        %get3A_3351 = arith.constant 736 : index
        %get3A_3352 = tpu.vector_load %arg6[%get3A_3348, %get3A_3349, %get3A_3350, %get3A_3351] {strides = array<i32>} : memref<2x4x8x1024xf32, #tpu.memory_space<vmem>>, vector<1x1x1x16xf32>,
        %get3A_3353 = vector.shape_cast %get3A_3352 : vector<1x1x1x16xf32> to vector<16xf32>
        %add3A_3354 = arith.addf %get3A_3353, %get3A_3298 : vector<16xf32>
        %swap3A_3355 = arith.constant 3 : i32
        %swap3A_3356 = arith.index_cast %rem3A_58 : i32 to index
        %swap3A_3357 = arith.index_cast %swap3A_3355 : i32 to index
        %swap3A_3358 = arith.index_cast %scan3A_121 : i32 to index
        %swap3A_3359 = arith.constant 736 : index
        %swap3A_3360 = tpu.vector_load %arg6[%swap3A_3356, %swap3A_3357, %swap3A_3358, %swap3A_3359] {strides = array<i32>} : memref<2x4x8x1024xf32, #tpu.memory_space<vmem>>, vector<1x1x1x16xf32>,
        %swap3A_3361 = vector.shape_cast %swap3A_3360 : vector<1x1x1x16xf32> to vector<16xf32>
        %swap3A_3362 = vector.shape_cast %add3A_3354 : vector<16xf32> to vector<1x1x1x16xf32>
        tpu.vector_store %arg6[%swap3A_3356, %swap3A_3357, %swap3A_3358, %swap3A_3359], %swap3A_3362 {strides = array<i32>} : memref<2x4x8x1024xf32, #tpu.memory_space<vmem>>, vector<1x1x1x16xf32>,
        %get3A_3363 = arith.index_cast %rem3A_58 : i32 to index
        %get3A_3364 = arith.index_cast %scan3A_121 : i32 to index
        %get3A_3365 = arith.constant 752 : index
        %get3A_3366 = tpu.vector_load %arg5[%get3A_3363, %get3A_3364, %get3A_3365] {strides = array<i32>} : memref<2x8x1024xf32, #tpu.memory_space<vmem>>, vector<1x1x16xf32>,
        %get3A_3367 = vector.shape_cast %get3A_3366 : vector<1x1x16xf32> to vector<16xf32>
        %get3A_3368 = arith.constant 0 : i32
        %get3A_3369 = arith.index_cast %rem3A_58 : i32 to index
        %get3A_3370 = arith.index_cast %get3A_3368 : i32 to index
        %get3A_3371 = arith.index_cast %scan3A_121 : i32 to index
        %get3A_3372 = arith.constant 752 : index
        %get3A_3373 = tpu.vector_load %arg6[%get3A_3369, %get3A_3370, %get3A_3371, %get3A_3372] {strides = array<i32>} : memref<2x4x8x1024xf32, #tpu.memory_space<vmem>>, vector<1x1x1x16xf32>,
        %get3A_3374 = vector.shape_cast %get3A_3373 : vector<1x1x1x16xf32> to vector<16xf32>
        %add3A_3375 = arith.addf %get3A_3374, %get3A_3367 : vector<16xf32>
        %swap3A_3376 = arith.constant 0 : i32
        %swap3A_3377 = arith.index_cast %rem3A_58 : i32 to index
        %swap3A_3378 = arith.index_cast %swap3A_3376 : i32 to index
        %swap3A_3379 = arith.index_cast %scan3A_121 : i32 to index
        %swap3A_3380 = arith.constant 752 : index
        %swap3A_3381 = tpu.vector_load %arg6[%swap3A_3377, %swap3A_3378, %swap3A_3379, %swap3A_3380] {strides = array<i32>} : memref<2x4x8x1024xf32, #tpu.memory_space<vmem>>, vector<1x1x1x16xf32>,
        %swap3A_3382 = vector.shape_cast %swap3A_3381 : vector<1x1x1x16xf32> to vector<16xf32>
        %swap3A_3383 = vector.shape_cast %add3A_3375 : vector<16xf32> to vector<1x1x1x16xf32>
        tpu.vector_store %arg6[%swap3A_3377, %swap3A_3378, %swap3A_3379, %swap3A_3380], %swap3A_3383 {strides = array<i32>} : memref<2x4x8x1024xf32, #tpu.memory_space<vmem>>, vector<1x1x1x16xf32>,
        %get3A_3384 = arith.constant 1 : i32
        %get3A_3385 = arith.index_cast %rem3A_58 : i32 to index
        %get3A_3386 = arith.index_cast %get3A_3384 : i32 to index
        %get3A_3387 = arith.index_cast %scan3A_121 : i32 to index
        %get3A_3388 = arith.constant 752 : index
        %get3A_3389 = tpu.vector_load %arg6[%get3A_3385, %get3A_3386, %get3A_3387, %get3A_3388] {strides = array<i32>} : memref<2x4x8x1024xf32, #tpu.memory_space<vmem>>, vector<1x1x1x16xf32>,
        %get3A_3390 = vector.shape_cast %get3A_3389 : vector<1x1x1x16xf32> to vector<16xf32>
        %add3A_3391 = arith.addf %get3A_3390, %get3A_3367 : vector<16xf32>
        %swap3A_3392 = arith.constant 1 : i32
        %swap3A_3393 = arith.index_cast %rem3A_58 : i32 to index
        %swap3A_3394 = arith.index_cast %swap3A_3392 : i32 to index
        %swap3A_3395 = arith.index_cast %scan3A_121 : i32 to index
        %swap3A_3396 = arith.constant 752 : index
        %swap3A_3397 = tpu.vector_load %arg6[%swap3A_3393, %swap3A_3394, %swap3A_3395, %swap3A_3396] {strides = array<i32>} : memref<2x4x8x1024xf32, #tpu.memory_space<vmem>>, vector<1x1x1x16xf32>,
        %swap3A_3398 = vector.shape_cast %swap3A_3397 : vector<1x1x1x16xf32> to vector<16xf32>
        %swap3A_3399 = vector.shape_cast %add3A_3391 : vector<16xf32> to vector<1x1x1x16xf32>
        tpu.vector_store %arg6[%swap3A_3393, %swap3A_3394, %swap3A_3395, %swap3A_3396], %swap3A_3399 {strides = array<i32>} : memref<2x4x8x1024xf32, #tpu.memory_space<vmem>>, vector<1x1x1x16xf32>,
        %get3A_3400 = arith.constant 2 : i32
        %get3A_3401 = arith.index_cast %rem3A_58 : i32 to index
        %get3A_3402 = arith.index_cast %get3A_3400 : i32 to index
        %get3A_3403 = arith.index_cast %scan3A_121 : i32 to index
        %get3A_3404 = arith.constant 752 : index
        %get3A_3405 = tpu.vector_load %arg6[%get3A_3401, %get3A_3402, %get3A_3403, %get3A_3404] {strides = array<i32>} : memref<2x4x8x1024xf32, #tpu.memory_space<vmem>>, vector<1x1x1x16xf32>,
        %get3A_3406 = vector.shape_cast %get3A_3405 : vector<1x1x1x16xf32> to vector<16xf32>
        %add3A_3407 = arith.addf %get3A_3406, %get3A_3367 : vector<16xf32>
        %swap3A_3408 = arith.constant 2 : i32
        %swap3A_3409 = arith.index_cast %rem3A_58 : i32 to index
        %swap3A_3410 = arith.index_cast %swap3A_3408 : i32 to index
        %swap3A_3411 = arith.index_cast %scan3A_121 : i32 to index
        %swap3A_3412 = arith.constant 752 : index
        %swap3A_3413 = tpu.vector_load %arg6[%swap3A_3409, %swap3A_3410, %swap3A_3411, %swap3A_3412] {strides = array<i32>} : memref<2x4x8x1024xf32, #tpu.memory_space<vmem>>, vector<1x1x1x16xf32>,
        %swap3A_3414 = vector.shape_cast %swap3A_3413 : vector<1x1x1x16xf32> to vector<16xf32>
        %swap3A_3415 = vector.shape_cast %add3A_3407 : vector<16xf32> to vector<1x1x1x16xf32>
        tpu.vector_store %arg6[%swap3A_3409, %swap3A_3410, %swap3A_3411, %swap3A_3412], %swap3A_3415 {strides = array<i32>} : memref<2x4x8x1024xf32, #tpu.memory_space<vmem>>, vector<1x1x1x16xf32>,
        %get3A_3416 = arith.constant 3 : i32
        %get3A_3417 = arith.index_cast %rem3A_58 : i32 to index
        %get3A_3418 = arith.index_cast %get3A_3416 : i32 to index
        %get3A_3419 = arith.index_cast %scan3A_121 : i32 to index
        %get3A_3420 = arith.constant 752 : index
        %get3A_3421 = tpu.vector_load %arg6[%get3A_3417, %get3A_3418, %get3A_3419, %get3A_3420] {strides = array<i32>} : memref<2x4x8x1024xf32, #tpu.memory_space<vmem>>, vector<1x1x1x16xf32>,
        %get3A_3422 = vector.shape_cast %get3A_3421 : vector<1x1x1x16xf32> to vector<16xf32>
        %add3A_3423 = arith.addf %get3A_3422, %get3A_3367 : vector<16xf32>
        %swap3A_3424 = arith.constant 3 : i32
        %swap3A_3425 = arith.index_cast %rem3A_58 : i32 to index
        %swap3A_3426 = arith.index_cast %swap3A_3424 : i32 to index
        %swap3A_3427 = arith.index_cast %scan3A_121 : i32 to index
        %swap3A_3428 = arith.constant 752 : index
        %swap3A_3429 = tpu.vector_load %arg6[%swap3A_3425, %swap3A_3426, %swap3A_3427, %swap3A_3428] {strides = array<i32>} : memref<2x4x8x1024xf32, #tpu.memory_space<vmem>>, vector<1x1x1x16xf32>,
        %swap3A_3430 = vector.shape_cast %swap3A_3429 : vector<1x1x1x16xf32> to vector<16xf32>
        %swap3A_3431 = vector.shape_cast %add3A_3423 : vector<16xf32> to vector<1x1x1x16xf32>
        tpu.vector_store %arg6[%swap3A_3425, %swap3A_3426, %swap3A_3427, %swap3A_3428], %swap3A_3431 {strides = array<i32>} : memref<2x4x8x1024xf32, #tpu.memory_space<vmem>>, vector<1x1x1x16xf32>,
        %get3A_3432 = arith.index_cast %rem3A_58 : i32 to index
        %get3A_3433 = arith.index_cast %scan3A_121 : i32 to index
        %get3A_3434 = arith.constant 768 : index
        %get3A_3435 = tpu.vector_load %arg5[%get3A_3432, %get3A_3433, %get3A_3434] {strides = array<i32>} : memref<2x8x1024xf32, #tpu.memory_space<vmem>>, vector<1x1x16xf32>,
        %get3A_3436 = vector.shape_cast %get3A_3435 : vector<1x1x16xf32> to vector<16xf32>
        %get3A_3437 = arith.constant 0 : i32
        %get3A_3438 = arith.index_cast %rem3A_58 : i32 to index
        %get3A_3439 = arith.index_cast %get3A_3437 : i32 to index
        %get3A_3440 = arith.index_cast %scan3A_121 : i32 to index
        %get3A_3441 = arith.constant 768 : index
        %get3A_3442 = tpu.vector_load %arg6[%get3A_3438, %get3A_3439, %get3A_3440, %get3A_3441] {strides = array<i32>} : memref<2x4x8x1024xf32, #tpu.memory_space<vmem>>, vector<1x1x1x16xf32>,
        %get3A_3443 = vector.shape_cast %get3A_3442 : vector<1x1x1x16xf32> to vector<16xf32>
        %add3A_3444 = arith.addf %get3A_3443, %get3A_3436 : vector<16xf32>
        %swap3A_3445 = arith.constant 0 : i32
        %swap3A_3446 = arith.index_cast %rem3A_58 : i32 to index
        %swap3A_3447 = arith.index_cast %swap3A_3445 : i32 to index
        %swap3A_3448 = arith.index_cast %scan3A_121 : i32 to index
        %swap3A_3449 = arith.constant 768 : index
        %swap3A_3450 = tpu.vector_load %arg6[%swap3A_3446, %swap3A_3447, %swap3A_3448, %swap3A_3449] {strides = array<i32>} : memref<2x4x8x1024xf32, #tpu.memory_space<vmem>>, vector<1x1x1x16xf32>,
        %swap3A_3451 = vector.shape_cast %swap3A_3450 : vector<1x1x1x16xf32> to vector<16xf32>
        %swap3A_3452 = vector.shape_cast %add3A_3444 : vector<16xf32> to vector<1x1x1x16xf32>
        tpu.vector_store %arg6[%swap3A_3446, %swap3A_3447, %swap3A_3448, %swap3A_3449], %swap3A_3452 {strides = array<i32>} : memref<2x4x8x1024xf32, #tpu.memory_space<vmem>>, vector<1x1x1x16xf32>,
        %get3A_3453 = arith.constant 1 : i32
        %get3A_3454 = arith.index_cast %rem3A_58 : i32 to index
        %get3A_3455 = arith.index_cast %get3A_3453 : i32 to index
        %get3A_3456 = arith.index_cast %scan3A_121 : i32 to index
        %get3A_3457 = arith.constant 768 : index
        %get3A_3458 = tpu.vector_load %arg6[%get3A_3454, %get3A_3455, %get3A_3456, %get3A_3457] {strides = array<i32>} : memref<2x4x8x1024xf32, #tpu.memory_space<vmem>>, vector<1x1x1x16xf32>,
        %get3A_3459 = vector.shape_cast %get3A_3458 : vector<1x1x1x16xf32> to vector<16xf32>
        %add3A_3460 = arith.addf %get3A_3459, %get3A_3436 : vector<16xf32>
        %swap3A_3461 = arith.constant 1 : i32
        %swap3A_3462 = arith.index_cast %rem3A_58 : i32 to index
        %swap3A_3463 = arith.index_cast %swap3A_3461 : i32 to index
        %swap3A_3464 = arith.index_cast %scan3A_121 : i32 to index
        %swap3A_3465 = arith.constant 768 : index
        %swap3A_3466 = tpu.vector_load %arg6[%swap3A_3462, %swap3A_3463, %swap3A_3464, %swap3A_3465] {strides = array<i32>} : memref<2x4x8x1024xf32, #tpu.memory_space<vmem>>, vector<1x1x1x16xf32>,
        %swap3A_3467 = vector.shape_cast %swap3A_3466 : vector<1x1x1x16xf32> to vector<16xf32>
        %swap3A_3468 = vector.shape_cast %add3A_3460 : vector<16xf32> to vector<1x1x1x16xf32>
        tpu.vector_store %arg6[%swap3A_3462, %swap3A_3463, %swap3A_3464, %swap3A_3465], %swap3A_3468 {strides = array<i32>} : memref<2x4x8x1024xf32, #tpu.memory_space<vmem>>, vector<1x1x1x16xf32>,
        %get3A_3469 = arith.constant 2 : i32
        %get3A_3470 = arith.index_cast %rem3A_58 : i32 to index
        %get3A_3471 = arith.index_cast %get3A_3469 : i32 to index
        %get3A_3472 = arith.index_cast %scan3A_121 : i32 to index
        %get3A_3473 = arith.constant 768 : index
        %get3A_3474 = tpu.vector_load %arg6[%get3A_3470, %get3A_3471, %get3A_3472, %get3A_3473] {strides = array<i32>} : memref<2x4x8x1024xf32, #tpu.memory_space<vmem>>, vector<1x1x1x16xf32>,
        %get3A_3475 = vector.shape_cast %get3A_3474 : vector<1x1x1x16xf32> to vector<16xf32>
        %add3A_3476 = arith.addf %get3A_3475, %get3A_3436 : vector<16xf32>
        %swap3A_3477 = arith.constant 2 : i32
        %swap3A_3478 = arith.index_cast %rem3A_58 : i32 to index
        %swap3A_3479 = arith.index_cast %swap3A_3477 : i32 to index
        %swap3A_3480 = arith.index_cast %scan3A_121 : i32 to index
        %swap3A_3481 = arith.constant 768 : index
        %swap3A_3482 = tpu.vector_load %arg6[%swap3A_3478, %swap3A_3479, %swap3A_3480, %swap3A_3481] {strides = array<i32>} : memref<2x4x8x1024xf32, #tpu.memory_space<vmem>>, vector<1x1x1x16xf32>,
        %swap3A_3483 = vector.shape_cast %swap3A_3482 : vector<1x1x1x16xf32> to vector<16xf32>
        %swap3A_3484 = vector.shape_cast %add3A_3476 : vector<16xf32> to vector<1x1x1x16xf32>
        tpu.vector_store %arg6[%swap3A_3478, %swap3A_3479, %swap3A_3480, %swap3A_3481], %swap3A_3484 {strides = array<i32>} : memref<2x4x8x1024xf32, #tpu.memory_space<vmem>>, vector<1x1x1x16xf32>,
        %get3A_3485 = arith.constant 3 : i32
        %get3A_3486 = arith.index_cast %rem3A_58 : i32 to index
        %get3A_3487 = arith.index_cast %get3A_3485 : i32 to index
        %get3A_3488 = arith.index_cast %scan3A_121 : i32 to index
        %get3A_3489 = arith.constant 768 : index
        %get3A_3490 = tpu.vector_load %arg6[%get3A_3486, %get3A_3487, %get3A_3488, %get3A_3489] {strides = array<i32>} : memref<2x4x8x1024xf32, #tpu.memory_space<vmem>>, vector<1x1x1x16xf32>,
        %get3A_3491 = vector.shape_cast %get3A_3490 : vector<1x1x1x16xf32> to vector<16xf32>
        %add3A_3492 = arith.addf %get3A_3491, %get3A_3436 : vector<16xf32>
        %swap3A_3493 = arith.constant 3 : i32
        %swap3A_3494 = arith.index_cast %rem3A_58 : i32 to index
        %swap3A_3495 = arith.index_cast %swap3A_3493 : i32 to index
        %swap3A_3496 = arith.index_cast %scan3A_121 : i32 to index
        %swap3A_3497 = arith.constant 768 : index
        %swap3A_3498 = tpu.vector_load %arg6[%swap3A_3494, %swap3A_3495, %swap3A_3496, %swap3A_3497] {strides = array<i32>} : memref<2x4x8x1024xf32, #tpu.memory_space<vmem>>, vector<1x1x1x16xf32>,
        %swap3A_3499 = vector.shape_cast %swap3A_3498 : vector<1x1x1x16xf32> to vector<16xf32>
        %swap3A_3500 = vector.shape_cast %add3A_3492 : vector<16xf32> to vector<1x1x1x16xf32>
        tpu.vector_store %arg6[%swap3A_3494, %swap3A_3495, %swap3A_3496, %swap3A_3497], %swap3A_3500 {strides = array<i32>} : memref<2x4x8x1024xf32, #tpu.memory_space<vmem>>, vector<1x1x1x16xf32>,
        %get3A_3501 = arith.index_cast %rem3A_58 : i32 to index
        %get3A_3502 = arith.index_cast %scan3A_121 : i32 to index
        %get3A_3503 = arith.constant 784 : index
        %get3A_3504 = tpu.vector_load %arg5[%get3A_3501, %get3A_3502, %get3A_3503] {strides = array<i32>} : memref<2x8x1024xf32, #tpu.memory_space<vmem>>, vector<1x1x16xf32>,
        %get3A_3505 = vector.shape_cast %get3A_3504 : vector<1x1x16xf32> to vector<16xf32>
        %get3A_3506 = arith.constant 0 : i32
        %get3A_3507 = arith.index_cast %rem3A_58 : i32 to index
        %get3A_3508 = arith.index_cast %get3A_3506 : i32 to index
        %get3A_3509 = arith.index_cast %scan3A_121 : i32 to index
        %get3A_3510 = arith.constant 784 : index
        %get3A_3511 = tpu.vector_load %arg6[%get3A_3507, %get3A_3508, %get3A_3509, %get3A_3510] {strides = array<i32>} : memref<2x4x8x1024xf32, #tpu.memory_space<vmem>>, vector<1x1x1x16xf32>,
        %get3A_3512 = vector.shape_cast %get3A_3511 : vector<1x1x1x16xf32> to vector<16xf32>
        %add3A_3513 = arith.addf %get3A_3512, %get3A_3505 : vector<16xf32>
        %swap3A_3514 = arith.constant 0 : i32
        %swap3A_3515 = arith.index_cast %rem3A_58 : i32 to index
        %swap3A_3516 = arith.index_cast %swap3A_3514 : i32 to index
        %swap3A_3517 = arith.index_cast %scan3A_121 : i32 to index
        %swap3A_3518 = arith.constant 784 : index
        %swap3A_3519 = tpu.vector_load %arg6[%swap3A_3515, %swap3A_3516, %swap3A_3517, %swap3A_3518] {strides = array<i32>} : memref<2x4x8x1024xf32, #tpu.memory_space<vmem>>, vector<1x1x1x16xf32>,
        %swap3A_3520 = vector.shape_cast %swap3A_3519 : vector<1x1x1x16xf32> to vector<16xf32>
        %swap3A_3521 = vector.shape_cast %add3A_3513 : vector<16xf32> to vector<1x1x1x16xf32>
        tpu.vector_store %arg6[%swap3A_3515, %swap3A_3516, %swap3A_3517, %swap3A_3518], %swap3A_3521 {strides = array<i32>} : memref<2x4x8x1024xf32, #tpu.memory_space<vmem>>, vector<1x1x1x16xf32>,
        %get3A_3522 = arith.constant 1 : i32
        %get3A_3523 = arith.index_cast %rem3A_58 : i32 to index
        %get3A_3524 = arith.index_cast %get3A_3522 : i32 to index
        %get3A_3525 = arith.index_cast %scan3A_121 : i32 to index
        %get3A_3526 = arith.constant 784 : index
        %get3A_3527 = tpu.vector_load %arg6[%get3A_3523, %get3A_3524, %get3A_3525, %get3A_3526] {strides = array<i32>} : memref<2x4x8x1024xf32, #tpu.memory_space<vmem>>, vector<1x1x1x16xf32>,
        %get3A_3528 = vector.shape_cast %get3A_3527 : vector<1x1x1x16xf32> to vector<16xf32>
        %add3A_3529 = arith.addf %get3A_3528, %get3A_3505 : vector<16xf32>
        %swap3A_3530 = arith.constant 1 : i32
        %swap3A_3531 = arith.index_cast %rem3A_58 : i32 to index
        %swap3A_3532 = arith.index_cast %swap3A_3530 : i32 to index
        %swap3A_3533 = arith.index_cast %scan3A_121 : i32 to index
        %swap3A_3534 = arith.constant 784 : index
        %swap3A_3535 = tpu.vector_load %arg6[%swap3A_3531, %swap3A_3532, %swap3A_3533, %swap3A_3534] {strides = array<i32>} : memref<2x4x8x1024xf32, #tpu.memory_space<vmem>>, vector<1x1x1x16xf32>,
        %swap3A_3536 = vector.shape_cast %swap3A_3535 : vector<1x1x1x16xf32> to vector<16xf32>
        %swap3A_3537 = vector.shape_cast %add3A_3529 : vector<16xf32> to vector<1x1x1x16xf32>
        tpu.vector_store %arg6[%swap3A_3531, %swap3A_3532, %swap3A_3533, %swap3A_3534], %swap3A_3537 {strides = array<i32>} : memref<2x4x8x1024xf32, #tpu.memory_space<vmem>>, vector<1x1x1x16xf32>,
        %get3A_3538 = arith.constant 2 : i32
        %get3A_3539 = arith.index_cast %rem3A_58 : i32 to index
        %get3A_3540 = arith.index_cast %get3A_3538 : i32 to index
        %get3A_3541 = arith.index_cast %scan3A_121 : i32 to index
        %get3A_3542 = arith.constant 784 : index
        %get3A_3543 = tpu.vector_load %arg6[%get3A_3539, %get3A_3540, %get3A_3541, %get3A_3542] {strides = array<i32>} : memref<2x4x8x1024xf32, #tpu.memory_space<vmem>>, vector<1x1x1x16xf32>,
        %get3A_3544 = vector.shape_cast %get3A_3543 : vector<1x1x1x16xf32> to vector<16xf32>
        %add3A_3545 = arith.addf %get3A_3544, %get3A_3505 : vector<16xf32>
        %swap3A_3546 = arith.constant 2 : i32
        %swap3A_3547 = arith.index_cast %rem3A_58 : i32 to index
        %swap3A_3548 = arith.index_cast %swap3A_3546 : i32 to index
        %swap3A_3549 = arith.index_cast %scan3A_121 : i32 to index
        %swap3A_3550 = arith.constant 784 : index
        %swap3A_3551 = tpu.vector_load %arg6[%swap3A_3547, %swap3A_3548, %swap3A_3549, %swap3A_3550] {strides = array<i32>} : memref<2x4x8x1024xf32, #tpu.memory_space<vmem>>, vector<1x1x1x16xf32>,
        %swap3A_3552 = vector.shape_cast %swap3A_3551 : vector<1x1x1x16xf32> to vector<16xf32>
        %swap3A_3553 = vector.shape_cast %add3A_3545 : vector<16xf32> to vector<1x1x1x16xf32>
        tpu.vector_store %arg6[%swap3A_3547, %swap3A_3548, %swap3A_3549, %swap3A_3550], %swap3A_3553 {strides = array<i32>} : memref<2x4x8x1024xf32, #tpu.memory_space<vmem>>, vector<1x1x1x16xf32>,
        %get3A_3554 = arith.constant 3 : i32
        %get3A_3555 = arith.index_cast %rem3A_58 : i32 to index
        %get3A_3556 = arith.index_cast %get3A_3554 : i32 to index
        %get3A_3557 = arith.index_cast %scan3A_121 : i32 to index
        %get3A_3558 = arith.constant 784 : index
        %get3A_3559 = tpu.vector_load %arg6[%get3A_3555, %get3A_3556, %get3A_3557, %get3A_3558] {strides = array<i32>} : memref<2x4x8x1024xf32, #tpu.memory_space<vmem>>, vector<1x1x1x16xf32>,
        %get3A_3560 = vector.shape_cast %get3A_3559 : vector<1x1x1x16xf32> to vector<16xf32>
        %add3A_3561 = arith.addf %get3A_3560, %get3A_3505 : vector<16xf32>
        %swap3A_3562 = arith.constant 3 : i32
        %swap3A_3563 = arith.index_cast %rem3A_58 : i32 to index
        %swap3A_3564 = arith.index_cast %swap3A_3562 : i32 to index
        %swap3A_3565 = arith.index_cast %scan3A_121 : i32 to index
        %swap3A_3566 = arith.constant 784 : index
        %swap3A_3567 = tpu.vector_load %arg6[%swap3A_3563, %swap3A_3564, %swap3A_3565, %swap3A_3566] {strides = array<i32>} : memref<2x4x8x1024xf32, #tpu.memory_space<vmem>>, vector<1x1x1x16xf32>,
        %swap3A_3568 = vector.shape_cast %swap3A_3567 : vector<1x1x1x16xf32> to vector<16xf32>
        %swap3A_3569 = vector.shape_cast %add3A_3561 : vector<16xf32> to vector<1x1x1x16xf32>
        tpu.vector_store %arg6[%swap3A_3563, %swap3A_3564, %swap3A_3565, %swap3A_3566], %swap3A_3569 {strides = array<i32>} : memref<2x4x8x1024xf32, #tpu.memory_space<vmem>>, vector<1x1x1x16xf32>,
        %get3A_3570 = arith.index_cast %rem3A_58 : i32 to index
        %get3A_3571 = arith.index_cast %scan3A_121 : i32 to index
        %get3A_3572 = arith.constant 800 : index
        %get3A_3573 = tpu.vector_load %arg5[%get3A_3570, %get3A_3571, %get3A_3572] {strides = array<i32>} : memref<2x8x1024xf32, #tpu.memory_space<vmem>>, vector<1x1x16xf32>,
        %get3A_3574 = vector.shape_cast %get3A_3573 : vector<1x1x16xf32> to vector<16xf32>
        %get3A_3575 = arith.constant 0 : i32
        %get3A_3576 = arith.index_cast %rem3A_58 : i32 to index
        %get3A_3577 = arith.index_cast %get3A_3575 : i32 to index
        %get3A_3578 = arith.index_cast %scan3A_121 : i32 to index
        %get3A_3579 = arith.constant 800 : index
        %get3A_3580 = tpu.vector_load %arg6[%get3A_3576, %get3A_3577, %get3A_3578, %get3A_3579] {strides = array<i32>} : memref<2x4x8x1024xf32, #tpu.memory_space<vmem>>, vector<1x1x1x16xf32>,
        %get3A_3581 = vector.shape_cast %get3A_3580 : vector<1x1x1x16xf32> to vector<16xf32>
        %add3A_3582 = arith.addf %get3A_3581, %get3A_3574 : vector<16xf32>
        %swap3A_3583 = arith.constant 0 : i32
        %swap3A_3584 = arith.index_cast %rem3A_58 : i32 to index
        %swap3A_3585 = arith.index_cast %swap3A_3583 : i32 to index
        %swap3A_3586 = arith.index_cast %scan3A_121 : i32 to index
        %swap3A_3587 = arith.constant 800 : index
        %swap3A_3588 = tpu.vector_load %arg6[%swap3A_3584, %swap3A_3585, %swap3A_3586, %swap3A_3587] {strides = array<i32>} : memref<2x4x8x1024xf32, #tpu.memory_space<vmem>>, vector<1x1x1x16xf32>,
        %swap3A_3589 = vector.shape_cast %swap3A_3588 : vector<1x1x1x16xf32> to vector<16xf32>
        %swap3A_3590 = vector.shape_cast %add3A_3582 : vector<16xf32> to vector<1x1x1x16xf32>
        tpu.vector_store %arg6[%swap3A_3584, %swap3A_3585, %swap3A_3586, %swap3A_3587], %swap3A_3590 {strides = array<i32>} : memref<2x4x8x1024xf32, #tpu.memory_space<vmem>>, vector<1x1x1x16xf32>,
        %get3A_3591 = arith.constant 1 : i32
        %get3A_3592 = arith.index_cast %rem3A_58 : i32 to index
        %get3A_3593 = arith.index_cast %get3A_3591 : i32 to index
        %get3A_3594 = arith.index_cast %scan3A_121 : i32 to index
        %get3A_3595 = arith.constant 800 : index
        %get3A_3596 = tpu.vector_load %arg6[%get3A_3592, %get3A_3593, %get3A_3594, %get3A_3595] {strides = array<i32>} : memref<2x4x8x1024xf32, #tpu.memory_space<vmem>>, vector<1x1x1x16xf32>,
        %get3A_3597 = vector.shape_cast %get3A_3596 : vector<1x1x1x16xf32> to vector<16xf32>
        %add3A_3598 = arith.addf %get3A_3597, %get3A_3574 : vector<16xf32>
        %swap3A_3599 = arith.constant 1 : i32
        %swap3A_3600 = arith.index_cast %rem3A_58 : i32 to index
        %swap3A_3601 = arith.index_cast %swap3A_3599 : i32 to index
        %swap3A_3602 = arith.index_cast %scan3A_121 : i32 to index
        %swap3A_3603 = arith.constant 800 : index
        %swap3A_3604 = tpu.vector_load %arg6[%swap3A_3600, %swap3A_3601, %swap3A_3602, %swap3A_3603] {strides = array<i32>} : memref<2x4x8x1024xf32, #tpu.memory_space<vmem>>, vector<1x1x1x16xf32>,
        %swap3A_3605 = vector.shape_cast %swap3A_3604 : vector<1x1x1x16xf32> to vector<16xf32>
        %swap3A_3606 = vector.shape_cast %add3A_3598 : vector<16xf32> to vector<1x1x1x16xf32>
        tpu.vector_store %arg6[%swap3A_3600, %swap3A_3601, %swap3A_3602, %swap3A_3603], %swap3A_3606 {strides = array<i32>} : memref<2x4x8x1024xf32, #tpu.memory_space<vmem>>, vector<1x1x1x16xf32>,
        %get3A_3607 = arith.constant 2 : i32
        %get3A_3608 = arith.index_cast %rem3A_58 : i32 to index
        %get3A_3609 = arith.index_cast %get3A_3607 : i32 to index
        %get3A_3610 = arith.index_cast %scan3A_121 : i32 to index
        %get3A_3611 = arith.constant 800 : index
        %get3A_3612 = tpu.vector_load %arg6[%get3A_3608, %get3A_3609, %get3A_3610, %get3A_3611] {strides = array<i32>} : memref<2x4x8x1024xf32, #tpu.memory_space<vmem>>, vector<1x1x1x16xf32>,
        %get3A_3613 = vector.shape_cast %get3A_3612 : vector<1x1x1x16xf32> to vector<16xf32>
        %add3A_3614 = arith.addf %get3A_3613, %get3A_3574 : vector<16xf32>
        %swap3A_3615 = arith.constant 2 : i32
        %swap3A_3616 = arith.index_cast %rem3A_58 : i32 to index
        %swap3A_3617 = arith.index_cast %swap3A_3615 : i32 to index
        %swap3A_3618 = arith.index_cast %scan3A_121 : i32 to index
        %swap3A_3619 = arith.constant 800 : index
        %swap3A_3620 = tpu.vector_load %arg6[%swap3A_3616, %swap3A_3617, %swap3A_3618, %swap3A_3619] {strides = array<i32>} : memref<2x4x8x1024xf32, #tpu.memory_space<vmem>>, vector<1x1x1x16xf32>,
        %swap3A_3621 = vector.shape_cast %swap3A_3620 : vector<1x1x1x16xf32> to vector<16xf32>
        %swap3A_3622 = vector.shape_cast %add3A_3614 : vector<16xf32> to vector<1x1x1x16xf32>
        tpu.vector_store %arg6[%swap3A_3616, %swap3A_3617, %swap3A_3618, %swap3A_3619], %swap3A_3622 {strides = array<i32>} : memref<2x4x8x1024xf32, #tpu.memory_space<vmem>>, vector<1x1x1x16xf32>,
        %get3A_3623 = arith.constant 3 : i32
        %get3A_3624 = arith.index_cast %rem3A_58 : i32 to index
        %get3A_3625 = arith.index_cast %get3A_3623 : i32 to index
        %get3A_3626 = arith.index_cast %scan3A_121 : i32 to index
        %get3A_3627 = arith.constant 800 : index
        %get3A_3628 = tpu.vector_load %arg6[%get3A_3624, %get3A_3625, %get3A_3626, %get3A_3627] {strides = array<i32>} : memref<2x4x8x1024xf32, #tpu.memory_space<vmem>>, vector<1x1x1x16xf32>,
        %get3A_3629 = vector.shape_cast %get3A_3628 : vector<1x1x1x16xf32> to vector<16xf32>
        %add3A_3630 = arith.addf %get3A_3629, %get3A_3574 : vector<16xf32>
        %swap3A_3631 = arith.constant 3 : i32
        %swap3A_3632 = arith.index_cast %rem3A_58 : i32 to index
        %swap3A_3633 = arith.index_cast %swap3A_3631 : i32 to index
        %swap3A_3634 = arith.index_cast %scan3A_121 : i32 to index
        %swap3A_3635 = arith.constant 800 : index
        %swap3A_3636 = tpu.vector_load %arg6[%swap3A_3632, %swap3A_3633, %swap3A_3634, %swap3A_3635] {strides = array<i32>} : memref<2x4x8x1024xf32, #tpu.memory_space<vmem>>, vector<1x1x1x16xf32>,
        %swap3A_3637 = vector.shape_cast %swap3A_3636 : vector<1x1x1x16xf32> to vector<16xf32>
        %swap3A_3638 = vector.shape_cast %add3A_3630 : vector<16xf32> to vector<1x1x1x16xf32>
        tpu.vector_store %arg6[%swap3A_3632, %swap3A_3633, %swap3A_3634, %swap3A_3635], %swap3A_3638 {strides = array<i32>} : memref<2x4x8x1024xf32, #tpu.memory_space<vmem>>, vector<1x1x1x16xf32>,
        %get3A_3639 = arith.index_cast %rem3A_58 : i32 to index
        %get3A_3640 = arith.index_cast %scan3A_121 : i32 to index
        %get3A_3641 = arith.constant 816 : index
        %get3A_3642 = tpu.vector_load %arg5[%get3A_3639, %get3A_3640, %get3A_3641] {strides = array<i32>} : memref<2x8x1024xf32, #tpu.memory_space<vmem>>, vector<1x1x16xf32>,
        %get3A_3643 = vector.shape_cast %get3A_3642 : vector<1x1x16xf32> to vector<16xf32>
        %get3A_3644 = arith.constant 0 : i32
        %get3A_3645 = arith.index_cast %rem3A_58 : i32 to index
        %get3A_3646 = arith.index_cast %get3A_3644 : i32 to index
        %get3A_3647 = arith.index_cast %scan3A_121 : i32 to index
        %get3A_3648 = arith.constant 816 : index
        %get3A_3649 = tpu.vector_load %arg6[%get3A_3645, %get3A_3646, %get3A_3647, %get3A_3648] {strides = array<i32>} : memref<2x4x8x1024xf32, #tpu.memory_space<vmem>>, vector<1x1x1x16xf32>,
        %get3A_3650 = vector.shape_cast %get3A_3649 : vector<1x1x1x16xf32> to vector<16xf32>
        %add3A_3651 = arith.addf %get3A_3650, %get3A_3643 : vector<16xf32>
        %swap3A_3652 = arith.constant 0 : i32
        %swap3A_3653 = arith.index_cast %rem3A_58 : i32 to index
        %swap3A_3654 = arith.index_cast %swap3A_3652 : i32 to index
        %swap3A_3655 = arith.index_cast %scan3A_121 : i32 to index
        %swap3A_3656 = arith.constant 816 : index
        %swap3A_3657 = tpu.vector_load %arg6[%swap3A_3653, %swap3A_3654, %swap3A_3655, %swap3A_3656] {strides = array<i32>} : memref<2x4x8x1024xf32, #tpu.memory_space<vmem>>, vector<1x1x1x16xf32>,
        %swap3A_3658 = vector.shape_cast %swap3A_3657 : vector<1x1x1x16xf32> to vector<16xf32>
        %swap3A_3659 = vector.shape_cast %add3A_3651 : vector<16xf32> to vector<1x1x1x16xf32>
        tpu.vector_store %arg6[%swap3A_3653, %swap3A_3654, %swap3A_3655, %swap3A_3656], %swap3A_3659 {strides = array<i32>} : memref<2x4x8x1024xf32, #tpu.memory_space<vmem>>, vector<1x1x1x16xf32>,
        %get3A_3660 = arith.constant 1 : i32
        %get3A_3661 = arith.index_cast %rem3A_58 : i32 to index
        %get3A_3662 = arith.index_cast %get3A_3660 : i32 to index
        %get3A_3663 = arith.index_cast %scan3A_121 : i32 to index
        %get3A_3664 = arith.constant 816 : index
        %get3A_3665 = tpu.vector_load %arg6[%get3A_3661, %get3A_3662, %get3A_3663, %get3A_3664] {strides = array<i32>} : memref<2x4x8x1024xf32, #tpu.memory_space<vmem>>, vector<1x1x1x16xf32>,
        %get3A_3666 = vector.shape_cast %get3A_3665 : vector<1x1x1x16xf32> to vector<16xf32>
        %add3A_3667 = arith.addf %get3A_3666, %get3A_3643 : vector<16xf32>
        %swap3A_3668 = arith.constant 1 : i32
        %swap3A_3669 = arith.index_cast %rem3A_58 : i32 to index
        %swap3A_3670 = arith.index_cast %swap3A_3668 : i32 to index
        %swap3A_3671 = arith.index_cast %scan3A_121 : i32 to index
        %swap3A_3672 = arith.constant 816 : index
        %swap3A_3673 = tpu.vector_load %arg6[%swap3A_3669, %swap3A_3670, %swap3A_3671, %swap3A_3672] {strides = array<i32>} : memref<2x4x8x1024xf32, #tpu.memory_space<vmem>>, vector<1x1x1x16xf32>,
        %swap3A_3674 = vector.shape_cast %swap3A_3673 : vector<1x1x1x16xf32> to vector<16xf32>
        %swap3A_3675 = vector.shape_cast %add3A_3667 : vector<16xf32> to vector<1x1x1x16xf32>
        tpu.vector_store %arg6[%swap3A_3669, %swap3A_3670, %swap3A_3671, %swap3A_3672], %swap3A_3675 {strides = array<i32>} : memref<2x4x8x1024xf32, #tpu.memory_space<vmem>>, vector<1x1x1x16xf32>,
        %get3A_3676 = arith.constant 2 : i32
        %get3A_3677 = arith.index_cast %rem3A_58 : i32 to index
        %get3A_3678 = arith.index_cast %get3A_3676 : i32 to index
        %get3A_3679 = arith.index_cast %scan3A_121 : i32 to index
        %get3A_3680 = arith.constant 816 : index
        %get3A_3681 = tpu.vector_load %arg6[%get3A_3677, %get3A_3678, %get3A_3679, %get3A_3680] {strides = array<i32>} : memref<2x4x8x1024xf32, #tpu.memory_space<vmem>>, vector<1x1x1x16xf32>,
        %get3A_3682 = vector.shape_cast %get3A_3681 : vector<1x1x1x16xf32> to vector<16xf32>
        %add3A_3683 = arith.addf %get3A_3682, %get3A_3643 : vector<16xf32>
        %swap3A_3684 = arith.constant 2 : i32
        %swap3A_3685 = arith.index_cast %rem3A_58 : i32 to index
        %swap3A_3686 = arith.index_cast %swap3A_3684 : i32 to index
        %swap3A_3687 = arith.index_cast %scan3A_121 : i32 to index
        %swap3A_3688 = arith.constant 816 : index
        %swap3A_3689 = tpu.vector_load %arg6[%swap3A_3685, %swap3A_3686, %swap3A_3687, %swap3A_3688] {strides = array<i32>} : memref<2x4x8x1024xf32, #tpu.memory_space<vmem>>, vector<1x1x1x16xf32>,
        %swap3A_3690 = vector.shape_cast %swap3A_3689 : vector<1x1x1x16xf32> to vector<16xf32>
        %swap3A_3691 = vector.shape_cast %add3A_3683 : vector<16xf32> to vector<1x1x1x16xf32>
        tpu.vector_store %arg6[%swap3A_3685, %swap3A_3686, %swap3A_3687, %swap3A_3688], %swap3A_3691 {strides = array<i32>} : memref<2x4x8x1024xf32, #tpu.memory_space<vmem>>, vector<1x1x1x16xf32>,
        %get3A_3692 = arith.constant 3 : i32
        %get3A_3693 = arith.index_cast %rem3A_58 : i32 to index
        %get3A_3694 = arith.index_cast %get3A_3692 : i32 to index
        %get3A_3695 = arith.index_cast %scan3A_121 : i32 to index
        %get3A_3696 = arith.constant 816 : index
        %get3A_3697 = tpu.vector_load %arg6[%get3A_3693, %get3A_3694, %get3A_3695, %get3A_3696] {strides = array<i32>} : memref<2x4x8x1024xf32, #tpu.memory_space<vmem>>, vector<1x1x1x16xf32>,
        %get3A_3698 = vector.shape_cast %get3A_3697 : vector<1x1x1x16xf32> to vector<16xf32>
        %add3A_3699 = arith.addf %get3A_3698, %get3A_3643 : vector<16xf32>
        %swap3A_3700 = arith.constant 3 : i32
        %swap3A_3701 = arith.index_cast %rem3A_58 : i32 to index
        %swap3A_3702 = arith.index_cast %swap3A_3700 : i32 to index
        %swap3A_3703 = arith.index_cast %scan3A_121 : i32 to index
        %swap3A_3704 = arith.constant 816 : index
        %swap3A_3705 = tpu.vector_load %arg6[%swap3A_3701, %swap3A_3702, %swap3A_3703, %swap3A_3704] {strides = array<i32>} : memref<2x4x8x1024xf32, #tpu.memory_space<vmem>>, vector<1x1x1x16xf32>,
        %swap3A_3706 = vector.shape_cast %swap3A_3705 : vector<1x1x1x16xf32> to vector<16xf32>
        %swap3A_3707 = vector.shape_cast %add3A_3699 : vector<16xf32> to vector<1x1x1x16xf32>
        tpu.vector_store %arg6[%swap3A_3701, %swap3A_3702, %swap3A_3703, %swap3A_3704], %swap3A_3707 {strides = array<i32>} : memref<2x4x8x1024xf32, #tpu.memory_space<vmem>>, vector<1x1x1x16xf32>,
        %get3A_3708 = arith.index_cast %rem3A_58 : i32 to index
        %get3A_3709 = arith.index_cast %scan3A_121 : i32 to index
        %get3A_3710 = arith.constant 832 : index
        %get3A_3711 = tpu.vector_load %arg5[%get3A_3708, %get3A_3709, %get3A_3710] {strides = array<i32>} : memref<2x8x1024xf32, #tpu.memory_space<vmem>>, vector<1x1x16xf32>,
        %get3A_3712 = vector.shape_cast %get3A_3711 : vector<1x1x16xf32> to vector<16xf32>
        %get3A_3713 = arith.constant 0 : i32
        %get3A_3714 = arith.index_cast %rem3A_58 : i32 to index
        %get3A_3715 = arith.index_cast %get3A_3713 : i32 to index
        %get3A_3716 = arith.index_cast %scan3A_121 : i32 to index
        %get3A_3717 = arith.constant 832 : index
        %get3A_3718 = tpu.vector_load %arg6[%get3A_3714, %get3A_3715, %get3A_3716, %get3A_3717] {strides = array<i32>} : memref<2x4x8x1024xf32, #tpu.memory_space<vmem>>, vector<1x1x1x16xf32>,
        %get3A_3719 = vector.shape_cast %get3A_3718 : vector<1x1x1x16xf32> to vector<16xf32>
        %add3A_3720 = arith.addf %get3A_3719, %get3A_3712 : vector<16xf32>
        %swap3A_3721 = arith.constant 0 : i32
        %swap3A_3722 = arith.index_cast %rem3A_58 : i32 to index
        %swap3A_3723 = arith.index_cast %swap3A_3721 : i32 to index
        %swap3A_3724 = arith.index_cast %scan3A_121 : i32 to index
        %swap3A_3725 = arith.constant 832 : index
        %swap3A_3726 = tpu.vector_load %arg6[%swap3A_3722, %swap3A_3723, %swap3A_3724, %swap3A_3725] {strides = array<i32>} : memref<2x4x8x1024xf32, #tpu.memory_space<vmem>>, vector<1x1x1x16xf32>,
        %swap3A_3727 = vector.shape_cast %swap3A_3726 : vector<1x1x1x16xf32> to vector<16xf32>
        %swap3A_3728 = vector.shape_cast %add3A_3720 : vector<16xf32> to vector<1x1x1x16xf32>
        tpu.vector_store %arg6[%swap3A_3722, %swap3A_3723, %swap3A_3724, %swap3A_3725], %swap3A_3728 {strides = array<i32>} : memref<2x4x8x1024xf32, #tpu.memory_space<vmem>>, vector<1x1x1x16xf32>,
        %get3A_3729 = arith.constant 1 : i32
        %get3A_3730 = arith.index_cast %rem3A_58 : i32 to index
        %get3A_3731 = arith.index_cast %get3A_3729 : i32 to index
        %get3A_3732 = arith.index_cast %scan3A_121 : i32 to index
        %get3A_3733 = arith.constant 832 : index
        %get3A_3734 = tpu.vector_load %arg6[%get3A_3730, %get3A_3731, %get3A_3732, %get3A_3733] {strides = array<i32>} : memref<2x4x8x1024xf32, #tpu.memory_space<vmem>>, vector<1x1x1x16xf32>,
        %get3A_3735 = vector.shape_cast %get3A_3734 : vector<1x1x1x16xf32> to vector<16xf32>
        %add3A_3736 = arith.addf %get3A_3735, %get3A_3712 : vector<16xf32>
        %swap3A_3737 = arith.constant 1 : i32
        %swap3A_3738 = arith.index_cast %rem3A_58 : i32 to index
        %swap3A_3739 = arith.index_cast %swap3A_3737 : i32 to index
        %swap3A_3740 = arith.index_cast %scan3A_121 : i32 to index
        %swap3A_3741 = arith.constant 832 : index
        %swap3A_3742 = tpu.vector_load %arg6[%swap3A_3738, %swap3A_3739, %swap3A_3740, %swap3A_3741] {strides = array<i32>} : memref<2x4x8x1024xf32, #tpu.memory_space<vmem>>, vector<1x1x1x16xf32>,
        %swap3A_3743 = vector.shape_cast %swap3A_3742 : vector<1x1x1x16xf32> to vector<16xf32>
        %swap3A_3744 = vector.shape_cast %add3A_3736 : vector<16xf32> to vector<1x1x1x16xf32>
        tpu.vector_store %arg6[%swap3A_3738, %swap3A_3739, %swap3A_3740, %swap3A_3741], %swap3A_3744 {strides = array<i32>} : memref<2x4x8x1024xf32, #tpu.memory_space<vmem>>, vector<1x1x1x16xf32>,
        %get3A_3745 = arith.constant 2 : i32
        %get3A_3746 = arith.index_cast %rem3A_58 : i32 to index
        %get3A_3747 = arith.index_cast %get3A_3745 : i32 to index
        %get3A_3748 = arith.index_cast %scan3A_121 : i32 to index
        %get3A_3749 = arith.constant 832 : index
        %get3A_3750 = tpu.vector_load %arg6[%get3A_3746, %get3A_3747, %get3A_3748, %get3A_3749] {strides = array<i32>} : memref<2x4x8x1024xf32, #tpu.memory_space<vmem>>, vector<1x1x1x16xf32>,
        %get3A_3751 = vector.shape_cast %get3A_3750 : vector<1x1x1x16xf32> to vector<16xf32>
        %add3A_3752 = arith.addf %get3A_3751, %get3A_3712 : vector<16xf32>
        %swap3A_3753 = arith.constant 2 : i32
        %swap3A_3754 = arith.index_cast %rem3A_58 : i32 to index
        %swap3A_3755 = arith.index_cast %swap3A_3753 : i32 to index
        %swap3A_3756 = arith.index_cast %scan3A_121 : i32 to index
        %swap3A_3757 = arith.constant 832 : index
        %swap3A_3758 = tpu.vector_load %arg6[%swap3A_3754, %swap3A_3755, %swap3A_3756, %swap3A_3757] {strides = array<i32>} : memref<2x4x8x1024xf32, #tpu.memory_space<vmem>>, vector<1x1x1x16xf32>,
        %swap3A_3759 = vector.shape_cast %swap3A_3758 : vector<1x1x1x16xf32> to vector<16xf32>
        %swap3A_3760 = vector.shape_cast %add3A_3752 : vector<16xf32> to vector<1x1x1x16xf32>
        tpu.vector_store %arg6[%swap3A_3754, %swap3A_3755, %swap3A_3756, %swap3A_3757], %swap3A_3760 {strides = array<i32>} : memref<2x4x8x1024xf32, #tpu.memory_space<vmem>>, vector<1x1x1x16xf32>,
        %get3A_3761 = arith.constant 3 : i32
        %get3A_3762 = arith.index_cast %rem3A_58 : i32 to index
        %get3A_3763 = arith.index_cast %get3A_3761 : i32 to index
        %get3A_3764 = arith.index_cast %scan3A_121 : i32 to index
        %get3A_3765 = arith.constant 832 : index
        %get3A_3766 = tpu.vector_load %arg6[%get3A_3762, %get3A_3763, %get3A_3764, %get3A_3765] {strides = array<i32>} : memref<2x4x8x1024xf32, #tpu.memory_space<vmem>>, vector<1x1x1x16xf32>,
        %get3A_3767 = vector.shape_cast %get3A_3766 : vector<1x1x1x16xf32> to vector<16xf32>
        %add3A_3768 = arith.addf %get3A_3767, %get3A_3712 : vector<16xf32>
        %swap3A_3769 = arith.constant 3 : i32
        %swap3A_3770 = arith.index_cast %rem3A_58 : i32 to index
        %swap3A_3771 = arith.index_cast %swap3A_3769 : i32 to index
        %swap3A_3772 = arith.index_cast %scan3A_121 : i32 to index
        %swap3A_3773 = arith.constant 832 : index
        %swap3A_3774 = tpu.vector_load %arg6[%swap3A_3770, %swap3A_3771, %swap3A_3772, %swap3A_3773] {strides = array<i32>} : memref<2x4x8x1024xf32, #tpu.memory_space<vmem>>, vector<1x1x1x16xf32>,
        %swap3A_3775 = vector.shape_cast %swap3A_3774 : vector<1x1x1x16xf32> to vector<16xf32>
        %swap3A_3776 = vector.shape_cast %add3A_3768 : vector<16xf32> to vector<1x1x1x16xf32>
        tpu.vector_store %arg6[%swap3A_3770, %swap3A_3771, %swap3A_3772, %swap3A_3773], %swap3A_3776 {strides = array<i32>} : memref<2x4x8x1024xf32, #tpu.memory_space<vmem>>, vector<1x1x1x16xf32>,
        %get3A_3777 = arith.index_cast %rem3A_58 : i32 to index
        %get3A_3778 = arith.index_cast %scan3A_121 : i32 to index
        %get3A_3779 = arith.constant 848 : index
        %get3A_3780 = tpu.vector_load %arg5[%get3A_3777, %get3A_3778, %get3A_3779] {strides = array<i32>} : memref<2x8x1024xf32, #tpu.memory_space<vmem>>, vector<1x1x16xf32>,
        %get3A_3781 = vector.shape_cast %get3A_3780 : vector<1x1x16xf32> to vector<16xf32>
        %get3A_3782 = arith.constant 0 : i32
        %get3A_3783 = arith.index_cast %rem3A_58 : i32 to index
        %get3A_3784 = arith.index_cast %get3A_3782 : i32 to index
        %get3A_3785 = arith.index_cast %scan3A_121 : i32 to index
        %get3A_3786 = arith.constant 848 : index
        %get3A_3787 = tpu.vector_load %arg6[%get3A_3783, %get3A_3784, %get3A_3785, %get3A_3786] {strides = array<i32>} : memref<2x4x8x1024xf32, #tpu.memory_space<vmem>>, vector<1x1x1x16xf32>,
        %get3A_3788 = vector.shape_cast %get3A_3787 : vector<1x1x1x16xf32> to vector<16xf32>
        %add3A_3789 = arith.addf %get3A_3788, %get3A_3781 : vector<16xf32>
        %swap3A_3790 = arith.constant 0 : i32
        %swap3A_3791 = arith.index_cast %rem3A_58 : i32 to index
        %swap3A_3792 = arith.index_cast %swap3A_3790 : i32 to index
        %swap3A_3793 = arith.index_cast %scan3A_121 : i32 to index
        %swap3A_3794 = arith.constant 848 : index
        %swap3A_3795 = tpu.vector_load %arg6[%swap3A_3791, %swap3A_3792, %swap3A_3793, %swap3A_3794] {strides = array<i32>} : memref<2x4x8x1024xf32, #tpu.memory_space<vmem>>, vector<1x1x1x16xf32>,
        %swap3A_3796 = vector.shape_cast %swap3A_3795 : vector<1x1x1x16xf32> to vector<16xf32>
        %swap3A_3797 = vector.shape_cast %add3A_3789 : vector<16xf32> to vector<1x1x1x16xf32>
        tpu.vector_store %arg6[%swap3A_3791, %swap3A_3792, %swap3A_3793, %swap3A_3794], %swap3A_3797 {strides = array<i32>} : memref<2x4x8x1024xf32, #tpu.memory_space<vmem>>, vector<1x1x1x16xf32>,
        %get3A_3798 = arith.constant 1 : i32
        %get3A_3799 = arith.index_cast %rem3A_58 : i32 to index
        %get3A_3800 = arith.index_cast %get3A_3798 : i32 to index
        %get3A_3801 = arith.index_cast %scan3A_121 : i32 to index
        %get3A_3802 = arith.constant 848 : index
        %get3A_3803 = tpu.vector_load %arg6[%get3A_3799, %get3A_3800, %get3A_3801, %get3A_3802] {strides = array<i32>} : memref<2x4x8x1024xf32, #tpu.memory_space<vmem>>, vector<1x1x1x16xf32>,
        %get3A_3804 = vector.shape_cast %get3A_3803 : vector<1x1x1x16xf32> to vector<16xf32>
        %add3A_3805 = arith.addf %get3A_3804, %get3A_3781 : vector<16xf32>
        %swap3A_3806 = arith.constant 1 : i32
        %swap3A_3807 = arith.index_cast %rem3A_58 : i32 to index
        %swap3A_3808 = arith.index_cast %swap3A_3806 : i32 to index
        %swap3A_3809 = arith.index_cast %scan3A_121 : i32 to index
        %swap3A_3810 = arith.constant 848 : index
        %swap3A_3811 = tpu.vector_load %arg6[%swap3A_3807, %swap3A_3808, %swap3A_3809, %swap3A_3810] {strides = array<i32>} : memref<2x4x8x1024xf32, #tpu.memory_space<vmem>>, vector<1x1x1x16xf32>,
        %swap3A_3812 = vector.shape_cast %swap3A_3811 : vector<1x1x1x16xf32> to vector<16xf32>
        %swap3A_3813 = vector.shape_cast %add3A_3805 : vector<16xf32> to vector<1x1x1x16xf32>
        tpu.vector_store %arg6[%swap3A_3807, %swap3A_3808, %swap3A_3809, %swap3A_3810], %swap3A_3813 {strides = array<i32>} : memref<2x4x8x1024xf32, #tpu.memory_space<vmem>>, vector<1x1x1x16xf32>,
        %get3A_3814 = arith.constant 2 : i32
        %get3A_3815 = arith.index_cast %rem3A_58 : i32 to index
        %get3A_3816 = arith.index_cast %get3A_3814 : i32 to index
        %get3A_3817 = arith.index_cast %scan3A_121 : i32 to index
        %get3A_3818 = arith.constant 848 : index
        %get3A_3819 = tpu.vector_load %arg6[%get3A_3815, %get3A_3816, %get3A_3817, %get3A_3818] {strides = array<i32>} : memref<2x4x8x1024xf32, #tpu.memory_space<vmem>>, vector<1x1x1x16xf32>,
        %get3A_3820 = vector.shape_cast %get3A_3819 : vector<1x1x1x16xf32> to vector<16xf32>
        %add3A_3821 = arith.addf %get3A_3820, %get3A_3781 : vector<16xf32>
        %swap3A_3822 = arith.constant 2 : i32
        %swap3A_3823 = arith.index_cast %rem3A_58 : i32 to index
        %swap3A_3824 = arith.index_cast %swap3A_3822 : i32 to index
        %swap3A_3825 = arith.index_cast %scan3A_121 : i32 to index
        %swap3A_3826 = arith.constant 848 : index
        %swap3A_3827 = tpu.vector_load %arg6[%swap3A_3823, %swap3A_3824, %swap3A_3825, %swap3A_3826] {strides = array<i32>} : memref<2x4x8x1024xf32, #tpu.memory_space<vmem>>, vector<1x1x1x16xf32>,
        %swap3A_3828 = vector.shape_cast %swap3A_3827 : vector<1x1x1x16xf32> to vector<16xf32>
        %swap3A_3829 = vector.shape_cast %add3A_3821 : vector<16xf32> to vector<1x1x1x16xf32>
        tpu.vector_store %arg6[%swap3A_3823, %swap3A_3824, %swap3A_3825, %swap3A_3826], %swap3A_3829 {strides = array<i32>} : memref<2x4x8x1024xf32, #tpu.memory_space<vmem>>, vector<1x1x1x16xf32>,
        %get3A_3830 = arith.constant 3 : i32
        %get3A_3831 = arith.index_cast %rem3A_58 : i32 to index
        %get3A_3832 = arith.index_cast %get3A_3830 : i32 to index
        %get3A_3833 = arith.index_cast %scan3A_121 : i32 to index
        %get3A_3834 = arith.constant 848 : index
        %get3A_3835 = tpu.vector_load %arg6[%get3A_3831, %get3A_3832, %get3A_3833, %get3A_3834] {strides = array<i32>} : memref<2x4x8x1024xf32, #tpu.memory_space<vmem>>, vector<1x1x1x16xf32>,
        %get3A_3836 = vector.shape_cast %get3A_3835 : vector<1x1x1x16xf32> to vector<16xf32>
        %add3A_3837 = arith.addf %get3A_3836, %get3A_3781 : vector<16xf32>
        %swap3A_3838 = arith.constant 3 : i32
        %swap3A_3839 = arith.index_cast %rem3A_58 : i32 to index
        %swap3A_3840 = arith.index_cast %swap3A_3838 : i32 to index
        %swap3A_3841 = arith.index_cast %scan3A_121 : i32 to index
        %swap3A_3842 = arith.constant 848 : index
        %swap3A_3843 = tpu.vector_load %arg6[%swap3A_3839, %swap3A_3840, %swap3A_3841, %swap3A_3842] {strides = array<i32>} : memref<2x4x8x1024xf32, #tpu.memory_space<vmem>>, vector<1x1x1x16xf32>,
        %swap3A_3844 = vector.shape_cast %swap3A_3843 : vector<1x1x1x16xf32> to vector<16xf32>
        %swap3A_3845 = vector.shape_cast %add3A_3837 : vector<16xf32> to vector<1x1x1x16xf32>
        tpu.vector_store %arg6[%swap3A_3839, %swap3A_3840, %swap3A_3841, %swap3A_3842], %swap3A_3845 {strides = array<i32>} : memref<2x4x8x1024xf32, #tpu.memory_space<vmem>>, vector<1x1x1x16xf32>,
        %get3A_3846 = arith.index_cast %rem3A_58 : i32 to index
        %get3A_3847 = arith.index_cast %scan3A_121 : i32 to index
        %get3A_3848 = arith.constant 864 : index
        %get3A_3849 = tpu.vector_load %arg5[%get3A_3846, %get3A_3847, %get3A_3848] {strides = array<i32>} : memref<2x8x1024xf32, #tpu.memory_space<vmem>>, vector<1x1x16xf32>,
        %get3A_3850 = vector.shape_cast %get3A_3849 : vector<1x1x16xf32> to vector<16xf32>
        %get3A_3851 = arith.constant 0 : i32
        %get3A_3852 = arith.index_cast %rem3A_58 : i32 to index
        %get3A_3853 = arith.index_cast %get3A_3851 : i32 to index
        %get3A_3854 = arith.index_cast %scan3A_121 : i32 to index
        %get3A_3855 = arith.constant 864 : index
        %get3A_3856 = tpu.vector_load %arg6[%get3A_3852, %get3A_3853, %get3A_3854, %get3A_3855] {strides = array<i32>} : memref<2x4x8x1024xf32, #tpu.memory_space<vmem>>, vector<1x1x1x16xf32>,
        %get3A_3857 = vector.shape_cast %get3A_3856 : vector<1x1x1x16xf32> to vector<16xf32>
        %add3A_3858 = arith.addf %get3A_3857, %get3A_3850 : vector<16xf32>
        %swap3A_3859 = arith.constant 0 : i32
        %swap3A_3860 = arith.index_cast %rem3A_58 : i32 to index
        %swap3A_3861 = arith.index_cast %swap3A_3859 : i32 to index
        %swap3A_3862 = arith.index_cast %scan3A_121 : i32 to index
        %swap3A_3863 = arith.constant 864 : index
        %swap3A_3864 = tpu.vector_load %arg6[%swap3A_3860, %swap3A_3861, %swap3A_3862, %swap3A_3863] {strides = array<i32>} : memref<2x4x8x1024xf32, #tpu.memory_space<vmem>>, vector<1x1x1x16xf32>,
        %swap3A_3865 = vector.shape_cast %swap3A_3864 : vector<1x1x1x16xf32> to vector<16xf32>
        %swap3A_3866 = vector.shape_cast %add3A_3858 : vector<16xf32> to vector<1x1x1x16xf32>
        tpu.vector_store %arg6[%swap3A_3860, %swap3A_3861, %swap3A_3862, %swap3A_3863], %swap3A_3866 {strides = array<i32>} : memref<2x4x8x1024xf32, #tpu.memory_space<vmem>>, vector<1x1x1x16xf32>,
        %get3A_3867 = arith.constant 1 : i32
        %get3A_3868 = arith.index_cast %rem3A_58 : i32 to index
        %get3A_3869 = arith.index_cast %get3A_3867 : i32 to index
        %get3A_3870 = arith.index_cast %scan3A_121 : i32 to index
        %get3A_3871 = arith.constant 864 : index
        %get3A_3872 = tpu.vector_load %arg6[%get3A_3868, %get3A_3869, %get3A_3870, %get3A_3871] {strides = array<i32>} : memref<2x4x8x1024xf32, #tpu.memory_space<vmem>>, vector<1x1x1x16xf32>,
        %get3A_3873 = vector.shape_cast %get3A_3872 : vector<1x1x1x16xf32> to vector<16xf32>
        %add3A_3874 = arith.addf %get3A_3873, %get3A_3850 : vector<16xf32>
        %swap3A_3875 = arith.constant 1 : i32
        %swap3A_3876 = arith.index_cast %rem3A_58 : i32 to index
        %swap3A_3877 = arith.index_cast %swap3A_3875 : i32 to index
        %swap3A_3878 = arith.index_cast %scan3A_121 : i32 to index
        %swap3A_3879 = arith.constant 864 : index
        %swap3A_3880 = tpu.vector_load %arg6[%swap3A_3876, %swap3A_3877, %swap3A_3878, %swap3A_3879] {strides = array<i32>} : memref<2x4x8x1024xf32, #tpu.memory_space<vmem>>, vector<1x1x1x16xf32>,
        %swap3A_3881 = vector.shape_cast %swap3A_3880 : vector<1x1x1x16xf32> to vector<16xf32>
        %swap3A_3882 = vector.shape_cast %add3A_3874 : vector<16xf32> to vector<1x1x1x16xf32>
        tpu.vector_store %arg6[%swap3A_3876, %swap3A_3877, %swap3A_3878, %swap3A_3879], %swap3A_3882 {strides = array<i32>} : memref<2x4x8x1024xf32, #tpu.memory_space<vmem>>, vector<1x1x1x16xf32>,
        %get3A_3883 = arith.constant 2 : i32
        %get3A_3884 = arith.index_cast %rem3A_58 : i32 to index
        %get3A_3885 = arith.index_cast %get3A_3883 : i32 to index
        %get3A_3886 = arith.index_cast %scan3A_121 : i32 to index
        %get3A_3887 = arith.constant 864 : index
        %get3A_3888 = tpu.vector_load %arg6[%get3A_3884, %get3A_3885, %get3A_3886, %get3A_3887] {strides = array<i32>} : memref<2x4x8x1024xf32, #tpu.memory_space<vmem>>, vector<1x1x1x16xf32>,
        %get3A_3889 = vector.shape_cast %get3A_3888 : vector<1x1x1x16xf32> to vector<16xf32>
        %add3A_3890 = arith.addf %get3A_3889, %get3A_3850 : vector<16xf32>
        %swap3A_3891 = arith.constant 2 : i32
        %swap3A_3892 = arith.index_cast %rem3A_58 : i32 to index
        %swap3A_3893 = arith.index_cast %swap3A_3891 : i32 to index
        %swap3A_3894 = arith.index_cast %scan3A_121 : i32 to index
        %swap3A_3895 = arith.constant 864 : index
        %swap3A_3896 = tpu.vector_load %arg6[%swap3A_3892, %swap3A_3893, %swap3A_3894, %swap3A_3895] {strides = array<i32>} : memref<2x4x8x1024xf32, #tpu.memory_space<vmem>>, vector<1x1x1x16xf32>,
        %swap3A_3897 = vector.shape_cast %swap3A_3896 : vector<1x1x1x16xf32> to vector<16xf32>
        %swap3A_3898 = vector.shape_cast %add3A_3890 : vector<16xf32> to vector<1x1x1x16xf32>
        tpu.vector_store %arg6[%swap3A_3892, %swap3A_3893, %swap3A_3894, %swap3A_3895], %swap3A_3898 {strides = array<i32>} : memref<2x4x8x1024xf32, #tpu.memory_space<vmem>>, vector<1x1x1x16xf32>,
        %get3A_3899 = arith.constant 3 : i32
        %get3A_3900 = arith.index_cast %rem3A_58 : i32 to index
        %get3A_3901 = arith.index_cast %get3A_3899 : i32 to index
        %get3A_3902 = arith.index_cast %scan3A_121 : i32 to index
        %get3A_3903 = arith.constant 864 : index
        %get3A_3904 = tpu.vector_load %arg6[%get3A_3900, %get3A_3901, %get3A_3902, %get3A_3903] {strides = array<i32>} : memref<2x4x8x1024xf32, #tpu.memory_space<vmem>>, vector<1x1x1x16xf32>,
        %get3A_3905 = vector.shape_cast %get3A_3904 : vector<1x1x1x16xf32> to vector<16xf32>
        %add3A_3906 = arith.addf %get3A_3905, %get3A_3850 : vector<16xf32>
        %swap3A_3907 = arith.constant 3 : i32
        %swap3A_3908 = arith.index_cast %rem3A_58 : i32 to index
        %swap3A_3909 = arith.index_cast %swap3A_3907 : i32 to index
        %swap3A_3910 = arith.index_cast %scan3A_121 : i32 to index
        %swap3A_3911 = arith.constant 864 : index
        %swap3A_3912 = tpu.vector_load %arg6[%swap3A_3908, %swap3A_3909, %swap3A_3910, %swap3A_3911] {strides = array<i32>} : memref<2x4x8x1024xf32, #tpu.memory_space<vmem>>, vector<1x1x1x16xf32>,
        %swap3A_3913 = vector.shape_cast %swap3A_3912 : vector<1x1x1x16xf32> to vector<16xf32>
        %swap3A_3914 = vector.shape_cast %add3A_3906 : vector<16xf32> to vector<1x1x1x16xf32>
        tpu.vector_store %arg6[%swap3A_3908, %swap3A_3909, %swap3A_3910, %swap3A_3911], %swap3A_3914 {strides = array<i32>} : memref<2x4x8x1024xf32, #tpu.memory_space<vmem>>, vector<1x1x1x16xf32>,
        %get3A_3915 = arith.index_cast %rem3A_58 : i32 to index
        %get3A_3916 = arith.index_cast %scan3A_121 : i32 to index
        %get3A_3917 = arith.constant 880 : index
        %get3A_3918 = tpu.vector_load %arg5[%get3A_3915, %get3A_3916, %get3A_3917] {strides = array<i32>} : memref<2x8x1024xf32, #tpu.memory_space<vmem>>, vector<1x1x16xf32>,
        %get3A_3919 = vector.shape_cast %get3A_3918 : vector<1x1x16xf32> to vector<16xf32>
        %get3A_3920 = arith.constant 0 : i32
        %get3A_3921 = arith.index_cast %rem3A_58 : i32 to index
        %get3A_3922 = arith.index_cast %get3A_3920 : i32 to index
        %get3A_3923 = arith.index_cast %scan3A_121 : i32 to index
        %get3A_3924 = arith.constant 880 : index
        %get3A_3925 = tpu.vector_load %arg6[%get3A_3921, %get3A_3922, %get3A_3923, %get3A_3924] {strides = array<i32>} : memref<2x4x8x1024xf32, #tpu.memory_space<vmem>>, vector<1x1x1x16xf32>,
        %get3A_3926 = vector.shape_cast %get3A_3925 : vector<1x1x1x16xf32> to vector<16xf32>
        %add3A_3927 = arith.addf %get3A_3926, %get3A_3919 : vector<16xf32>
        %swap3A_3928 = arith.constant 0 : i32
        %swap3A_3929 = arith.index_cast %rem3A_58 : i32 to index
        %swap3A_3930 = arith.index_cast %swap3A_3928 : i32 to index
        %swap3A_3931 = arith.index_cast %scan3A_121 : i32 to index
        %swap3A_3932 = arith.constant 880 : index
        %swap3A_3933 = tpu.vector_load %arg6[%swap3A_3929, %swap3A_3930, %swap3A_3931, %swap3A_3932] {strides = array<i32>} : memref<2x4x8x1024xf32, #tpu.memory_space<vmem>>, vector<1x1x1x16xf32>,
        %swap3A_3934 = vector.shape_cast %swap3A_3933 : vector<1x1x1x16xf32> to vector<16xf32>
        %swap3A_3935 = vector.shape_cast %add3A_3927 : vector<16xf32> to vector<1x1x1x16xf32>
        tpu.vector_store %arg6[%swap3A_3929, %swap3A_3930, %swap3A_3931, %swap3A_3932], %swap3A_3935 {strides = array<i32>} : memref<2x4x8x1024xf32, #tpu.memory_space<vmem>>, vector<1x1x1x16xf32>,
        %get3A_3936 = arith.constant 1 : i32
        %get3A_3937 = arith.index_cast %rem3A_58 : i32 to index
        %get3A_3938 = arith.index_cast %get3A_3936 : i32 to index
        %get3A_3939 = arith.index_cast %scan3A_121 : i32 to index
        %get3A_3940 = arith.constant 880 : index
        %get3A_3941 = tpu.vector_load %arg6[%get3A_3937, %get3A_3938, %get3A_3939, %get3A_3940] {strides = array<i32>} : memref<2x4x8x1024xf32, #tpu.memory_space<vmem>>, vector<1x1x1x16xf32>,
        %get3A_3942 = vector.shape_cast %get3A_3941 : vector<1x1x1x16xf32> to vector<16xf32>
        %add3A_3943 = arith.addf %get3A_3942, %get3A_3919 : vector<16xf32>
        %swap3A_3944 = arith.constant 1 : i32
        %swap3A_3945 = arith.index_cast %rem3A_58 : i32 to index
        %swap3A_3946 = arith.index_cast %swap3A_3944 : i32 to index
        %swap3A_3947 = arith.index_cast %scan3A_121 : i32 to index
        %swap3A_3948 = arith.constant 880 : index
        %swap3A_3949 = tpu.vector_load %arg6[%swap3A_3945, %swap3A_3946, %swap3A_3947, %swap3A_3948] {strides = array<i32>} : memref<2x4x8x1024xf32, #tpu.memory_space<vmem>>, vector<1x1x1x16xf32>,
        %swap3A_3950 = vector.shape_cast %swap3A_3949 : vector<1x1x1x16xf32> to vector<16xf32>
        %swap3A_3951 = vector.shape_cast %add3A_3943 : vector<16xf32> to vector<1x1x1x16xf32>
        tpu.vector_store %arg6[%swap3A_3945, %swap3A_3946, %swap3A_3947, %swap3A_3948], %swap3A_3951 {strides = array<i32>} : memref<2x4x8x1024xf32, #tpu.memory_space<vmem>>, vector<1x1x1x16xf32>,
        %get3A_3952 = arith.constant 2 : i32
        %get3A_3953 = arith.index_cast %rem3A_58 : i32 to index
        %get3A_3954 = arith.index_cast %get3A_3952 : i32 to index
        %get3A_3955 = arith.index_cast %scan3A_121 : i32 to index
        %get3A_3956 = arith.constant 880 : index
        %get3A_3957 = tpu.vector_load %arg6[%get3A_3953, %get3A_3954, %get3A_3955, %get3A_3956] {strides = array<i32>} : memref<2x4x8x1024xf32, #tpu.memory_space<vmem>>, vector<1x1x1x16xf32>,
        %get3A_3958 = vector.shape_cast %get3A_3957 : vector<1x1x1x16xf32> to vector<16xf32>
        %add3A_3959 = arith.addf %get3A_3958, %get3A_3919 : vector<16xf32>
        %swap3A_3960 = arith.constant 2 : i32
        %swap3A_3961 = arith.index_cast %rem3A_58 : i32 to index
        %swap3A_3962 = arith.index_cast %swap3A_3960 : i32 to index
        %swap3A_3963 = arith.index_cast %scan3A_121 : i32 to index
        %swap3A_3964 = arith.constant 880 : index
        %swap3A_3965 = tpu.vector_load %arg6[%swap3A_3961, %swap3A_3962, %swap3A_3963, %swap3A_3964] {strides = array<i32>} : memref<2x4x8x1024xf32, #tpu.memory_space<vmem>>, vector<1x1x1x16xf32>,
        %swap3A_3966 = vector.shape_cast %swap3A_3965 : vector<1x1x1x16xf32> to vector<16xf32>
        %swap3A_3967 = vector.shape_cast %add3A_3959 : vector<16xf32> to vector<1x1x1x16xf32>
        tpu.vector_store %arg6[%swap3A_3961, %swap3A_3962, %swap3A_3963, %swap3A_3964], %swap3A_3967 {strides = array<i32>} : memref<2x4x8x1024xf32, #tpu.memory_space<vmem>>, vector<1x1x1x16xf32>,
        %get3A_3968 = arith.constant 3 : i32
        %get3A_3969 = arith.index_cast %rem3A_58 : i32 to index
        %get3A_3970 = arith.index_cast %get3A_3968 : i32 to index
        %get3A_3971 = arith.index_cast %scan3A_121 : i32 to index
        %get3A_3972 = arith.constant 880 : index
        %get3A_3973 = tpu.vector_load %arg6[%get3A_3969, %get3A_3970, %get3A_3971, %get3A_3972] {strides = array<i32>} : memref<2x4x8x1024xf32, #tpu.memory_space<vmem>>, vector<1x1x1x16xf32>,
        %get3A_3974 = vector.shape_cast %get3A_3973 : vector<1x1x1x16xf32> to vector<16xf32>
        %add3A_3975 = arith.addf %get3A_3974, %get3A_3919 : vector<16xf32>
        %swap3A_3976 = arith.constant 3 : i32
        %swap3A_3977 = arith.index_cast %rem3A_58 : i32 to index
        %swap3A_3978 = arith.index_cast %swap3A_3976 : i32 to index
        %swap3A_3979 = arith.index_cast %scan3A_121 : i32 to index
        %swap3A_3980 = arith.constant 880 : index
        %swap3A_3981 = tpu.vector_load %arg6[%swap3A_3977, %swap3A_3978, %swap3A_3979, %swap3A_3980] {strides = array<i32>} : memref<2x4x8x1024xf32, #tpu.memory_space<vmem>>, vector<1x1x1x16xf32>,
        %swap3A_3982 = vector.shape_cast %swap3A_3981 : vector<1x1x1x16xf32> to vector<16xf32>
        %swap3A_3983 = vector.shape_cast %add3A_3975 : vector<16xf32> to vector<1x1x1x16xf32>
        tpu.vector_store %arg6[%swap3A_3977, %swap3A_3978, %swap3A_3979, %swap3A_3980], %swap3A_3983 {strides = array<i32>} : memref<2x4x8x1024xf32, #tpu.memory_space<vmem>>, vector<1x1x1x16xf32>,
        %get3A_3984 = arith.index_cast %rem3A_58 : i32 to index
        %get3A_3985 = arith.index_cast %scan3A_121 : i32 to index
        %get3A_3986 = arith.constant 896 : index
        %get3A_3987 = tpu.vector_load %arg5[%get3A_3984, %get3A_3985, %get3A_3986] {strides = array<i32>} : memref<2x8x1024xf32, #tpu.memory_space<vmem>>, vector<1x1x16xf32>,
        %get3A_3988 = vector.shape_cast %get3A_3987 : vector<1x1x16xf32> to vector<16xf32>
        %get3A_3989 = arith.constant 0 : i32
        %get3A_3990 = arith.index_cast %rem3A_58 : i32 to index
        %get3A_3991 = arith.index_cast %get3A_3989 : i32 to index
        %get3A_3992 = arith.index_cast %scan3A_121 : i32 to index
        %get3A_3993 = arith.constant 896 : index
        %get3A_3994 = tpu.vector_load %arg6[%get3A_3990, %get3A_3991, %get3A_3992, %get3A_3993] {strides = array<i32>} : memref<2x4x8x1024xf32, #tpu.memory_space<vmem>>, vector<1x1x1x16xf32>,
        %get3A_3995 = vector.shape_cast %get3A_3994 : vector<1x1x1x16xf32> to vector<16xf32>
        %add3A_3996 = arith.addf %get3A_3995, %get3A_3988 : vector<16xf32>
        %swap3A_3997 = arith.constant 0 : i32
        %swap3A_3998 = arith.index_cast %rem3A_58 : i32 to index
        %swap3A_3999 = arith.index_cast %swap3A_3997 : i32 to index
        %swap3A_4000 = arith.index_cast %scan3A_121 : i32 to index
        %swap3A_4001 = arith.constant 896 : index
        %swap3A_4002 = tpu.vector_load %arg6[%swap3A_3998, %swap3A_3999, %swap3A_4000, %swap3A_4001] {strides = array<i32>} : memref<2x4x8x1024xf32, #tpu.memory_space<vmem>>, vector<1x1x1x16xf32>,
        %swap3A_4003 = vector.shape_cast %swap3A_4002 : vector<1x1x1x16xf32> to vector<16xf32>
        %swap3A_4004 = vector.shape_cast %add3A_3996 : vector<16xf32> to vector<1x1x1x16xf32>
        tpu.vector_store %arg6[%swap3A_3998, %swap3A_3999, %swap3A_4000, %swap3A_4001], %swap3A_4004 {strides = array<i32>} : memref<2x4x8x1024xf32, #tpu.memory_space<vmem>>, vector<1x1x1x16xf32>,
        %get3A_4005 = arith.constant 1 : i32
        %get3A_4006 = arith.index_cast %rem3A_58 : i32 to index
        %get3A_4007 = arith.index_cast %get3A_4005 : i32 to index
        %get3A_4008 = arith.index_cast %scan3A_121 : i32 to index
        %get3A_4009 = arith.constant 896 : index
        %get3A_4010 = tpu.vector_load %arg6[%get3A_4006, %get3A_4007, %get3A_4008, %get3A_4009] {strides = array<i32>} : memref<2x4x8x1024xf32, #tpu.memory_space<vmem>>, vector<1x1x1x16xf32>,
        %get3A_4011 = vector.shape_cast %get3A_4010 : vector<1x1x1x16xf32> to vector<16xf32>
        %add3A_4012 = arith.addf %get3A_4011, %get3A_3988 : vector<16xf32>
        %swap3A_4013 = arith.constant 1 : i32
        %swap3A_4014 = arith.index_cast %rem3A_58 : i32 to index
        %swap3A_4015 = arith.index_cast %swap3A_4013 : i32 to index
        %swap3A_4016 = arith.index_cast %scan3A_121 : i32 to index
        %swap3A_4017 = arith.constant 896 : index
        %swap3A_4018 = tpu.vector_load %arg6[%swap3A_4014, %swap3A_4015, %swap3A_4016, %swap3A_4017] {strides = array<i32>} : memref<2x4x8x1024xf32, #tpu.memory_space<vmem>>, vector<1x1x1x16xf32>,
        %swap3A_4019 = vector.shape_cast %swap3A_4018 : vector<1x1x1x16xf32> to vector<16xf32>
        %swap3A_4020 = vector.shape_cast %add3A_4012 : vector<16xf32> to vector<1x1x1x16xf32>
        tpu.vector_store %arg6[%swap3A_4014, %swap3A_4015, %swap3A_4016, %swap3A_4017], %swap3A_4020 {strides = array<i32>} : memref<2x4x8x1024xf32, #tpu.memory_space<vmem>>, vector<1x1x1x16xf32>,
        %get3A_4021 = arith.constant 2 : i32
        %get3A_4022 = arith.index_cast %rem3A_58 : i32 to index
        %get3A_4023 = arith.index_cast %get3A_4021 : i32 to index
        %get3A_4024 = arith.index_cast %scan3A_121 : i32 to index
        %get3A_4025 = arith.constant 896 : index
        %get3A_4026 = tpu.vector_load %arg6[%get3A_4022, %get3A_4023, %get3A_4024, %get3A_4025] {strides = array<i32>} : memref<2x4x8x1024xf32, #tpu.memory_space<vmem>>, vector<1x1x1x16xf32>,
        %get3A_4027 = vector.shape_cast %get3A_4026 : vector<1x1x1x16xf32> to vector<16xf32>
        %add3A_4028 = arith.addf %get3A_4027, %get3A_3988 : vector<16xf32>
        %swap3A_4029 = arith.constant 2 : i32
        %swap3A_4030 = arith.index_cast %rem3A_58 : i32 to index
        %swap3A_4031 = arith.index_cast %swap3A_4029 : i32 to index
        %swap3A_4032 = arith.index_cast %scan3A_121 : i32 to index
        %swap3A_4033 = arith.constant 896 : index
        %swap3A_4034 = tpu.vector_load %arg6[%swap3A_4030, %swap3A_4031, %swap3A_4032, %swap3A_4033] {strides = array<i32>} : memref<2x4x8x1024xf32, #tpu.memory_space<vmem>>, vector<1x1x1x16xf32>,
        %swap3A_4035 = vector.shape_cast %swap3A_4034 : vector<1x1x1x16xf32> to vector<16xf32>
        %swap3A_4036 = vector.shape_cast %add3A_4028 : vector<16xf32> to vector<1x1x1x16xf32>
        tpu.vector_store %arg6[%swap3A_4030, %swap3A_4031, %swap3A_4032, %swap3A_4033], %swap3A_4036 {strides = array<i32>} : memref<2x4x8x1024xf32, #tpu.memory_space<vmem>>, vector<1x1x1x16xf32>,
        %get3A_4037 = arith.constant 3 : i32
        %get3A_4038 = arith.index_cast %rem3A_58 : i32 to index
        %get3A_4039 = arith.index_cast %get3A_4037 : i32 to index
        %get3A_4040 = arith.index_cast %scan3A_121 : i32 to index
        %get3A_4041 = arith.constant 896 : index
        %get3A_4042 = tpu.vector_load %arg6[%get3A_4038, %get3A_4039, %get3A_4040, %get3A_4041] {strides = array<i32>} : memref<2x4x8x1024xf32, #tpu.memory_space<vmem>>, vector<1x1x1x16xf32>,
        %get3A_4043 = vector.shape_cast %get3A_4042 : vector<1x1x1x16xf32> to vector<16xf32>
        %add3A_4044 = arith.addf %get3A_4043, %get3A_3988 : vector<16xf32>
        %swap3A_4045 = arith.constant 3 : i32
        %swap3A_4046 = arith.index_cast %rem3A_58 : i32 to index
        %swap3A_4047 = arith.index_cast %swap3A_4045 : i32 to index
        %swap3A_4048 = arith.index_cast %scan3A_121 : i32 to index
        %swap3A_4049 = arith.constant 896 : index
        %swap3A_4050 = tpu.vector_load %arg6[%swap3A_4046, %swap3A_4047, %swap3A_4048, %swap3A_4049] {strides = array<i32>} : memref<2x4x8x1024xf32, #tpu.memory_space<vmem>>, vector<1x1x1x16xf32>,
        %swap3A_4051 = vector.shape_cast %swap3A_4050 : vector<1x1x1x16xf32> to vector<16xf32>
        %swap3A_4052 = vector.shape_cast %add3A_4044 : vector<16xf32> to vector<1x1x1x16xf32>
        tpu.vector_store %arg6[%swap3A_4046, %swap3A_4047, %swap3A_4048, %swap3A_4049], %swap3A_4052 {strides = array<i32>} : memref<2x4x8x1024xf32, #tpu.memory_space<vmem>>, vector<1x1x1x16xf32>,
        %get3A_4053 = arith.index_cast %rem3A_58 : i32 to index
        %get3A_4054 = arith.index_cast %scan3A_121 : i32 to index
        %get3A_4055 = arith.constant 912 : index
        %get3A_4056 = tpu.vector_load %arg5[%get3A_4053, %get3A_4054, %get3A_4055] {strides = array<i32>} : memref<2x8x1024xf32, #tpu.memory_space<vmem>>, vector<1x1x16xf32>,
        %get3A_4057 = vector.shape_cast %get3A_4056 : vector<1x1x16xf32> to vector<16xf32>
        %get3A_4058 = arith.constant 0 : i32
        %get3A_4059 = arith.index_cast %rem3A_58 : i32 to index
        %get3A_4060 = arith.index_cast %get3A_4058 : i32 to index
        %get3A_4061 = arith.index_cast %scan3A_121 : i32 to index
        %get3A_4062 = arith.constant 912 : index
        %get3A_4063 = tpu.vector_load %arg6[%get3A_4059, %get3A_4060, %get3A_4061, %get3A_4062] {strides = array<i32>} : memref<2x4x8x1024xf32, #tpu.memory_space<vmem>>, vector<1x1x1x16xf32>,
        %get3A_4064 = vector.shape_cast %get3A_4063 : vector<1x1x1x16xf32> to vector<16xf32>
        %add3A_4065 = arith.addf %get3A_4064, %get3A_4057 : vector<16xf32>
        %swap3A_4066 = arith.constant 0 : i32
        %swap3A_4067 = arith.index_cast %rem3A_58 : i32 to index
        %swap3A_4068 = arith.index_cast %swap3A_4066 : i32 to index
        %swap3A_4069 = arith.index_cast %scan3A_121 : i32 to index
        %swap3A_4070 = arith.constant 912 : index
        %swap3A_4071 = tpu.vector_load %arg6[%swap3A_4067, %swap3A_4068, %swap3A_4069, %swap3A_4070] {strides = array<i32>} : memref<2x4x8x1024xf32, #tpu.memory_space<vmem>>, vector<1x1x1x16xf32>,
        %swap3A_4072 = vector.shape_cast %swap3A_4071 : vector<1x1x1x16xf32> to vector<16xf32>
        %swap3A_4073 = vector.shape_cast %add3A_4065 : vector<16xf32> to vector<1x1x1x16xf32>
        tpu.vector_store %arg6[%swap3A_4067, %swap3A_4068, %swap3A_4069, %swap3A_4070], %swap3A_4073 {strides = array<i32>} : memref<2x4x8x1024xf32, #tpu.memory_space<vmem>>, vector<1x1x1x16xf32>,
        %get3A_4074 = arith.constant 1 : i32
        %get3A_4075 = arith.index_cast %rem3A_58 : i32 to index
        %get3A_4076 = arith.index_cast %get3A_4074 : i32 to index
        %get3A_4077 = arith.index_cast %scan3A_121 : i32 to index
        %get3A_4078 = arith.constant 912 : index
        %get3A_4079 = tpu.vector_load %arg6[%get3A_4075, %get3A_4076, %get3A_4077, %get3A_4078] {strides = array<i32>} : memref<2x4x8x1024xf32, #tpu.memory_space<vmem>>, vector<1x1x1x16xf32>,
        %get3A_4080 = vector.shape_cast %get3A_4079 : vector<1x1x1x16xf32> to vector<16xf32>
        %add3A_4081 = arith.addf %get3A_4080, %get3A_4057 : vector<16xf32>
        %swap3A_4082 = arith.constant 1 : i32
        %swap3A_4083 = arith.index_cast %rem3A_58 : i32 to index
        %swap3A_4084 = arith.index_cast %swap3A_4082 : i32 to index
        %swap3A_4085 = arith.index_cast %scan3A_121 : i32 to index
        %swap3A_4086 = arith.constant 912 : index
        %swap3A_4087 = tpu.vector_load %arg6[%swap3A_4083, %swap3A_4084, %swap3A_4085, %swap3A_4086] {strides = array<i32>} : memref<2x4x8x1024xf32, #tpu.memory_space<vmem>>, vector<1x1x1x16xf32>,
        %swap3A_4088 = vector.shape_cast %swap3A_4087 : vector<1x1x1x16xf32> to vector<16xf32>
        %swap3A_4089 = vector.shape_cast %add3A_4081 : vector<16xf32> to vector<1x1x1x16xf32>
        tpu.vector_store %arg6[%swap3A_4083, %swap3A_4084, %swap3A_4085, %swap3A_4086], %swap3A_4089 {strides = array<i32>} : memref<2x4x8x1024xf32, #tpu.memory_space<vmem>>, vector<1x1x1x16xf32>,
        %get3A_4090 = arith.constant 2 : i32
        %get3A_4091 = arith.index_cast %rem3A_58 : i32 to index
        %get3A_4092 = arith.index_cast %get3A_4090 : i32 to index
        %get3A_4093 = arith.index_cast %scan3A_121 : i32 to index
        %get3A_4094 = arith.constant 912 : index
        %get3A_4095 = tpu.vector_load %arg6[%get3A_4091, %get3A_4092, %get3A_4093, %get3A_4094] {strides = array<i32>} : memref<2x4x8x1024xf32, #tpu.memory_space<vmem>>, vector<1x1x1x16xf32>,
        %get3A_4096 = vector.shape_cast %get3A_4095 : vector<1x1x1x16xf32> to vector<16xf32>
        %add3A_4097 = arith.addf %get3A_4096, %get3A_4057 : vector<16xf32>
        %swap3A_4098 = arith.constant 2 : i32
        %swap3A_4099 = arith.index_cast %rem3A_58 : i32 to index
        %swap3A_4100 = arith.index_cast %swap3A_4098 : i32 to index
        %swap3A_4101 = arith.index_cast %scan3A_121 : i32 to index
        %swap3A_4102 = arith.constant 912 : index
        %swap3A_4103 = tpu.vector_load %arg6[%swap3A_4099, %swap3A_4100, %swap3A_4101, %swap3A_4102] {strides = array<i32>} : memref<2x4x8x1024xf32, #tpu.memory_space<vmem>>, vector<1x1x1x16xf32>,
        %swap3A_4104 = vector.shape_cast %swap3A_4103 : vector<1x1x1x16xf32> to vector<16xf32>
        %swap3A_4105 = vector.shape_cast %add3A_4097 : vector<16xf32> to vector<1x1x1x16xf32>
        tpu.vector_store %arg6[%swap3A_4099, %swap3A_4100, %swap3A_4101, %swap3A_4102], %swap3A_4105 {strides = array<i32>} : memref<2x4x8x1024xf32, #tpu.memory_space<vmem>>, vector<1x1x1x16xf32>,
        %get3A_4106 = arith.constant 3 : i32
        %get3A_4107 = arith.index_cast %rem3A_58 : i32 to index
        %get3A_4108 = arith.index_cast %get3A_4106 : i32 to index
        %get3A_4109 = arith.index_cast %scan3A_121 : i32 to index
        %get3A_4110 = arith.constant 912 : index
        %get3A_4111 = tpu.vector_load %arg6[%get3A_4107, %get3A_4108, %get3A_4109, %get3A_4110] {strides = array<i32>} : memref<2x4x8x1024xf32, #tpu.memory_space<vmem>>, vector<1x1x1x16xf32>,
        %get3A_4112 = vector.shape_cast %get3A_4111 : vector<1x1x1x16xf32> to vector<16xf32>
        %add3A_4113 = arith.addf %get3A_4112, %get3A_4057 : vector<16xf32>
        %swap3A_4114 = arith.constant 3 : i32
        %swap3A_4115 = arith.index_cast %rem3A_58 : i32 to index
        %swap3A_4116 = arith.index_cast %swap3A_4114 : i32 to index
        %swap3A_4117 = arith.index_cast %scan3A_121 : i32 to index
        %swap3A_4118 = arith.constant 912 : index
        %swap3A_4119 = tpu.vector_load %arg6[%swap3A_4115, %swap3A_4116, %swap3A_4117, %swap3A_4118] {strides = array<i32>} : memref<2x4x8x1024xf32, #tpu.memory_space<vmem>>, vector<1x1x1x16xf32>,
        %swap3A_4120 = vector.shape_cast %swap3A_4119 : vector<1x1x1x16xf32> to vector<16xf32>
        %swap3A_4121 = vector.shape_cast %add3A_4113 : vector<16xf32> to vector<1x1x1x16xf32>
        tpu.vector_store %arg6[%swap3A_4115, %swap3A_4116, %swap3A_4117, %swap3A_4118], %swap3A_4121 {strides = array<i32>} : memref<2x4x8x1024xf32, #tpu.memory_space<vmem>>, vector<1x1x1x16xf32>,
        %get3A_4122 = arith.index_cast %rem3A_58 : i32 to index
        %get3A_4123 = arith.index_cast %scan3A_121 : i32 to index
        %get3A_4124 = arith.constant 928 : index
        %get3A_4125 = tpu.vector_load %arg5[%get3A_4122, %get3A_4123, %get3A_4124] {strides = array<i32>} : memref<2x8x1024xf32, #tpu.memory_space<vmem>>, vector<1x1x16xf32>,
        %get3A_4126 = vector.shape_cast %get3A_4125 : vector<1x1x16xf32> to vector<16xf32>
        %get3A_4127 = arith.constant 0 : i32
        %get3A_4128 = arith.index_cast %rem3A_58 : i32 to index
        %get3A_4129 = arith.index_cast %get3A_4127 : i32 to index
        %get3A_4130 = arith.index_cast %scan3A_121 : i32 to index
        %get3A_4131 = arith.constant 928 : index
        %get3A_4132 = tpu.vector_load %arg6[%get3A_4128, %get3A_4129, %get3A_4130, %get3A_4131] {strides = array<i32>} : memref<2x4x8x1024xf32, #tpu.memory_space<vmem>>, vector<1x1x1x16xf32>,
        %get3A_4133 = vector.shape_cast %get3A_4132 : vector<1x1x1x16xf32> to vector<16xf32>
        %add3A_4134 = arith.addf %get3A_4133, %get3A_4126 : vector<16xf32>
        %swap3A_4135 = arith.constant 0 : i32
        %swap3A_4136 = arith.index_cast %rem3A_58 : i32 to index
        %swap3A_4137 = arith.index_cast %swap3A_4135 : i32 to index
        %swap3A_4138 = arith.index_cast %scan3A_121 : i32 to index
        %swap3A_4139 = arith.constant 928 : index
        %swap3A_4140 = tpu.vector_load %arg6[%swap3A_4136, %swap3A_4137, %swap3A_4138, %swap3A_4139] {strides = array<i32>} : memref<2x4x8x1024xf32, #tpu.memory_space<vmem>>, vector<1x1x1x16xf32>,
        %swap3A_4141 = vector.shape_cast %swap3A_4140 : vector<1x1x1x16xf32> to vector<16xf32>
        %swap3A_4142 = vector.shape_cast %add3A_4134 : vector<16xf32> to vector<1x1x1x16xf32>
        tpu.vector_store %arg6[%swap3A_4136, %swap3A_4137, %swap3A_4138, %swap3A_4139], %swap3A_4142 {strides = array<i32>} : memref<2x4x8x1024xf32, #tpu.memory_space<vmem>>, vector<1x1x1x16xf32>,
        %get3A_4143 = arith.constant 1 : i32
        %get3A_4144 = arith.index_cast %rem3A_58 : i32 to index
        %get3A_4145 = arith.index_cast %get3A_4143 : i32 to index
        %get3A_4146 = arith.index_cast %scan3A_121 : i32 to index
        %get3A_4147 = arith.constant 928 : index
        %get3A_4148 = tpu.vector_load %arg6[%get3A_4144, %get3A_4145, %get3A_4146, %get3A_4147] {strides = array<i32>} : memref<2x4x8x1024xf32, #tpu.memory_space<vmem>>, vector<1x1x1x16xf32>,
        %get3A_4149 = vector.shape_cast %get3A_4148 : vector<1x1x1x16xf32> to vector<16xf32>
        %add3A_4150 = arith.addf %get3A_4149, %get3A_4126 : vector<16xf32>
        %swap3A_4151 = arith.constant 1 : i32
        %swap3A_4152 = arith.index_cast %rem3A_58 : i32 to index
        %swap3A_4153 = arith.index_cast %swap3A_4151 : i32 to index
        %swap3A_4154 = arith.index_cast %scan3A_121 : i32 to index
        %swap3A_4155 = arith.constant 928 : index
        %swap3A_4156 = tpu.vector_load %arg6[%swap3A_4152, %swap3A_4153, %swap3A_4154, %swap3A_4155] {strides = array<i32>} : memref<2x4x8x1024xf32, #tpu.memory_space<vmem>>, vector<1x1x1x16xf32>,
        %swap3A_4157 = vector.shape_cast %swap3A_4156 : vector<1x1x1x16xf32> to vector<16xf32>
        %swap3A_4158 = vector.shape_cast %add3A_4150 : vector<16xf32> to vector<1x1x1x16xf32>
        tpu.vector_store %arg6[%swap3A_4152, %swap3A_4153, %swap3A_4154, %swap3A_4155], %swap3A_4158 {strides = array<i32>} : memref<2x4x8x1024xf32, #tpu.memory_space<vmem>>, vector<1x1x1x16xf32>,
        %get3A_4159 = arith.constant 2 : i32
        %get3A_4160 = arith.index_cast %rem3A_58 : i32 to index
        %get3A_4161 = arith.index_cast %get3A_4159 : i32 to index
        %get3A_4162 = arith.index_cast %scan3A_121 : i32 to index
        %get3A_4163 = arith.constant 928 : index
        %get3A_4164 = tpu.vector_load %arg6[%get3A_4160, %get3A_4161, %get3A_4162, %get3A_4163] {strides = array<i32>} : memref<2x4x8x1024xf32, #tpu.memory_space<vmem>>, vector<1x1x1x16xf32>,
        %get3A_4165 = vector.shape_cast %get3A_4164 : vector<1x1x1x16xf32> to vector<16xf32>
        %add3A_4166 = arith.addf %get3A_4165, %get3A_4126 : vector<16xf32>
        %swap3A_4167 = arith.constant 2 : i32
        %swap3A_4168 = arith.index_cast %rem3A_58 : i32 to index
        %swap3A_4169 = arith.index_cast %swap3A_4167 : i32 to index
        %swap3A_4170 = arith.index_cast %scan3A_121 : i32 to index
        %swap3A_4171 = arith.constant 928 : index
        %swap3A_4172 = tpu.vector_load %arg6[%swap3A_4168, %swap3A_4169, %swap3A_4170, %swap3A_4171] {strides = array<i32>} : memref<2x4x8x1024xf32, #tpu.memory_space<vmem>>, vector<1x1x1x16xf32>,
        %swap3A_4173 = vector.shape_cast %swap3A_4172 : vector<1x1x1x16xf32> to vector<16xf32>
        %swap3A_4174 = vector.shape_cast %add3A_4166 : vector<16xf32> to vector<1x1x1x16xf32>
        tpu.vector_store %arg6[%swap3A_4168, %swap3A_4169, %swap3A_4170, %swap3A_4171], %swap3A_4174 {strides = array<i32>} : memref<2x4x8x1024xf32, #tpu.memory_space<vmem>>, vector<1x1x1x16xf32>,
        %get3A_4175 = arith.constant 3 : i32
        %get3A_4176 = arith.index_cast %rem3A_58 : i32 to index
        %get3A_4177 = arith.index_cast %get3A_4175 : i32 to index
        %get3A_4178 = arith.index_cast %scan3A_121 : i32 to index
        %get3A_4179 = arith.constant 928 : index
        %get3A_4180 = tpu.vector_load %arg6[%get3A_4176, %get3A_4177, %get3A_4178, %get3A_4179] {strides = array<i32>} : memref<2x4x8x1024xf32, #tpu.memory_space<vmem>>, vector<1x1x1x16xf32>,
        %get3A_4181 = vector.shape_cast %get3A_4180 : vector<1x1x1x16xf32> to vector<16xf32>
        %add3A_4182 = arith.addf %get3A_4181, %get3A_4126 : vector<16xf32>
        %swap3A_4183 = arith.constant 3 : i32
        %swap3A_4184 = arith.index_cast %rem3A_58 : i32 to index
        %swap3A_4185 = arith.index_cast %swap3A_4183 : i32 to index
        %swap3A_4186 = arith.index_cast %scan3A_121 : i32 to index
        %swap3A_4187 = arith.constant 928 : index
        %swap3A_4188 = tpu.vector_load %arg6[%swap3A_4184, %swap3A_4185, %swap3A_4186, %swap3A_4187] {strides = array<i32>} : memref<2x4x8x1024xf32, #tpu.memory_space<vmem>>, vector<1x1x1x16xf32>,
        %swap3A_4189 = vector.shape_cast %swap3A_4188 : vector<1x1x1x16xf32> to vector<16xf32>
        %swap3A_4190 = vector.shape_cast %add3A_4182 : vector<16xf32> to vector<1x1x1x16xf32>
        tpu.vector_store %arg6[%swap3A_4184, %swap3A_4185, %swap3A_4186, %swap3A_4187], %swap3A_4190 {strides = array<i32>} : memref<2x4x8x1024xf32, #tpu.memory_space<vmem>>, vector<1x1x1x16xf32>,
        %get3A_4191 = arith.index_cast %rem3A_58 : i32 to index
        %get3A_4192 = arith.index_cast %scan3A_121 : i32 to index
        %get3A_4193 = arith.constant 944 : index
        %get3A_4194 = tpu.vector_load %arg5[%get3A_4191, %get3A_4192, %get3A_4193] {strides = array<i32>} : memref<2x8x1024xf32, #tpu.memory_space<vmem>>, vector<1x1x16xf32>,
        %get3A_4195 = vector.shape_cast %get3A_4194 : vector<1x1x16xf32> to vector<16xf32>
        %get3A_4196 = arith.constant 0 : i32
        %get3A_4197 = arith.index_cast %rem3A_58 : i32 to index
        %get3A_4198 = arith.index_cast %get3A_4196 : i32 to index
        %get3A_4199 = arith.index_cast %scan3A_121 : i32 to index
        %get3A_4200 = arith.constant 944 : index
        %get3A_4201 = tpu.vector_load %arg6[%get3A_4197, %get3A_4198, %get3A_4199, %get3A_4200] {strides = array<i32>} : memref<2x4x8x1024xf32, #tpu.memory_space<vmem>>, vector<1x1x1x16xf32>,
        %get3A_4202 = vector.shape_cast %get3A_4201 : vector<1x1x1x16xf32> to vector<16xf32>
        %add3A_4203 = arith.addf %get3A_4202, %get3A_4195 : vector<16xf32>
        %swap3A_4204 = arith.constant 0 : i32
        %swap3A_4205 = arith.index_cast %rem3A_58 : i32 to index
        %swap3A_4206 = arith.index_cast %swap3A_4204 : i32 to index
        %swap3A_4207 = arith.index_cast %scan3A_121 : i32 to index
        %swap3A_4208 = arith.constant 944 : index
        %swap3A_4209 = tpu.vector_load %arg6[%swap3A_4205, %swap3A_4206, %swap3A_4207, %swap3A_4208] {strides = array<i32>} : memref<2x4x8x1024xf32, #tpu.memory_space<vmem>>, vector<1x1x1x16xf32>,
        %swap3A_4210 = vector.shape_cast %swap3A_4209 : vector<1x1x1x16xf32> to vector<16xf32>
        %swap3A_4211 = vector.shape_cast %add3A_4203 : vector<16xf32> to vector<1x1x1x16xf32>
        tpu.vector_store %arg6[%swap3A_4205, %swap3A_4206, %swap3A_4207, %swap3A_4208], %swap3A_4211 {strides = array<i32>} : memref<2x4x8x1024xf32, #tpu.memory_space<vmem>>, vector<1x1x1x16xf32>,
        %get3A_4212 = arith.constant 1 : i32
        %get3A_4213 = arith.index_cast %rem3A_58 : i32 to index
        %get3A_4214 = arith.index_cast %get3A_4212 : i32 to index
        %get3A_4215 = arith.index_cast %scan3A_121 : i32 to index
        %get3A_4216 = arith.constant 944 : index
        %get3A_4217 = tpu.vector_load %arg6[%get3A_4213, %get3A_4214, %get3A_4215, %get3A_4216] {strides = array<i32>} : memref<2x4x8x1024xf32, #tpu.memory_space<vmem>>, vector<1x1x1x16xf32>,
        %get3A_4218 = vector.shape_cast %get3A_4217 : vector<1x1x1x16xf32> to vector<16xf32>
        %add3A_4219 = arith.addf %get3A_4218, %get3A_4195 : vector<16xf32>
        %swap3A_4220 = arith.constant 1 : i32
        %swap3A_4221 = arith.index_cast %rem3A_58 : i32 to index
        %swap3A_4222 = arith.index_cast %swap3A_4220 : i32 to index
        %swap3A_4223 = arith.index_cast %scan3A_121 : i32 to index
        %swap3A_4224 = arith.constant 944 : index
        %swap3A_4225 = tpu.vector_load %arg6[%swap3A_4221, %swap3A_4222, %swap3A_4223, %swap3A_4224] {strides = array<i32>} : memref<2x4x8x1024xf32, #tpu.memory_space<vmem>>, vector<1x1x1x16xf32>,
        %swap3A_4226 = vector.shape_cast %swap3A_4225 : vector<1x1x1x16xf32> to vector<16xf32>
        %swap3A_4227 = vector.shape_cast %add3A_4219 : vector<16xf32> to vector<1x1x1x16xf32>
        tpu.vector_store %arg6[%swap3A_4221, %swap3A_4222, %swap3A_4223, %swap3A_4224], %swap3A_4227 {strides = array<i32>} : memref<2x4x8x1024xf32, #tpu.memory_space<vmem>>, vector<1x1x1x16xf32>,
        %get3A_4228 = arith.constant 2 : i32
        %get3A_4229 = arith.index_cast %rem3A_58 : i32 to index
        %get3A_4230 = arith.index_cast %get3A_4228 : i32 to index
        %get3A_4231 = arith.index_cast %scan3A_121 : i32 to index
        %get3A_4232 = arith.constant 944 : index
        %get3A_4233 = tpu.vector_load %arg6[%get3A_4229, %get3A_4230, %get3A_4231, %get3A_4232] {strides = array<i32>} : memref<2x4x8x1024xf32, #tpu.memory_space<vmem>>, vector<1x1x1x16xf32>,
        %get3A_4234 = vector.shape_cast %get3A_4233 : vector<1x1x1x16xf32> to vector<16xf32>
        %add3A_4235 = arith.addf %get3A_4234, %get3A_4195 : vector<16xf32>
        %swap3A_4236 = arith.constant 2 : i32
        %swap3A_4237 = arith.index_cast %rem3A_58 : i32 to index
        %swap3A_4238 = arith.index_cast %swap3A_4236 : i32 to index
        %swap3A_4239 = arith.index_cast %scan3A_121 : i32 to index
        %swap3A_4240 = arith.constant 944 : index
        %swap3A_4241 = tpu.vector_load %arg6[%swap3A_4237, %swap3A_4238, %swap3A_4239, %swap3A_4240] {strides = array<i32>} : memref<2x4x8x1024xf32, #tpu.memory_space<vmem>>, vector<1x1x1x16xf32>,
        %swap3A_4242 = vector.shape_cast %swap3A_4241 : vector<1x1x1x16xf32> to vector<16xf32>
        %swap3A_4243 = vector.shape_cast %add3A_4235 : vector<16xf32> to vector<1x1x1x16xf32>
        tpu.vector_store %arg6[%swap3A_4237, %swap3A_4238, %swap3A_4239, %swap3A_4240], %swap3A_4243 {strides = array<i32>} : memref<2x4x8x1024xf32, #tpu.memory_space<vmem>>, vector<1x1x1x16xf32>,
        %get3A_4244 = arith.constant 3 : i32
        %get3A_4245 = arith.index_cast %rem3A_58 : i32 to index
        %get3A_4246 = arith.index_cast %get3A_4244 : i32 to index
        %get3A_4247 = arith.index_cast %scan3A_121 : i32 to index
        %get3A_4248 = arith.constant 944 : index
        %get3A_4249 = tpu.vector_load %arg6[%get3A_4245, %get3A_4246, %get3A_4247, %get3A_4248] {strides = array<i32>} : memref<2x4x8x1024xf32, #tpu.memory_space<vmem>>, vector<1x1x1x16xf32>,
        %get3A_4250 = vector.shape_cast %get3A_4249 : vector<1x1x1x16xf32> to vector<16xf32>
        %add3A_4251 = arith.addf %get3A_4250, %get3A_4195 : vector<16xf32>
        %swap3A_4252 = arith.constant 3 : i32
        %swap3A_4253 = arith.index_cast %rem3A_58 : i32 to index
        %swap3A_4254 = arith.index_cast %swap3A_4252 : i32 to index
        %swap3A_4255 = arith.index_cast %scan3A_121 : i32 to index
        %swap3A_4256 = arith.constant 944 : index
        %swap3A_4257 = tpu.vector_load %arg6[%swap3A_4253, %swap3A_4254, %swap3A_4255, %swap3A_4256] {strides = array<i32>} : memref<2x4x8x1024xf32, #tpu.memory_space<vmem>>, vector<1x1x1x16xf32>,
        %swap3A_4258 = vector.shape_cast %swap3A_4257 : vector<1x1x1x16xf32> to vector<16xf32>
        %swap3A_4259 = vector.shape_cast %add3A_4251 : vector<16xf32> to vector<1x1x1x16xf32>
        tpu.vector_store %arg6[%swap3A_4253, %swap3A_4254, %swap3A_4255, %swap3A_4256], %swap3A_4259 {strides = array<i32>} : memref<2x4x8x1024xf32, #tpu.memory_space<vmem>>, vector<1x1x1x16xf32>,
        %get3A_4260 = arith.index_cast %rem3A_58 : i32 to index
        %get3A_4261 = arith.index_cast %scan3A_121 : i32 to index
        %get3A_4262 = arith.constant 960 : index
        %get3A_4263 = tpu.vector_load %arg5[%get3A_4260, %get3A_4261, %get3A_4262] {strides = array<i32>} : memref<2x8x1024xf32, #tpu.memory_space<vmem>>, vector<1x1x16xf32>,
        %get3A_4264 = vector.shape_cast %get3A_4263 : vector<1x1x16xf32> to vector<16xf32>
        %get3A_4265 = arith.constant 0 : i32
        %get3A_4266 = arith.index_cast %rem3A_58 : i32 to index
        %get3A_4267 = arith.index_cast %get3A_4265 : i32 to index
        %get3A_4268 = arith.index_cast %scan3A_121 : i32 to index
        %get3A_4269 = arith.constant 960 : index
        %get3A_4270 = tpu.vector_load %arg6[%get3A_4266, %get3A_4267, %get3A_4268, %get3A_4269] {strides = array<i32>} : memref<2x4x8x1024xf32, #tpu.memory_space<vmem>>, vector<1x1x1x16xf32>,
        %get3A_4271 = vector.shape_cast %get3A_4270 : vector<1x1x1x16xf32> to vector<16xf32>
        %add3A_4272 = arith.addf %get3A_4271, %get3A_4264 : vector<16xf32>
        %swap3A_4273 = arith.constant 0 : i32
        %swap3A_4274 = arith.index_cast %rem3A_58 : i32 to index
        %swap3A_4275 = arith.index_cast %swap3A_4273 : i32 to index
        %swap3A_4276 = arith.index_cast %scan3A_121 : i32 to index
        %swap3A_4277 = arith.constant 960 : index
        %swap3A_4278 = tpu.vector_load %arg6[%swap3A_4274, %swap3A_4275, %swap3A_4276, %swap3A_4277] {strides = array<i32>} : memref<2x4x8x1024xf32, #tpu.memory_space<vmem>>, vector<1x1x1x16xf32>,
        %swap3A_4279 = vector.shape_cast %swap3A_4278 : vector<1x1x1x16xf32> to vector<16xf32>
        %swap3A_4280 = vector.shape_cast %add3A_4272 : vector<16xf32> to vector<1x1x1x16xf32>
        tpu.vector_store %arg6[%swap3A_4274, %swap3A_4275, %swap3A_4276, %swap3A_4277], %swap3A_4280 {strides = array<i32>} : memref<2x4x8x1024xf32, #tpu.memory_space<vmem>>, vector<1x1x1x16xf32>,
        %get3A_4281 = arith.constant 1 : i32
        %get3A_4282 = arith.index_cast %rem3A_58 : i32 to index
        %get3A_4283 = arith.index_cast %get3A_4281 : i32 to index
        %get3A_4284 = arith.index_cast %scan3A_121 : i32 to index
        %get3A_4285 = arith.constant 960 : index
        %get3A_4286 = tpu.vector_load %arg6[%get3A_4282, %get3A_4283, %get3A_4284, %get3A_4285] {strides = array<i32>} : memref<2x4x8x1024xf32, #tpu.memory_space<vmem>>, vector<1x1x1x16xf32>,
        %get3A_4287 = vector.shape_cast %get3A_4286 : vector<1x1x1x16xf32> to vector<16xf32>
        %add3A_4288 = arith.addf %get3A_4287, %get3A_4264 : vector<16xf32>
        %swap3A_4289 = arith.constant 1 : i32
        %swap3A_4290 = arith.index_cast %rem3A_58 : i32 to index
        %swap3A_4291 = arith.index_cast %swap3A_4289 : i32 to index
        %swap3A_4292 = arith.index_cast %scan3A_121 : i32 to index
        %swap3A_4293 = arith.constant 960 : index
        %swap3A_4294 = tpu.vector_load %arg6[%swap3A_4290, %swap3A_4291, %swap3A_4292, %swap3A_4293] {strides = array<i32>} : memref<2x4x8x1024xf32, #tpu.memory_space<vmem>>, vector<1x1x1x16xf32>,
        %swap3A_4295 = vector.shape_cast %swap3A_4294 : vector<1x1x1x16xf32> to vector<16xf32>
        %swap3A_4296 = vector.shape_cast %add3A_4288 : vector<16xf32> to vector<1x1x1x16xf32>
        tpu.vector_store %arg6[%swap3A_4290, %swap3A_4291, %swap3A_4292, %swap3A_4293], %swap3A_4296 {strides = array<i32>} : memref<2x4x8x1024xf32, #tpu.memory_space<vmem>>, vector<1x1x1x16xf32>,
        %get3A_4297 = arith.constant 2 : i32
        %get3A_4298 = arith.index_cast %rem3A_58 : i32 to index
        %get3A_4299 = arith.index_cast %get3A_4297 : i32 to index
        %get3A_4300 = arith.index_cast %scan3A_121 : i32 to index
        %get3A_4301 = arith.constant 960 : index
        %get3A_4302 = tpu.vector_load %arg6[%get3A_4298, %get3A_4299, %get3A_4300, %get3A_4301] {strides = array<i32>} : memref<2x4x8x1024xf32, #tpu.memory_space<vmem>>, vector<1x1x1x16xf32>,
        %get3A_4303 = vector.shape_cast %get3A_4302 : vector<1x1x1x16xf32> to vector<16xf32>
        %add3A_4304 = arith.addf %get3A_4303, %get3A_4264 : vector<16xf32>
        %swap3A_4305 = arith.constant 2 : i32
        %swap3A_4306 = arith.index_cast %rem3A_58 : i32 to index
        %swap3A_4307 = arith.index_cast %swap3A_4305 : i32 to index
        %swap3A_4308 = arith.index_cast %scan3A_121 : i32 to index
        %swap3A_4309 = arith.constant 960 : index
        %swap3A_4310 = tpu.vector_load %arg6[%swap3A_4306, %swap3A_4307, %swap3A_4308, %swap3A_4309] {strides = array<i32>} : memref<2x4x8x1024xf32, #tpu.memory_space<vmem>>, vector<1x1x1x16xf32>,
        %swap3A_4311 = vector.shape_cast %swap3A_4310 : vector<1x1x1x16xf32> to vector<16xf32>
        %swap3A_4312 = vector.shape_cast %add3A_4304 : vector<16xf32> to vector<1x1x1x16xf32>
        tpu.vector_store %arg6[%swap3A_4306, %swap3A_4307, %swap3A_4308, %swap3A_4309], %swap3A_4312 {strides = array<i32>} : memref<2x4x8x1024xf32, #tpu.memory_space<vmem>>, vector<1x1x1x16xf32>,
        %get3A_4313 = arith.constant 3 : i32
        %get3A_4314 = arith.index_cast %rem3A_58 : i32 to index
        %get3A_4315 = arith.index_cast %get3A_4313 : i32 to index
        %get3A_4316 = arith.index_cast %scan3A_121 : i32 to index
        %get3A_4317 = arith.constant 960 : index
        %get3A_4318 = tpu.vector_load %arg6[%get3A_4314, %get3A_4315, %get3A_4316, %get3A_4317] {strides = array<i32>} : memref<2x4x8x1024xf32, #tpu.memory_space<vmem>>, vector<1x1x1x16xf32>,
        %get3A_4319 = vector.shape_cast %get3A_4318 : vector<1x1x1x16xf32> to vector<16xf32>
        %add3A_4320 = arith.addf %get3A_4319, %get3A_4264 : vector<16xf32>
        %swap3A_4321 = arith.constant 3 : i32
        %swap3A_4322 = arith.index_cast %rem3A_58 : i32 to index
        %swap3A_4323 = arith.index_cast %swap3A_4321 : i32 to index
        %swap3A_4324 = arith.index_cast %scan3A_121 : i32 to index
        %swap3A_4325 = arith.constant 960 : index
        %swap3A_4326 = tpu.vector_load %arg6[%swap3A_4322, %swap3A_4323, %swap3A_4324, %swap3A_4325] {strides = array<i32>} : memref<2x4x8x1024xf32, #tpu.memory_space<vmem>>, vector<1x1x1x16xf32>,
        %swap3A_4327 = vector.shape_cast %swap3A_4326 : vector<1x1x1x16xf32> to vector<16xf32>
        %swap3A_4328 = vector.shape_cast %add3A_4320 : vector<16xf32> to vector<1x1x1x16xf32>
        tpu.vector_store %arg6[%swap3A_4322, %swap3A_4323, %swap3A_4324, %swap3A_4325], %swap3A_4328 {strides = array<i32>} : memref<2x4x8x1024xf32, #tpu.memory_space<vmem>>, vector<1x1x1x16xf32>,
        %get3A_4329 = arith.index_cast %rem3A_58 : i32 to index
        %get3A_4330 = arith.index_cast %scan3A_121 : i32 to index
        %get3A_4331 = arith.constant 976 : index
        %get3A_4332 = tpu.vector_load %arg5[%get3A_4329, %get3A_4330, %get3A_4331] {strides = array<i32>} : memref<2x8x1024xf32, #tpu.memory_space<vmem>>, vector<1x1x16xf32>,
        %get3A_4333 = vector.shape_cast %get3A_4332 : vector<1x1x16xf32> to vector<16xf32>
        %get3A_4334 = arith.constant 0 : i32
        %get3A_4335 = arith.index_cast %rem3A_58 : i32 to index
        %get3A_4336 = arith.index_cast %get3A_4334 : i32 to index
        %get3A_4337 = arith.index_cast %scan3A_121 : i32 to index
        %get3A_4338 = arith.constant 976 : index
        %get3A_4339 = tpu.vector_load %arg6[%get3A_4335, %get3A_4336, %get3A_4337, %get3A_4338] {strides = array<i32>} : memref<2x4x8x1024xf32, #tpu.memory_space<vmem>>, vector<1x1x1x16xf32>,
        %get3A_4340 = vector.shape_cast %get3A_4339 : vector<1x1x1x16xf32> to vector<16xf32>
        %add3A_4341 = arith.addf %get3A_4340, %get3A_4333 : vector<16xf32>
        %swap3A_4342 = arith.constant 0 : i32
        %swap3A_4343 = arith.index_cast %rem3A_58 : i32 to index
        %swap3A_4344 = arith.index_cast %swap3A_4342 : i32 to index
        %swap3A_4345 = arith.index_cast %scan3A_121 : i32 to index
        %swap3A_4346 = arith.constant 976 : index
        %swap3A_4347 = tpu.vector_load %arg6[%swap3A_4343, %swap3A_4344, %swap3A_4345, %swap3A_4346] {strides = array<i32>} : memref<2x4x8x1024xf32, #tpu.memory_space<vmem>>, vector<1x1x1x16xf32>,
        %swap3A_4348 = vector.shape_cast %swap3A_4347 : vector<1x1x1x16xf32> to vector<16xf32>
        %swap3A_4349 = vector.shape_cast %add3A_4341 : vector<16xf32> to vector<1x1x1x16xf32>
        tpu.vector_store %arg6[%swap3A_4343, %swap3A_4344, %swap3A_4345, %swap3A_4346], %swap3A_4349 {strides = array<i32>} : memref<2x4x8x1024xf32, #tpu.memory_space<vmem>>, vector<1x1x1x16xf32>,
        %get3A_4350 = arith.constant 1 : i32
        %get3A_4351 = arith.index_cast %rem3A_58 : i32 to index
        %get3A_4352 = arith.index_cast %get3A_4350 : i32 to index
        %get3A_4353 = arith.index_cast %scan3A_121 : i32 to index
        %get3A_4354 = arith.constant 976 : index
        %get3A_4355 = tpu.vector_load %arg6[%get3A_4351, %get3A_4352, %get3A_4353, %get3A_4354] {strides = array<i32>} : memref<2x4x8x1024xf32, #tpu.memory_space<vmem>>, vector<1x1x1x16xf32>,
        %get3A_4356 = vector.shape_cast %get3A_4355 : vector<1x1x1x16xf32> to vector<16xf32>
        %add3A_4357 = arith.addf %get3A_4356, %get3A_4333 : vector<16xf32>
        %swap3A_4358 = arith.constant 1 : i32
        %swap3A_4359 = arith.index_cast %rem3A_58 : i32 to index
        %swap3A_4360 = arith.index_cast %swap3A_4358 : i32 to index
        %swap3A_4361 = arith.index_cast %scan3A_121 : i32 to index
        %swap3A_4362 = arith.constant 976 : index
        %swap3A_4363 = tpu.vector_load %arg6[%swap3A_4359, %swap3A_4360, %swap3A_4361, %swap3A_4362] {strides = array<i32>} : memref<2x4x8x1024xf32, #tpu.memory_space<vmem>>, vector<1x1x1x16xf32>,
        %swap3A_4364 = vector.shape_cast %swap3A_4363 : vector<1x1x1x16xf32> to vector<16xf32>
        %swap3A_4365 = vector.shape_cast %add3A_4357 : vector<16xf32> to vector<1x1x1x16xf32>
        tpu.vector_store %arg6[%swap3A_4359, %swap3A_4360, %swap3A_4361, %swap3A_4362], %swap3A_4365 {strides = array<i32>} : memref<2x4x8x1024xf32, #tpu.memory_space<vmem>>, vector<1x1x1x16xf32>,
        %get3A_4366 = arith.constant 2 : i32
        %get3A_4367 = arith.index_cast %rem3A_58 : i32 to index
        %get3A_4368 = arith.index_cast %get3A_4366 : i32 to index
        %get3A_4369 = arith.index_cast %scan3A_121 : i32 to index
        %get3A_4370 = arith.constant 976 : index
        %get3A_4371 = tpu.vector_load %arg6[%get3A_4367, %get3A_4368, %get3A_4369, %get3A_4370] {strides = array<i32>} : memref<2x4x8x1024xf32, #tpu.memory_space<vmem>>, vector<1x1x1x16xf32>,
        %get3A_4372 = vector.shape_cast %get3A_4371 : vector<1x1x1x16xf32> to vector<16xf32>
        %add3A_4373 = arith.addf %get3A_4372, %get3A_4333 : vector<16xf32>
        %swap3A_4374 = arith.constant 2 : i32
        %swap3A_4375 = arith.index_cast %rem3A_58 : i32 to index
        %swap3A_4376 = arith.index_cast %swap3A_4374 : i32 to index
        %swap3A_4377 = arith.index_cast %scan3A_121 : i32 to index
        %swap3A_4378 = arith.constant 976 : index
        %swap3A_4379 = tpu.vector_load %arg6[%swap3A_4375, %swap3A_4376, %swap3A_4377, %swap3A_4378] {strides = array<i32>} : memref<2x4x8x1024xf32, #tpu.memory_space<vmem>>, vector<1x1x1x16xf32>,
        %swap3A_4380 = vector.shape_cast %swap3A_4379 : vector<1x1x1x16xf32> to vector<16xf32>
        %swap3A_4381 = vector.shape_cast %add3A_4373 : vector<16xf32> to vector<1x1x1x16xf32>
        tpu.vector_store %arg6[%swap3A_4375, %swap3A_4376, %swap3A_4377, %swap3A_4378], %swap3A_4381 {strides = array<i32>} : memref<2x4x8x1024xf32, #tpu.memory_space<vmem>>, vector<1x1x1x16xf32>,
        %get3A_4382 = arith.constant 3 : i32
        %get3A_4383 = arith.index_cast %rem3A_58 : i32 to index
        %get3A_4384 = arith.index_cast %get3A_4382 : i32 to index
        %get3A_4385 = arith.index_cast %scan3A_121 : i32 to index
        %get3A_4386 = arith.constant 976 : index
        %get3A_4387 = tpu.vector_load %arg6[%get3A_4383, %get3A_4384, %get3A_4385, %get3A_4386] {strides = array<i32>} : memref<2x4x8x1024xf32, #tpu.memory_space<vmem>>, vector<1x1x1x16xf32>,
        %get3A_4388 = vector.shape_cast %get3A_4387 : vector<1x1x1x16xf32> to vector<16xf32>
        %add3A_4389 = arith.addf %get3A_4388, %get3A_4333 : vector<16xf32>
        %swap3A_4390 = arith.constant 3 : i32
        %swap3A_4391 = arith.index_cast %rem3A_58 : i32 to index
        %swap3A_4392 = arith.index_cast %swap3A_4390 : i32 to index
        %swap3A_4393 = arith.index_cast %scan3A_121 : i32 to index
        %swap3A_4394 = arith.constant 976 : index
        %swap3A_4395 = tpu.vector_load %arg6[%swap3A_4391, %swap3A_4392, %swap3A_4393, %swap3A_4394] {strides = array<i32>} : memref<2x4x8x1024xf32, #tpu.memory_space<vmem>>, vector<1x1x1x16xf32>,
        %swap3A_4396 = vector.shape_cast %swap3A_4395 : vector<1x1x1x16xf32> to vector<16xf32>
        %swap3A_4397 = vector.shape_cast %add3A_4389 : vector<16xf32> to vector<1x1x1x16xf32>
        tpu.vector_store %arg6[%swap3A_4391, %swap3A_4392, %swap3A_4393, %swap3A_4394], %swap3A_4397 {strides = array<i32>} : memref<2x4x8x1024xf32, #tpu.memory_space<vmem>>, vector<1x1x1x16xf32>,
        %get3A_4398 = arith.index_cast %rem3A_58 : i32 to index
        %get3A_4399 = arith.index_cast %scan3A_121 : i32 to index
        %get3A_4400 = arith.constant 992 : index
        %get3A_4401 = tpu.vector_load %arg5[%get3A_4398, %get3A_4399, %get3A_4400] {strides = array<i32>} : memref<2x8x1024xf32, #tpu.memory_space<vmem>>, vector<1x1x16xf32>,
        %get3A_4402 = vector.shape_cast %get3A_4401 : vector<1x1x16xf32> to vector<16xf32>
        %get3A_4403 = arith.constant 0 : i32
        %get3A_4404 = arith.index_cast %rem3A_58 : i32 to index
        %get3A_4405 = arith.index_cast %get3A_4403 : i32 to index
        %get3A_4406 = arith.index_cast %scan3A_121 : i32 to index
        %get3A_4407 = arith.constant 992 : index
        %get3A_4408 = tpu.vector_load %arg6[%get3A_4404, %get3A_4405, %get3A_4406, %get3A_4407] {strides = array<i32>} : memref<2x4x8x1024xf32, #tpu.memory_space<vmem>>, vector<1x1x1x16xf32>,
        %get3A_4409 = vector.shape_cast %get3A_4408 : vector<1x1x1x16xf32> to vector<16xf32>
        %add3A_4410 = arith.addf %get3A_4409, %get3A_4402 : vector<16xf32>
        %swap3A_4411 = arith.constant 0 : i32
        %swap3A_4412 = arith.index_cast %rem3A_58 : i32 to index
        %swap3A_4413 = arith.index_cast %swap3A_4411 : i32 to index
        %swap3A_4414 = arith.index_cast %scan3A_121 : i32 to index
        %swap3A_4415 = arith.constant 992 : index
        %swap3A_4416 = tpu.vector_load %arg6[%swap3A_4412, %swap3A_4413, %swap3A_4414, %swap3A_4415] {strides = array<i32>} : memref<2x4x8x1024xf32, #tpu.memory_space<vmem>>, vector<1x1x1x16xf32>,
        %swap3A_4417 = vector.shape_cast %swap3A_4416 : vector<1x1x1x16xf32> to vector<16xf32>
        %swap3A_4418 = vector.shape_cast %add3A_4410 : vector<16xf32> to vector<1x1x1x16xf32>
        tpu.vector_store %arg6[%swap3A_4412, %swap3A_4413, %swap3A_4414, %swap3A_4415], %swap3A_4418 {strides = array<i32>} : memref<2x4x8x1024xf32, #tpu.memory_space<vmem>>, vector<1x1x1x16xf32>,
        %get3A_4419 = arith.constant 1 : i32
        %get3A_4420 = arith.index_cast %rem3A_58 : i32 to index
        %get3A_4421 = arith.index_cast %get3A_4419 : i32 to index
        %get3A_4422 = arith.index_cast %scan3A_121 : i32 to index
        %get3A_4423 = arith.constant 992 : index
        %get3A_4424 = tpu.vector_load %arg6[%get3A_4420, %get3A_4421, %get3A_4422, %get3A_4423] {strides = array<i32>} : memref<2x4x8x1024xf32, #tpu.memory_space<vmem>>, vector<1x1x1x16xf32>,
        %get3A_4425 = vector.shape_cast %get3A_4424 : vector<1x1x1x16xf32> to vector<16xf32>
        %add3A_4426 = arith.addf %get3A_4425, %get3A_4402 : vector<16xf32>
        %swap3A_4427 = arith.constant 1 : i32
        %swap3A_4428 = arith.index_cast %rem3A_58 : i32 to index
        %swap3A_4429 = arith.index_cast %swap3A_4427 : i32 to index
        %swap3A_4430 = arith.index_cast %scan3A_121 : i32 to index
        %swap3A_4431 = arith.constant 992 : index
        %swap3A_4432 = tpu.vector_load %arg6[%swap3A_4428, %swap3A_4429, %swap3A_4430, %swap3A_4431] {strides = array<i32>} : memref<2x4x8x1024xf32, #tpu.memory_space<vmem>>, vector<1x1x1x16xf32>,
        %swap3A_4433 = vector.shape_cast %swap3A_4432 : vector<1x1x1x16xf32> to vector<16xf32>
        %swap3A_4434 = vector.shape_cast %add3A_4426 : vector<16xf32> to vector<1x1x1x16xf32>
        tpu.vector_store %arg6[%swap3A_4428, %swap3A_4429, %swap3A_4430, %swap3A_4431], %swap3A_4434 {strides = array<i32>} : memref<2x4x8x1024xf32, #tpu.memory_space<vmem>>, vector<1x1x1x16xf32>,
        %get3A_4435 = arith.constant 2 : i32
        %get3A_4436 = arith.index_cast %rem3A_58 : i32 to index
        %get3A_4437 = arith.index_cast %get3A_4435 : i32 to index
        %get3A_4438 = arith.index_cast %scan3A_121 : i32 to index
        %get3A_4439 = arith.constant 992 : index
        %get3A_4440 = tpu.vector_load %arg6[%get3A_4436, %get3A_4437, %get3A_4438, %get3A_4439] {strides = array<i32>} : memref<2x4x8x1024xf32, #tpu.memory_space<vmem>>, vector<1x1x1x16xf32>,
        %get3A_4441 = vector.shape_cast %get3A_4440 : vector<1x1x1x16xf32> to vector<16xf32>
        %add3A_4442 = arith.addf %get3A_4441, %get3A_4402 : vector<16xf32>
        %swap3A_4443 = arith.constant 2 : i32
        %swap3A_4444 = arith.index_cast %rem3A_58 : i32 to index
        %swap3A_4445 = arith.index_cast %swap3A_4443 : i32 to index
        %swap3A_4446 = arith.index_cast %scan3A_121 : i32 to index
        %swap3A_4447 = arith.constant 992 : index
        %swap3A_4448 = tpu.vector_load %arg6[%swap3A_4444, %swap3A_4445, %swap3A_4446, %swap3A_4447] {strides = array<i32>} : memref<2x4x8x1024xf32, #tpu.memory_space<vmem>>, vector<1x1x1x16xf32>,
        %swap3A_4449 = vector.shape_cast %swap3A_4448 : vector<1x1x1x16xf32> to vector<16xf32>
        %swap3A_4450 = vector.shape_cast %add3A_4442 : vector<16xf32> to vector<1x1x1x16xf32>
        tpu.vector_store %arg6[%swap3A_4444, %swap3A_4445, %swap3A_4446, %swap3A_4447], %swap3A_4450 {strides = array<i32>} : memref<2x4x8x1024xf32, #tpu.memory_space<vmem>>, vector<1x1x1x16xf32>,
        %get3A_4451 = arith.constant 3 : i32
        %get3A_4452 = arith.index_cast %rem3A_58 : i32 to index
        %get3A_4453 = arith.index_cast %get3A_4451 : i32 to index
        %get3A_4454 = arith.index_cast %scan3A_121 : i32 to index
        %get3A_4455 = arith.constant 992 : index
        %get3A_4456 = tpu.vector_load %arg6[%get3A_4452, %get3A_4453, %get3A_4454, %get3A_4455] {strides = array<i32>} : memref<2x4x8x1024xf32, #tpu.memory_space<vmem>>, vector<1x1x1x16xf32>,
        %get3A_4457 = vector.shape_cast %get3A_4456 : vector<1x1x1x16xf32> to vector<16xf32>
        %add3A_4458 = arith.addf %get3A_4457, %get3A_4402 : vector<16xf32>
        %swap3A_4459 = arith.constant 3 : i32
        %swap3A_4460 = arith.index_cast %rem3A_58 : i32 to index
        %swap3A_4461 = arith.index_cast %swap3A_4459 : i32 to index
        %swap3A_4462 = arith.index_cast %scan3A_121 : i32 to index
        %swap3A_4463 = arith.constant 992 : index
        %swap3A_4464 = tpu.vector_load %arg6[%swap3A_4460, %swap3A_4461, %swap3A_4462, %swap3A_4463] {strides = array<i32>} : memref<2x4x8x1024xf32, #tpu.memory_space<vmem>>, vector<1x1x1x16xf32>,
        %swap3A_4465 = vector.shape_cast %swap3A_4464 : vector<1x1x1x16xf32> to vector<16xf32>
        %swap3A_4466 = vector.shape_cast %add3A_4458 : vector<16xf32> to vector<1x1x1x16xf32>
        tpu.vector_store %arg6[%swap3A_4460, %swap3A_4461, %swap3A_4462, %swap3A_4463], %swap3A_4466 {strides = array<i32>} : memref<2x4x8x1024xf32, #tpu.memory_space<vmem>>, vector<1x1x1x16xf32>,
        %get3A_4467 = arith.index_cast %rem3A_58 : i32 to index
        %get3A_4468 = arith.index_cast %scan3A_121 : i32 to index
        %get3A_4469 = arith.constant 1008 : index
        %get3A_4470 = tpu.vector_load %arg5[%get3A_4467, %get3A_4468, %get3A_4469] {strides = array<i32>} : memref<2x8x1024xf32, #tpu.memory_space<vmem>>, vector<1x1x16xf32>,
        %get3A_4471 = vector.shape_cast %get3A_4470 : vector<1x1x16xf32> to vector<16xf32>
        %get3A_4472 = arith.constant 0 : i32
        %get3A_4473 = arith.index_cast %rem3A_58 : i32 to index
        %get3A_4474 = arith.index_cast %get3A_4472 : i32 to index
        %get3A_4475 = arith.index_cast %scan3A_121 : i32 to index
        %get3A_4476 = arith.constant 1008 : index
        %get3A_4477 = tpu.vector_load %arg6[%get3A_4473, %get3A_4474, %get3A_4475, %get3A_4476] {strides = array<i32>} : memref<2x4x8x1024xf32, #tpu.memory_space<vmem>>, vector<1x1x1x16xf32>,
        %get3A_4478 = vector.shape_cast %get3A_4477 : vector<1x1x1x16xf32> to vector<16xf32>
        %add3A_4479 = arith.addf %get3A_4478, %get3A_4471 : vector<16xf32>
        %swap3A_4480 = arith.constant 0 : i32
        %swap3A_4481 = arith.index_cast %rem3A_58 : i32 to index
        %swap3A_4482 = arith.index_cast %swap3A_4480 : i32 to index
        %swap3A_4483 = arith.index_cast %scan3A_121 : i32 to index
        %swap3A_4484 = arith.constant 1008 : index
        %swap3A_4485 = tpu.vector_load %arg6[%swap3A_4481, %swap3A_4482, %swap3A_4483, %swap3A_4484] {strides = array<i32>} : memref<2x4x8x1024xf32, #tpu.memory_space<vmem>>, vector<1x1x1x16xf32>,
        %swap3A_4486 = vector.shape_cast %swap3A_4485 : vector<1x1x1x16xf32> to vector<16xf32>
        %swap3A_4487 = vector.shape_cast %add3A_4479 : vector<16xf32> to vector<1x1x1x16xf32>
        tpu.vector_store %arg6[%swap3A_4481, %swap3A_4482, %swap3A_4483, %swap3A_4484], %swap3A_4487 {strides = array<i32>} : memref<2x4x8x1024xf32, #tpu.memory_space<vmem>>, vector<1x1x1x16xf32>,
        %get3A_4488 = arith.constant 1 : i32
        %get3A_4489 = arith.index_cast %rem3A_58 : i32 to index
        %get3A_4490 = arith.index_cast %get3A_4488 : i32 to index
        %get3A_4491 = arith.index_cast %scan3A_121 : i32 to index
        %get3A_4492 = arith.constant 1008 : index
        %get3A_4493 = tpu.vector_load %arg6[%get3A_4489, %get3A_4490, %get3A_4491, %get3A_4492] {strides = array<i32>} : memref<2x4x8x1024xf32, #tpu.memory_space<vmem>>, vector<1x1x1x16xf32>,
        %get3A_4494 = vector.shape_cast %get3A_4493 : vector<1x1x1x16xf32> to vector<16xf32>
        %add3A_4495 = arith.addf %get3A_4494, %get3A_4471 : vector<16xf32>
        %swap3A_4496 = arith.constant 1 : i32
        %swap3A_4497 = arith.index_cast %rem3A_58 : i32 to index
        %swap3A_4498 = arith.index_cast %swap3A_4496 : i32 to index
        %swap3A_4499 = arith.index_cast %scan3A_121 : i32 to index
        %swap3A_4500 = arith.constant 1008 : index
        %swap3A_4501 = tpu.vector_load %arg6[%swap3A_4497, %swap3A_4498, %swap3A_4499, %swap3A_4500] {strides = array<i32>} : memref<2x4x8x1024xf32, #tpu.memory_space<vmem>>, vector<1x1x1x16xf32>,
        %swap3A_4502 = vector.shape_cast %swap3A_4501 : vector<1x1x1x16xf32> to vector<16xf32>
        %swap3A_4503 = vector.shape_cast %add3A_4495 : vector<16xf32> to vector<1x1x1x16xf32>
        tpu.vector_store %arg6[%swap3A_4497, %swap3A_4498, %swap3A_4499, %swap3A_4500], %swap3A_4503 {strides = array<i32>} : memref<2x4x8x1024xf32, #tpu.memory_space<vmem>>, vector<1x1x1x16xf32>,
        %get3A_4504 = arith.constant 2 : i32
        %get3A_4505 = arith.index_cast %rem3A_58 : i32 to index
        %get3A_4506 = arith.index_cast %get3A_4504 : i32 to index
        %get3A_4507 = arith.index_cast %scan3A_121 : i32 to index
        %get3A_4508 = arith.constant 1008 : index
        %get3A_4509 = tpu.vector_load %arg6[%get3A_4505, %get3A_4506, %get3A_4507, %get3A_4508] {strides = array<i32>} : memref<2x4x8x1024xf32, #tpu.memory_space<vmem>>, vector<1x1x1x16xf32>,
        %get3A_4510 = vector.shape_cast %get3A_4509 : vector<1x1x1x16xf32> to vector<16xf32>
        %add3A_4511 = arith.addf %get3A_4510, %get3A_4471 : vector<16xf32>
        %swap3A_4512 = arith.constant 2 : i32
        %swap3A_4513 = arith.index_cast %rem3A_58 : i32 to index
        %swap3A_4514 = arith.index_cast %swap3A_4512 : i32 to index
        %swap3A_4515 = arith.index_cast %scan3A_121 : i32 to index
        %swap3A_4516 = arith.constant 1008 : index
        %swap3A_4517 = tpu.vector_load %arg6[%swap3A_4513, %swap3A_4514, %swap3A_4515, %swap3A_4516] {strides = array<i32>} : memref<2x4x8x1024xf32, #tpu.memory_space<vmem>>, vector<1x1x1x16xf32>,
        %swap3A_4518 = vector.shape_cast %swap3A_4517 : vector<1x1x1x16xf32> to vector<16xf32>
        %swap3A_4519 = vector.shape_cast %add3A_4511 : vector<16xf32> to vector<1x1x1x16xf32>
        tpu.vector_store %arg6[%swap3A_4513, %swap3A_4514, %swap3A_4515, %swap3A_4516], %swap3A_4519 {strides = array<i32>} : memref<2x4x8x1024xf32, #tpu.memory_space<vmem>>, vector<1x1x1x16xf32>,
        %get3A_4520 = arith.constant 3 : i32
        %get3A_4521 = arith.index_cast %rem3A_58 : i32 to index
        %get3A_4522 = arith.index_cast %get3A_4520 : i32 to index
        %get3A_4523 = arith.index_cast %scan3A_121 : i32 to index
        %get3A_4524 = arith.constant 1008 : index
        %get3A_4525 = tpu.vector_load %arg6[%get3A_4521, %get3A_4522, %get3A_4523, %get3A_4524] {strides = array<i32>} : memref<2x4x8x1024xf32, #tpu.memory_space<vmem>>, vector<1x1x1x16xf32>,
        %get3A_4526 = vector.shape_cast %get3A_4525 : vector<1x1x1x16xf32> to vector<16xf32>
        %add3A_4527 = arith.addf %get3A_4526, %get3A_4471 : vector<16xf32>
        %swap3A_4528 = arith.constant 3 : i32
        %swap3A_4529 = arith.index_cast %rem3A_58 : i32 to index
        %swap3A_4530 = arith.index_cast %swap3A_4528 : i32 to index
        %swap3A_4531 = arith.index_cast %scan3A_121 : i32 to index
        %swap3A_4532 = arith.constant 1008 : index
        %swap3A_4533 = tpu.vector_load %arg6[%swap3A_4529, %swap3A_4530, %swap3A_4531, %swap3A_4532] {strides = array<i32>} : memref<2x4x8x1024xf32, #tpu.memory_space<vmem>>, vector<1x1x1x16xf32>,
        %swap3A_4534 = vector.shape_cast %swap3A_4533 : vector<1x1x1x16xf32> to vector<16xf32>
        %swap3A_4535 = vector.shape_cast %add3A_4527 : vector<16xf32> to vector<1x1x1x16xf32>
        tpu.vector_store %arg6[%swap3A_4529, %swap3A_4530, %swap3A_4531, %swap3A_4532], %swap3A_4535 {strides = array<i32>} : memref<2x4x8x1024xf32, #tpu.memory_space<vmem>>, vector<1x1x1x16xf32>,
      }
      %scan3A_101 = arith.constant 8 : i32
      %mul3A_102 = arith.constant 8 : i32
      %mul3A_103 = arith.muli %scan3A_56, %mul3A_102 : i32
      %add3A_104 = arith.addi %mul3A_2, %mul3A_103 : i32
      %dma_start3A_105 = arith.constant 0 : i32
      %dma_start3A_106 = arith.constant 0 : i32
      %dma_start3A_107 = arith.constant 0 : i32
      %dma_start3A_108 = tpu.memref_slice %arg6[%rem3A_58, %dma_start3A_105, %dma_start3A_106, %dma_start3A_107] : memref<2x4x8x1024xf32, #tpu.memory_space<vmem>> -> memref<1x4x8x1024xf32, #tpu.memory_space<vmem>>
      %dma_start3A_109 = tpu.memref_squeeze %dma_start3A_108 : memref<1x4x8x1024xf32, #tpu.memory_space<vmem>> -> memref<4x8x1024xf32, #tpu.memory_space<vmem>>
      %dma_start3A_110 = arith.constant 0 : i32
      %dma_start3A_111 = arith.constant 0 : i32
      %dma_start3A_112 = tpu.memref_slice %arg4[%dma_start3A_110, %add3A_104, %dma_start3A_111] : memref<4x8192x1024xf32, #tpu.memory_space<hbm>> -> memref<4x8x1024xf32, #tpu.memory_space<hbm>>
      %dma_start3A_113 = arith.constant 0 : i32
      %dma_start3A_114 = arith.constant 0 : i32
      %dma_start3A_115 = tpu.memref_slice %arg4[%dma_start3A_113, %add3A_104, %dma_start3A_114] : memref<4x8192x1024xf32, #tpu.memory_space<hbm>> -> memref<4x8x1024xf32, #tpu.memory_space<hbm>>
      %dma_start3A_116 = arith.constant 0 : i32
      %dma_start3A_117 = arith.constant 0 : i32
      %dma_start3A_118 = arith.constant 0 : i32
      %dma_start3A_119 = tpu.memref_slice %arg6[%rem3A_58, %dma_start3A_116, %dma_start3A_117, %dma_start3A_118] : memref<2x4x8x1024xf32, #tpu.memory_space<vmem>> -> memref<1x4x8x1024xf32, #tpu.memory_space<vmem>>
      %dma_start3A_120 = tpu.memref_squeeze %dma_start3A_119 : memref<1x4x8x1024xf32, #tpu.memory_space<vmem>> -> memref<4x8x1024xf32, #tpu.memory_space<vmem>>
      tpu.enqueue_dma source(%dma_start3A_120 : memref<4x8x1024xf32, #tpu.memory_space<vmem>>) target(%dma_start3A_115 : memref<4x8x1024xf32, #tpu.memory_space<hbm>>) target_semaphore(%arg8 : memref<!tpu.dma_semaphore, #tpu.memory_space<semaphore_mem>>)
    }
    %scan3A_38 = arith.constant 32 : i32
    %rem3A = arith.constant 31 : i32
    %rem3A_39 = arith.constant 2 : i32
    %rem3A_40 = arith.remsi %rem3A, %rem3A_39 : i32
    %dma_wait3A = arith.constant 0 : i32
    %dma_wait3A_41 = arith.constant 0 : i32
    %dma_wait3A_42 = arith.constant 0 : i32
    %dma_wait3A_43 = tpu.memref_slice %arg6[%rem3A_40, %dma_wait3A, %dma_wait3A_41, %dma_wait3A_42] : memref<2x4x8x1024xf32, #tpu.memory_space<vmem>> -> memref<1x4x8x1024xf32, #tpu.memory_space<vmem>>
    %dma_wait3A_44 = tpu.memref_squeeze %dma_wait3A_43 : memref<1x4x8x1024xf32, #tpu.memory_space<vmem>> -> memref<4x8x1024xf32, #tpu.memory_space<vmem>>
    %dma_wait3A_45 = arith.constant 0 : i32
    %dma_wait3A_46 = arith.constant 0 : i32
    %dma_wait3A_47 = tpu.memref_slice %arg4[%dma_wait3A_45, %mul3A_2, %dma_wait3A_46] : memref<4x8192x1024xf32, #tpu.memory_space<hbm>> -> memref<4x8x1024xf32, #tpu.memory_space<hbm>>
    %dma_wait3A_48 = arith.constant 0 : i32
    %dma_wait3A_49 = arith.constant 0 : i32
    %dma_wait3A_50 = tpu.memref_slice %arg4[%dma_wait3A_48, %mul3A_2, %dma_wait3A_49] : memref<4x8192x1024xf32, #tpu.memory_space<hbm>> -> memref<4x8x1024xf32, #tpu.memory_space<hbm>>
    %dma_wait3A_51 = arith.constant 0 : i32
    %dma_wait3A_52 = arith.constant 0 : i32
    %dma_wait3A_53 = arith.constant 0 : i32
    %dma_wait3A_54 = tpu.memref_slice %arg6[%rem3A_40, %dma_wait3A_51, %dma_wait3A_52, %dma_wait3A_53] : memref<2x4x8x1024xf32, #tpu.memory_space<vmem>> -> memref<1x4x8x1024xf32, #tpu.memory_space<vmem>>
    %dma_wait3A_55 = tpu.memref_squeeze %dma_wait3A_54 : memref<1x4x8x1024xf32, #tpu.memory_space<vmem>> -> memref<4x8x1024xf32, #tpu.memory_space<vmem>>
    tpu.wait_dma2 semaphore(%arg8 : memref<!tpu.dma_semaphore, #tpu.memory_space<semaphore_mem>>) src(%dma_wait3A_55 : memref<4x8x1024xf32, #tpu.memory_space<vmem>>) dst(%dma_wait3A_50 : memref<4x8x1024xf32, #tpu.memory_space<hbm>>)
    return
  }
}

</mosaic_0001>

<sc_bundles>
// kernel: kernel.3.cloned.1.call-start
scs
__scs_entry_jumppad:
0x0: {  	(pc) =	sbr.rel $0x88, $3  }
0x1: {  	(tag) =	ssettag $0x0;
	lr =	simm.s32 $0x1  }
0x2: {  	[smem:$0x3F9F] =	sst lr;
	_ =	strace $0xD0000000  }
0x3: {  	_ = 	snop  }
0x4: {  	_ = 	snop  }
0x5: {  	_ = 	snop  }
0x6: {  	_ = 	snop  }
0x7: {  	_ = 	snop  }
__scs_overlays_trampoline_lowered:
0x8: {  	[smem:$0x3FAE] =	sst s0  }
0x9: {  	[smem:$0x3FAF] =	sst s1  }
0xa: {  	[smem:$0x3FB0] =	sst s2  }
0xb: {  	[smem:$0x3FB1] =	sst s3  }
0xc: {  	[smem:$0x3FB2] =	sst s4  }
0xd: {  	[smem:$0x3FB3] =	sst s5  }
0xe: {  	[smem:$0x3FB4] =	sst s6  }
0xf: {  	[smem:$0x3FB5] =	sst s7  }
0x10: {  	[smem:$0x3FB6] =	sst s8  }
0x11: {  	[smem:$0x3FB7] =	sst s9;
	s0 =	simm.s32 @!p0 $0x0  }
0x12: {  	s1 =	sld [smem:$0x3F9D];
	s0 =	simm.s32 @p0 $0x1  }
0x13: {  	[smem:$0x3FB8] =	sst s0;
	s0 =	simm.s32 @!p1 $0x0  }
0x14: {  	s2 =	sld [smem:$0x3F9C];
	s0 =	simm.s32 @p1 $0x1  }
0x15: {  	[smem:$0x3FB9] =	sst s0;
	s0 =	simm.s32 @!p2 $0x0  }
0x16: {  	s3 =	sld [smem:$0x3FDB];
	s0 =	simm.s32 @p2 $0x1  }
0x17: {  	s4 =	simm.s32 $0x1BF5;
	[smem:$0x3FBB] =	sst s0  }
0x18: {  	s0 =	sld [smem:$0x3F9E];
	_ =	swait.ge [sflag:s4], $0x0  }
0x19: {  	s7 =	sld [smem:$0x3F9F]  }
0x1a: {  	s8 =	sadd.s32 $0xFFFFE003, lr  }
0x1b: {  	s9 =	sadd.s32 $0xFFFFFEF7, lr;
	s5 =	simm.s32 $0xFFFFFFFF;
	p2 =	slt.u32 s8, $0xFFFFF086  }
0x1c: {  	p1 =	slt.u32 s9, $0xF7A;
	s5 =	simm.s32 @!p2 $0x0  }
0x1d: {  	s5 =	simm.s32 @p1 $0x1;
	p0 =	seq.s32 s7, s2  }
0x1e: {  	s7 =	smul.u32 @!p0 $0xF7A, s2;
	p2 =	seq.s32 @!p0 s5, $0x0  }
0x1f: {  	s9 =	smul.u32 $0xF7A, s1;
	s8 =	simm.s32 @!p0 $0x1BF5;
	p2 =	por !p2, p0  }
0x20: {  	[sflag:s8] =	ssyncset.s32 @!p0 $0xFFFFF086;
	s6 =	sadd.s32 @!p0 s3, s7;
	s7 =	simm.s32 @!p0 $0x108  }
0x21: {  	s3 =	sadd.s32 s3, s9;
	s6 =	sadd.s32 @!p0 $0x88, s6;
	s7 =	simm.s32 @p2 $0x1082  }
0x22: {  	[simem:s7], [sflag:s8] =	dma.local @!p0 [hbm:s6], $0xF7A  }
0x23: {  	s9 =	sor.u32 $0xD0000000, s2;
	s6 =	simm.s32 $0x108;
	_ =	swait.ge @!p0 [sflag:s8], $0x0  }
0x24: {  	s3 =	sadd.s32 $0x88, s3;
	s6 =	simm.s32 @!p1 $0x1082;
	[sflag:s4] =	ssyncset.s32 $0xFFFFF086  }
0x25: {  	[simem:s6], [sflag:s4] =	dma.local [hbm:s3], $0xF7A  }
0x26: {  	[smem:$0x3F9F] =	sst s1;
	(tag) =	ssettag s2;
	_ =	strace s9  }
0x27: {  	s1 =	sld [smem:$0x3FAF]  }
0x28: {  	s2 =	sld [smem:$0x3FB0]  }
0x29: {  	s4 =	sld [smem:$0x3FB2]  }
0x2a: {  	p0 =	seq.s32 s5, $0x0;
	s5 =	sld [smem:$0x3FB3]  }
0x2b: {  	s6 =	sld [smem:$0x3FB4]  }
0x2c: {  	s7 =	sld [smem:$0x3FB5]  }
0x2d: {  	s3 =	simm.s32 $0x108;
	s8 =	sld [smem:$0x3FB6]  }
0x2e: {  	s3 =	simm.s32 @!p0 $0x1082;
	s9 =	sld [smem:$0x3FB7]  }
0x2f: {  	lr =	sadd.s32 s0, s3;
	s0 =	sld [smem:$0x3FAE]  }
0x30: {  	s3 =	sld [smem:$0x3FB1]  }
0x31: {  	[smem:$0x3FBA] =	sst s10  }
0x32: {  	s10 =	sld [smem:$0x3FB8];
	_ =	sdelay $0x3  }
0x33: {  	p0 =	seq.s32 s10, $0x1;
	s10 =	sld [smem:$0x3FBA];
	_ =	sdelay $0x3  }
0x34: {  	[smem:$0x3FBA] =	sst s10  }
0x35: {  	s10 =	sld [smem:$0x3FB9];
	_ =	sdelay $0x3  }
0x36: {  	p1 =	seq.s32 s10, $0x1;
	s10 =	sld [smem:$0x3FBA];
	_ =	sdelay $0x3  }
0x37: {  	[smem:$0x3FBA] =	sst s10  }
0x38: {  	s10 =	sld [smem:$0x3FBB]  }
0x39: {  	_ = 	snop;
	(pc) =	sbr.ind lr, $3  }
0x3a: {  	_ = 	snop  }
0x3b: {  	_ = 	snop  }
0x3c: {  	p2 =	seq.s32 s10, $0x1;
	s10 =	sld [smem:$0x3FBA]  }
0x3d: {  	_ =	shalt  }
0x3e: {  	_ =	shalt  }
0x3f: {  	_ =	shalt  }
0x40: {  	_ =	shalt  }
0x41: {  	_ =	shalt  }
0x42: {  	_ =	shalt  }
0x43: {  	_ =	shalt  }
0x44: {  	_ =	shalt  }
0x45: {  	_ =	shalt  }
0x46: {  	_ =	shalt  }
0x47: {  	_ =	shalt  }
0x48: {  	_ =	shalt  }
0x49: {  	_ =	shalt  }
0x4a: {  	_ =	shalt  }
0x4b: {  	_ =	shalt  }
0x4c: {  	_ =	shalt  }
0x4d: {  	_ =	shalt  }
0x4e: {  	_ =	shalt  }
0x4f: {  	_ =	shalt  }
0x50: {  	_ =	shalt  }
0x51: {  	_ =	shalt  }
0x52: {  	_ =	shalt  }
0x53: {  	_ =	shalt  }
0x54: {  	_ =	shalt  }
0x55: {  	_ =	shalt  }
0x56: {  	_ =	shalt  }
0x57: {  	_ =	shalt  }
0x58: {  	_ =	shalt  }
0x59: {  	_ =	shalt  }
0x5a: {  	_ =	shalt  }
0x5b: {  	_ =	shalt  }
0x5c: {  	_ =	shalt  }
0x5d: {  	_ =	shalt  }
0x5e: {  	_ =	shalt  }
0x5f: {  	_ =	shalt  }
0x60: {  	_ =	shalt  }
0x61: {  	_ =	shalt  }
0x62: {  	_ =	shalt  }
0x63: {  	_ =	shalt  }
0x64: {  	_ =	shalt  }
0x65: {  	_ =	shalt  }
0x66: {  	_ =	shalt  }
0x67: {  	_ =	shalt  }
0x68: {  	_ =	shalt  }
0x69: {  	_ =	shalt  }
0x6a: {  	_ =	shalt  }
0x6b: {  	_ =	shalt  }
0x6c: {  	_ =	shalt  }
0x6d: {  	_ =	shalt  }
0x6e: {  	_ =	shalt  }
0x6f: {  	_ =	shalt  }
0x70: {  	_ =	shalt  }
0x71: {  	_ =	shalt  }
0x72: {  	_ =	shalt  }
0x73: {  	_ =	shalt  }
0x74: {  	_ =	shalt  }
0x75: {  	_ =	shalt  }
0x76: {  	_ =	shalt  }
0x77: {  	_ =	shalt  }
0x78: {  	_ =	shalt  }
0x79: {  	_ =	shalt  }
0x7a: {  	_ =	shalt  }
0x7b: {  	_ =	shalt  }
0x7c: {  	_ =	shalt  }
0x7d: {  	_ =	shalt  }
0x7e: {  	_ =	shalt  }
0x7f: {  	_ =	shalt  }
0x80: {  	_ =	shalt  }
0x81: {  	_ =	shalt  }
0x82: {  	_ =	shalt  }
0x83: {  	_ =	shalt  }
0x84: {  	_ =	shalt  }
0x85: {  	_ =	shalt  }
0x86: {  	_ =	shalt  }
0x87: {  	_ =	shalt  }
.Lfunc_end0:
.L_simem_size_0:
called_computation_lowered:
.L_overlay_start_0:
0x88: {  	s2 =	sld [smem:$0x3FD9]  }
0x89: {  	s3 =	sld [smem:$0x3FFE];
	_ =	sdelay $0x1  }
0x8a: {  	s1 =	srdreg.scid  }
0x8b: {  	s0 =	sand.u32 $0x1, s1  }
0x8c: {  	s18 =	sshll.u32 s0, $0xA;
	s2 =	sadd.s32 s3, s2  }
0x8d: {  	s2 =	sadd.s32 s2, s18  }
0x8e: {  	[smem:$0x3FC6] =	sst s2  }
0x8f: {  	_ = 	snop  }
0x90: {  	s2 =	sld [smem:$0x3FC9]  }
0x91: {  	s19 =	sld [smem:$0x3FC8]  }
0x92: {  	s4 =	sld [smem:$0x3FD0];
	(tm) =	ssettm $0x1  }
0x93: {  	s5 =	sld [smem:$0x3FFB];
	_ =	sdelay $0x3  }
0x94: {  	_ =	strace s5  }
0x95: {  	s5 =	sld [smem:$0x3FFC];
	_ =	sdelay $0x3  }
0x96: {  	_ =	strace s5  }
0x97: {  	s5 =	sld [smem:$0x3FFD];
	_ =	sdelay $0x3  }
0x98: {  	_ =	strace s5  }
0x99: {  	_ =	strace $0x8FFFFFFF  }
0x9a: {  	s20 =	sld [smem:$0x3FDB];
	_ =	sdelay $0x1  }
0x9b: {  	s6 =	simm.s32 $_scs_section_size  }
0x9c: {  	s7 =	simm.s32 $_size__tile_overlayer_lowered;
	s8 =	simm.s32 $_tile_overlayer_lowered  }
0x9d: {  	s23 =	simm.s32 $0x1BFF;
	s22 =	sshll.u32 s8, $0x1;
	s5 =	sadd.s32 s6, s20  }
0x9e: {  	s9 =	simm.s32 $0x0;
	s21 =	sshll.u32 s7, $0x1;
	s7 =	sadd.s32 s22, s5  }
0x9f: {  	[timem:s9], [sflag:s23] =	dma.local [hbm:s7], s21  }
0xa0: {  	_ =	swait.ge [sflag:s23], s21  }
0xa1: {  	s6 =	ssub.s32 $0x0, s21;
	[sflag:s23] =	ssyncset.done $0x0  }
0xa2: {  	[sflag:s23] =	ssyncadd.s32 s6;
	_ =	sdelay $0x1  }
0xa3: {  	s24 =	simm.s32 $0x1B8B  }
0xa4: {  	_ =	swait.ge [sflag:s24], $0x1  }
0xa5: {  	[sflag:s24] =	ssyncset.done $0x0  }
0xa6: {  	s25 =	simm.s32 $0x1B8E;
	[sflag:s24] =	ssyncadd.s32 $0xFFFFFFFF  }
0xa7: {  	s26 =	simm.s32 $execute0_lowered;
	[smem:$0x3FD2] =	sst s25  }
0xa8: {  	s6 =	sshll.u32 s26, $0x1;
	_ =	strace $0x80000046;
	[dreg:$0x1] =	wrdreg $0xFFFFFFFF  }
0xa9: {  	s28 =	simm.s32 $_size_execute0_lowered;
	s5 =	sadd.s32 s5, s6;
	[dreg:$0x0] =	wrdreg $0x0  }
0xaa: {  	s6 =	sshll.u32 s28, $0x1;
	[dreg:$0x2] =	wrdreg s5  }
0xab: {  	[dreg:$0x3] =	wrdreg s6  }
0xac: {  	[dreg:$0x4] =	wrdreg $0xC0  }
0xad: {  	_ =	task [dreg:s9], $0x5FFFF  }
0xae: {  	[dreg:$0x1] =	wrdreg $0xFFFFFFFF  }
0xaf: {  	[dreg:$0x0] =	wrdreg $0x60  }
0xb0: {  	[dreg:$0x2] =	wrdreg s2  }
0xb1: {  	[dreg:$0x3] =	wrdreg s19  }
0xb2: {  	[dreg:$0x4] =	wrdreg s4  }
0xb3: {  	[dreg:$0x5] =	wrdreg $0x9  }
0xb4: {  	_ =	task.clear_ibuf [dreg:s9], $0x6FFFF;
	_ =	strace $0x90000046  }
0xb5: {  	s29 =	simm.s32 $0x9;
	_ =	strace $0x80000048  }
0xb6: {  	_ =	swait.ge [sflag:s29], $0x1  }
0xb7: {  	[sflag:s29] =	ssyncadd.s32 $0xFFFFFFFF  }
0xb8: {  	_ =	strace $0x90000048  }
0xb9: {  	_ =	sfence  }
0xba: {  	s30 =	sld [smem:$0x0];
	_ =	sdelay $0x2  }
0xbb: {  	s31 =	sshll.u32 s1, $0xD;
	s1 =	sshrl.u32 s1, $0x2  }
0xbc: {  	s3 =	sand.u32 $0x4000, s31;
	s1 =	sadd.s32 s1, s30  }
0xbd: {  	s0 =	sor.u32 s3, s0;
	s1 =	sshll.u32 s1, $0x11  }
0xbe: {  	s0 =	sor.u32 s1, s0  }
0xbf: {  	s0 =	sadd.s32 $0x8F2B, s0  }
0xc0: {  	[sflag:s0] =	ssyncadd.remote.s32 $0x1  }
0xc1: {  	_ =	sfence.sel $0xFFFF  }
0xc2: {  	[dreg:$0x0] =	wrdreg $0xFFFFFFFF;
	(pc) =	sbr.abs _section_cstart, $3  }
0xc3: {  	[dreg:$0x1] =	wrdreg $0xFFFFFFFF  }
0xc4: {  	_ =	task.clear_ibuf [dreg:s9], $0x2FFFF;
	_ =	strace $0x9FFFFFFF  }
0xc5: {  	(tm) =	ssettm $0x7FFFFFFF  }
tec
execute0_lowered:
.L_overlay_start_1:
0x0: {  	(tag) =	ssettag $0x1  }
0x1: {  	s2 =	rddreg [dreg:$0x0]  }
0x2: {  	s3 =	rddreg [dreg:$0x1];
	s0 =	srdreg.scid  }
0x3: {  	s4 =	rddreg [dreg:$0x2];
	s1 =	stileid.u32;
	s5 =	simm.s32 $0x0  }
0x4: {  	s11 =	simm.s32 $0x800000;
	s12 =	simm.s32 $0x4000;
	s13 =	simm.s32 $0x1  }
0x5: {  	s14 =	simm.s32 $0x2;
	s15 =	simm.s32 $0x0;
	s6 =	sand.u32 $0x1, s0  }
0x6: {  	s0 =	rddreg [dreg:$0x3];
	s7 =	sshll.u32 s1, $0x9;
	s8 =	sshll.u32 s6, $0x8  }
0x7: {  	[smem:$0x7FF] =	sst s5;
	s6 =	ssub.s32 $0x2, s6;
	s8 =	sor.u32 s8, s7  }
0x8: {  	_ =	strace $0x80000047;
	s31 =	sshrl.u32 s6, $0x1;
	s9 =	sshll.u32 s8, $0x7  }
0x9: {  	s10 =	ssub.s32 s6, s31;
	s8 =	sshrl.u32 s8, $0x3;
	s6 =	sadd.s32 s3, s9  }
0xa: {  	s7 =	sadd.s32 s2, s9;
	s9 =	smax.u32 s10, $0x1;
	s10 =	simm.s32 $0x2000  }
.LBB2_1:
0xb: {  	[tilespmem:s5], [sflag:$0x1] =	stream.linear.gather [hbm4b:s6+s5], $0x2000, $0x38;
	[tilespmem:$0x14000] =	vst v63  }
0xc: {  	s16 =	simm.s32 $0x0  }
0xd: {  	[tilespmem:s12], [sflag:$0x1] =	stream.strided.gather [hbm4b:s7+s10], $0x8000, s11, s10, $0x38;
	[tilespmem:$0x14000] =	vst v63  }
.LBB2_2:
0xe: {  	_ =	swait.ge [sflag:s13], $0x2000  }
0xf: {  	p0 =	seq.s32 s16, $0x0;
	[sflag:s13] =	ssyncset.done $0x0  }
0x10: {  	p1 =	seq.s32 @!p0 s16, $0x1F;
	[sflag:s13] =	ssyncadd.s32 $0xFFFFE000  }
0x11: {  	p1 =	por p0, !p1;
	_ =	swait.ge [sflag:s13], $0x8000  }
.Ltmp0:
0x12: {  	[sflag:s13] =	ssyncset.done $0x0;
	(pc) =	sbr.rel @!p1 .LBB2_4-.Ltmp0, $4  }
0x13: {  	s17 =	simm.s32 @!p0 $0x2;
	[sflag:s13] =	ssyncadd.s32 $0xFFFF8000  }
0x14: {  	_ =	swait.ge @!p0 [sflag:s17], $0x8000  }
0x15: {  	[sflag:s17] =	ssyncset.done @!p0 $0x0  }
0x16: {  	s18 =	sand.u32 $0x1, s16;
	[sflag:s17] =	ssyncadd.s32 @!p0 $0xFFFF8000;
	s17 =	simm.s32 @!p0 $0x20  }
0x17: {  	s17 =	sadd.s32 @!p0 $0x1, s16  }
0x18: {  	s17 =	simm.s32 @p0 $0x1  }
0x19: {  	s19 =	sadd.s32 s8, s17  }
0x1a: {  	s20 =	sxor.u32 $0x1, s18;
	s19 =	sshll.u32 s19, $0xA  }
0x1b: {  	s20 =	sshll.u32 s20, $0xF;
	s19 =	sand.u32 $0x1FFFFC00, s19  }
0x1c: {  	s21 =	sshrl.u32 s20, $0x2;
	s22 =	sadd.s32 s3, s19  }
0x1d: {  	[tilespmem:s21], [sflag:$0x1] =	stream.linear.gather [hbm4b:s22+s5], $0x2000, $0x38;
	[tilespmem:$0x14000] =	vst v63  }
0x1e: {  	s20 =	sor.u32 $0x4000, s20;
	s19 =	sadd.s32 s2, s19  }
0x1f: {  	[tilespmem:s20], [sflag:$0x1] =	stream.strided.gather [hbm4b:s19+s10], $0x8000, s11, s10, $0x38;
	[tilespmem:$0x14000] =	vst v63  }
.LBB2_4:
0x20: {  	s19 =	sshll.u32 s18, $0xF  }
0x21: {  	s20 =	sshrl.u32 s19, $0x2  }
0x22: {  	s18 =	sor.u32 $0x4000, s19;
	v0 =	vmov s20  }
0x23: {  	v1 =	vmov s18;
	_ =	sdelay $0x1  }
0x24: {  	s19 =	simm.s32 $0x0  }
.LBB2_5:
0x25: {  	s20 =	sshll.u32 s19, $0x7  }
0x26: {  	v2 =	vld.idx.msk [tilespmem:v0+s20+$0x0 ss:$0x1], $0xffff  }
0x27: {  	v3 =	vld.idx.msk [tilespmem:v1+s20+$0x0 ss:$0x1], $0xffff  }
0x28: {  	v4 =	vld.idx.msk [tilespmem:v1+s20+$0x2000 ss:$0x1], $0xffff  }
0x29: {  	v5 =	vld.idx.msk [tilespmem:v1+s20+$0x4000 ss:$0x1], $0xffff  }
0x2a: {  	v6 =	vld.idx.msk [tilespmem:v1+s20+$0x6000 ss:$0x1], $0xffff;
	_ =	sdelay $0x1  }
0x2b: {  	v3 =	vadd.f32 v3, v2  }
0x2c: {  	v4 =	vadd.f32 v4, v2  }
0x2d: {  	[tilespmem:v1+s20+$0x0 ss:$0x1] =	vst.idx.msk $0xffff, v3;
	v3 =	vadd.f32 v5, v2  }
0x2e: {  	[tilespmem:v1+s20+$0x2000 ss:$0x1] =	vst.idx.msk $0xffff, v4;
	v2 =	vadd.f32 v6, v2  }
0x2f: {  	[tilespmem:v1+s20+$0x4000 ss:$0x1] =	vst.idx.msk $0xffff, v3  }
0x30: {  	[tilespmem:v1+s20+$0x6000 ss:$0x1] =	vst.idx.msk $0xffff, v2;
	v3 =	vld.idx.msk [tilespmem:v1+s20+$0x10 ss:$0x1], $0xffff  }
0x31: {  	v2 =	vld.idx.msk [tilespmem:v0+s20+$0x10 ss:$0x1], $0xffff  }
0x32: {  	v4 =	vld.idx.msk [tilespmem:v1+s20+$0x2010 ss:$0x1], $0xffff  }
0x33: {  	v42 =	vld.idx.msk [tilespmem:v1+s20+$0x4010 ss:$0x1], $0xffff  }
0x34: {  	v43 =	vld.idx.msk [tilespmem:v1+s20+$0x6010 ss:$0x1], $0xffff;
	_ =	sdelay $0x1  }
0x35: {  	v3 =	vadd.f32 v3, v2  }
0x36: {  	v4 =	vadd.f32 v4, v2  }
0x37: {  	[tilespmem:v1+s20+$0x10 ss:$0x1] =	vst.idx.msk $0xffff, v3;
	v3 =	vadd.f32 v42, v2  }
0x38: {  	[tilespmem:v1+s20+$0x2010 ss:$0x1] =	vst.idx.msk $0xffff, v4;
	v2 =	vadd.f32 v43, v2  }
0x39: {  	[tilespmem:v1+s20+$0x4010 ss:$0x1] =	vst.idx.msk $0xffff, v3  }
0x3a: {  	[tilespmem:v1+s20+$0x6010 ss:$0x1] =	vst.idx.msk $0xffff, v2;
	v3 =	vld.idx.msk [tilespmem:v1+s20+$0x20 ss:$0x1], $0xffff  }
0x3b: {  	v2 =	vld.idx.msk [tilespmem:v0+s20+$0x20 ss:$0x1], $0xffff  }
0x3c: {  	v4 =	vld.idx.msk [tilespmem:v1+s20+$0x2020 ss:$0x1], $0xffff  }
0x3d: {  	v44 =	vld.idx.msk [tilespmem:v1+s20+$0x4020 ss:$0x1], $0xffff  }
0x3e: {  	v45 =	vld.idx.msk [tilespmem:v1+s20+$0x6020 ss:$0x1], $0xffff;
	_ =	sdelay $0x1  }
0x3f: {  	v3 =	vadd.f32 v3, v2  }
0x40: {  	v4 =	vadd.f32 v4, v2  }
0x41: {  	[tilespmem:v1+s20+$0x20 ss:$0x1] =	vst.idx.msk $0xffff, v3;
	v3 =	vadd.f32 v44, v2  }
0x42: {  	[tilespmem:v1+s20+$0x2020 ss:$0x1] =	vst.idx.msk $0xffff, v4;
	v2 =	vadd.f32 v45, v2  }
0x43: {  	[tilespmem:v1+s20+$0x4020 ss:$0x1] =	vst.idx.msk $0xffff, v3  }
0x44: {  	[tilespmem:v1+s20+$0x6020 ss:$0x1] =	vst.idx.msk $0xffff, v2;
	v3 =	vld.idx.msk [tilespmem:v1+s20+$0x30 ss:$0x1], $0xffff  }
0x45: {  	v2 =	vld.idx.msk [tilespmem:v0+s20+$0x30 ss:$0x1], $0xffff  }
0x46: {  	v4 =	vld.idx.msk [tilespmem:v1+s20+$0x2030 ss:$0x1], $0xffff  }
0x47: {  	v46 =	vld.idx.msk [tilespmem:v1+s20+$0x4030 ss:$0x1], $0xffff  }
0x48: {  	v47 =	vld.idx.msk [tilespmem:v1+s20+$0x6030 ss:$0x1], $0xffff;
	_ =	sdelay $0x1  }
0x49: {  	v3 =	vadd.f32 v3, v2  }
0x4a: {  	v4 =	vadd.f32 v4, v2  }
0x4b: {  	[tilespmem:v1+s20+$0x30 ss:$0x1] =	vst.idx.msk $0xffff, v3;
	v3 =	vadd.f32 v46, v2  }
0x4c: {  	[tilespmem:v1+s20+$0x2030 ss:$0x1] =	vst.idx.msk $0xffff, v4;
	v2 =	vadd.f32 v47, v2  }
0x4d: {  	[tilespmem:v1+s20+$0x4030 ss:$0x1] =	vst.idx.msk $0xffff, v3  }
0x4e: {  	[tilespmem:v1+s20+$0x6030 ss:$0x1] =	vst.idx.msk $0xffff, v2;
	v3 =	vld.idx.msk [tilespmem:v1+s20+$0x40 ss:$0x1], $0xffff  }
0x4f: {  	v2 =	vld.idx.msk [tilespmem:v0+s20+$0x40 ss:$0x1], $0xffff  }
0x50: {  	v4 =	vld.idx.msk [tilespmem:v1+s20+$0x2040 ss:$0x1], $0xffff  }
0x51: {  	v48 =	vld.idx.msk [tilespmem:v1+s20+$0x4040 ss:$0x1], $0xffff  }
0x52: {  	v49 =	vld.idx.msk [tilespmem:v1+s20+$0x6040 ss:$0x1], $0xffff;
	_ =	sdelay $0x1  }
0x53: {  	v3 =	vadd.f32 v3, v2  }
0x54: {  	v4 =	vadd.f32 v4, v2  }
0x55: {  	[tilespmem:v1+s20+$0x40 ss:$0x1] =	vst.idx.msk $0xffff, v3;
	v3 =	vadd.f32 v48, v2  }
0x56: {  	[tilespmem:v1+s20+$0x2040 ss:$0x1] =	vst.idx.msk $0xffff, v4;
	v2 =	vadd.f32 v49, v2  }
0x57: {  	[tilespmem:v1+s20+$0x4040 ss:$0x1] =	vst.idx.msk $0xffff, v3  }
0x58: {  	[tilespmem:v1+s20+$0x6040 ss:$0x1] =	vst.idx.msk $0xffff, v2;
	v3 =	vld.idx.msk [tilespmem:v1+s20+$0x50 ss:$0x1], $0xffff  }
0x59: {  	v2 =	vld.idx.msk [tilespmem:v0+s20+$0x50 ss:$0x1], $0xffff  }
0x5a: {  	v4 =	vld.idx.msk [tilespmem:v1+s20+$0x2050 ss:$0x1], $0xffff  }
0x5b: {  	v50 =	vld.idx.msk [tilespmem:v1+s20+$0x4050 ss:$0x1], $0xffff  }
0x5c: {  	v51 =	vld.idx.msk [tilespmem:v1+s20+$0x6050 ss:$0x1], $0xffff;
	_ =	sdelay $0x1  }
0x5d: {  	v3 =	vadd.f32 v3, v2  }
0x5e: {  	v4 =	vadd.f32 v4, v2  }
0x5f: {  	[tilespmem:v1+s20+$0x50 ss:$0x1] =	vst.idx.msk $0xffff, v3;
	v3 =	vadd.f32 v50, v2  }
0x60: {  	[tilespmem:v1+s20+$0x2050 ss:$0x1] =	vst.idx.msk $0xffff, v4;
	v2 =	vadd.f32 v51, v2  }
0x61: {  	[tilespmem:v1+s20+$0x4050 ss:$0x1] =	vst.idx.msk $0xffff, v3  }
0x62: {  	[tilespmem:v1+s20+$0x6050 ss:$0x1] =	vst.idx.msk $0xffff, v2;
	v3 =	vld.idx.msk [tilespmem:v1+s20+$0x60 ss:$0x1], $0xffff  }
0x63: {  	v2 =	vld.idx.msk [tilespmem:v0+s20+$0x60 ss:$0x1], $0xffff  }
0x64: {  	v4 =	vld.idx.msk [tilespmem:v1+s20+$0x2060 ss:$0x1], $0xffff  }
0x65: {  	v52 =	vld.idx.msk [tilespmem:v1+s20+$0x4060 ss:$0x1], $0xffff  }
0x66: {  	v53 =	vld.idx.msk [tilespmem:v1+s20+$0x6060 ss:$0x1], $0xffff;
	_ =	sdelay $0x1  }
0x67: {  	v3 =	vadd.f32 v3, v2  }
0x68: {  	v4 =	vadd.f32 v4, v2  }
0x69: {  	[tilespmem:v1+s20+$0x60 ss:$0x1] =	vst.idx.msk $0xffff, v3;
	v3 =	vadd.f32 v52, v2  }
0x6a: {  	[tilespmem:v1+s20+$0x2060 ss:$0x1] =	vst.idx.msk $0xffff, v4;
	v2 =	vadd.f32 v53, v2  }
0x6b: {  	[tilespmem:v1+s20+$0x4060 ss:$0x1] =	vst.idx.msk $0xffff, v3  }
0x6c: {  	[tilespmem:v1+s20+$0x6060 ss:$0x1] =	vst.idx.msk $0xffff, v2;
	v3 =	vld.idx.msk [tilespmem:v1+s20+$0x70 ss:$0x1], $0xffff  }
0x6d: {  	v2 =	vld.idx.msk [tilespmem:v0+s20+$0x70 ss:$0x1], $0xffff  }
0x6e: {  	v4 =	vld.idx.msk [tilespmem:v1+s20+$0x2070 ss:$0x1], $0xffff  }
0x6f: {  	v54 =	vld.idx.msk [tilespmem:v1+s20+$0x4070 ss:$0x1], $0xffff  }
0x70: {  	v55 =	vld.idx.msk [tilespmem:v1+s20+$0x6070 ss:$0x1], $0xffff;
	_ =	sdelay $0x1  }
0x71: {  	v3 =	vadd.f32 v3, v2  }
0x72: {  	v4 =	vadd.f32 v4, v2  }
0x73: {  	[tilespmem:v1+s20+$0x70 ss:$0x1] =	vst.idx.msk $0xffff, v3;
	v3 =	vadd.f32 v54, v2  }
0x74: {  	[tilespmem:v1+s20+$0x2070 ss:$0x1] =	vst.idx.msk $0xffff, v4;
	v2 =	vadd.f32 v55, v2  }
0x75: {  	[tilespmem:v1+s20+$0x4070 ss:$0x1] =	vst.idx.msk $0xffff, v3  }
0x76: {  	[tilespmem:v1+s20+$0x6070 ss:$0x1] =	vst.idx.msk $0xffff, v2;
	v3 =	vld.idx.msk [tilespmem:v1+s20+$0x400 ss:$0x1], $0xffff  }
0x77: {  	v2 =	vld.idx.msk [tilespmem:v0+s20+$0x400 ss:$0x1], $0xffff  }
0x78: {  	v56 =	vld.idx.msk [tilespmem:v1+s20+$0x2400 ss:$0x1], $0xffff;
	_ =	sdelay $0x3  }
0x79: {  	v3 =	vadd.f32 v3, v2  }
0x7a: {  	v4 =	vadd.f32 v56, v2  }
0x7b: {  	[tilespmem:v1+s20+$0x400 ss:$0x1] =	vst.idx.msk $0xffff, v3  }
0x7c: {  	[tilespmem:v1+s20+$0x2400 ss:$0x1] =	vst.idx.msk $0xffff, v4  }
0x7d: {  	v3 =	vld.idx.msk [tilespmem:v1+s20+$0x4400 ss:$0x1], $0xffff  }
0x7e: {  	v4 =	vld.idx.msk [tilespmem:v1+s20+$0x6400 ss:$0x1], $0xffff;
	_ =	sdelay $0x3  }
0x7f: {  	v3 =	vadd.f32 v3, v2  }
0x80: {  	v2 =	vadd.f32 v4, v2  }
0x81: {  	[tilespmem:v1+s20+$0x4400 ss:$0x1] =	vst.idx.msk $0xffff, v3  }
0x82: {  	[tilespmem:v1+s20+$0x6400 ss:$0x1] =	vst.idx.msk $0xffff, v2;
	v3 =	vld.idx.msk [tilespmem:v1+s20+$0x410 ss:$0x1], $0xffff  }
0x83: {  	v2 =	vld.idx.msk [tilespmem:v0+s20+$0x410 ss:$0x1], $0xffff  }
0x84: {  	v57 =	vld.idx.msk [tilespmem:v1+s20+$0x2410 ss:$0x1], $0xffff  }
0x85: {  	v58 =	vld.idx.msk [tilespmem:v1+s20+$0x4410 ss:$0x1], $0xffff  }
0x86: {  	v59 =	vld.idx.msk [tilespmem:v1+s20+$0x6410 ss:$0x1], $0xffff;
	_ =	sdelay $0x1  }
0x87: {  	v3 =	vadd.f32 v3, v2  }
0x88: {  	v4 =	vadd.f32 v57, v2  }
0x89: {  	[tilespmem:v1+s20+$0x410 ss:$0x1] =	vst.idx.msk $0xffff, v3;
	v3 =	vadd.f32 v58, v2  }
0x8a: {  	[tilespmem:v1+s20+$0x2410 ss:$0x1] =	vst.idx.msk $0xffff, v4;
	v2 =	vadd.f32 v59, v2  }
0x8b: {  	[tilespmem:v1+s20+$0x4410 ss:$0x1] =	vst.idx.msk $0xffff, v3  }
0x8c: {  	[tilespmem:v1+s20+$0x6410 ss:$0x1] =	vst.idx.msk $0xffff, v2;
	v3 =	vld.idx.msk [tilespmem:v1+s20+$0x420 ss:$0x1], $0xffff  }
0x8d: {  	v2 =	vld.idx.msk [tilespmem:v0+s20+$0x420 ss:$0x1], $0xffff  }
0x8e: {  	v4 =	vld.idx.msk [tilespmem:v1+s20+$0x2420 ss:$0x1], $0xffff  }
0x8f: {  	v60 =	vld.idx.msk [tilespmem:v1+s20+$0x4420 ss:$0x1], $0xffff  }
0x90: {  	v61 =	vld.idx.msk [tilespmem:v1+s20+$0x6420 ss:$0x1], $0xffff;
	_ =	sdelay $0x1  }
0x91: {  	v3 =	vadd.f32 v3, v2  }
0x92: {  	v4 =	vadd.f32 v4, v2  }
0x93: {  	[tilespmem:v1+s20+$0x420 ss:$0x1] =	vst.idx.msk $0xffff, v3;
	v3 =	vadd.f32 v60, v2  }
0x94: {  	[tilespmem:v1+s20+$0x2420 ss:$0x1] =	vst.idx.msk $0xffff, v4;
	v2 =	vadd.f32 v61, v2  }
0x95: {  	[tilespmem:v1+s20+$0x4420 ss:$0x1] =	vst.idx.msk $0xffff, v3  }
0x96: {  	[tilespmem:v1+s20+$0x6420 ss:$0x1] =	vst.idx.msk $0xffff, v2;
	v3 =	vld.idx.msk [tilespmem:v1+s20+$0x430 ss:$0x1], $0xffff  }
0x97: {  	v2 =	vld.idx.msk [tilespmem:v0+s20+$0x430 ss:$0x1], $0xffff  }
0x98: {  	v4 =	vld.idx.msk [tilespmem:v1+s20+$0x2430 ss:$0x1], $0xffff  }
0x99: {  	v62 =	vld.idx.msk [tilespmem:v1+s20+$0x4430 ss:$0x1], $0xffff  }
0x9a: {  	v63 =	vld.idx.msk [tilespmem:v1+s20+$0x6430 ss:$0x1], $0xffff;
	_ =	sdelay $0x1  }
0x9b: {  	v3 =	vadd.f32 v3, v2  }
0x9c: {  	v4 =	vadd.f32 v4, v2  }
0x9d: {  	[tilespmem:v1+s20+$0x430 ss:$0x1] =	vst.idx.msk $0xffff, v3;
	v3 =	vadd.f32 v62, v2  }
0x9e: {  	[tilespmem:v1+s20+$0x2430 ss:$0x1] =	vst.idx.msk $0xffff, v4;
	v2 =	vadd.f32 v63, v2  }
0x9f: {  	[tilespmem:v1+s20+$0x4430 ss:$0x1] =	vst.idx.msk $0xffff, v3  }
0xa0: {  	[tilespmem:v1+s20+$0x6430 ss:$0x1] =	vst.idx.msk $0xffff, v2;
	v3 =	vld.idx.msk [tilespmem:v1+s20+$0x440 ss:$0x1], $0xffff  }
0xa1: {  	v2 =	vld.idx.msk [tilespmem:v0+s20+$0x440 ss:$0x1], $0xffff  }
0xa2: {  	v4 =	vld.idx.msk [tilespmem:v1+s20+$0x2440 ss:$0x1], $0xffff  }
0xa3: {  	v9 =	vld.idx.msk [tilespmem:v1+s20+$0x4440 ss:$0x1], $0xffff  }
0xa4: {  	v10 =	vld.idx.msk [tilespmem:v1+s20+$0x6440 ss:$0x1], $0xffff;
	_ =	sdelay $0x1  }
0xa5: {  	v3 =	vadd.f32 v3, v2  }
0xa6: {  	v4 =	vadd.f32 v4, v2  }
0xa7: {  	[tilespmem:v1+s20+$0x440 ss:$0x1] =	vst.idx.msk $0xffff, v3;
	v3 =	vadd.f32 v9, v2  }
0xa8: {  	[tilespmem:v1+s20+$0x2440 ss:$0x1] =	vst.idx.msk $0xffff, v4;
	v2 =	vadd.f32 v10, v2  }
0xa9: {  	[tilespmem:v1+s20+$0x4440 ss:$0x1] =	vst.idx.msk $0xffff, v3  }
0xaa: {  	[tilespmem:v1+s20+$0x6440 ss:$0x1] =	vst.idx.msk $0xffff, v2;
	v3 =	vld.idx.msk [tilespmem:v1+s20+$0x450 ss:$0x1], $0xffff  }
0xab: {  	v2 =	vld.idx.msk [tilespmem:v0+s20+$0x450 ss:$0x1], $0xffff  }
0xac: {  	v4 =	vld.idx.msk [tilespmem:v1+s20+$0x2450 ss:$0x1], $0xffff  }
0xad: {  	v11 =	vld.idx.msk [tilespmem:v1+s20+$0x4450 ss:$0x1], $0xffff  }
0xae: {  	v12 =	vld.idx.msk [tilespmem:v1+s20+$0x6450 ss:$0x1], $0xffff;
	_ =	sdelay $0x1  }
0xaf: {  	v3 =	vadd.f32 v3, v2  }
0xb0: {  	v4 =	vadd.f32 v4, v2  }
0xb1: {  	[tilespmem:v1+s20+$0x450 ss:$0x1] =	vst.idx.msk $0xffff, v3;
	v3 =	vadd.f32 v11, v2  }
0xb2: {  	[tilespmem:v1+s20+$0x2450 ss:$0x1] =	vst.idx.msk $0xffff, v4;
	v2 =	vadd.f32 v12, v2  }
0xb3: {  	[tilespmem:v1+s20+$0x4450 ss:$0x1] =	vst.idx.msk $0xffff, v3  }
0xb4: {  	[tilespmem:v1+s20+$0x6450 ss:$0x1] =	vst.idx.msk $0xffff, v2;
	v3 =	vld.idx.msk [tilespmem:v1+s20+$0x460 ss:$0x1], $0xffff  }
0xb5: {  	v2 =	vld.idx.msk [tilespmem:v0+s20+$0x460 ss:$0x1], $0xffff  }
0xb6: {  	v4 =	vld.idx.msk [tilespmem:v1+s20+$0x2460 ss:$0x1], $0xffff  }
0xb7: {  	v13 =	vld.idx.msk [tilespmem:v1+s20+$0x4460 ss:$0x1], $0xffff  }
0xb8: {  	v14 =	vld.idx.msk [tilespmem:v1+s20+$0x6460 ss:$0x1], $0xffff;
	_ =	sdelay $0x1  }
0xb9: {  	v3 =	vadd.f32 v3, v2  }
0xba: {  	v4 =	vadd.f32 v4, v2  }
0xbb: {  	[tilespmem:v1+s20+$0x460 ss:$0x1] =	vst.idx.msk $0xffff, v3;
	v3 =	vadd.f32 v13, v2  }
0xbc: {  	[tilespmem:v1+s20+$0x2460 ss:$0x1] =	vst.idx.msk $0xffff, v4;
	v2 =	vadd.f32 v14, v2  }
0xbd: {  	[tilespmem:v1+s20+$0x4460 ss:$0x1] =	vst.idx.msk $0xffff, v3  }
0xbe: {  	[tilespmem:v1+s20+$0x6460 ss:$0x1] =	vst.idx.msk $0xffff, v2;
	v3 =	vld.idx.msk [tilespmem:v1+s20+$0x470 ss:$0x1], $0xffff  }
0xbf: {  	v2 =	vld.idx.msk [tilespmem:v0+s20+$0x470 ss:$0x1], $0xffff  }
0xc0: {  	v4 =	vld.idx.msk [tilespmem:v1+s20+$0x2470 ss:$0x1], $0xffff  }
0xc1: {  	v15 =	vld.idx.msk [tilespmem:v1+s20+$0x4470 ss:$0x1], $0xffff  }
0xc2: {  	v16 =	vld.idx.msk [tilespmem:v1+s20+$0x6470 ss:$0x1], $0xffff;
	_ =	sdelay $0x1  }
0xc3: {  	v3 =	vadd.f32 v3, v2  }
0xc4: {  	v4 =	vadd.f32 v4, v2  }
0xc5: {  	[tilespmem:v1+s20+$0x470 ss:$0x1] =	vst.idx.msk $0xffff, v3;
	v3 =	vadd.f32 v15, v2  }
0xc6: {  	[tilespmem:v1+s20+$0x2470 ss:$0x1] =	vst.idx.msk $0xffff, v4;
	v2 =	vadd.f32 v16, v2  }
0xc7: {  	[tilespmem:v1+s20+$0x4470 ss:$0x1] =	vst.idx.msk $0xffff, v3  }
0xc8: {  	[tilespmem:v1+s20+$0x6470 ss:$0x1] =	vst.idx.msk $0xffff, v2;
	v3 =	vld.idx.msk [tilespmem:v1+s20+$0x800 ss:$0x1], $0xffff  }
0xc9: {  	v2 =	vld.idx.msk [tilespmem:v0+s20+$0x800 ss:$0x1], $0xffff  }
0xca: {  	v17 =	vld.idx.msk [tilespmem:v1+s20+$0x2800 ss:$0x1], $0xffff  }
0xcb: {  	v18 =	vld.idx.msk [tilespmem:v1+s20+$0x4800 ss:$0x1], $0xffff  }
0xcc: {  	v19 =	vld.idx.msk [tilespmem:v1+s20+$0x6800 ss:$0x1], $0xffff;
	_ =	sdelay $0x1  }
0xcd: {  	v3 =	vadd.f32 v3, v2  }
0xce: {  	v4 =	vadd.f32 v17, v2  }
0xcf: {  	[tilespmem:v1+s20+$0x800 ss:$0x1] =	vst.idx.msk $0xffff, v3;
	v3 =	vadd.f32 v18, v2  }
0xd0: {  	[tilespmem:v1+s20+$0x2800 ss:$0x1] =	vst.idx.msk $0xffff, v4;
	v2 =	vadd.f32 v19, v2  }
0xd1: {  	[tilespmem:v1+s20+$0x4800 ss:$0x1] =	vst.idx.msk $0xffff, v3  }
0xd2: {  	[tilespmem:v1+s20+$0x6800 ss:$0x1] =	vst.idx.msk $0xffff, v2;
	v3 =	vld.idx.msk [tilespmem:v1+s20+$0x810 ss:$0x1], $0xffff  }
0xd3: {  	v2 =	vld.idx.msk [tilespmem:v0+s20+$0x810 ss:$0x1], $0xffff  }
0xd4: {  	v4 =	vld.idx.msk [tilespmem:v1+s20+$0x2810 ss:$0x1], $0xffff  }
0xd5: {  	v20 =	vld.idx.msk [tilespmem:v1+s20+$0x4810 ss:$0x1], $0xffff  }
0xd6: {  	v21 =	vld.idx.msk [tilespmem:v1+s20+$0x6810 ss:$0x1], $0xffff;
	_ =	sdelay $0x1  }
0xd7: {  	v3 =	vadd.f32 v3, v2  }
0xd8: {  	v4 =	vadd.f32 v4, v2  }
0xd9: {  	[tilespmem:v1+s20+$0x810 ss:$0x1] =	vst.idx.msk $0xffff, v3;
	v3 =	vadd.f32 v20, v2  }
0xda: {  	[tilespmem:v1+s20+$0x2810 ss:$0x1] =	vst.idx.msk $0xffff, v4;
	v2 =	vadd.f32 v21, v2  }
0xdb: {  	[tilespmem:v1+s20+$0x4810 ss:$0x1] =	vst.idx.msk $0xffff, v3  }
0xdc: {  	[tilespmem:v1+s20+$0x6810 ss:$0x1] =	vst.idx.msk $0xffff, v2;
	v3 =	vld.idx.msk [tilespmem:v1+s20+$0x820 ss:$0x1], $0xffff  }
0xdd: {  	v2 =	vld.idx.msk [tilespmem:v0+s20+$0x820 ss:$0x1], $0xffff  }
0xde: {  	v4 =	vld.idx.msk [tilespmem:v1+s20+$0x2820 ss:$0x1], $0xffff  }
0xdf: {  	v22 =	vld.idx.msk [tilespmem:v1+s20+$0x4820 ss:$0x1], $0xffff  }
0xe0: {  	v23 =	vld.idx.msk [tilespmem:v1+s20+$0x6820 ss:$0x1], $0xffff;
	_ =	sdelay $0x1  }
0xe1: {  	v3 =	vadd.f32 v3, v2  }
0xe2: {  	v4 =	vadd.f32 v4, v2  }
0xe3: {  	[tilespmem:v1+s20+$0x820 ss:$0x1] =	vst.idx.msk $0xffff, v3;
	v3 =	vadd.f32 v22, v2  }
0xe4: {  	[tilespmem:v1+s20+$0x2820 ss:$0x1] =	vst.idx.msk $0xffff, v4;
	v2 =	vadd.f32 v23, v2  }
0xe5: {  	[tilespmem:v1+s20+$0x4820 ss:$0x1] =	vst.idx.msk $0xffff, v3  }
0xe6: {  	[tilespmem:v1+s20+$0x6820 ss:$0x1] =	vst.idx.msk $0xffff, v2;
	v3 =	vld.idx.msk [tilespmem:v1+s20+$0x830 ss:$0x1], $0xffff  }
0xe7: {  	v2 =	vld.idx.msk [tilespmem:v0+s20+$0x830 ss:$0x1], $0xffff  }
0xe8: {  	v4 =	vld.idx.msk [tilespmem:v1+s20+$0x2830 ss:$0x1], $0xffff  }
0xe9: {  	v24 =	vld.idx.msk [tilespmem:v1+s20+$0x4830 ss:$0x1], $0xffff  }
0xea: {  	v25 =	vld.idx.msk [tilespmem:v1+s20+$0x6830 ss:$0x1], $0xffff;
	_ =	sdelay $0x1  }
0xeb: {  	v3 =	vadd.f32 v3, v2  }
0xec: {  	v4 =	vadd.f32 v4, v2  }
0xed: {  	[tilespmem:v1+s20+$0x830 ss:$0x1] =	vst.idx.msk $0xffff, v3;
	v3 =	vadd.f32 v24, v2  }
0xee: {  	[tilespmem:v1+s20+$0x2830 ss:$0x1] =	vst.idx.msk $0xffff, v4;
	v2 =	vadd.f32 v25, v2  }
0xef: {  	[tilespmem:v1+s20+$0x4830 ss:$0x1] =	vst.idx.msk $0xffff, v3  }
0xf0: {  	[tilespmem:v1+s20+$0x6830 ss:$0x1] =	vst.idx.msk $0xffff, v2;
	v3 =	vld.idx.msk [tilespmem:v1+s20+$0x840 ss:$0x1], $0xffff  }
0xf1: {  	v2 =	vld.idx.msk [tilespmem:v0+s20+$0x840 ss:$0x1], $0xffff  }
0xf2: {  	v4 =	vld.idx.msk [tilespmem:v1+s20+$0x2840 ss:$0x1], $0xffff  }
0xf3: {  	v26 =	vld.idx.msk [tilespmem:v1+s20+$0x4840 ss:$0x1], $0xffff  }
0xf4: {  	v27 =	vld.idx.msk [tilespmem:v1+s20+$0x6840 ss:$0x1], $0xffff;
	_ =	sdelay $0x1  }
0xf5: {  	v3 =	vadd.f32 v3, v2  }
0xf6: {  	v4 =	vadd.f32 v4, v2  }
0xf7: {  	[tilespmem:v1+s20+$0x840 ss:$0x1] =	vst.idx.msk $0xffff, v3;
	v3 =	vadd.f32 v26, v2  }
0xf8: {  	[tilespmem:v1+s20+$0x2840 ss:$0x1] =	vst.idx.msk $0xffff, v4;
	v2 =	vadd.f32 v27, v2  }
0xf9: {  	[tilespmem:v1+s20+$0x4840 ss:$0x1] =	vst.idx.msk $0xffff, v3  }
0xfa: {  	[tilespmem:v1+s20+$0x6840 ss:$0x1] =	vst.idx.msk $0xffff, v2;
	v3 =	vld.idx.msk [tilespmem:v1+s20+$0x850 ss:$0x1], $0xffff  }
0xfb: {  	v2 =	vld.idx.msk [tilespmem:v0+s20+$0x850 ss:$0x1], $0xffff  }
0xfc: {  	v4 =	vld.idx.msk [tilespmem:v1+s20+$0x2850 ss:$0x1], $0xffff  }
0xfd: {  	v28 =	vld.idx.msk [tilespmem:v1+s20+$0x4850 ss:$0x1], $0xffff  }
0xfe: {  	v29 =	vld.idx.msk [tilespmem:v1+s20+$0x6850 ss:$0x1], $0xffff;
	_ =	sdelay $0x1  }
0xff: {  	v3 =	vadd.f32 v3, v2  }
0x100: {  	v4 =	vadd.f32 v4, v2  }
0x101: {  	[tilespmem:v1+s20+$0x850 ss:$0x1] =	vst.idx.msk $0xffff, v3;
	v3 =	vadd.f32 v28, v2  }
0x102: {  	[tilespmem:v1+s20+$0x2850 ss:$0x1] =	vst.idx.msk $0xffff, v4;
	v2 =	vadd.f32 v29, v2  }
0x103: {  	[tilespmem:v1+s20+$0x4850 ss:$0x1] =	vst.idx.msk $0xffff, v3  }
0x104: {  	[tilespmem:v1+s20+$0x6850 ss:$0x1] =	vst.idx.msk $0xffff, v2;
	v3 =	vld.idx.msk [tilespmem:v1+s20+$0x860 ss:$0x1], $0xffff  }
0x105: {  	v2 =	vld.idx.msk [tilespmem:v0+s20+$0x860 ss:$0x1], $0xffff  }
0x106: {  	v4 =	vld.idx.msk [tilespmem:v1+s20+$0x2860 ss:$0x1], $0xffff  }
0x107: {  	v30 =	vld.idx.msk [tilespmem:v1+s20+$0x4860 ss:$0x1], $0xffff  }
0x108: {  	v31 =	vld.idx.msk [tilespmem:v1+s20+$0x6860 ss:$0x1], $0xffff;
	_ =	sdelay $0x1  }
0x109: {  	v3 =	vadd.f32 v3, v2  }
0x10a: {  	v4 =	vadd.f32 v4, v2  }
0x10b: {  	[tilespmem:v1+s20+$0x860 ss:$0x1] =	vst.idx.msk $0xffff, v3;
	v3 =	vadd.f32 v30, v2  }
0x10c: {  	[tilespmem:v1+s20+$0x2860 ss:$0x1] =	vst.idx.msk $0xffff, v4;
	v2 =	vadd.f32 v31, v2  }
0x10d: {  	[tilespmem:v1+s20+$0x4860 ss:$0x1] =	vst.idx.msk $0xffff, v3  }
0x10e: {  	[tilespmem:v1+s20+$0x6860 ss:$0x1] =	vst.idx.msk $0xffff, v2;
	v3 =	vld.idx.msk [tilespmem:v1+s20+$0x870 ss:$0x1], $0xffff  }
0x10f: {  	v2 =	vld.idx.msk [tilespmem:v0+s20+$0x870 ss:$0x1], $0xffff  }
0x110: {  	v4 =	vld.idx.msk [tilespmem:v1+s20+$0x2870 ss:$0x1], $0xffff  }
0x111: {  	v32 =	vld.idx.msk [tilespmem:v1+s20+$0x4870 ss:$0x1], $0xffff  }
0x112: {  	v33 =	vld.idx.msk [tilespmem:v1+s20+$0x6870 ss:$0x1], $0xffff;
	_ =	sdelay $0x1  }
0x113: {  	v3 =	vadd.f32 v3, v2  }
0x114: {  	v4 =	vadd.f32 v4, v2  }
0x115: {  	[tilespmem:v1+s20+$0x870 ss:$0x1] =	vst.idx.msk $0xffff, v3;
	v3 =	vadd.f32 v32, v2  }
0x116: {  	[tilespmem:v1+s20+$0x2870 ss:$0x1] =	vst.idx.msk $0xffff, v4;
	v2 =	vadd.f32 v33, v2  }
0x117: {  	[tilespmem:v1+s20+$0x4870 ss:$0x1] =	vst.idx.msk $0xffff, v3  }
0x118: {  	[tilespmem:v1+s20+$0x6870 ss:$0x1] =	vst.idx.msk $0xffff, v2;
	v3 =	vld.idx.msk [tilespmem:v1+s20+$0xC00 ss:$0x1], $0xffff  }
0x119: {  	v2 =	vld.idx.msk [tilespmem:v0+s20+$0xC00 ss:$0x1], $0xffff  }
0x11a: {  	v34 =	vld.idx.msk [tilespmem:v1+s20+$0x2C00 ss:$0x1], $0xffff  }
0x11b: {  	v35 =	vld.idx.msk [tilespmem:v1+s20+$0x4C00 ss:$0x1], $0xffff  }
0x11c: {  	v36 =	vld.idx.msk [tilespmem:v1+s20+$0x6C00 ss:$0x1], $0xffff;
	_ =	sdelay $0x1  }
0x11d: {  	v3 =	vadd.f32 v3, v2  }
0x11e: {  	v4 =	vadd.f32 v34, v2  }
0x11f: {  	[tilespmem:v1+s20+$0xC00 ss:$0x1] =	vst.idx.msk $0xffff, v3;
	v3 =	vadd.f32 v35, v2  }
0x120: {  	[tilespmem:v1+s20+$0x2C00 ss:$0x1] =	vst.idx.msk $0xffff, v4;
	v2 =	vadd.f32 v36, v2  }
0x121: {  	[tilespmem:v1+s20+$0x4C00 ss:$0x1] =	vst.idx.msk $0xffff, v3  }
0x122: {  	[tilespmem:v1+s20+$0x6C00 ss:$0x1] =	vst.idx.msk $0xffff, v2;
	v3 =	vld.idx.msk [tilespmem:v1+s20+$0xC10 ss:$0x1], $0xffff  }
0x123: {  	v2 =	vld.idx.msk [tilespmem:v0+s20+$0xC10 ss:$0x1], $0xffff  }
0x124: {  	v4 =	vld.idx.msk [tilespmem:v1+s20+$0x2C10 ss:$0x1], $0xffff  }
0x125: {  	v37 =	vld.idx.msk [tilespmem:v1+s20+$0x4C10 ss:$0x1], $0xffff  }
0x126: {  	v38 =	vld.idx.msk [tilespmem:v1+s20+$0x6C10 ss:$0x1], $0xffff;
	_ =	sdelay $0x1  }
0x127: {  	v3 =	vadd.f32 v3, v2  }
0x128: {  	v4 =	vadd.f32 v4, v2  }
0x129: {  	[tilespmem:v1+s20+$0xC10 ss:$0x1] =	vst.idx.msk $0xffff, v3;
	v3 =	vadd.f32 v37, v2  }
0x12a: {  	[tilespmem:v1+s20+$0x2C10 ss:$0x1] =	vst.idx.msk $0xffff, v4;
	v2 =	vadd.f32 v38, v2  }
0x12b: {  	[tilespmem:v1+s20+$0x4C10 ss:$0x1] =	vst.idx.msk $0xffff, v3  }
0x12c: {  	[tilespmem:v1+s20+$0x6C10 ss:$0x1] =	vst.idx.msk $0xffff, v2;
	v3 =	vld.idx.msk [tilespmem:v1+s20+$0xC20 ss:$0x1], $0xffff  }
0x12d: {  	v2 =	vld.idx.msk [tilespmem:v0+s20+$0xC20 ss:$0x1], $0xffff  }
0x12e: {  	v4 =	vld.idx.msk [tilespmem:v1+s20+$0x2C20 ss:$0x1], $0xffff  }
0x12f: {  	v39 =	vld.idx.msk [tilespmem:v1+s20+$0x4C20 ss:$0x1], $0xffff  }
0x130: {  	v40 =	vld.idx.msk [tilespmem:v1+s20+$0x6C20 ss:$0x1], $0xffff;
	_ =	sdelay $0x1  }
0x131: {  	v3 =	vadd.f32 v3, v2  }
0x132: {  	v4 =	vadd.f32 v4, v2  }
0x133: {  	[tilespmem:v1+s20+$0xC20 ss:$0x1] =	vst.idx.msk $0xffff, v3;
	v3 =	vadd.f32 v39, v2  }
0x134: {  	[tilespmem:v1+s20+$0x2C20 ss:$0x1] =	vst.idx.msk $0xffff, v4;
	v2 =	vadd.f32 v40, v2  }
0x135: {  	[tilespmem:v1+s20+$0x4C20 ss:$0x1] =	vst.idx.msk $0xffff, v3  }
0x136: {  	[tilespmem:v1+s20+$0x6C20 ss:$0x1] =	vst.idx.msk $0xffff, v2;
	v3 =	vld.idx.msk [tilespmem:v1+s20+$0xC30 ss:$0x1], $0xffff  }
0x137: {  	v2 =	vld.idx.msk [tilespmem:v0+s20+$0xC30 ss:$0x1], $0xffff  }
0x138: {  	v4 =	vld.idx.msk [tilespmem:v1+s20+$0x2C30 ss:$0x1], $0xffff  }
0x139: {  	v41 =	vld.idx.msk [tilespmem:v1+s20+$0x4C30 ss:$0x1], $0xffff  }
0x13a: {  	v42 =	vld.idx.msk [tilespmem:v1+s20+$0x6C30 ss:$0x1], $0xffff;
	_ =	sdelay $0x1  }
0x13b: {  	v3 =	vadd.f32 v3, v2  }
0x13c: {  	v4 =	vadd.f32 v4, v2  }
0x13d: {  	[tilespmem:v1+s20+$0xC30 ss:$0x1] =	vst.idx.msk $0xffff, v3;
	v3 =	vadd.f32 v41, v2  }
0x13e: {  	[tilespmem:v1+s20+$0x2C30 ss:$0x1] =	vst.idx.msk $0xffff, v4;
	v2 =	vadd.f32 v42, v2  }
0x13f: {  	[tilespmem:v1+s20+$0x4C30 ss:$0x1] =	vst.idx.msk $0xffff, v3  }
0x140: {  	[tilespmem:v1+s20+$0x6C30 ss:$0x1] =	vst.idx.msk $0xffff, v2;
	v3 =	vld.idx.msk [tilespmem:v1+s20+$0xC40 ss:$0x1], $0xffff  }
0x141: {  	v2 =	vld.idx.msk [tilespmem:v0+s20+$0xC40 ss:$0x1], $0xffff  }
0x142: {  	v4 =	vld.idx.msk [tilespmem:v1+s20+$0x2C40 ss:$0x1], $0xffff  }
0x143: {  	v43 =	vld.idx.msk [tilespmem:v1+s20+$0x4C40 ss:$0x1], $0xffff  }
0x144: {  	v44 =	vld.idx.msk [tilespmem:v1+s20+$0x6C40 ss:$0x1], $0xffff;
	_ =	sdelay $0x1  }
0x145: {  	v3 =	vadd.f32 v3, v2  }
0x146: {  	v4 =	vadd.f32 v4, v2  }
0x147: {  	[tilespmem:v1+s20+$0xC40 ss:$0x1] =	vst.idx.msk $0xffff, v3;
	v3 =	vadd.f32 v43, v2  }
0x148: {  	[tilespmem:v1+s20+$0x2C40 ss:$0x1] =	vst.idx.msk $0xffff, v4;
	v2 =	vadd.f32 v44, v2  }
0x149: {  	[tilespmem:v1+s20+$0x4C40 ss:$0x1] =	vst.idx.msk $0xffff, v3  }
0x14a: {  	[tilespmem:v1+s20+$0x6C40 ss:$0x1] =	vst.idx.msk $0xffff, v2;
	v3 =	vld.idx.msk [tilespmem:v1+s20+$0xC50 ss:$0x1], $0xffff  }
0x14b: {  	v2 =	vld.idx.msk [tilespmem:v0+s20+$0xC50 ss:$0x1], $0xffff  }
0x14c: {  	v4 =	vld.idx.msk [tilespmem:v1+s20+$0x2C50 ss:$0x1], $0xffff  }
0x14d: {  	v45 =	vld.idx.msk [tilespmem:v1+s20+$0x4C50 ss:$0x1], $0xffff  }
0x14e: {  	v46 =	vld.idx.msk [tilespmem:v1+s20+$0x6C50 ss:$0x1], $0xffff;
	_ =	sdelay $0x1  }
0x14f: {  	v3 =	vadd.f32 v3, v2  }
0x150: {  	v4 =	vadd.f32 v4, v2  }
0x151: {  	[tilespmem:v1+s20+$0xC50 ss:$0x1] =	vst.idx.msk $0xffff, v3;
	v3 =	vadd.f32 v45, v2  }
0x152: {  	[tilespmem:v1+s20+$0x2C50 ss:$0x1] =	vst.idx.msk $0xffff, v4;
	v2 =	vadd.f32 v46, v2  }
0x153: {  	[tilespmem:v1+s20+$0x4C50 ss:$0x1] =	vst.idx.msk $0xffff, v3  }
0x154: {  	[tilespmem:v1+s20+$0x6C50 ss:$0x1] =	vst.idx.msk $0xffff, v2;
	v3 =	vld.idx.msk [tilespmem:v1+s20+$0xC60 ss:$0x1], $0xffff  }
0x155: {  	v2 =	vld.idx.msk [tilespmem:v0+s20+$0xC60 ss:$0x1], $0xffff  }
0x156: {  	v4 =	vld.idx.msk [tilespmem:v1+s20+$0x2C60 ss:$0x1], $0xffff  }
0x157: {  	v47 =	vld.idx.msk [tilespmem:v1+s20+$0x4C60 ss:$0x1], $0xffff  }
0x158: {  	v48 =	vld.idx.msk [tilespmem:v1+s20+$0x6C60 ss:$0x1], $0xffff;
	_ =	sdelay $0x1  }
0x159: {  	v3 =	vadd.f32 v3, v2  }
0x15a: {  	v4 =	vadd.f32 v4, v2  }
0x15b: {  	[tilespmem:v1+s20+$0xC60 ss:$0x1] =	vst.idx.msk $0xffff, v3;
	v3 =	vadd.f32 v47, v2  }
0x15c: {  	[tilespmem:v1+s20+$0x2C60 ss:$0x1] =	vst.idx.msk $0xffff, v4;
	v2 =	vadd.f32 v48, v2  }
0x15d: {  	[tilespmem:v1+s20+$0x4C60 ss:$0x1] =	vst.idx.msk $0xffff, v3  }
0x15e: {  	[tilespmem:v1+s20+$0x6C60 ss:$0x1] =	vst.idx.msk $0xffff, v2;
	v3 =	vld.idx.msk [tilespmem:v1+s20+$0xC70 ss:$0x1], $0xffff  }
0x15f: {  	v2 =	vld.idx.msk [tilespmem:v0+s20+$0xC70 ss:$0x1], $0xffff  }
0x160: {  	v4 =	vld.idx.msk [tilespmem:v1+s20+$0x2C70 ss:$0x1], $0xffff  }
0x161: {  	v49 =	vld.idx.msk [tilespmem:v1+s20+$0x4C70 ss:$0x1], $0xffff  }
0x162: {  	v50 =	vld.idx.msk [tilespmem:v1+s20+$0x6C70 ss:$0x1], $0xffff;
	_ =	sdelay $0x1  }
0x163: {  	v3 =	vadd.f32 v3, v2  }
0x164: {  	v4 =	vadd.f32 v4, v2  }
0x165: {  	[tilespmem:v1+s20+$0xC70 ss:$0x1] =	vst.idx.msk $0xffff, v3;
	v3 =	vadd.f32 v49, v2  }
0x166: {  	[tilespmem:v1+s20+$0x2C70 ss:$0x1] =	vst.idx.msk $0xffff, v4;
	v2 =	vadd.f32 v50, v2  }
0x167: {  	[tilespmem:v1+s20+$0x4C70 ss:$0x1] =	vst.idx.msk $0xffff, v3  }
0x168: {  	[tilespmem:v1+s20+$0x6C70 ss:$0x1] =	vst.idx.msk $0xffff, v2;
	v3 =	vld.idx.msk [tilespmem:v1+s20+$0x1000 ss:$0x1], $0xffff  }
0x169: {  	v2 =	vld.idx.msk [tilespmem:v0+s20+$0x1000 ss:$0x1], $0xffff  }
0x16a: {  	v51 =	vld.idx.msk [tilespmem:v1+s20+$0x3000 ss:$0x1], $0xffff  }
0x16b: {  	v52 =	vld.idx.msk [tilespmem:v1+s20+$0x5000 ss:$0x1], $0xffff  }
0x16c: {  	v53 =	vld.idx.msk [tilespmem:v1+s20+$0x7000 ss:$0x1], $0xffff;
	_ =	sdelay $0x1  }
0x16d: {  	v3 =	vadd.f32 v3, v2  }
0x16e: {  	v4 =	vadd.f32 v51, v2  }
0x16f: {  	[tilespmem:v1+s20+$0x1000 ss:$0x1] =	vst.idx.msk $0xffff, v3;
	v3 =	vadd.f32 v52, v2  }
0x170: {  	[tilespmem:v1+s20+$0x3000 ss:$0x1] =	vst.idx.msk $0xffff, v4;
	v2 =	vadd.f32 v53, v2  }
0x171: {  	[tilespmem:v1+s20+$0x5000 ss:$0x1] =	vst.idx.msk $0xffff, v3  }
0x172: {  	[tilespmem:v1+s20+$0x7000 ss:$0x1] =	vst.idx.msk $0xffff, v2;
	v3 =	vld.idx.msk [tilespmem:v1+s20+$0x1010 ss:$0x1], $0xffff  }
0x173: {  	v2 =	vld.idx.msk [tilespmem:v0+s20+$0x1010 ss:$0x1], $0xffff  }
0x174: {  	v4 =	vld.idx.msk [tilespmem:v1+s20+$0x3010 ss:$0x1], $0xffff  }
0x175: {  	v54 =	vld.idx.msk [tilespmem:v1+s20+$0x5010 ss:$0x1], $0xffff  }
0x176: {  	v55 =	vld.idx.msk [tilespmem:v1+s20+$0x7010 ss:$0x1], $0xffff;
	_ =	sdelay $0x1  }
0x177: {  	v3 =	vadd.f32 v3, v2  }
0x178: {  	v4 =	vadd.f32 v4, v2  }
0x179: {  	[tilespmem:v1+s20+$0x1010 ss:$0x1] =	vst.idx.msk $0xffff, v3;
	v3 =	vadd.f32 v54, v2  }
0x17a: {  	[tilespmem:v1+s20+$0x3010 ss:$0x1] =	vst.idx.msk $0xffff, v4;
	v2 =	vadd.f32 v55, v2  }
0x17b: {  	[tilespmem:v1+s20+$0x5010 ss:$0x1] =	vst.idx.msk $0xffff, v3  }
0x17c: {  	[tilespmem:v1+s20+$0x7010 ss:$0x1] =	vst.idx.msk $0xffff, v2;
	v3 =	vld.idx.msk [tilespmem:v1+s20+$0x1020 ss:$0x1], $0xffff  }
0x17d: {  	v2 =	vld.idx.msk [tilespmem:v0+s20+$0x1020 ss:$0x1], $0xffff  }
0x17e: {  	v4 =	vld.idx.msk [tilespmem:v1+s20+$0x3020 ss:$0x1], $0xffff  }
0x17f: {  	v56 =	vld.idx.msk [tilespmem:v1+s20+$0x5020 ss:$0x1], $0xffff  }
0x180: {  	v57 =	vld.idx.msk [tilespmem:v1+s20+$0x7020 ss:$0x1], $0xffff;
	_ =	sdelay $0x1  }
0x181: {  	v3 =	vadd.f32 v3, v2  }
0x182: {  	v4 =	vadd.f32 v4, v2  }
0x183: {  	[tilespmem:v1+s20+$0x1020 ss:$0x1] =	vst.idx.msk $0xffff, v3;
	v3 =	vadd.f32 v56, v2  }
0x184: {  	[tilespmem:v1+s20+$0x3020 ss:$0x1] =	vst.idx.msk $0xffff, v4;
	v2 =	vadd.f32 v57, v2  }
0x185: {  	[tilespmem:v1+s20+$0x5020 ss:$0x1] =	vst.idx.msk $0xffff, v3  }
0x186: {  	[tilespmem:v1+s20+$0x7020 ss:$0x1] =	vst.idx.msk $0xffff, v2;
	v3 =	vld.idx.msk [tilespmem:v1+s20+$0x1030 ss:$0x1], $0xffff  }
0x187: {  	v2 =	vld.idx.msk [tilespmem:v0+s20+$0x1030 ss:$0x1], $0xffff  }
0x188: {  	v4 =	vld.idx.msk [tilespmem:v1+s20+$0x3030 ss:$0x1], $0xffff  }
0x189: {  	v58 =	vld.idx.msk [tilespmem:v1+s20+$0x5030 ss:$0x1], $0xffff  }
0x18a: {  	v59 =	vld.idx.msk [tilespmem:v1+s20+$0x7030 ss:$0x1], $0xffff;
	_ =	sdelay $0x1  }
0x18b: {  	v3 =	vadd.f32 v3, v2  }
0x18c: {  	v4 =	vadd.f32 v4, v2  }
0x18d: {  	[tilespmem:v1+s20+$0x1030 ss:$0x1] =	vst.idx.msk $0xffff, v3;
	v3 =	vadd.f32 v58, v2  }
0x18e: {  	[tilespmem:v1+s20+$0x3030 ss:$0x1] =	vst.idx.msk $0xffff, v4;
	v2 =	vadd.f32 v59, v2  }
0x18f: {  	[tilespmem:v1+s20+$0x5030 ss:$0x1] =	vst.idx.msk $0xffff, v3  }
0x190: {  	[tilespmem:v1+s20+$0x7030 ss:$0x1] =	vst.idx.msk $0xffff, v2;
	v3 =	vld.idx.msk [tilespmem:v1+s20+$0x1040 ss:$0x1], $0xffff  }
0x191: {  	v2 =	vld.idx.msk [tilespmem:v0+s20+$0x1040 ss:$0x1], $0xffff  }
0x192: {  	v4 =	vld.idx.msk [tilespmem:v1+s20+$0x3040 ss:$0x1], $0xffff  }
0x193: {  	v60 =	vld.idx.msk [tilespmem:v1+s20+$0x5040 ss:$0x1], $0xffff  }
0x194: {  	v61 =	vld.idx.msk [tilespmem:v1+s20+$0x7040 ss:$0x1], $0xffff;
	_ =	sdelay $0x1  }
0x195: {  	v3 =	vadd.f32 v3, v2  }
0x196: {  	v4 =	vadd.f32 v4, v2  }
0x197: {  	[tilespmem:v1+s20+$0x1040 ss:$0x1] =	vst.idx.msk $0xffff, v3;
	v3 =	vadd.f32 v60, v2  }
0x198: {  	[tilespmem:v1+s20+$0x3040 ss:$0x1] =	vst.idx.msk $0xffff, v4;
	v2 =	vadd.f32 v61, v2  }
0x199: {  	[tilespmem:v1+s20+$0x5040 ss:$0x1] =	vst.idx.msk $0xffff, v3  }
0x19a: {  	[tilespmem:v1+s20+$0x7040 ss:$0x1] =	vst.idx.msk $0xffff, v2;
	v3 =	vld.idx.msk [tilespmem:v1+s20+$0x1050 ss:$0x1], $0xffff  }
0x19b: {  	v2 =	vld.idx.msk [tilespmem:v0+s20+$0x1050 ss:$0x1], $0xffff  }
0x19c: {  	v4 =	vld.idx.msk [tilespmem:v1+s20+$0x3050 ss:$0x1], $0xffff  }
0x19d: {  	v62 =	vld.idx.msk [tilespmem:v1+s20+$0x5050 ss:$0x1], $0xffff  }
0x19e: {  	v63 =	vld.idx.msk [tilespmem:v1+s20+$0x7050 ss:$0x1], $0xffff;
	_ =	sdelay $0x1  }
0x19f: {  	v3 =	vadd.f32 v3, v2  }
0x1a0: {  	v4 =	vadd.f32 v4, v2  }
0x1a1: {  	[tilespmem:v1+s20+$0x1050 ss:$0x1] =	vst.idx.msk $0xffff, v3;
	v3 =	vadd.f32 v62, v2  }
0x1a2: {  	[tilespmem:v1+s20+$0x3050 ss:$0x1] =	vst.idx.msk $0xffff, v4;
	v2 =	vadd.f32 v63, v2  }
0x1a3: {  	[tilespmem:v1+s20+$0x5050 ss:$0x1] =	vst.idx.msk $0xffff, v3  }
0x1a4: {  	[tilespmem:v1+s20+$0x7050 ss:$0x1] =	vst.idx.msk $0xffff, v2;
	v3 =	vld.idx.msk [tilespmem:v1+s20+$0x1060 ss:$0x1], $0xffff  }
0x1a5: {  	v2 =	vld.idx.msk [tilespmem:v0+s20+$0x1060 ss:$0x1], $0xffff  }
0x1a6: {  	v4 =	vld.idx.msk [tilespmem:v1+s20+$0x3060 ss:$0x1], $0xffff  }
0x1a7: {  	v9 =	vld.idx.msk [tilespmem:v1+s20+$0x5060 ss:$0x1], $0xffff  }
0x1a8: {  	v10 =	vld.idx.msk [tilespmem:v1+s20+$0x7060 ss:$0x1], $0xffff;
	_ =	sdelay $0x1  }
0x1a9: {  	v3 =	vadd.f32 v3, v2  }
0x1aa: {  	v4 =	vadd.f32 v4, v2  }
0x1ab: {  	[tilespmem:v1+s20+$0x1060 ss:$0x1] =	vst.idx.msk $0xffff, v3;
	v3 =	vadd.f32 v9, v2  }
0x1ac: {  	[tilespmem:v1+s20+$0x3060 ss:$0x1] =	vst.idx.msk $0xffff, v4;
	v2 =	vadd.f32 v10, v2  }
0x1ad: {  	[tilespmem:v1+s20+$0x5060 ss:$0x1] =	vst.idx.msk $0xffff, v3  }
0x1ae: {  	[tilespmem:v1+s20+$0x7060 ss:$0x1] =	vst.idx.msk $0xffff, v2;
	v3 =	vld.idx.msk [tilespmem:v1+s20+$0x1070 ss:$0x1], $0xffff  }
0x1af: {  	v2 =	vld.idx.msk [tilespmem:v0+s20+$0x1070 ss:$0x1], $0xffff  }
0x1b0: {  	v4 =	vld.idx.msk [tilespmem:v1+s20+$0x3070 ss:$0x1], $0xffff  }
0x1b1: {  	v11 =	vld.idx.msk [tilespmem:v1+s20+$0x5070 ss:$0x1], $0xffff  }
0x1b2: {  	v12 =	vld.idx.msk [tilespmem:v1+s20+$0x7070 ss:$0x1], $0xffff;
	_ =	sdelay $0x1  }
0x1b3: {  	v3 =	vadd.f32 v3, v2  }
0x1b4: {  	v4 =	vadd.f32 v4, v2  }
0x1b5: {  	[tilespmem:v1+s20+$0x1070 ss:$0x1] =	vst.idx.msk $0xffff, v3;
	v3 =	vadd.f32 v11, v2  }
0x1b6: {  	[tilespmem:v1+s20+$0x3070 ss:$0x1] =	vst.idx.msk $0xffff, v4;
	v2 =	vadd.f32 v12, v2  }
0x1b7: {  	[tilespmem:v1+s20+$0x5070 ss:$0x1] =	vst.idx.msk $0xffff, v3  }
0x1b8: {  	[tilespmem:v1+s20+$0x7070 ss:$0x1] =	vst.idx.msk $0xffff, v2;
	v3 =	vld.idx.msk [tilespmem:v1+s20+$0x1400 ss:$0x1], $0xffff  }
0x1b9: {  	v2 =	vld.idx.msk [tilespmem:v0+s20+$0x1400 ss:$0x1], $0xffff  }
0x1ba: {  	v13 =	vld.idx.msk [tilespmem:v1+s20+$0x3400 ss:$0x1], $0xffff  }
0x1bb: {  	v14 =	vld.idx.msk [tilespmem:v1+s20+$0x5400 ss:$0x1], $0xffff  }
0x1bc: {  	v15 =	vld.idx.msk [tilespmem:v1+s20+$0x7400 ss:$0x1], $0xffff;
	_ =	sdelay $0x1  }
0x1bd: {  	v3 =	vadd.f32 v3, v2  }
0x1be: {  	v4 =	vadd.f32 v13, v2  }
0x1bf: {  	[tilespmem:v1+s20+$0x1400 ss:$0x1] =	vst.idx.msk $0xffff, v3;
	v3 =	vadd.f32 v14, v2  }
0x1c0: {  	[tilespmem:v1+s20+$0x3400 ss:$0x1] =	vst.idx.msk $0xffff, v4;
	v2 =	vadd.f32 v15, v2  }
0x1c1: {  	[tilespmem:v1+s20+$0x5400 ss:$0x1] =	vst.idx.msk $0xffff, v3  }
0x1c2: {  	[tilespmem:v1+s20+$0x7400 ss:$0x1] =	vst.idx.msk $0xffff, v2;
	v3 =	vld.idx.msk [tilespmem:v1+s20+$0x1410 ss:$0x1], $0xffff  }
0x1c3: {  	v2 =	vld.idx.msk [tilespmem:v0+s20+$0x1410 ss:$0x1], $0xffff  }
0x1c4: {  	v4 =	vld.idx.msk [tilespmem:v1+s20+$0x3410 ss:$0x1], $0xffff  }
0x1c5: {  	v16 =	vld.idx.msk [tilespmem:v1+s20+$0x5410 ss:$0x1], $0xffff  }
0x1c6: {  	v17 =	vld.idx.msk [tilespmem:v1+s20+$0x7410 ss:$0x1], $0xffff;
	_ =	sdelay $0x1  }
0x1c7: {  	v3 =	vadd.f32 v3, v2  }
0x1c8: {  	v4 =	vadd.f32 v4, v2  }
0x1c9: {  	[tilespmem:v1+s20+$0x1410 ss:$0x1] =	vst.idx.msk $0xffff, v3;
	v3 =	vadd.f32 v16, v2  }
0x1ca: {  	[tilespmem:v1+s20+$0x3410 ss:$0x1] =	vst.idx.msk $0xffff, v4;
	v2 =	vadd.f32 v17, v2  }
0x1cb: {  	[tilespmem:v1+s20+$0x5410 ss:$0x1] =	vst.idx.msk $0xffff, v3  }
0x1cc: {  	[tilespmem:v1+s20+$0x7410 ss:$0x1] =	vst.idx.msk $0xffff, v2;
	v3 =	vld.idx.msk [tilespmem:v1+s20+$0x1420 ss:$0x1], $0xffff  }
0x1cd: {  	v2 =	vld.idx.msk [tilespmem:v0+s20+$0x1420 ss:$0x1], $0xffff  }
0x1ce: {  	v4 =	vld.idx.msk [tilespmem:v1+s20+$0x3420 ss:$0x1], $0xffff  }
0x1cf: {  	v18 =	vld.idx.msk [tilespmem:v1+s20+$0x5420 ss:$0x1], $0xffff  }
0x1d0: {  	v19 =	vld.idx.msk [tilespmem:v1+s20+$0x7420 ss:$0x1], $0xffff;
	_ =	sdelay $0x1  }
0x1d1: {  	v3 =	vadd.f32 v3, v2  }
0x1d2: {  	v4 =	vadd.f32 v4, v2  }
0x1d3: {  	[tilespmem:v1+s20+$0x1420 ss:$0x1] =	vst.idx.msk $0xffff, v3;
	v3 =	vadd.f32 v18, v2  }
0x1d4: {  	[tilespmem:v1+s20+$0x3420 ss:$0x1] =	vst.idx.msk $0xffff, v4;
	v2 =	vadd.f32 v19, v2  }
0x1d5: {  	[tilespmem:v1+s20+$0x5420 ss:$0x1] =	vst.idx.msk $0xffff, v3  }
0x1d6: {  	[tilespmem:v1+s20+$0x7420 ss:$0x1] =	vst.idx.msk $0xffff, v2;
	v3 =	vld.idx.msk [tilespmem:v1+s20+$0x1430 ss:$0x1], $0xffff  }
0x1d7: {  	v2 =	vld.idx.msk [tilespmem:v0+s20+$0x1430 ss:$0x1], $0xffff  }
0x1d8: {  	v4 =	vld.idx.msk [tilespmem:v1+s20+$0x3430 ss:$0x1], $0xffff  }
0x1d9: {  	v20 =	vld.idx.msk [tilespmem:v1+s20+$0x5430 ss:$0x1], $0xffff  }
0x1da: {  	v21 =	vld.idx.msk [tilespmem:v1+s20+$0x7430 ss:$0x1], $0xffff;
	_ =	sdelay $0x1  }
0x1db: {  	v3 =	vadd.f32 v3, v2  }
0x1dc: {  	v4 =	vadd.f32 v4, v2  }
0x1dd: {  	[tilespmem:v1+s20+$0x1430 ss:$0x1] =	vst.idx.msk $0xffff, v3;
	v3 =	vadd.f32 v20, v2  }
0x1de: {  	[tilespmem:v1+s20+$0x3430 ss:$0x1] =	vst.idx.msk $0xffff, v4;
	v2 =	vadd.f32 v21, v2  }
0x1df: {  	[tilespmem:v1+s20+$0x5430 ss:$0x1] =	vst.idx.msk $0xffff, v3  }
0x1e0: {  	[tilespmem:v1+s20+$0x7430 ss:$0x1] =	vst.idx.msk $0xffff, v2;
	v3 =	vld.idx.msk [tilespmem:v1+s20+$0x1440 ss:$0x1], $0xffff  }
0x1e1: {  	v2 =	vld.idx.msk [tilespmem:v0+s20+$0x1440 ss:$0x1], $0xffff  }
0x1e2: {  	v4 =	vld.idx.msk [tilespmem:v1+s20+$0x3440 ss:$0x1], $0xffff  }
0x1e3: {  	v22 =	vld.idx.msk [tilespmem:v1+s20+$0x5440 ss:$0x1], $0xffff  }
0x1e4: {  	v23 =	vld.idx.msk [tilespmem:v1+s20+$0x7440 ss:$0x1], $0xffff;
	_ =	sdelay $0x1  }
0x1e5: {  	v3 =	vadd.f32 v3, v2  }
0x1e6: {  	v4 =	vadd.f32 v4, v2  }
0x1e7: {  	[tilespmem:v1+s20+$0x1440 ss:$0x1] =	vst.idx.msk $0xffff, v3;
	v3 =	vadd.f32 v22, v2  }
0x1e8: {  	[tilespmem:v1+s20+$0x3440 ss:$0x1] =	vst.idx.msk $0xffff, v4;
	v2 =	vadd.f32 v23, v2  }
0x1e9: {  	[tilespmem:v1+s20+$0x5440 ss:$0x1] =	vst.idx.msk $0xffff, v3  }
0x1ea: {  	[tilespmem:v1+s20+$0x7440 ss:$0x1] =	vst.idx.msk $0xffff, v2;
	v3 =	vld.idx.msk [tilespmem:v1+s20+$0x1450 ss:$0x1], $0xffff  }
0x1eb: {  	v2 =	vld.idx.msk [tilespmem:v0+s20+$0x1450 ss:$0x1], $0xffff  }
0x1ec: {  	v4 =	vld.idx.msk [tilespmem:v1+s20+$0x3450 ss:$0x1], $0xffff  }
0x1ed: {  	v24 =	vld.idx.msk [tilespmem:v1+s20+$0x5450 ss:$0x1], $0xffff  }
0x1ee: {  	v25 =	vld.idx.msk [tilespmem:v1+s20+$0x7450 ss:$0x1], $0xffff;
	_ =	sdelay $0x1  }
0x1ef: {  	v3 =	vadd.f32 v3, v2  }
0x1f0: {  	v4 =	vadd.f32 v4, v2  }
0x1f1: {  	[tilespmem:v1+s20+$0x1450 ss:$0x1] =	vst.idx.msk $0xffff, v3;
	v3 =	vadd.f32 v24, v2  }
0x1f2: {  	[tilespmem:v1+s20+$0x3450 ss:$0x1] =	vst.idx.msk $0xffff, v4;
	v2 =	vadd.f32 v25, v2  }
0x1f3: {  	[tilespmem:v1+s20+$0x5450 ss:$0x1] =	vst.idx.msk $0xffff, v3  }
0x1f4: {  	[tilespmem:v1+s20+$0x7450 ss:$0x1] =	vst.idx.msk $0xffff, v2;
	v3 =	vld.idx.msk [tilespmem:v1+s20+$0x1460 ss:$0x1], $0xffff  }
0x1f5: {  	v2 =	vld.idx.msk [tilespmem:v0+s20+$0x1460 ss:$0x1], $0xffff  }
0x1f6: {  	v4 =	vld.idx.msk [tilespmem:v1+s20+$0x3460 ss:$0x1], $0xffff  }
0x1f7: {  	v26 =	vld.idx.msk [tilespmem:v1+s20+$0x5460 ss:$0x1], $0xffff  }
0x1f8: {  	v27 =	vld.idx.msk [tilespmem:v1+s20+$0x7460 ss:$0x1], $0xffff;
	_ =	sdelay $0x1  }
0x1f9: {  	v3 =	vadd.f32 v3, v2  }
0x1fa: {  	v4 =	vadd.f32 v4, v2  }
0x1fb: {  	[tilespmem:v1+s20+$0x1460 ss:$0x1] =	vst.idx.msk $0xffff, v3;
	v3 =	vadd.f32 v26, v2  }
0x1fc: {  	[tilespmem:v1+s20+$0x3460 ss:$0x1] =	vst.idx.msk $0xffff, v4;
	v2 =	vadd.f32 v27, v2  }
0x1fd: {  	[tilespmem:v1+s20+$0x5460 ss:$0x1] =	vst.idx.msk $0xffff, v3  }
0x1fe: {  	[tilespmem:v1+s20+$0x7460 ss:$0x1] =	vst.idx.msk $0xffff, v2;
	v3 =	vld.idx.msk [tilespmem:v1+s20+$0x1470 ss:$0x1], $0xffff  }
0x1ff: {  	v2 =	vld.idx.msk [tilespmem:v0+s20+$0x1470 ss:$0x1], $0xffff  }
0x200: {  	v4 =	vld.idx.msk [tilespmem:v1+s20+$0x3470 ss:$0x1], $0xffff  }
0x201: {  	v28 =	vld.idx.msk [tilespmem:v1+s20+$0x5470 ss:$0x1], $0xffff  }
0x202: {  	v29 =	vld.idx.msk [tilespmem:v1+s20+$0x7470 ss:$0x1], $0xffff;
	_ =	sdelay $0x1  }
0x203: {  	v3 =	vadd.f32 v3, v2  }
0x204: {  	v4 =	vadd.f32 v4, v2  }
0x205: {  	[tilespmem:v1+s20+$0x1470 ss:$0x1] =	vst.idx.msk $0xffff, v3;
	v3 =	vadd.f32 v28, v2  }
0x206: {  	[tilespmem:v1+s20+$0x3470 ss:$0x1] =	vst.idx.msk $0xffff, v4;
	v2 =	vadd.f32 v29, v2  }
0x207: {  	[tilespmem:v1+s20+$0x5470 ss:$0x1] =	vst.idx.msk $0xffff, v3  }
0x208: {  	[tilespmem:v1+s20+$0x7470 ss:$0x1] =	vst.idx.msk $0xffff, v2;
	v3 =	vld.idx.msk [tilespmem:v1+s20+$0x1800 ss:$0x1], $0xffff  }
0x209: {  	v2 =	vld.idx.msk [tilespmem:v0+s20+$0x1800 ss:$0x1], $0xffff  }
0x20a: {  	v30 =	vld.idx.msk [tilespmem:v1+s20+$0x3800 ss:$0x1], $0xffff  }
0x20b: {  	v31 =	vld.idx.msk [tilespmem:v1+s20+$0x5800 ss:$0x1], $0xffff  }
0x20c: {  	v32 =	vld.idx.msk [tilespmem:v1+s20+$0x7800 ss:$0x1], $0xffff;
	_ =	sdelay $0x1  }
0x20d: {  	v3 =	vadd.f32 v3, v2  }
0x20e: {  	v4 =	vadd.f32 v30, v2  }
0x20f: {  	[tilespmem:v1+s20+$0x1800 ss:$0x1] =	vst.idx.msk $0xffff, v3;
	v3 =	vadd.f32 v31, v2  }
0x210: {  	[tilespmem:v1+s20+$0x3800 ss:$0x1] =	vst.idx.msk $0xffff, v4;
	v2 =	vadd.f32 v32, v2  }
0x211: {  	[tilespmem:v1+s20+$0x5800 ss:$0x1] =	vst.idx.msk $0xffff, v3  }
0x212: {  	[tilespmem:v1+s20+$0x7800 ss:$0x1] =	vst.idx.msk $0xffff, v2;
	v3 =	vld.idx.msk [tilespmem:v1+s20+$0x1810 ss:$0x1], $0xffff  }
0x213: {  	v2 =	vld.idx.msk [tilespmem:v0+s20+$0x1810 ss:$0x1], $0xffff  }
0x214: {  	v4 =	vld.idx.msk [tilespmem:v1+s20+$0x3810 ss:$0x1], $0xffff  }
0x215: {  	v33 =	vld.idx.msk [tilespmem:v1+s20+$0x5810 ss:$0x1], $0xffff  }
0x216: {  	v34 =	vld.idx.msk [tilespmem:v1+s20+$0x7810 ss:$0x1], $0xffff;
	_ =	sdelay $0x1  }
0x217: {  	v3 =	vadd.f32 v3, v2  }
0x218: {  	v4 =	vadd.f32 v4, v2  }
0x219: {  	[tilespmem:v1+s20+$0x1810 ss:$0x1] =	vst.idx.msk $0xffff, v3;
	v3 =	vadd.f32 v33, v2  }
0x21a: {  	[tilespmem:v1+s20+$0x3810 ss:$0x1] =	vst.idx.msk $0xffff, v4;
	v2 =	vadd.f32 v34, v2  }
0x21b: {  	[tilespmem:v1+s20+$0x5810 ss:$0x1] =	vst.idx.msk $0xffff, v3  }
0x21c: {  	[tilespmem:v1+s20+$0x7810 ss:$0x1] =	vst.idx.msk $0xffff, v2;
	v3 =	vld.idx.msk [tilespmem:v1+s20+$0x1820 ss:$0x1], $0xffff  }
0x21d: {  	v2 =	vld.idx.msk [tilespmem:v0+s20+$0x1820 ss:$0x1], $0xffff  }
0x21e: {  	v4 =	vld.idx.msk [tilespmem:v1+s20+$0x3820 ss:$0x1], $0xffff  }
0x21f: {  	v35 =	vld.idx.msk [tilespmem:v1+s20+$0x5820 ss:$0x1], $0xffff  }
0x220: {  	v36 =	vld.idx.msk [tilespmem:v1+s20+$0x7820 ss:$0x1], $0xffff;
	_ =	sdelay $0x1  }
0x221: {  	v3 =	vadd.f32 v3, v2  }
0x222: {  	v4 =	vadd.f32 v4, v2  }
0x223: {  	[tilespmem:v1+s20+$0x1820 ss:$0x1] =	vst.idx.msk $0xffff, v3;
	v3 =	vadd.f32 v35, v2  }
0x224: {  	[tilespmem:v1+s20+$0x3820 ss:$0x1] =	vst.idx.msk $0xffff, v4;
	v2 =	vadd.f32 v36, v2  }
0x225: {  	[tilespmem:v1+s20+$0x5820 ss:$0x1] =	vst.idx.msk $0xffff, v3  }
0x226: {  	[tilespmem:v1+s20+$0x7820 ss:$0x1] =	vst.idx.msk $0xffff, v2;
	v3 =	vld.idx.msk [tilespmem:v1+s20+$0x1830 ss:$0x1], $0xffff  }
0x227: {  	v2 =	vld.idx.msk [tilespmem:v0+s20+$0x1830 ss:$0x1], $0xffff  }
0x228: {  	v4 =	vld.idx.msk [tilespmem:v1+s20+$0x3830 ss:$0x1], $0xffff  }
0x229: {  	v37 =	vld.idx.msk [tilespmem:v1+s20+$0x5830 ss:$0x1], $0xffff  }
0x22a: {  	v38 =	vld.idx.msk [tilespmem:v1+s20+$0x7830 ss:$0x1], $0xffff;
	_ =	sdelay $0x1  }
0x22b: {  	v3 =	vadd.f32 v3, v2  }
0x22c: {  	v4 =	vadd.f32 v4, v2  }
0x22d: {  	[tilespmem:v1+s20+$0x1830 ss:$0x1] =	vst.idx.msk $0xffff, v3;
	v3 =	vadd.f32 v37, v2  }
0x22e: {  	[tilespmem:v1+s20+$0x3830 ss:$0x1] =	vst.idx.msk $0xffff, v4;
	v2 =	vadd.f32 v38, v2  }
0x22f: {  	[tilespmem:v1+s20+$0x5830 ss:$0x1] =	vst.idx.msk $0xffff, v3  }
0x230: {  	[tilespmem:v1+s20+$0x7830 ss:$0x1] =	vst.idx.msk $0xffff, v2;
	v3 =	vld.idx.msk [tilespmem:v1+s20+$0x1840 ss:$0x1], $0xffff  }
0x231: {  	v2 =	vld.idx.msk [tilespmem:v0+s20+$0x1840 ss:$0x1], $0xffff  }
0x232: {  	v4 =	vld.idx.msk [tilespmem:v1+s20+$0x3840 ss:$0x1], $0xffff  }
0x233: {  	v39 =	vld.idx.msk [tilespmem:v1+s20+$0x5840 ss:$0x1], $0xffff  }
0x234: {  	v40 =	vld.idx.msk [tilespmem:v1+s20+$0x7840 ss:$0x1], $0xffff;
	_ =	sdelay $0x1  }
0x235: {  	v3 =	vadd.f32 v3, v2  }
0x236: {  	v4 =	vadd.f32 v4, v2  }
0x237: {  	[tilespmem:v1+s20+$0x1840 ss:$0x1] =	vst.idx.msk $0xffff, v3;
	v3 =	vadd.f32 v39, v2  }
0x238: {  	[tilespmem:v1+s20+$0x3840 ss:$0x1] =	vst.idx.msk $0xffff, v4;
	v2 =	vadd.f32 v40, v2  }
0x239: {  	[tilespmem:v1+s20+$0x5840 ss:$0x1] =	vst.idx.msk $0xffff, v3  }
0x23a: {  	[tilespmem:v1+s20+$0x7840 ss:$0x1] =	vst.idx.msk $0xffff, v2;
	v3 =	vld.idx.msk [tilespmem:v1+s20+$0x1850 ss:$0x1], $0xffff  }
0x23b: {  	v2 =	vld.idx.msk [tilespmem:v0+s20+$0x1850 ss:$0x1], $0xffff  }
0x23c: {  	v4 =	vld.idx.msk [tilespmem:v1+s20+$0x3850 ss:$0x1], $0xffff  }
0x23d: {  	v41 =	vld.idx.msk [tilespmem:v1+s20+$0x5850 ss:$0x1], $0xffff  }
0x23e: {  	v42 =	vld.idx.msk [tilespmem:v1+s20+$0x7850 ss:$0x1], $0xffff;
	_ =	sdelay $0x1  }
0x23f: {  	v3 =	vadd.f32 v3, v2  }
0x240: {  	v4 =	vadd.f32 v4, v2  }
0x241: {  	[tilespmem:v1+s20+$0x1850 ss:$0x1] =	vst.idx.msk $0xffff, v3;
	v3 =	vadd.f32 v41, v2  }
0x242: {  	[tilespmem:v1+s20+$0x3850 ss:$0x1] =	vst.idx.msk $0xffff, v4;
	v2 =	vadd.f32 v42, v2  }
0x243: {  	[tilespmem:v1+s20+$0x5850 ss:$0x1] =	vst.idx.msk $0xffff, v3  }
0x244: {  	[tilespmem:v1+s20+$0x7850 ss:$0x1] =	vst.idx.msk $0xffff, v2;
	v3 =	vld.idx.msk [tilespmem:v1+s20+$0x1860 ss:$0x1], $0xffff  }
0x245: {  	v2 =	vld.idx.msk [tilespmem:v0+s20+$0x1860 ss:$0x1], $0xffff  }
0x246: {  	v4 =	vld.idx.msk [tilespmem:v1+s20+$0x3860 ss:$0x1], $0xffff  }
0x247: {  	v43 =	vld.idx.msk [tilespmem:v1+s20+$0x5860 ss:$0x1], $0xffff  }
0x248: {  	v44 =	vld.idx.msk [tilespmem:v1+s20+$0x7860 ss:$0x1], $0xffff;
	_ =	sdelay $0x1  }
0x249: {  	v3 =	vadd.f32 v3, v2  }
0x24a: {  	v4 =	vadd.f32 v4, v2  }
0x24b: {  	[tilespmem:v1+s20+$0x1860 ss:$0x1] =	vst.idx.msk $0xffff, v3;
	v3 =	vadd.f32 v43, v2  }
0x24c: {  	[tilespmem:v1+s20+$0x3860 ss:$0x1] =	vst.idx.msk $0xffff, v4;
	v2 =	vadd.f32 v44, v2  }
0x24d: {  	[tilespmem:v1+s20+$0x5860 ss:$0x1] =	vst.idx.msk $0xffff, v3  }
0x24e: {  	[tilespmem:v1+s20+$0x7860 ss:$0x1] =	vst.idx.msk $0xffff, v2;
	v3 =	vld.idx.msk [tilespmem:v1+s20+$0x1870 ss:$0x1], $0xffff  }
0x24f: {  	v2 =	vld.idx.msk [tilespmem:v0+s20+$0x1870 ss:$0x1], $0xffff  }
0x250: {  	v4 =	vld.idx.msk [tilespmem:v1+s20+$0x3870 ss:$0x1], $0xffff  }
0x251: {  	v45 =	vld.idx.msk [tilespmem:v1+s20+$0x5870 ss:$0x1], $0xffff  }
0x252: {  	v46 =	vld.idx.msk [tilespmem:v1+s20+$0x7870 ss:$0x1], $0xffff;
	_ =	sdelay $0x1  }
0x253: {  	v3 =	vadd.f32 v3, v2  }
0x254: {  	v4 =	vadd.f32 v4, v2  }
0x255: {  	[tilespmem:v1+s20+$0x1870 ss:$0x1] =	vst.idx.msk $0xffff, v3;
	v3 =	vadd.f32 v45, v2  }
0x256: {  	[tilespmem:v1+s20+$0x3870 ss:$0x1] =	vst.idx.msk $0xffff, v4;
	v2 =	vadd.f32 v46, v2  }
0x257: {  	[tilespmem:v1+s20+$0x5870 ss:$0x1] =	vst.idx.msk $0xffff, v3  }
0x258: {  	[tilespmem:v1+s20+$0x7870 ss:$0x1] =	vst.idx.msk $0xffff, v2;
	v3 =	vld.idx.msk [tilespmem:v1+s20+$0x1C00 ss:$0x1], $0xffff  }
0x259: {  	v2 =	vld.idx.msk [tilespmem:v0+s20+$0x1C00 ss:$0x1], $0xffff  }
0x25a: {  	v47 =	vld.idx.msk [tilespmem:v1+s20+$0x3C00 ss:$0x1], $0xffff  }
0x25b: {  	v48 =	vld.idx.msk [tilespmem:v1+s20+$0x5C00 ss:$0x1], $0xffff  }
0x25c: {  	v49 =	vld.idx.msk [tilespmem:v1+s20+$0x7C00 ss:$0x1], $0xffff;
	_ =	sdelay $0x1  }
0x25d: {  	v3 =	vadd.f32 v3, v2  }
0x25e: {  	v4 =	vadd.f32 v47, v2  }
0x25f: {  	[tilespmem:v1+s20+$0x1C00 ss:$0x1] =	vst.idx.msk $0xffff, v3;
	v3 =	vadd.f32 v48, v2  }
0x260: {  	[tilespmem:v1+s20+$0x3C00 ss:$0x1] =	vst.idx.msk $0xffff, v4;
	v2 =	vadd.f32 v49, v2  }
0x261: {  	[tilespmem:v1+s20+$0x5C00 ss:$0x1] =	vst.idx.msk $0xffff, v3  }
0x262: {  	[tilespmem:v1+s20+$0x7C00 ss:$0x1] =	vst.idx.msk $0xffff, v2;
	v3 =	vld.idx.msk [tilespmem:v1+s20+$0x1C10 ss:$0x1], $0xffff  }
0x263: {  	v2 =	vld.idx.msk [tilespmem:v0+s20+$0x1C10 ss:$0x1], $0xffff  }
0x264: {  	v4 =	vld.idx.msk [tilespmem:v1+s20+$0x3C10 ss:$0x1], $0xffff  }
0x265: {  	v50 =	vld.idx.msk [tilespmem:v1+s20+$0x5C10 ss:$0x1], $0xffff  }
0x266: {  	v51 =	vld.idx.msk [tilespmem:v1+s20+$0x7C10 ss:$0x1], $0xffff;
	_ =	sdelay $0x1  }
0x267: {  	v3 =	vadd.f32 v3, v2  }
0x268: {  	v4 =	vadd.f32 v4, v2  }
0x269: {  	[tilespmem:v1+s20+$0x1C10 ss:$0x1] =	vst.idx.msk $0xffff, v3;
	v3 =	vadd.f32 v50, v2  }
0x26a: {  	[tilespmem:v1+s20+$0x3C10 ss:$0x1] =	vst.idx.msk $0xffff, v4;
	v2 =	vadd.f32 v51, v2  }
0x26b: {  	[tilespmem:v1+s20+$0x5C10 ss:$0x1] =	vst.idx.msk $0xffff, v3  }
0x26c: {  	[tilespmem:v1+s20+$0x7C10 ss:$0x1] =	vst.idx.msk $0xffff, v2;
	v3 =	vld.idx.msk [tilespmem:v1+s20+$0x1C20 ss:$0x1], $0xffff  }
0x26d: {  	v2 =	vld.idx.msk [tilespmem:v0+s20+$0x1C20 ss:$0x1], $0xffff  }
0x26e: {  	v4 =	vld.idx.msk [tilespmem:v1+s20+$0x3C20 ss:$0x1], $0xffff  }
0x26f: {  	v52 =	vld.idx.msk [tilespmem:v1+s20+$0x5C20 ss:$0x1], $0xffff  }
0x270: {  	v53 =	vld.idx.msk [tilespmem:v1+s20+$0x7C20 ss:$0x1], $0xffff;
	_ =	sdelay $0x1  }
0x271: {  	v3 =	vadd.f32 v3, v2  }
0x272: {  	v4 =	vadd.f32 v4, v2  }
0x273: {  	[tilespmem:v1+s20+$0x1C20 ss:$0x1] =	vst.idx.msk $0xffff, v3;
	v3 =	vadd.f32 v52, v2  }
0x274: {  	[tilespmem:v1+s20+$0x3C20 ss:$0x1] =	vst.idx.msk $0xffff, v4;
	v2 =	vadd.f32 v53, v2  }
0x275: {  	[tilespmem:v1+s20+$0x5C20 ss:$0x1] =	vst.idx.msk $0xffff, v3  }
0x276: {  	[tilespmem:v1+s20+$0x7C20 ss:$0x1] =	vst.idx.msk $0xffff, v2;
	v3 =	vld.idx.msk [tilespmem:v1+s20+$0x1C30 ss:$0x1], $0xffff  }
0x277: {  	v2 =	vld.idx.msk [tilespmem:v0+s20+$0x1C30 ss:$0x1], $0xffff  }
0x278: {  	v4 =	vld.idx.msk [tilespmem:v1+s20+$0x3C30 ss:$0x1], $0xffff  }
0x279: {  	v54 =	vld.idx.msk [tilespmem:v1+s20+$0x5C30 ss:$0x1], $0xffff  }
0x27a: {  	v55 =	vld.idx.msk [tilespmem:v1+s20+$0x7C30 ss:$0x1], $0xffff;
	_ =	sdelay $0x1  }
0x27b: {  	v3 =	vadd.f32 v3, v2  }
0x27c: {  	v4 =	vadd.f32 v4, v2  }
0x27d: {  	[tilespmem:v1+s20+$0x1C30 ss:$0x1] =	vst.idx.msk $0xffff, v3;
	v3 =	vadd.f32 v54, v2  }
0x27e: {  	[tilespmem:v1+s20+$0x3C30 ss:$0x1] =	vst.idx.msk $0xffff, v4;
	v2 =	vadd.f32 v55, v2  }
0x27f: {  	[tilespmem:v1+s20+$0x5C30 ss:$0x1] =	vst.idx.msk $0xffff, v3  }
0x280: {  	[tilespmem:v1+s20+$0x7C30 ss:$0x1] =	vst.idx.msk $0xffff, v2;
	v3 =	vld.idx.msk [tilespmem:v1+s20+$0x1C40 ss:$0x1], $0xffff  }
0x281: {  	v2 =	vld.idx.msk [tilespmem:v0+s20+$0x1C40 ss:$0x1], $0xffff  }
0x282: {  	v4 =	vld.idx.msk [tilespmem:v1+s20+$0x3C40 ss:$0x1], $0xffff  }
0x283: {  	v56 =	vld.idx.msk [tilespmem:v1+s20+$0x5C40 ss:$0x1], $0xffff  }
0x284: {  	v57 =	vld.idx.msk [tilespmem:v1+s20+$0x7C40 ss:$0x1], $0xffff;
	_ =	sdelay $0x1  }
0x285: {  	v3 =	vadd.f32 v3, v2  }
0x286: {  	v4 =	vadd.f32 v4, v2  }
0x287: {  	[tilespmem:v1+s20+$0x1C40 ss:$0x1] =	vst.idx.msk $0xffff, v3;
	v3 =	vadd.f32 v56, v2  }
0x288: {  	[tilespmem:v1+s20+$0x3C40 ss:$0x1] =	vst.idx.msk $0xffff, v4;
	v2 =	vadd.f32 v57, v2  }
0x289: {  	[tilespmem:v1+s20+$0x5C40 ss:$0x1] =	vst.idx.msk $0xffff, v3  }
0x28a: {  	[tilespmem:v1+s20+$0x7C40 ss:$0x1] =	vst.idx.msk $0xffff, v2;
	v3 =	vld.idx.msk [tilespmem:v1+s20+$0x1C50 ss:$0x1], $0xffff  }
0x28b: {  	v2 =	vld.idx.msk [tilespmem:v0+s20+$0x1C50 ss:$0x1], $0xffff  }
0x28c: {  	v4 =	vld.idx.msk [tilespmem:v1+s20+$0x3C50 ss:$0x1], $0xffff  }
0x28d: {  	v58 =	vld.idx.msk [tilespmem:v1+s20+$0x5C50 ss:$0x1], $0xffff  }
0x28e: {  	v59 =	vld.idx.msk [tilespmem:v1+s20+$0x7C50 ss:$0x1], $0xffff;
	_ =	sdelay $0x1  }
0x28f: {  	v3 =	vadd.f32 v3, v2  }
0x290: {  	v4 =	vadd.f32 v4, v2  }
0x291: {  	[tilespmem:v1+s20+$0x1C50 ss:$0x1] =	vst.idx.msk $0xffff, v3;
	v3 =	vadd.f32 v58, v2  }
0x292: {  	[tilespmem:v1+s20+$0x3C50 ss:$0x1] =	vst.idx.msk $0xffff, v4;
	v2 =	vadd.f32 v59, v2  }
0x293: {  	[tilespmem:v1+s20+$0x5C50 ss:$0x1] =	vst.idx.msk $0xffff, v3  }
0x294: {  	[tilespmem:v1+s20+$0x7C50 ss:$0x1] =	vst.idx.msk $0xffff, v2;
	v3 =	vld.idx.msk [tilespmem:v1+s20+$0x1C60 ss:$0x1], $0xffff  }
0x295: {  	v2 =	vld.idx.msk [tilespmem:v0+s20+$0x1C60 ss:$0x1], $0xffff  }
0x296: {  	v4 =	vld.idx.msk [tilespmem:v1+s20+$0x3C60 ss:$0x1], $0xffff  }
0x297: {  	v60 =	vld.idx.msk [tilespmem:v1+s20+$0x5C60 ss:$0x1], $0xffff  }
0x298: {  	v61 =	vld.idx.msk [tilespmem:v1+s20+$0x7C60 ss:$0x1], $0xffff;
	_ =	sdelay $0x1  }
0x299: {  	v3 =	vadd.f32 v3, v2  }
0x29a: {  	v4 =	vadd.f32 v4, v2  }
0x29b: {  	[tilespmem:v1+s20+$0x1C60 ss:$0x1] =	vst.idx.msk $0xffff, v3;
	v3 =	vadd.f32 v60, v2  }
0x29c: {  	[tilespmem:v1+s20+$0x3C60 ss:$0x1] =	vst.idx.msk $0xffff, v4;
	v2 =	vadd.f32 v61, v2  }
0x29d: {  	[tilespmem:v1+s20+$0x5C60 ss:$0x1] =	vst.idx.msk $0xffff, v3  }
0x29e: {  	[tilespmem:v1+s20+$0x7C60 ss:$0x1] =	vst.idx.msk $0xffff, v2;
	v3 =	vld.idx.msk [tilespmem:v1+s20+$0x1C70 ss:$0x1], $0xffff  }
0x29f: {  	v2 =	vld.idx.msk [tilespmem:v0+s20+$0x1C70 ss:$0x1], $0xffff  }
0x2a0: {  	v4 =	vld.idx.msk [tilespmem:v1+s20+$0x3C70 ss:$0x1], $0xffff  }
0x2a1: {  	v62 =	vld.idx.msk [tilespmem:v1+s20+$0x5C70 ss:$0x1], $0xffff  }
0x2a2: {  	v63 =	vld.idx.msk [tilespmem:v1+s20+$0x7C70 ss:$0x1], $0xffff;
	_ =	sdelay $0x1  }
0x2a3: {  	p0 =	sne.s32 s19, $0x7;
	v3 =	vadd.f32 v3, v2  }
.Ltmp1:
0x2a4: {  	v4 =	vadd.f32 v4, v2;
	(pc) =	sbr.rel @p0 .LBB2_5-.Ltmp1, $4  }
0x2a5: {  	[tilespmem:v1+s20+$0x1C70 ss:$0x1] =	vst.idx.msk $0xffff, v3;
	v3 =	vadd.f32 v62, v2  }
0x2a6: {  	[tilespmem:v1+s20+$0x3C70 ss:$0x1] =	vst.idx.msk $0xffff, v4;
	v2 =	vadd.f32 v63, v2  }
0x2a7: {  	[tilespmem:v1+s20+$0x5C70 ss:$0x1] =	vst.idx.msk $0xffff, v3  }
0x2a8: {  	s19 =	sadd.s32 $0x1, s19;
	[tilespmem:v1+s20+$0x7C70 ss:$0x1] =	vst.idx.msk $0xffff, v2  }
0x2a9: {  	s16 =	sor.u32 s8, s16;
	p0 =	slt.u32 s17, $0x20  }
.Ltmp2:
0x2aa: {  	s16 =	sshll.u32 s16, $0xA;
	(pc) =	sbr.rel @p0 .LBB2_2-.Ltmp2, $4  }
0x2ab: {  	s16 =	sand.u32 $0x1FFFFC00, s16  }
0x2ac: {  	s16 =	sadd.s32 s4, s16  }
0x2ad: {  	[hbm4b:s16+s10] =	stream.strided.scatter [tilespmem:s18], [sflag:$0x2], $0x8000, s11, s10, $0x38;
	[tilespmem:$0x14000] =	vst v63  }
0x2ae: {  	s16 =	smov.u32 s17  }
0x2af: {  	s15 =	sadd.s32 $0x1, s15  }
0x2b0: {  	p0 =	sne.s32 s15, s9  }
.Ltmp3:
0x2b1: {  	_ = 	snop;
	(pc) =	sbr.rel @p0 .LBB2_1-.Ltmp3, $4  }
0x2b2: {  	_ = 	snop  }
0x2b3: {  	_ =	swait.ge [sflag:s14], $0x8000  }
0x2b4: {  	[sflag:s14] =	ssyncset.done $0x0  }
0x2b5: {  	[sflag:s14] =	ssyncadd.s32 $0xFFFF8000  }
0x2b6: {  	_ =	sfence.sel $0x180000  }
0x2b7: {  	[bflag:$0x0] =	sbarrier.arrive $0xFFFF  }
0x2b8: {  	p0 =	sne.s32 s1, $0x0;
	_ =	strace $0x90000047  }
0x2b9: {  	s0 =	sadd.s32 @!p0 $0x100000, s0;
	[bflag:$0x2] =	sbarrier.arrive $0xFFFF  }
0x2ba: {  	[sflag:s0] =	ssyncadd.tile.s32 @!p0 $0x1;
	_ =	shalt  }
.Lfunc_end2:
_tile_overlayer_lowered:
.L_overlay_start_2:
0x2bb: {  	(tag) =	ssettag $0x2  }
0x2bc: {  	s0 =	rddreg [dreg:$0x0];
	s2 =	stileid.u32  }
0x2bd: {  	s1 =	rddreg [dreg:$0x1];
	p0 =	sne.s32 s2, $0x0  }
0x2be: {  	s3 =	rddreg [dreg:$0x2];
	[bflag:$0x3] =	sbarrier.arrive $0xFFFF;
	s2 =	simm.s32 @!p0 $0x1C03  }
0x2bf: {  	[timem:s3], [sflag:s2] =	dma.local @!p0 [hbm:s0], s1  }
0x2c0: {  	s0 =	simm.s32 @!p0 $0x3  }
0x2c1: {  	_ =	swait.ge @!p0 [sflag:s0], s1  }
0x2c2: {  	s1 =	ssub.s32 @!p0 $0x0, s1;
	[sflag:s0] =	ssyncset.done @!p0 $0x0  }
0x2c3: {  	[sflag:s0] =	ssyncadd.s32 @!p0 s1  }
0x2c4: {  	[bflag:$0x3] =	sbarrier.arrive $0xFFFF  }
0x2c5: {  	_ =	shalt  }

</sc_bundles>
